<compile_context>
chip_gen: v7x
topology: tpu7x:2x2x1
jax: 0.10.2.dev20260603
libtpu: 0.0.44.dev20260713+nightly
codegen_flags: <defaults>
</compile_context>

<pallas_src>
import functools

import jax
import jax.numpy as jnp
from jax import lax
from jax.experimental import pallas as pl
from jax.experimental.pallas import tpu as pltpu
from jax.experimental.pallas import tpu_sc as plsc

_TOPK = 64
_ROWS = 128
_COLS = 32768
_NC = 2
_NS = 16
_NW = _NC * _NS
_RPW = _ROWS // _NW
_NV = _COLS // 16
_NSEG = 128
_I32_MIN = -(2**31)
_BLK_ROWS = 8
_CHUNKS = 256
_LANES = 128


def _map_signed(v):
    m = plsc.bitcast(v, jnp.int32)
    return m ^ (jnp.right_shift(m, 31) & jnp.int32(0x7FFFFFFF))


def _zero_hist(hist):
    def z(i, _):
        hist[pl.ds(i * 16, 16)] = jnp.zeros((16,), jnp.int32)
        return 0
    lax.fori_loop(0, 256, z, 0, unroll=8)


def _merge_and_scan(hist, r_need):
    iota16 = lax.iota(jnp.int32, 16)
    binbase = iota16 * 16

    def sc(i, carry):
        suf, bstar, above = carry
        s = 15 - i
        acc = jnp.zeros((16,), jnp.int32)
        for l in range(16):
            acc = acc + plsc.load_gather(hist, [s * 256 + binbase + l])
        racc = lax.rev(acc, (0,))
        csum = plsc.cumsum(racc)
        ct = jnp.sum(acc)
        is_chunk = jnp.logical_and(suf < r_need, suf + ct >= r_need)
        qstar = jnp.sum((suf + csum < r_need).astype(jnp.int32))
        above_in = jnp.sum(jnp.where(iota16 < qstar, racc, jnp.int32(0)))
        bstar = jnp.where(is_chunk, s * 16 + 15 - qstar, bstar)
        above = jnp.where(is_chunk, suf + above_in, above)
        return (suf + ct, bstar, above)

    init = (jnp.int32(0), jnp.int32(0), jnp.int32(0))
    _, bstar, above = lax.fori_loop(0, 16, sc, init)
    return bstar, above


def _select_bytes(buf, n, k, hist, levels=4):
    iota16 = lax.iota(jnp.int32, 16)
    ones16 = jnp.ones((16,), jnp.int32)
    nvec = jnp.right_shift(n + 15, 4)
    p = jnp.int32(0)
    cgt = jnp.int32(0)

    for shift in (24, 16, 8, 0)[:levels]:
        _zero_hist(hist)
        hi_mask = jnp.int32((1 << (24 - shift)) - 1)

        def hv(i, _, shift=shift, hi_mask=hi_mask, p=p, n=n):
            m = buf[pl.ds(i * 16, 16)]
            b = jnp.right_shift(m, shift) & jnp.int32(0xFF)
            valid = (i * 16 + iota16) < n
            if shift < 24:
                pref = jnp.right_shift(m, shift + 8) & hi_mask
                valid = jnp.logical_and(valid, pref == (p & hi_mask))
            plsc.addupdate_scatter(hist, [b * 16 + iota16], ones16,
                                   mask=valid)
            return 0
        lax.fori_loop(0, nvec, hv, 0)

        bl, above = _merge_and_scan(hist, k - cgt)
        p = (p << 8) | bl
        cgt = cgt + above

    return p << (8 * (4 - levels)), cgt


_HALF = _COLS // 2
_HSEG = _NSEG // 2
_HNV = _NV // 2


def _sc_body(x_hbm, out_hbm, xb0, xb1, cand, hist, segm, res, sem0, sem1):
    wid = lax.axis_index("s") * _NC + lax.axis_index("c")
    iota16 = lax.iota(jnp.int32, 16)
    resvec = jnp.zeros((16,), jnp.int32)
    k32 = jnp.int32(_TOPK)
    imin = jnp.int32(_I32_MIN)
    base = wid * _RPW

    def issue(row, half, buf, sem):
        return pltpu.async_copy(x_hbm.at[row, pl.ds(half * _HALF, _HALF)],
                                buf, sem)

    def p1_half(buf, seg_base):
        def p1(s, _):
            acc = _map_signed(buf[pl.ds(s * 256, 16)])
            for q in range(1, 16):
                acc = jnp.maximum(acc, _map_signed(
                    buf[pl.ds(s * 256 + q * 16, 16)]))
            segm[pl.ds((seg_base + s) * 16, 16)] = acc ^ imin
            return 0
        lax.fori_loop(0, _HSEG, p1, 0)

    def cl_half(buf, ts, off0):
        def cl(i, off):
            ms = _map_signed(buf[pl.ds(i * 16, 16)])
            msk = ms >= ts
            plsc.store_compressed(cand.at[pl.ds(off, 16)], ms ^ imin,
                                  mask=msk)
            return off + plsc.all_reduce_population_count(msk)[0]
        return lax.fori_loop(0, _HNV, cl, off0, unroll=4)

    issue(base, 0, xb0, sem0)
    issue(base, 1, xb1, sem1)

    def per_row(j, resvec):
        row = base + j

        pltpu.make_async_copy(x_hbm.at[row, pl.ds(0, _HALF)],
                              xb0, sem0).wait()
        p1_half(xb0, 0)
        pltpu.make_async_copy(x_hbm.at[row, pl.ds(_HALF, _HALF)],
                              xb1, sem1).wait()
        p1_half(xb1, _HSEG)

        t_seg, _ = _select_bytes(segm, jnp.int32(_NSEG * 16), k32, hist,
                                 levels=1)
        ts = t_seg ^ imin

        off = cl_half(xb0, ts, jnp.int32(0))

        @pl.when(j + 1 < _RPW)
        def _():
            issue(row + 1, 0, xb0, sem0)

        ncand = cl_half(xb1, ts, off)

        @pl.when(j + 1 < _RPW)
        def _():
            issue(row + 1, 1, xb1, sem1)

        t, cgt = _select_bytes(cand, ncand, k32, hist)

        resvec = jnp.where(iota16 == j, t, resvec)
        resvec = jnp.where(iota16 == 8 + j, cgt, resvec)
        return resvec

    resvec = lax.fori_loop(0, _RPW, per_row, resvec)
    res[...] = resvec
    pltpu.sync_copy(res, out_hbm.at[wid])


def _sc_select(x):
    mesh = plsc.VectorSubcoreMesh(core_axis_name="c", subcore_axis_name="s")
    f = functools.partial(
        pl.kernel,
        mesh=mesh,
        compiler_params=pltpu.CompilerParams(needs_layout_passes=False),
        out_type=jax.ShapeDtypeStruct((_NW, 16), jnp.int32),
        scratch_types=[
            pltpu.VMEM((_HALF,), jnp.float32),
            pltpu.VMEM((_HALF,), jnp.float32),
            pltpu.VMEM((_COLS + 32,), jnp.int32),
            pltpu.VMEM((16 * 256,), jnp.int32),
            pltpu.VMEM((_NSEG * 16,), jnp.int32),
            pltpu.VMEM((16,), jnp.int32),
            pltpu.SemaphoreType.DMA,
            pltpu.SemaphoreType.DMA,
        ],
    )(_sc_body)
    return f(x)


def _tc_mask_body(x_ref, t_ref, n_ref, o_ref):
    x = x_ref[...].reshape(_BLK_ROWS, _CHUNKS, _LANES)
    mu = lax.bitcast_convert_type(x, jnp.int32)
    m = mu ^ (lax.shift_right_arithmetic(mu, 31) & jnp.int32(0x7FFFFFFF))
    t = t_ref[...]
    need = n_ref[...]

    gt = m > t
    eq = m == t

    eqf = eq.astype(jnp.float32)
    ii = lax.broadcasted_iota(jnp.int32, (_LANES, _LANES), 0)
    jj = lax.broadcasted_iota(jnp.int32, (_LANES, _LANES), 1)
    u_lane = (ii < jj).astype(jnp.float32)
    within = lax.dot_general(eqf, u_lane, (((2,), (0,)), ((), ())),
                             preferred_element_type=jnp.float32)
    tot = jnp.sum(eqf, axis=2)
    ci = lax.broadcasted_iota(jnp.int32, (_CHUNKS, _CHUNKS), 0)
    cj = lax.broadcasted_iota(jnp.int32, (_CHUNKS, _CHUNKS), 1)
    u_chunk = (ci < cj).astype(jnp.float32)
    cpre = lax.dot_general(tot, u_chunk, (((1,), (0,)), ((), ())),
                           preferred_element_type=jnp.float32)
    prefix = within + cpre[:, :, None]

    keep = jnp.logical_or(gt, jnp.logical_and(eq, prefix < need))
    out = jnp.where(keep, jnp.maximum(x, 0.0), 0.0)
    o_ref[...] = out.reshape(_BLK_ROWS, _COLS)


def kernel(x):
    rows, cols = x.shape
    sel = _sc_select(x)
    t_all = sel[:, 0:_RPW].reshape(rows) ^ jnp.int32(_I32_MIN)
    cgt = sel[:, 8:8 + _RPW].reshape(rows)
    need = (_TOPK - cgt).astype(jnp.float32)

    t3 = t_all.reshape(rows, 1, 1)
    n3 = need.reshape(rows, 1, 1)
    grid = rows // _BLK_ROWS
    out = pl.pallas_call(
        _tc_mask_body,
        grid=(grid,),
        in_specs=[
            pl.BlockSpec((_BLK_ROWS, _COLS), lambda i: (i, 0)),
            pl.BlockSpec((_BLK_ROWS, 1, 1), lambda i: (i, 0, 0)),
            pl.BlockSpec((_BLK_ROWS, 1, 1), lambda i: (i, 0, 0)),
        ],
        out_specs=pl.BlockSpec((_BLK_ROWS, _COLS), lambda i: (i, 0)),
        out_shape=jax.ShapeDtypeStruct((rows, cols), x.dtype),
    )(x, t3, n3)
    return out

# --- scband reference (transcript-rebuilt; emitter-appended) ---
"""Pipeline reference for scband-top-kactivation-13151189861106 (READ-ONLY COPY).

The authoritative reference and input builder live on the scoring server;
editing this copy changes nothing except your own understanding.
"""

import jax, jax.numpy as jnp
import numpy as np

K = 64

def setup_inputs(seed: int = 0) -> dict:
    key = jax.random.key(seed)
    x = jax.random.normal(key, (128, 32768), dtype=jnp.float32)
    return {"x": x}

def reference(x):
    k = min(K, x.shape[-1])
    values, indices = jax.lax.top_k(x, k)
    values = jnp.maximum(values, 0.0)  # relu on kept values
    out = jnp.zeros_like(x)
    batch_idx = jnp.arange(x.shape[0])[:, None]
    out = out.at[batch_idx, indices].set(values)
    return out

if __name__ == "__main__":
    import jax
    _d = setup_inputs()
    print(jax.jit(kernel)(*tuple(_d.values())))

</pallas_src>

<mosaic_0001>
#map = affine_map<(d0, d1) -> (0, 0)>
module attributes {stable_mosaic.version = 14 : i64} {
  func.func @_sc_body(%arg0: i32, %arg1: i32, %arg2: memref<128x32768xf32, #tpu.memory_space<hbm>>, %arg3: memref<32x16xi32, #tpu.memory_space<hbm>>, %arg4: memref<16384xf32, #tpu.memory_space<vmem>>, %arg5: memref<16384xf32, #tpu.memory_space<vmem>>, %arg6: memref<32800xi32, #tpu.memory_space<vmem>>, %arg7: memref<4096xi32, #tpu.memory_space<vmem>>, %arg8: memref<2048xi32, #tpu.memory_space<vmem>>, %arg9: memref<16xi32, #tpu.memory_space<vmem>>, %arg10: memref<!tpu.dma_semaphore, #tpu.memory_space<semaphore_mem>>, %arg11: memref<!tpu.dma_semaphore, #tpu.memory_space<semaphore_mem>>) attributes {dimension_semantics = [#tpu.dimension_semantics<core_parallel>, #tpu.dimension_semantics<subcore_parallel>], iteration_bounds = array<i64: 2, 16>, scalar_prefetch = 0 : i64, scratch_operands = 8 : i64, tpu.core_type = #tpu.core_type<sc_vector_subcore>, window_params = [{transform_indices = #map}, {transform_indices = #map}]} {
    %mul3A = arith.constant 2 : i32
    %mul3A_0 = arith.muli %arg1, %mul3A : i32
    %add3A = arith.addi %mul3A_0, %arg0 : i32
    %iota3A = tpu.iota {dimensions = array<i32: 0>} : vector<16xi32>
    %broadcast_in_dim3A = arith.constant 0 : i32
    %broadcast_in_dim3A_1 = vector.broadcast %broadcast_in_dim3A : i32 to vector<16xi32>
    %mul3A_2 = arith.constant 4 : i32
    %mul3A_3 = arith.muli %add3A, %mul3A_2 : i32
    %dma_start3A = arith.constant 0 : i32
    %dma_start3A_4 = tpu.memref_slice %arg2[%mul3A_3, %dma_start3A] : memref<128x32768xf32, #tpu.memory_space<hbm>> -> memref<1x16384xf32, #tpu.memory_space<hbm>>
    %dma_start3A_5 = tpu.memref_squeeze %dma_start3A_4 : memref<1x16384xf32, #tpu.memory_space<hbm>> -> memref<16384xf32, #tpu.memory_space<hbm>>
    %dma_start3A_6 = arith.constant 0 : i32
    %dma_start3A_7 = tpu.memref_slice %arg2[%mul3A_3, %dma_start3A_6] : memref<128x32768xf32, #tpu.memory_space<hbm>> -> memref<1x16384xf32, #tpu.memory_space<hbm>>
    %dma_start3A_8 = tpu.memref_squeeze %dma_start3A_7 : memref<1x16384xf32, #tpu.memory_space<hbm>> -> memref<16384xf32, #tpu.memory_space<hbm>>
    tpu.enqueue_dma source(%dma_start3A_8 : memref<16384xf32, #tpu.memory_space<hbm>>) target(%arg4 : memref<16384xf32, #tpu.memory_space<vmem>>) target_semaphore(%arg10 : memref<!tpu.dma_semaphore, #tpu.memory_space<semaphore_mem>>)
    %dma_start3A_9 = arith.constant 16384 : i32
    %dma_start3A_10 = tpu.memref_slice %arg2[%mul3A_3, %dma_start3A_9] : memref<128x32768xf32, #tpu.memory_space<hbm>> -> memref<1x16384xf32, #tpu.memory_space<hbm>>
    %dma_start3A_11 = tpu.memref_squeeze %dma_start3A_10 : memref<1x16384xf32, #tpu.memory_space<hbm>> -> memref<16384xf32, #tpu.memory_space<hbm>>
    %dma_start3A_12 = arith.constant 16384 : i32
    %dma_start3A_13 = tpu.memref_slice %arg2[%mul3A_3, %dma_start3A_12] : memref<128x32768xf32, #tpu.memory_space<hbm>> -> memref<1x16384xf32, #tpu.memory_space<hbm>>
    %dma_start3A_14 = tpu.memref_squeeze %dma_start3A_13 : memref<1x16384xf32, #tpu.memory_space<hbm>> -> memref<16384xf32, #tpu.memory_space<hbm>>
    tpu.enqueue_dma source(%dma_start3A_14 : memref<16384xf32, #tpu.memory_space<hbm>>) target(%arg5 : memref<16384xf32, #tpu.memory_space<vmem>>) target_semaphore(%arg11 : memref<!tpu.dma_semaphore, #tpu.memory_space<semaphore_mem>>)
    %scan3A = arith.constant -2147483648 : i32
    %scan3A_15 = arith.constant 64 : i32
    %scan3A_16 = arith.constant 0 : i32
    %scan3A_17 = arith.constant 4 : i32
    %scan3A_18 = arith.addi %scan3A_16, %scan3A_17 : i32
    %scan3A_19 = arith.constant 1 : i32
    %scan3A_20 = scf.for %scan3A_23 = %scan3A_16 to %scan3A_18 step %scan3A_19 iter_args(%scan3A_24 = %broadcast_in_dim3A_1) -> (vector<16xi32>)  : i32 {
      %add3A_25 = arith.addi %mul3A_3, %scan3A_23 : i32
      %dma_wait3A = arith.constant 0 : i32
      %dma_wait3A_26 = tpu.memref_slice %arg2[%add3A_25, %dma_wait3A] : memref<128x32768xf32, #tpu.memory_space<hbm>> -> memref<1x16384xf32, #tpu.memory_space<hbm>>
      %dma_wait3A_27 = tpu.memref_squeeze %dma_wait3A_26 : memref<1x16384xf32, #tpu.memory_space<hbm>> -> memref<16384xf32, #tpu.memory_space<hbm>>
      %dma_wait3A_28 = arith.constant 0 : i32
      %dma_wait3A_29 = tpu.memref_slice %arg2[%add3A_25, %dma_wait3A_28] : memref<128x32768xf32, #tpu.memory_space<hbm>> -> memref<1x16384xf32, #tpu.memory_space<hbm>>
      %dma_wait3A_30 = tpu.memref_squeeze %dma_wait3A_29 : memref<1x16384xf32, #tpu.memory_space<hbm>> -> memref<16384xf32, #tpu.memory_space<hbm>>
      tpu.wait_dma2 semaphore(%arg10 : memref<!tpu.dma_semaphore, #tpu.memory_space<semaphore_mem>>) src(%dma_wait3A_30 : memref<16384xf32, #tpu.memory_space<hbm>>) dst(%arg4 : memref<16384xf32, #tpu.memory_space<vmem>>)
      %scan3A_31 = arith.constant 0 : i32
      %scan3A_32 = arith.constant 0 : i32
      %scan3A_33 = arith.constant 64 : i32
      %scan3A_34 = arith.addi %scan3A_32, %scan3A_33 : i32
      %scan3A_35 = arith.constant 1 : i32
      %scan3A_36 = scf.for %scan3A_292 = %scan3A_32 to %scan3A_34 step %scan3A_35 iter_args(%scan3A_293 = %scan3A_31) -> (i32)  : i32 {
        %mul3A_294 = arith.constant 256 : i32
        %mul3A_295 = arith.muli %scan3A_292, %mul3A_294 : i32
        %get3A = arith.index_cast %mul3A_295 : i32 to index
        %get3A_296 = tpu.vector_load %arg4[%get3A] {strides = array<i32>} : memref<16384xf32, #tpu.memory_space<vmem>>, vector<16xf32>,
        %bitcast3A = vector.bitcast %get3A_296 : vector<16xf32> to vector<16xi32>
        %shift_right_arithmetic3A_297 = arith.constant 31 : i32
        %shift_right_arithmetic3A_298 = vector.broadcast %shift_right_arithmetic3A_297 : i32 to vector<16xi32>
        %shift_right_arithmetic3A_299 = arith.shrsi %bitcast3A, %shift_right_arithmetic3A_298 : vector<16xi32>
        %and3A = arith.constant 2147483647 : i32
        %and3A_300 = vector.broadcast %and3A : i32 to vector<16xi32>
        %and3A_301 = arith.andi %shift_right_arithmetic3A_299, %and3A_300 : vector<16xi32>
        %xor3A_302 = arith.xori %bitcast3A, %and3A_301 : vector<16xi32>
        %mul3A_303 = arith.constant 256 : i32
        %mul3A_304 = arith.muli %scan3A_292, %mul3A_303 : i32
        %add3A_305 = arith.constant 16 : i32
        %add3A_306 = arith.addi %mul3A_304, %add3A_305 : i32
        %get3A_307 = arith.index_cast %add3A_306 : i32 to index
        %get3A_308 = tpu.vector_load %arg4[%get3A_307] {strides = array<i32>} : memref<16384xf32, #tpu.memory_space<vmem>>, vector<16xf32>,
        %bitcast3A_309 = vector.bitcast %get3A_308 : vector<16xf32> to vector<16xi32>
        %shift_right_arithmetic3A_310 = arith.constant 31 : i32
        %shift_right_arithmetic3A_311 = vector.broadcast %shift_right_arithmetic3A_310 : i32 to vector<16xi32>
        %shift_right_arithmetic3A_312 = arith.shrsi %bitcast3A_309, %shift_right_arithmetic3A_311 : vector<16xi32>
        %and3A_313 = arith.constant 2147483647 : i32
        %and3A_314 = vector.broadcast %and3A_313 : i32 to vector<16xi32>
        %and3A_315 = arith.andi %shift_right_arithmetic3A_312, %and3A_314 : vector<16xi32>
        %xor3A_316 = arith.xori %bitcast3A_309, %and3A_315 : vector<16xi32>
        %max3A = arith.maxsi %xor3A_302, %xor3A_316 : vector<16xi32>
        %mul3A_317 = arith.constant 256 : i32
        %mul3A_318 = arith.muli %scan3A_292, %mul3A_317 : i32
        %add3A_319 = arith.constant 32 : i32
        %add3A_320 = arith.addi %mul3A_318, %add3A_319 : i32
        %get3A_321 = arith.index_cast %add3A_320 : i32 to index
        %get3A_322 = tpu.vector_load %arg4[%get3A_321] {strides = array<i32>} : memref<16384xf32, #tpu.memory_space<vmem>>, vector<16xf32>,
        %bitcast3A_323 = vector.bitcast %get3A_322 : vector<16xf32> to vector<16xi32>
        %shift_right_arithmetic3A_324 = arith.constant 31 : i32
        %shift_right_arithmetic3A_325 = vector.broadcast %shift_right_arithmetic3A_324 : i32 to vector<16xi32>
        %shift_right_arithmetic3A_326 = arith.shrsi %bitcast3A_323, %shift_right_arithmetic3A_325 : vector<16xi32>
        %and3A_327 = arith.constant 2147483647 : i32
        %and3A_328 = vector.broadcast %and3A_327 : i32 to vector<16xi32>
        %and3A_329 = arith.andi %shift_right_arithmetic3A_326, %and3A_328 : vector<16xi32>
        %xor3A_330 = arith.xori %bitcast3A_323, %and3A_329 : vector<16xi32>
        %max3A_331 = arith.maxsi %max3A, %xor3A_330 : vector<16xi32>
        %mul3A_332 = arith.constant 256 : i32
        %mul3A_333 = arith.muli %scan3A_292, %mul3A_332 : i32
        %add3A_334 = arith.constant 48 : i32
        %add3A_335 = arith.addi %mul3A_333, %add3A_334 : i32
        %get3A_336 = arith.index_cast %add3A_335 : i32 to index
        %get3A_337 = tpu.vector_load %arg4[%get3A_336] {strides = array<i32>} : memref<16384xf32, #tpu.memory_space<vmem>>, vector<16xf32>,
        %bitcast3A_338 = vector.bitcast %get3A_337 : vector<16xf32> to vector<16xi32>
        %shift_right_arithmetic3A_339 = arith.constant 31 : i32
        %shift_right_arithmetic3A_340 = vector.broadcast %shift_right_arithmetic3A_339 : i32 to vector<16xi32>
        %shift_right_arithmetic3A_341 = arith.shrsi %bitcast3A_338, %shift_right_arithmetic3A_340 : vector<16xi32>
        %and3A_342 = arith.constant 2147483647 : i32
        %and3A_343 = vector.broadcast %and3A_342 : i32 to vector<16xi32>
        %and3A_344 = arith.andi %shift_right_arithmetic3A_341, %and3A_343 : vector<16xi32>
        %xor3A_345 = arith.xori %bitcast3A_338, %and3A_344 : vector<16xi32>
        %max3A_346 = arith.maxsi %max3A_331, %xor3A_345 : vector<16xi32>
        %mul3A_347 = arith.constant 256 : i32
        %mul3A_348 = arith.muli %scan3A_292, %mul3A_347 : i32
        %add3A_349 = arith.constant 64 : i32
        %add3A_350 = arith.addi %mul3A_348, %add3A_349 : i32
        %get3A_351 = arith.index_cast %add3A_350 : i32 to index
        %get3A_352 = tpu.vector_load %arg4[%get3A_351] {strides = array<i32>} : memref<16384xf32, #tpu.memory_space<vmem>>, vector<16xf32>,
        %bitcast3A_353 = vector.bitcast %get3A_352 : vector<16xf32> to vector<16xi32>
        %shift_right_arithmetic3A_354 = arith.constant 31 : i32
        %shift_right_arithmetic3A_355 = vector.broadcast %shift_right_arithmetic3A_354 : i32 to vector<16xi32>
        %shift_right_arithmetic3A_356 = arith.shrsi %bitcast3A_353, %shift_right_arithmetic3A_355 : vector<16xi32>
        %and3A_357 = arith.constant 2147483647 : i32
        %and3A_358 = vector.broadcast %and3A_357 : i32 to vector<16xi32>
        %and3A_359 = arith.andi %shift_right_arithmetic3A_356, %and3A_358 : vector<16xi32>
        %xor3A_360 = arith.xori %bitcast3A_353, %and3A_359 : vector<16xi32>
        %max3A_361 = arith.maxsi %max3A_346, %xor3A_360 : vector<16xi32>
        %mul3A_362 = arith.constant 256 : i32
        %mul3A_363 = arith.muli %scan3A_292, %mul3A_362 : i32
        %add3A_364 = arith.constant 80 : i32
        %add3A_365 = arith.addi %mul3A_363, %add3A_364 : i32
        %get3A_366 = arith.index_cast %add3A_365 : i32 to index
        %get3A_367 = tpu.vector_load %arg4[%get3A_366] {strides = array<i32>} : memref<16384xf32, #tpu.memory_space<vmem>>, vector<16xf32>,
        %bitcast3A_368 = vector.bitcast %get3A_367 : vector<16xf32> to vector<16xi32>
        %shift_right_arithmetic3A_369 = arith.constant 31 : i32
        %shift_right_arithmetic3A_370 = vector.broadcast %shift_right_arithmetic3A_369 : i32 to vector<16xi32>
        %shift_right_arithmetic3A_371 = arith.shrsi %bitcast3A_368, %shift_right_arithmetic3A_370 : vector<16xi32>
        %and3A_372 = arith.constant 2147483647 : i32
        %and3A_373 = vector.broadcast %and3A_372 : i32 to vector<16xi32>
        %and3A_374 = arith.andi %shift_right_arithmetic3A_371, %and3A_373 : vector<16xi32>
        %xor3A_375 = arith.xori %bitcast3A_368, %and3A_374 : vector<16xi32>
        %max3A_376 = arith.maxsi %max3A_361, %xor3A_375 : vector<16xi32>
        %mul3A_377 = arith.constant 256 : i32
        %mul3A_378 = arith.muli %scan3A_292, %mul3A_377 : i32
        %add3A_379 = arith.constant 96 : i32
        %add3A_380 = arith.addi %mul3A_378, %add3A_379 : i32
        %get3A_381 = arith.index_cast %add3A_380 : i32 to index
        %get3A_382 = tpu.vector_load %arg4[%get3A_381] {strides = array<i32>} : memref<16384xf32, #tpu.memory_space<vmem>>, vector<16xf32>,
        %bitcast3A_383 = vector.bitcast %get3A_382 : vector<16xf32> to vector<16xi32>
        %shift_right_arithmetic3A_384 = arith.constant 31 : i32
        %shift_right_arithmetic3A_385 = vector.broadcast %shift_right_arithmetic3A_384 : i32 to vector<16xi32>
        %shift_right_arithmetic3A_386 = arith.shrsi %bitcast3A_383, %shift_right_arithmetic3A_385 : vector<16xi32>
        %and3A_387 = arith.constant 2147483647 : i32
        %and3A_388 = vector.broadcast %and3A_387 : i32 to vector<16xi32>
        %and3A_389 = arith.andi %shift_right_arithmetic3A_386, %and3A_388 : vector<16xi32>
        %xor3A_390 = arith.xori %bitcast3A_383, %and3A_389 : vector<16xi32>
        %max3A_391 = arith.maxsi %max3A_376, %xor3A_390 : vector<16xi32>
        %mul3A_392 = arith.constant 256 : i32
        %mul3A_393 = arith.muli %scan3A_292, %mul3A_392 : i32
        %add3A_394 = arith.constant 112 : i32
        %add3A_395 = arith.addi %mul3A_393, %add3A_394 : i32
        %get3A_396 = arith.index_cast %add3A_395 : i32 to index
        %get3A_397 = tpu.vector_load %arg4[%get3A_396] {strides = array<i32>} : memref<16384xf32, #tpu.memory_space<vmem>>, vector<16xf32>,
        %bitcast3A_398 = vector.bitcast %get3A_397 : vector<16xf32> to vector<16xi32>
        %shift_right_arithmetic3A_399 = arith.constant 31 : i32
        %shift_right_arithmetic3A_400 = vector.broadcast %shift_right_arithmetic3A_399 : i32 to vector<16xi32>
        %shift_right_arithmetic3A_401 = arith.shrsi %bitcast3A_398, %shift_right_arithmetic3A_400 : vector<16xi32>
        %and3A_402 = arith.constant 2147483647 : i32
        %and3A_403 = vector.broadcast %and3A_402 : i32 to vector<16xi32>
        %and3A_404 = arith.andi %shift_right_arithmetic3A_401, %and3A_403 : vector<16xi32>
        %xor3A_405 = arith.xori %bitcast3A_398, %and3A_404 : vector<16xi32>
        %max3A_406 = arith.maxsi %max3A_391, %xor3A_405 : vector<16xi32>
        %mul3A_407 = arith.constant 256 : i32
        %mul3A_408 = arith.muli %scan3A_292, %mul3A_407 : i32
        %add3A_409 = arith.constant 128 : i32
        %add3A_410 = arith.addi %mul3A_408, %add3A_409 : i32
        %get3A_411 = arith.index_cast %add3A_410 : i32 to index
        %get3A_412 = tpu.vector_load %arg4[%get3A_411] {strides = array<i32>} : memref<16384xf32, #tpu.memory_space<vmem>>, vector<16xf32>,
        %bitcast3A_413 = vector.bitcast %get3A_412 : vector<16xf32> to vector<16xi32>
        %shift_right_arithmetic3A_414 = arith.constant 31 : i32
        %shift_right_arithmetic3A_415 = vector.broadcast %shift_right_arithmetic3A_414 : i32 to vector<16xi32>
        %shift_right_arithmetic3A_416 = arith.shrsi %bitcast3A_413, %shift_right_arithmetic3A_415 : vector<16xi32>
        %and3A_417 = arith.constant 2147483647 : i32
        %and3A_418 = vector.broadcast %and3A_417 : i32 to vector<16xi32>
        %and3A_419 = arith.andi %shift_right_arithmetic3A_416, %and3A_418 : vector<16xi32>
        %xor3A_420 = arith.xori %bitcast3A_413, %and3A_419 : vector<16xi32>
        %max3A_421 = arith.maxsi %max3A_406, %xor3A_420 : vector<16xi32>
        %mul3A_422 = arith.constant 256 : i32
        %mul3A_423 = arith.muli %scan3A_292, %mul3A_422 : i32
        %add3A_424 = arith.constant 144 : i32
        %add3A_425 = arith.addi %mul3A_423, %add3A_424 : i32
        %get3A_426 = arith.index_cast %add3A_425 : i32 to index
        %get3A_427 = tpu.vector_load %arg4[%get3A_426] {strides = array<i32>} : memref<16384xf32, #tpu.memory_space<vmem>>, vector<16xf32>,
        %bitcast3A_428 = vector.bitcast %get3A_427 : vector<16xf32> to vector<16xi32>
        %shift_right_arithmetic3A_429 = arith.constant 31 : i32
        %shift_right_arithmetic3A_430 = vector.broadcast %shift_right_arithmetic3A_429 : i32 to vector<16xi32>
        %shift_right_arithmetic3A_431 = arith.shrsi %bitcast3A_428, %shift_right_arithmetic3A_430 : vector<16xi32>
        %and3A_432 = arith.constant 2147483647 : i32
        %and3A_433 = vector.broadcast %and3A_432 : i32 to vector<16xi32>
        %and3A_434 = arith.andi %shift_right_arithmetic3A_431, %and3A_433 : vector<16xi32>
        %xor3A_435 = arith.xori %bitcast3A_428, %and3A_434 : vector<16xi32>
        %max3A_436 = arith.maxsi %max3A_421, %xor3A_435 : vector<16xi32>
        %mul3A_437 = arith.constant 256 : i32
        %mul3A_438 = arith.muli %scan3A_292, %mul3A_437 : i32
        %add3A_439 = arith.constant 160 : i32
        %add3A_440 = arith.addi %mul3A_438, %add3A_439 : i32
        %get3A_441 = arith.index_cast %add3A_440 : i32 to index
        %get3A_442 = tpu.vector_load %arg4[%get3A_441] {strides = array<i32>} : memref<16384xf32, #tpu.memory_space<vmem>>, vector<16xf32>,
        %bitcast3A_443 = vector.bitcast %get3A_442 : vector<16xf32> to vector<16xi32>
        %shift_right_arithmetic3A_444 = arith.constant 31 : i32
        %shift_right_arithmetic3A_445 = vector.broadcast %shift_right_arithmetic3A_444 : i32 to vector<16xi32>
        %shift_right_arithmetic3A_446 = arith.shrsi %bitcast3A_443, %shift_right_arithmetic3A_445 : vector<16xi32>
        %and3A_447 = arith.constant 2147483647 : i32
        %and3A_448 = vector.broadcast %and3A_447 : i32 to vector<16xi32>
        %and3A_449 = arith.andi %shift_right_arithmetic3A_446, %and3A_448 : vector<16xi32>
        %xor3A_450 = arith.xori %bitcast3A_443, %and3A_449 : vector<16xi32>
        %max3A_451 = arith.maxsi %max3A_436, %xor3A_450 : vector<16xi32>
        %mul3A_452 = arith.constant 256 : i32
        %mul3A_453 = arith.muli %scan3A_292, %mul3A_452 : i32
        %add3A_454 = arith.constant 176 : i32
        %add3A_455 = arith.addi %mul3A_453, %add3A_454 : i32
        %get3A_456 = arith.index_cast %add3A_455 : i32 to index
        %get3A_457 = tpu.vector_load %arg4[%get3A_456] {strides = array<i32>} : memref<16384xf32, #tpu.memory_space<vmem>>, vector<16xf32>,
        %bitcast3A_458 = vector.bitcast %get3A_457 : vector<16xf32> to vector<16xi32>
        %shift_right_arithmetic3A_459 = arith.constant 31 : i32
        %shift_right_arithmetic3A_460 = vector.broadcast %shift_right_arithmetic3A_459 : i32 to vector<16xi32>
        %shift_right_arithmetic3A_461 = arith.shrsi %bitcast3A_458, %shift_right_arithmetic3A_460 : vector<16xi32>
        %and3A_462 = arith.constant 2147483647 : i32
        %and3A_463 = vector.broadcast %and3A_462 : i32 to vector<16xi32>
        %and3A_464 = arith.andi %shift_right_arithmetic3A_461, %and3A_463 : vector<16xi32>
        %xor3A_465 = arith.xori %bitcast3A_458, %and3A_464 : vector<16xi32>
        %max3A_466 = arith.maxsi %max3A_451, %xor3A_465 : vector<16xi32>
        %mul3A_467 = arith.constant 256 : i32
        %mul3A_468 = arith.muli %scan3A_292, %mul3A_467 : i32
        %add3A_469 = arith.constant 192 : i32
        %add3A_470 = arith.addi %mul3A_468, %add3A_469 : i32
        %get3A_471 = arith.index_cast %add3A_470 : i32 to index
        %get3A_472 = tpu.vector_load %arg4[%get3A_471] {strides = array<i32>} : memref<16384xf32, #tpu.memory_space<vmem>>, vector<16xf32>,
        %bitcast3A_473 = vector.bitcast %get3A_472 : vector<16xf32> to vector<16xi32>
        %shift_right_arithmetic3A_474 = arith.constant 31 : i32
        %shift_right_arithmetic3A_475 = vector.broadcast %shift_right_arithmetic3A_474 : i32 to vector<16xi32>
        %shift_right_arithmetic3A_476 = arith.shrsi %bitcast3A_473, %shift_right_arithmetic3A_475 : vector<16xi32>
        %and3A_477 = arith.constant 2147483647 : i32
        %and3A_478 = vector.broadcast %and3A_477 : i32 to vector<16xi32>
        %and3A_479 = arith.andi %shift_right_arithmetic3A_476, %and3A_478 : vector<16xi32>
        %xor3A_480 = arith.xori %bitcast3A_473, %and3A_479 : vector<16xi32>
        %max3A_481 = arith.maxsi %max3A_466, %xor3A_480 : vector<16xi32>
        %mul3A_482 = arith.constant 256 : i32
        %mul3A_483 = arith.muli %scan3A_292, %mul3A_482 : i32
        %add3A_484 = arith.constant 208 : i32
        %add3A_485 = arith.addi %mul3A_483, %add3A_484 : i32
        %get3A_486 = arith.index_cast %add3A_485 : i32 to index
        %get3A_487 = tpu.vector_load %arg4[%get3A_486] {strides = array<i32>} : memref<16384xf32, #tpu.memory_space<vmem>>, vector<16xf32>,
        %bitcast3A_488 = vector.bitcast %get3A_487 : vector<16xf32> to vector<16xi32>
        %shift_right_arithmetic3A_489 = arith.constant 31 : i32
        %shift_right_arithmetic3A_490 = vector.broadcast %shift_right_arithmetic3A_489 : i32 to vector<16xi32>
        %shift_right_arithmetic3A_491 = arith.shrsi %bitcast3A_488, %shift_right_arithmetic3A_490 : vector<16xi32>
        %and3A_492 = arith.constant 2147483647 : i32
        %and3A_493 = vector.broadcast %and3A_492 : i32 to vector<16xi32>
        %and3A_494 = arith.andi %shift_right_arithmetic3A_491, %and3A_493 : vector<16xi32>
        %xor3A_495 = arith.xori %bitcast3A_488, %and3A_494 : vector<16xi32>
        %max3A_496 = arith.maxsi %max3A_481, %xor3A_495 : vector<16xi32>
        %mul3A_497 = arith.constant 256 : i32
        %mul3A_498 = arith.muli %scan3A_292, %mul3A_497 : i32
        %add3A_499 = arith.constant 224 : i32
        %add3A_500 = arith.addi %mul3A_498, %add3A_499 : i32
        %get3A_501 = arith.index_cast %add3A_500 : i32 to index
        %get3A_502 = tpu.vector_load %arg4[%get3A_501] {strides = array<i32>} : memref<16384xf32, #tpu.memory_space<vmem>>, vector<16xf32>,
        %bitcast3A_503 = vector.bitcast %get3A_502 : vector<16xf32> to vector<16xi32>
        %shift_right_arithmetic3A_504 = arith.constant 31 : i32
        %shift_right_arithmetic3A_505 = vector.broadcast %shift_right_arithmetic3A_504 : i32 to vector<16xi32>
        %shift_right_arithmetic3A_506 = arith.shrsi %bitcast3A_503, %shift_right_arithmetic3A_505 : vector<16xi32>
        %and3A_507 = arith.constant 2147483647 : i32
        %and3A_508 = vector.broadcast %and3A_507 : i32 to vector<16xi32>
        %and3A_509 = arith.andi %shift_right_arithmetic3A_506, %and3A_508 : vector<16xi32>
        %xor3A_510 = arith.xori %bitcast3A_503, %and3A_509 : vector<16xi32>
        %max3A_511 = arith.maxsi %max3A_496, %xor3A_510 : vector<16xi32>
        %mul3A_512 = arith.constant 256 : i32
        %mul3A_513 = arith.muli %scan3A_292, %mul3A_512 : i32
        %add3A_514 = arith.constant 240 : i32
        %add3A_515 = arith.addi %mul3A_513, %add3A_514 : i32
        %get3A_516 = arith.index_cast %add3A_515 : i32 to index
        %get3A_517 = tpu.vector_load %arg4[%get3A_516] {strides = array<i32>} : memref<16384xf32, #tpu.memory_space<vmem>>, vector<16xf32>,
        %bitcast3A_518 = vector.bitcast %get3A_517 : vector<16xf32> to vector<16xi32>
        %shift_right_arithmetic3A_519 = arith.constant 31 : i32
        %shift_right_arithmetic3A_520 = vector.broadcast %shift_right_arithmetic3A_519 : i32 to vector<16xi32>
        %shift_right_arithmetic3A_521 = arith.shrsi %bitcast3A_518, %shift_right_arithmetic3A_520 : vector<16xi32>
        %and3A_522 = arith.constant 2147483647 : i32
        %and3A_523 = vector.broadcast %and3A_522 : i32 to vector<16xi32>
        %and3A_524 = arith.andi %shift_right_arithmetic3A_521, %and3A_523 : vector<16xi32>
        %xor3A_525 = arith.xori %bitcast3A_518, %and3A_524 : vector<16xi32>
        %max3A_526 = arith.maxsi %max3A_511, %xor3A_525 : vector<16xi32>
        %xor3A_527 = vector.broadcast %scan3A : i32 to vector<16xi32>
        %xor3A_528 = arith.xori %max3A_526, %xor3A_527 : vector<16xi32>
        %add3A_529 = arith.constant 0 : i32
        %add3A_530 = arith.addi %add3A_529, %scan3A_292 : i32
        %mul3A_531 = arith.constant 16 : i32
        %mul3A_532 = arith.muli %add3A_530, %mul3A_531 : i32
        %swap3A_533 = arith.index_cast %mul3A_532 : i32 to index
        %swap3A_534 = tpu.vector_load %arg8[%swap3A_533] {strides = array<i32>} : memref<2048xi32, #tpu.memory_space<vmem>>, vector<16xi32>,
        tpu.vector_store %arg8[%swap3A_533], %xor3A_528 {strides = array<i32>} : memref<2048xi32, #tpu.memory_space<vmem>>, vector<16xi32>,
        %scan3A_535 = arith.constant 0 : i32
        scf.yield %scan3A_535 : i32
      }
      %scan3A_37 = arith.constant 64 : i32
      %dma_wait3A_38 = arith.constant 16384 : i32
      %dma_wait3A_39 = tpu.memref_slice %arg2[%add3A_25, %dma_wait3A_38] : memref<128x32768xf32, #tpu.memory_space<hbm>> -> memref<1x16384xf32, #tpu.memory_space<hbm>>
      %dma_wait3A_40 = tpu.memref_squeeze %dma_wait3A_39 : memref<1x16384xf32, #tpu.memory_space<hbm>> -> memref<16384xf32, #tpu.memory_space<hbm>>
      %dma_wait3A_41 = arith.constant 16384 : i32
      %dma_wait3A_42 = tpu.memref_slice %arg2[%add3A_25, %dma_wait3A_41] : memref<128x32768xf32, #tpu.memory_space<hbm>> -> memref<1x16384xf32, #tpu.memory_space<hbm>>
      %dma_wait3A_43 = tpu.memref_squeeze %dma_wait3A_42 : memref<1x16384xf32, #tpu.memory_space<hbm>> -> memref<16384xf32, #tpu.memory_space<hbm>>
      tpu.wait_dma2 semaphore(%arg11 : memref<!tpu.dma_semaphore, #tpu.memory_space<semaphore_mem>>) src(%dma_wait3A_43 : memref<16384xf32, #tpu.memory_space<hbm>>) dst(%arg5 : memref<16384xf32, #tpu.memory_space<vmem>>)
      %scan3A_44 = arith.constant 0 : i32
      %scan3A_45 = arith.constant 0 : i32
      %scan3A_46 = arith.constant 64 : i32
      %scan3A_47 = arith.addi %scan3A_45, %scan3A_46 : i32
      %scan3A_48 = arith.constant 1 : i32
      %scan3A_49 = scf.for %scan3A_292 = %scan3A_45 to %scan3A_47 step %scan3A_48 iter_args(%scan3A_293 = %scan3A_44) -> (i32)  : i32 {
        %mul3A_294 = arith.constant 256 : i32
        %mul3A_295 = arith.muli %scan3A_292, %mul3A_294 : i32
        %get3A = arith.index_cast %mul3A_295 : i32 to index
        %get3A_296 = tpu.vector_load %arg5[%get3A] {strides = array<i32>} : memref<16384xf32, #tpu.memory_space<vmem>>, vector<16xf32>,
        %bitcast3A = vector.bitcast %get3A_296 : vector<16xf32> to vector<16xi32>
        %shift_right_arithmetic3A_297 = arith.constant 31 : i32
        %shift_right_arithmetic3A_298 = vector.broadcast %shift_right_arithmetic3A_297 : i32 to vector<16xi32>
        %shift_right_arithmetic3A_299 = arith.shrsi %bitcast3A, %shift_right_arithmetic3A_298 : vector<16xi32>
        %and3A = arith.constant 2147483647 : i32
        %and3A_300 = vector.broadcast %and3A : i32 to vector<16xi32>
        %and3A_301 = arith.andi %shift_right_arithmetic3A_299, %and3A_300 : vector<16xi32>
        %xor3A_302 = arith.xori %bitcast3A, %and3A_301 : vector<16xi32>
        %mul3A_303 = arith.constant 256 : i32
        %mul3A_304 = arith.muli %scan3A_292, %mul3A_303 : i32
        %add3A_305 = arith.constant 16 : i32
        %add3A_306 = arith.addi %mul3A_304, %add3A_305 : i32
        %get3A_307 = arith.index_cast %add3A_306 : i32 to index
        %get3A_308 = tpu.vector_load %arg5[%get3A_307] {strides = array<i32>} : memref<16384xf32, #tpu.memory_space<vmem>>, vector<16xf32>,
        %bitcast3A_309 = vector.bitcast %get3A_308 : vector<16xf32> to vector<16xi32>
        %shift_right_arithmetic3A_310 = arith.constant 31 : i32
        %shift_right_arithmetic3A_311 = vector.broadcast %shift_right_arithmetic3A_310 : i32 to vector<16xi32>
        %shift_right_arithmetic3A_312 = arith.shrsi %bitcast3A_309, %shift_right_arithmetic3A_311 : vector<16xi32>
        %and3A_313 = arith.constant 2147483647 : i32
        %and3A_314 = vector.broadcast %and3A_313 : i32 to vector<16xi32>
        %and3A_315 = arith.andi %shift_right_arithmetic3A_312, %and3A_314 : vector<16xi32>
        %xor3A_316 = arith.xori %bitcast3A_309, %and3A_315 : vector<16xi32>
        %max3A = arith.maxsi %xor3A_302, %xor3A_316 : vector<16xi32>
        %mul3A_317 = arith.constant 256 : i32
        %mul3A_318 = arith.muli %scan3A_292, %mul3A_317 : i32
        %add3A_319 = arith.constant 32 : i32
        %add3A_320 = arith.addi %mul3A_318, %add3A_319 : i32
        %get3A_321 = arith.index_cast %add3A_320 : i32 to index
        %get3A_322 = tpu.vector_load %arg5[%get3A_321] {strides = array<i32>} : memref<16384xf32, #tpu.memory_space<vmem>>, vector<16xf32>,
        %bitcast3A_323 = vector.bitcast %get3A_322 : vector<16xf32> to vector<16xi32>
        %shift_right_arithmetic3A_324 = arith.constant 31 : i32
        %shift_right_arithmetic3A_325 = vector.broadcast %shift_right_arithmetic3A_324 : i32 to vector<16xi32>
        %shift_right_arithmetic3A_326 = arith.shrsi %bitcast3A_323, %shift_right_arithmetic3A_325 : vector<16xi32>
        %and3A_327 = arith.constant 2147483647 : i32
        %and3A_328 = vector.broadcast %and3A_327 : i32 to vector<16xi32>
        %and3A_329 = arith.andi %shift_right_arithmetic3A_326, %and3A_328 : vector<16xi32>
        %xor3A_330 = arith.xori %bitcast3A_323, %and3A_329 : vector<16xi32>
        %max3A_331 = arith.maxsi %max3A, %xor3A_330 : vector<16xi32>
        %mul3A_332 = arith.constant 256 : i32
        %mul3A_333 = arith.muli %scan3A_292, %mul3A_332 : i32
        %add3A_334 = arith.constant 48 : i32
        %add3A_335 = arith.addi %mul3A_333, %add3A_334 : i32
        %get3A_336 = arith.index_cast %add3A_335 : i32 to index
        %get3A_337 = tpu.vector_load %arg5[%get3A_336] {strides = array<i32>} : memref<16384xf32, #tpu.memory_space<vmem>>, vector<16xf32>,
        %bitcast3A_338 = vector.bitcast %get3A_337 : vector<16xf32> to vector<16xi32>
        %shift_right_arithmetic3A_339 = arith.constant 31 : i32
        %shift_right_arithmetic3A_340 = vector.broadcast %shift_right_arithmetic3A_339 : i32 to vector<16xi32>
        %shift_right_arithmetic3A_341 = arith.shrsi %bitcast3A_338, %shift_right_arithmetic3A_340 : vector<16xi32>
        %and3A_342 = arith.constant 2147483647 : i32
        %and3A_343 = vector.broadcast %and3A_342 : i32 to vector<16xi32>
        %and3A_344 = arith.andi %shift_right_arithmetic3A_341, %and3A_343 : vector<16xi32>
        %xor3A_345 = arith.xori %bitcast3A_338, %and3A_344 : vector<16xi32>
        %max3A_346 = arith.maxsi %max3A_331, %xor3A_345 : vector<16xi32>
        %mul3A_347 = arith.constant 256 : i32
        %mul3A_348 = arith.muli %scan3A_292, %mul3A_347 : i32
        %add3A_349 = arith.constant 64 : i32
        %add3A_350 = arith.addi %mul3A_348, %add3A_349 : i32
        %get3A_351 = arith.index_cast %add3A_350 : i32 to index
        %get3A_352 = tpu.vector_load %arg5[%get3A_351] {strides = array<i32>} : memref<16384xf32, #tpu.memory_space<vmem>>, vector<16xf32>,
        %bitcast3A_353 = vector.bitcast %get3A_352 : vector<16xf32> to vector<16xi32>
        %shift_right_arithmetic3A_354 = arith.constant 31 : i32
        %shift_right_arithmetic3A_355 = vector.broadcast %shift_right_arithmetic3A_354 : i32 to vector<16xi32>
        %shift_right_arithmetic3A_356 = arith.shrsi %bitcast3A_353, %shift_right_arithmetic3A_355 : vector<16xi32>
        %and3A_357 = arith.constant 2147483647 : i32
        %and3A_358 = vector.broadcast %and3A_357 : i32 to vector<16xi32>
        %and3A_359 = arith.andi %shift_right_arithmetic3A_356, %and3A_358 : vector<16xi32>
        %xor3A_360 = arith.xori %bitcast3A_353, %and3A_359 : vector<16xi32>
        %max3A_361 = arith.maxsi %max3A_346, %xor3A_360 : vector<16xi32>
        %mul3A_362 = arith.constant 256 : i32
        %mul3A_363 = arith.muli %scan3A_292, %mul3A_362 : i32
        %add3A_364 = arith.constant 80 : i32
        %add3A_365 = arith.addi %mul3A_363, %add3A_364 : i32
        %get3A_366 = arith.index_cast %add3A_365 : i32 to index
        %get3A_367 = tpu.vector_load %arg5[%get3A_366] {strides = array<i32>} : memref<16384xf32, #tpu.memory_space<vmem>>, vector<16xf32>,
        %bitcast3A_368 = vector.bitcast %get3A_367 : vector<16xf32> to vector<16xi32>
        %shift_right_arithmetic3A_369 = arith.constant 31 : i32
        %shift_right_arithmetic3A_370 = vector.broadcast %shift_right_arithmetic3A_369 : i32 to vector<16xi32>
        %shift_right_arithmetic3A_371 = arith.shrsi %bitcast3A_368, %shift_right_arithmetic3A_370 : vector<16xi32>
        %and3A_372 = arith.constant 2147483647 : i32
        %and3A_373 = vector.broadcast %and3A_372 : i32 to vector<16xi32>
        %and3A_374 = arith.andi %shift_right_arithmetic3A_371, %and3A_373 : vector<16xi32>
        %xor3A_375 = arith.xori %bitcast3A_368, %and3A_374 : vector<16xi32>
        %max3A_376 = arith.maxsi %max3A_361, %xor3A_375 : vector<16xi32>
        %mul3A_377 = arith.constant 256 : i32
        %mul3A_378 = arith.muli %scan3A_292, %mul3A_377 : i32
        %add3A_379 = arith.constant 96 : i32
        %add3A_380 = arith.addi %mul3A_378, %add3A_379 : i32
        %get3A_381 = arith.index_cast %add3A_380 : i32 to index
        %get3A_382 = tpu.vector_load %arg5[%get3A_381] {strides = array<i32>} : memref<16384xf32, #tpu.memory_space<vmem>>, vector<16xf32>,
        %bitcast3A_383 = vector.bitcast %get3A_382 : vector<16xf32> to vector<16xi32>
        %shift_right_arithmetic3A_384 = arith.constant 31 : i32
        %shift_right_arithmetic3A_385 = vector.broadcast %shift_right_arithmetic3A_384 : i32 to vector<16xi32>
        %shift_right_arithmetic3A_386 = arith.shrsi %bitcast3A_383, %shift_right_arithmetic3A_385 : vector<16xi32>
        %and3A_387 = arith.constant 2147483647 : i32
        %and3A_388 = vector.broadcast %and3A_387 : i32 to vector<16xi32>
        %and3A_389 = arith.andi %shift_right_arithmetic3A_386, %and3A_388 : vector<16xi32>
        %xor3A_390 = arith.xori %bitcast3A_383, %and3A_389 : vector<16xi32>
        %max3A_391 = arith.maxsi %max3A_376, %xor3A_390 : vector<16xi32>
        %mul3A_392 = arith.constant 256 : i32
        %mul3A_393 = arith.muli %scan3A_292, %mul3A_392 : i32
        %add3A_394 = arith.constant 112 : i32
        %add3A_395 = arith.addi %mul3A_393, %add3A_394 : i32
        %get3A_396 = arith.index_cast %add3A_395 : i32 to index
        %get3A_397 = tpu.vector_load %arg5[%get3A_396] {strides = array<i32>} : memref<16384xf32, #tpu.memory_space<vmem>>, vector<16xf32>,
        %bitcast3A_398 = vector.bitcast %get3A_397 : vector<16xf32> to vector<16xi32>
        %shift_right_arithmetic3A_399 = arith.constant 31 : i32
        %shift_right_arithmetic3A_400 = vector.broadcast %shift_right_arithmetic3A_399 : i32 to vector<16xi32>
        %shift_right_arithmetic3A_401 = arith.shrsi %bitcast3A_398, %shift_right_arithmetic3A_400 : vector<16xi32>
        %and3A_402 = arith.constant 2147483647 : i32
        %and3A_403 = vector.broadcast %and3A_402 : i32 to vector<16xi32>
        %and3A_404 = arith.andi %shift_right_arithmetic3A_401, %and3A_403 : vector<16xi32>
        %xor3A_405 = arith.xori %bitcast3A_398, %and3A_404 : vector<16xi32>
        %max3A_406 = arith.maxsi %max3A_391, %xor3A_405 : vector<16xi32>
        %mul3A_407 = arith.constant 256 : i32
        %mul3A_408 = arith.muli %scan3A_292, %mul3A_407 : i32
        %add3A_409 = arith.constant 128 : i32
        %add3A_410 = arith.addi %mul3A_408, %add3A_409 : i32
        %get3A_411 = arith.index_cast %add3A_410 : i32 to index
        %get3A_412 = tpu.vector_load %arg5[%get3A_411] {strides = array<i32>} : memref<16384xf32, #tpu.memory_space<vmem>>, vector<16xf32>,
        %bitcast3A_413 = vector.bitcast %get3A_412 : vector<16xf32> to vector<16xi32>
        %shift_right_arithmetic3A_414 = arith.constant 31 : i32
        %shift_right_arithmetic3A_415 = vector.broadcast %shift_right_arithmetic3A_414 : i32 to vector<16xi32>
        %shift_right_arithmetic3A_416 = arith.shrsi %bitcast3A_413, %shift_right_arithmetic3A_415 : vector<16xi32>
        %and3A_417 = arith.constant 2147483647 : i32
        %and3A_418 = vector.broadcast %and3A_417 : i32 to vector<16xi32>
        %and3A_419 = arith.andi %shift_right_arithmetic3A_416, %and3A_418 : vector<16xi32>
        %xor3A_420 = arith.xori %bitcast3A_413, %and3A_419 : vector<16xi32>
        %max3A_421 = arith.maxsi %max3A_406, %xor3A_420 : vector<16xi32>
        %mul3A_422 = arith.constant 256 : i32
        %mul3A_423 = arith.muli %scan3A_292, %mul3A_422 : i32
        %add3A_424 = arith.constant 144 : i32
        %add3A_425 = arith.addi %mul3A_423, %add3A_424 : i32
        %get3A_426 = arith.index_cast %add3A_425 : i32 to index
        %get3A_427 = tpu.vector_load %arg5[%get3A_426] {strides = array<i32>} : memref<16384xf32, #tpu.memory_space<vmem>>, vector<16xf32>,
        %bitcast3A_428 = vector.bitcast %get3A_427 : vector<16xf32> to vector<16xi32>
        %shift_right_arithmetic3A_429 = arith.constant 31 : i32
        %shift_right_arithmetic3A_430 = vector.broadcast %shift_right_arithmetic3A_429 : i32 to vector<16xi32>
        %shift_right_arithmetic3A_431 = arith.shrsi %bitcast3A_428, %shift_right_arithmetic3A_430 : vector<16xi32>
        %and3A_432 = arith.constant 2147483647 : i32
        %and3A_433 = vector.broadcast %and3A_432 : i32 to vector<16xi32>
        %and3A_434 = arith.andi %shift_right_arithmetic3A_431, %and3A_433 : vector<16xi32>
        %xor3A_435 = arith.xori %bitcast3A_428, %and3A_434 : vector<16xi32>
        %max3A_436 = arith.maxsi %max3A_421, %xor3A_435 : vector<16xi32>
        %mul3A_437 = arith.constant 256 : i32
        %mul3A_438 = arith.muli %scan3A_292, %mul3A_437 : i32
        %add3A_439 = arith.constant 160 : i32
        %add3A_440 = arith.addi %mul3A_438, %add3A_439 : i32
        %get3A_441 = arith.index_cast %add3A_440 : i32 to index
        %get3A_442 = tpu.vector_load %arg5[%get3A_441] {strides = array<i32>} : memref<16384xf32, #tpu.memory_space<vmem>>, vector<16xf32>,
        %bitcast3A_443 = vector.bitcast %get3A_442 : vector<16xf32> to vector<16xi32>
        %shift_right_arithmetic3A_444 = arith.constant 31 : i32
        %shift_right_arithmetic3A_445 = vector.broadcast %shift_right_arithmetic3A_444 : i32 to vector<16xi32>
        %shift_right_arithmetic3A_446 = arith.shrsi %bitcast3A_443, %shift_right_arithmetic3A_445 : vector<16xi32>
        %and3A_447 = arith.constant 2147483647 : i32
        %and3A_448 = vector.broadcast %and3A_447 : i32 to vector<16xi32>
        %and3A_449 = arith.andi %shift_right_arithmetic3A_446, %and3A_448 : vector<16xi32>
        %xor3A_450 = arith.xori %bitcast3A_443, %and3A_449 : vector<16xi32>
        %max3A_451 = arith.maxsi %max3A_436, %xor3A_450 : vector<16xi32>
        %mul3A_452 = arith.constant 256 : i32
        %mul3A_453 = arith.muli %scan3A_292, %mul3A_452 : i32
        %add3A_454 = arith.constant 176 : i32
        %add3A_455 = arith.addi %mul3A_453, %add3A_454 : i32
        %get3A_456 = arith.index_cast %add3A_455 : i32 to index
        %get3A_457 = tpu.vector_load %arg5[%get3A_456] {strides = array<i32>} : memref<16384xf32, #tpu.memory_space<vmem>>, vector<16xf32>,
        %bitcast3A_458 = vector.bitcast %get3A_457 : vector<16xf32> to vector<16xi32>
        %shift_right_arithmetic3A_459 = arith.constant 31 : i32
        %shift_right_arithmetic3A_460 = vector.broadcast %shift_right_arithmetic3A_459 : i32 to vector<16xi32>
        %shift_right_arithmetic3A_461 = arith.shrsi %bitcast3A_458, %shift_right_arithmetic3A_460 : vector<16xi32>
        %and3A_462 = arith.constant 2147483647 : i32
        %and3A_463 = vector.broadcast %and3A_462 : i32 to vector<16xi32>
        %and3A_464 = arith.andi %shift_right_arithmetic3A_461, %and3A_463 : vector<16xi32>
        %xor3A_465 = arith.xori %bitcast3A_458, %and3A_464 : vector<16xi32>
        %max3A_466 = arith.maxsi %max3A_451, %xor3A_465 : vector<16xi32>
        %mul3A_467 = arith.constant 256 : i32
        %mul3A_468 = arith.muli %scan3A_292, %mul3A_467 : i32
        %add3A_469 = arith.constant 192 : i32
        %add3A_470 = arith.addi %mul3A_468, %add3A_469 : i32
        %get3A_471 = arith.index_cast %add3A_470 : i32 to index
        %get3A_472 = tpu.vector_load %arg5[%get3A_471] {strides = array<i32>} : memref<16384xf32, #tpu.memory_space<vmem>>, vector<16xf32>,
        %bitcast3A_473 = vector.bitcast %get3A_472 : vector<16xf32> to vector<16xi32>
        %shift_right_arithmetic3A_474 = arith.constant 31 : i32
        %shift_right_arithmetic3A_475 = vector.broadcast %shift_right_arithmetic3A_474 : i32 to vector<16xi32>
        %shift_right_arithmetic3A_476 = arith.shrsi %bitcast3A_473, %shift_right_arithmetic3A_475 : vector<16xi32>
        %and3A_477 = arith.constant 2147483647 : i32
        %and3A_478 = vector.broadcast %and3A_477 : i32 to vector<16xi32>
        %and3A_479 = arith.andi %shift_right_arithmetic3A_476, %and3A_478 : vector<16xi32>
        %xor3A_480 = arith.xori %bitcast3A_473, %and3A_479 : vector<16xi32>
        %max3A_481 = arith.maxsi %max3A_466, %xor3A_480 : vector<16xi32>
        %mul3A_482 = arith.constant 256 : i32
        %mul3A_483 = arith.muli %scan3A_292, %mul3A_482 : i32
        %add3A_484 = arith.constant 208 : i32
        %add3A_485 = arith.addi %mul3A_483, %add3A_484 : i32
        %get3A_486 = arith.index_cast %add3A_485 : i32 to index
        %get3A_487 = tpu.vector_load %arg5[%get3A_486] {strides = array<i32>} : memref<16384xf32, #tpu.memory_space<vmem>>, vector<16xf32>,
        %bitcast3A_488 = vector.bitcast %get3A_487 : vector<16xf32> to vector<16xi32>
        %shift_right_arithmetic3A_489 = arith.constant 31 : i32
        %shift_right_arithmetic3A_490 = vector.broadcast %shift_right_arithmetic3A_489 : i32 to vector<16xi32>
        %shift_right_arithmetic3A_491 = arith.shrsi %bitcast3A_488, %shift_right_arithmetic3A_490 : vector<16xi32>
        %and3A_492 = arith.constant 2147483647 : i32
        %and3A_493 = vector.broadcast %and3A_492 : i32 to vector<16xi32>
        %and3A_494 = arith.andi %shift_right_arithmetic3A_491, %and3A_493 : vector<16xi32>
        %xor3A_495 = arith.xori %bitcast3A_488, %and3A_494 : vector<16xi32>
        %max3A_496 = arith.maxsi %max3A_481, %xor3A_495 : vector<16xi32>
        %mul3A_497 = arith.constant 256 : i32
        %mul3A_498 = arith.muli %scan3A_292, %mul3A_497 : i32
        %add3A_499 = arith.constant 224 : i32
        %add3A_500 = arith.addi %mul3A_498, %add3A_499 : i32
        %get3A_501 = arith.index_cast %add3A_500 : i32 to index
        %get3A_502 = tpu.vector_load %arg5[%get3A_501] {strides = array<i32>} : memref<16384xf32, #tpu.memory_space<vmem>>, vector<16xf32>,
        %bitcast3A_503 = vector.bitcast %get3A_502 : vector<16xf32> to vector<16xi32>
        %shift_right_arithmetic3A_504 = arith.constant 31 : i32
        %shift_right_arithmetic3A_505 = vector.broadcast %shift_right_arithmetic3A_504 : i32 to vector<16xi32>
        %shift_right_arithmetic3A_506 = arith.shrsi %bitcast3A_503, %shift_right_arithmetic3A_505 : vector<16xi32>
        %and3A_507 = arith.constant 2147483647 : i32
        %and3A_508 = vector.broadcast %and3A_507 : i32 to vector<16xi32>
        %and3A_509 = arith.andi %shift_right_arithmetic3A_506, %and3A_508 : vector<16xi32>
        %xor3A_510 = arith.xori %bitcast3A_503, %and3A_509 : vector<16xi32>
        %max3A_511 = arith.maxsi %max3A_496, %xor3A_510 : vector<16xi32>
        %mul3A_512 = arith.constant 256 : i32
        %mul3A_513 = arith.muli %scan3A_292, %mul3A_512 : i32
        %add3A_514 = arith.constant 240 : i32
        %add3A_515 = arith.addi %mul3A_513, %add3A_514 : i32
        %get3A_516 = arith.index_cast %add3A_515 : i32 to index
        %get3A_517 = tpu.vector_load %arg5[%get3A_516] {strides = array<i32>} : memref<16384xf32, #tpu.memory_space<vmem>>, vector<16xf32>,
        %bitcast3A_518 = vector.bitcast %get3A_517 : vector<16xf32> to vector<16xi32>
        %shift_right_arithmetic3A_519 = arith.constant 31 : i32
        %shift_right_arithmetic3A_520 = vector.broadcast %shift_right_arithmetic3A_519 : i32 to vector<16xi32>
        %shift_right_arithmetic3A_521 = arith.shrsi %bitcast3A_518, %shift_right_arithmetic3A_520 : vector<16xi32>
        %and3A_522 = arith.constant 2147483647 : i32
        %and3A_523 = vector.broadcast %and3A_522 : i32 to vector<16xi32>
        %and3A_524 = arith.andi %shift_right_arithmetic3A_521, %and3A_523 : vector<16xi32>
        %xor3A_525 = arith.xori %bitcast3A_518, %and3A_524 : vector<16xi32>
        %max3A_526 = arith.maxsi %max3A_511, %xor3A_525 : vector<16xi32>
        %xor3A_527 = vector.broadcast %scan3A : i32 to vector<16xi32>
        %xor3A_528 = arith.xori %max3A_526, %xor3A_527 : vector<16xi32>
        %add3A_529 = arith.constant 64 : i32
        %add3A_530 = arith.addi %add3A_529, %scan3A_292 : i32
        %mul3A_531 = arith.constant 16 : i32
        %mul3A_532 = arith.muli %add3A_530, %mul3A_531 : i32
        %swap3A_533 = arith.index_cast %mul3A_532 : i32 to index
        %swap3A_534 = tpu.vector_load %arg8[%swap3A_533] {strides = array<i32>} : memref<2048xi32, #tpu.memory_space<vmem>>, vector<16xi32>,
        tpu.vector_store %arg8[%swap3A_533], %xor3A_528 {strides = array<i32>} : memref<2048xi32, #tpu.memory_space<vmem>>, vector<16xi32>,
        %scan3A_535 = arith.constant 0 : i32
        scf.yield %scan3A_535 : i32
      }
      %scan3A_50 = arith.constant 64 : i32
      %iota3A_51 = tpu.iota {dimensions = array<i32: 0>} : vector<16xi32>
      %broadcast_in_dim3A_52 = arith.constant 1 : i32
      %broadcast_in_dim3A_53 = vector.broadcast %broadcast_in_dim3A_52 : i32 to vector<16xi32>
      %add3A_54 = arith.constant 2048 : i32
      %add3A_55 = arith.constant 15 : i32
      %add3A_56 = arith.addi %add3A_54, %add3A_55 : i32
      %shift_right_arithmetic3A = arith.constant 4 : i32
      %shift_right_arithmetic3A_57 = arith.shrsi %add3A_56, %shift_right_arithmetic3A : i32
      %scan3A_58 = arith.constant 0 : i32
      %scan3A_59 = arith.constant 0 : i32
      %scan3A_60 = arith.constant 256 : i32
      %scan3A_61 = arith.addi %scan3A_59, %scan3A_60 : i32
      %scan3A_62 = arith.constant 8 : i32
      %scan3A_63 = scf.for %scan3A_292 = %scan3A_59 to %scan3A_61 step %scan3A_62 iter_args(%scan3A_293 = %scan3A_58) -> (i32)  : i32 {
        %broadcast_in_dim3A_294 = arith.constant 0 : i32
        %broadcast_in_dim3A_295 = vector.broadcast %broadcast_in_dim3A_294 : i32 to vector<16xi32>
        %mul3A_296 = arith.constant 16 : i32
        %mul3A_297 = arith.muli %scan3A_292, %mul3A_296 : i32
        %swap3A_298 = arith.index_cast %mul3A_297 : i32 to index
        %swap3A_299 = tpu.vector_load %arg7[%swap3A_298] {strides = array<i32>} : memref<4096xi32, #tpu.memory_space<vmem>>, vector<16xi32>,
        tpu.vector_store %arg7[%swap3A_298], %broadcast_in_dim3A_295 {strides = array<i32>} : memref<4096xi32, #tpu.memory_space<vmem>>, vector<16xi32>,
        %scan3A_300 = arith.constant 0 : i32
        %scan3A_301 = arith.constant 1 : i32
        %scan3A_302 = arith.addi %scan3A_292, %scan3A_301 : i32
        %broadcast_in_dim3A_303 = arith.constant 0 : i32
        %broadcast_in_dim3A_304 = vector.broadcast %broadcast_in_dim3A_303 : i32 to vector<16xi32>
        %mul3A_305 = arith.constant 16 : i32
        %mul3A_306 = arith.muli %scan3A_302, %mul3A_305 : i32
        %swap3A_307 = arith.index_cast %mul3A_306 : i32 to index
        %swap3A_308 = tpu.vector_load %arg7[%swap3A_307] {strides = array<i32>} : memref<4096xi32, #tpu.memory_space<vmem>>, vector<16xi32>,
        tpu.vector_store %arg7[%swap3A_307], %broadcast_in_dim3A_304 {strides = array<i32>} : memref<4096xi32, #tpu.memory_space<vmem>>, vector<16xi32>,
        %scan3A_309 = arith.constant 0 : i32
        %scan3A_310 = arith.constant 2 : i32
        %scan3A_311 = arith.addi %scan3A_292, %scan3A_310 : i32
        %broadcast_in_dim3A_312 = arith.constant 0 : i32
        %broadcast_in_dim3A_313 = vector.broadcast %broadcast_in_dim3A_312 : i32 to vector<16xi32>
        %mul3A_314 = arith.constant 16 : i32
        %mul3A_315 = arith.muli %scan3A_311, %mul3A_314 : i32
        %swap3A_316 = arith.index_cast %mul3A_315 : i32 to index
        %swap3A_317 = tpu.vector_load %arg7[%swap3A_316] {strides = array<i32>} : memref<4096xi32, #tpu.memory_space<vmem>>, vector<16xi32>,
        tpu.vector_store %arg7[%swap3A_316], %broadcast_in_dim3A_313 {strides = array<i32>} : memref<4096xi32, #tpu.memory_space<vmem>>, vector<16xi32>,
        %scan3A_318 = arith.constant 0 : i32
        %scan3A_319 = arith.constant 3 : i32
        %scan3A_320 = arith.addi %scan3A_292, %scan3A_319 : i32
        %broadcast_in_dim3A_321 = arith.constant 0 : i32
        %broadcast_in_dim3A_322 = vector.broadcast %broadcast_in_dim3A_321 : i32 to vector<16xi32>
        %mul3A_323 = arith.constant 16 : i32
        %mul3A_324 = arith.muli %scan3A_320, %mul3A_323 : i32
        %swap3A_325 = arith.index_cast %mul3A_324 : i32 to index
        %swap3A_326 = tpu.vector_load %arg7[%swap3A_325] {strides = array<i32>} : memref<4096xi32, #tpu.memory_space<vmem>>, vector<16xi32>,
        tpu.vector_store %arg7[%swap3A_325], %broadcast_in_dim3A_322 {strides = array<i32>} : memref<4096xi32, #tpu.memory_space<vmem>>, vector<16xi32>,
        %scan3A_327 = arith.constant 0 : i32
        %scan3A_328 = arith.constant 4 : i32
        %scan3A_329 = arith.addi %scan3A_292, %scan3A_328 : i32
        %broadcast_in_dim3A_330 = arith.constant 0 : i32
        %broadcast_in_dim3A_331 = vector.broadcast %broadcast_in_dim3A_330 : i32 to vector<16xi32>
        %mul3A_332 = arith.constant 16 : i32
        %mul3A_333 = arith.muli %scan3A_329, %mul3A_332 : i32
        %swap3A_334 = arith.index_cast %mul3A_333 : i32 to index
        %swap3A_335 = tpu.vector_load %arg7[%swap3A_334] {strides = array<i32>} : memref<4096xi32, #tpu.memory_space<vmem>>, vector<16xi32>,
        tpu.vector_store %arg7[%swap3A_334], %broadcast_in_dim3A_331 {strides = array<i32>} : memref<4096xi32, #tpu.memory_space<vmem>>, vector<16xi32>,
        %scan3A_336 = arith.constant 0 : i32
        %scan3A_337 = arith.constant 5 : i32
        %scan3A_338 = arith.addi %scan3A_292, %scan3A_337 : i32
        %broadcast_in_dim3A_339 = arith.constant 0 : i32
        %broadcast_in_dim3A_340 = vector.broadcast %broadcast_in_dim3A_339 : i32 to vector<16xi32>
        %mul3A_341 = arith.constant 16 : i32
        %mul3A_342 = arith.muli %scan3A_338, %mul3A_341 : i32
        %swap3A_343 = arith.index_cast %mul3A_342 : i32 to index
        %swap3A_344 = tpu.vector_load %arg7[%swap3A_343] {strides = array<i32>} : memref<4096xi32, #tpu.memory_space<vmem>>, vector<16xi32>,
        tpu.vector_store %arg7[%swap3A_343], %broadcast_in_dim3A_340 {strides = array<i32>} : memref<4096xi32, #tpu.memory_space<vmem>>, vector<16xi32>,
        %scan3A_345 = arith.constant 0 : i32
        %scan3A_346 = arith.constant 6 : i32
        %scan3A_347 = arith.addi %scan3A_292, %scan3A_346 : i32
        %broadcast_in_dim3A_348 = arith.constant 0 : i32
        %broadcast_in_dim3A_349 = vector.broadcast %broadcast_in_dim3A_348 : i32 to vector<16xi32>
        %mul3A_350 = arith.constant 16 : i32
        %mul3A_351 = arith.muli %scan3A_347, %mul3A_350 : i32
        %swap3A_352 = arith.index_cast %mul3A_351 : i32 to index
        %swap3A_353 = tpu.vector_load %arg7[%swap3A_352] {strides = array<i32>} : memref<4096xi32, #tpu.memory_space<vmem>>, vector<16xi32>,
        tpu.vector_store %arg7[%swap3A_352], %broadcast_in_dim3A_349 {strides = array<i32>} : memref<4096xi32, #tpu.memory_space<vmem>>, vector<16xi32>,
        %scan3A_354 = arith.constant 0 : i32
        %scan3A_355 = arith.constant 7 : i32
        %scan3A_356 = arith.addi %scan3A_292, %scan3A_355 : i32
        %broadcast_in_dim3A_357 = arith.constant 0 : i32
        %broadcast_in_dim3A_358 = vector.broadcast %broadcast_in_dim3A_357 : i32 to vector<16xi32>
        %mul3A_359 = arith.constant 16 : i32
        %mul3A_360 = arith.muli %scan3A_356, %mul3A_359 : i32
        %swap3A_361 = arith.index_cast %mul3A_360 : i32 to index
        %swap3A_362 = tpu.vector_load %arg7[%swap3A_361] {strides = array<i32>} : memref<4096xi32, #tpu.memory_space<vmem>>, vector<16xi32>,
        tpu.vector_store %arg7[%swap3A_361], %broadcast_in_dim3A_358 {strides = array<i32>} : memref<4096xi32, #tpu.memory_space<vmem>>, vector<16xi32>,
        %scan3A_363 = arith.constant 0 : i32
        scf.yield %scan3A_363 : i32
      }
      %scan3A_64 = arith.constant 256 : i32
      %while3A = arith.constant 2048 : i32
      %while3A_65 = arith.constant 0 : i32
      %while3A_66 = arith.constant 0 : i32
      %while3A_67 = arith.subi %shift_right_arithmetic3A_57, %while3A_65 : i32
      %while3A_68 = arith.addi %while3A_65, %while3A_67 : i32
      %while3A_69 = arith.constant 1 : i32
      %while3A_70 = arith.divsi %while3A_67, %while3A_69 : i32
      %while3A_71 = arith.muli %while3A_70, %while3A_69 : i32
      %while3A_72 = arith.addi %while3A_65, %while3A_71 : i32
      %while3A_73 = arith.constant 1 : i32
      %while3A_74 = scf.for %while3A_292 = %while3A_65 to %while3A_72 step %while3A_73 iter_args(%while3A_293 = %while3A_66) -> (i32)  : i32 {
        %mul3A_294 = arith.constant 16 : i32
        %mul3A_295 = arith.muli %while3A_292, %mul3A_294 : i32
        %get3A = arith.index_cast %mul3A_295 : i32 to index
        %get3A_296 = tpu.vector_load %arg8[%get3A] {strides = array<i32>} : memref<2048xi32, #tpu.memory_space<vmem>>, vector<16xi32>,
        %shift_right_arithmetic3A_297 = arith.constant 24 : i32
        %shift_right_arithmetic3A_298 = vector.broadcast %shift_right_arithmetic3A_297 : i32 to vector<16xi32>
        %shift_right_arithmetic3A_299 = arith.shrsi %get3A_296, %shift_right_arithmetic3A_298 : vector<16xi32>
        %and3A = arith.constant 255 : i32
        %and3A_300 = vector.broadcast %and3A : i32 to vector<16xi32>
        %and3A_301 = arith.andi %shift_right_arithmetic3A_299, %and3A_300 : vector<16xi32>
        %mul3A_302 = arith.constant 16 : i32
        %mul3A_303 = arith.muli %while3A_292, %mul3A_302 : i32
        %add3A_304 = vector.broadcast %mul3A_303 : i32 to vector<16xi32>
        %add3A_305 = arith.addi %add3A_304, %iota3A_51 : vector<16xi32>
        %lt3A_306 = vector.broadcast %while3A : i32 to vector<16xi32>
        %lt3A_307 = arith.cmpi slt, %add3A_305, %lt3A_306 : vector<16xi32>
        %mul3A_308 = arith.constant 16 : i32
        %mul3A_309 = vector.broadcast %mul3A_308 : i32 to vector<16xi32>
        %mul3A_310 = arith.muli %and3A_301, %mul3A_309 : vector<16xi32>
        %add3A_311 = arith.addi %mul3A_310, %iota3A_51 : vector<16xi32>
        tpu.vector_store_idx %arg7[%add3A_311], %broadcast_in_dim3A_53 masked %lt3A_307 {add = true} : memref<4096xi32, #tpu.memory_space<vmem>>[vector<16xi32>], vector<16xi32>, vector<16xi1>
        %while3A_312 = arith.constant 0 : i32
        scf.yield %while3A_312 : i32
      }
      %while3A_75 = arith.constant 1 : i32
      %while3A_76 = scf.for %while3A_292 = %while3A_72 to %while3A_68 step %while3A_75 iter_args(%while3A_293 = %while3A_74) -> (i32)  : i32 {
        %mul3A_294 = arith.constant 16 : i32
        %mul3A_295 = arith.muli %while3A_292, %mul3A_294 : i32
        %get3A = arith.index_cast %mul3A_295 : i32 to index
        %get3A_296 = tpu.vector_load %arg8[%get3A] {strides = array<i32>} : memref<2048xi32, #tpu.memory_space<vmem>>, vector<16xi32>,
        %shift_right_arithmetic3A_297 = arith.constant 24 : i32
        %shift_right_arithmetic3A_298 = vector.broadcast %shift_right_arithmetic3A_297 : i32 to vector<16xi32>
        %shift_right_arithmetic3A_299 = arith.shrsi %get3A_296, %shift_right_arithmetic3A_298 : vector<16xi32>
        %and3A = arith.constant 255 : i32
        %and3A_300 = vector.broadcast %and3A : i32 to vector<16xi32>
        %and3A_301 = arith.andi %shift_right_arithmetic3A_299, %and3A_300 : vector<16xi32>
        %mul3A_302 = arith.constant 16 : i32
        %mul3A_303 = arith.muli %while3A_292, %mul3A_302 : i32
        %add3A_304 = vector.broadcast %mul3A_303 : i32 to vector<16xi32>
        %add3A_305 = arith.addi %add3A_304, %iota3A_51 : vector<16xi32>
        %lt3A_306 = vector.broadcast %while3A : i32 to vector<16xi32>
        %lt3A_307 = arith.cmpi slt, %add3A_305, %lt3A_306 : vector<16xi32>
        %mul3A_308 = arith.constant 16 : i32
        %mul3A_309 = vector.broadcast %mul3A_308 : i32 to vector<16xi32>
        %mul3A_310 = arith.muli %and3A_301, %mul3A_309 : vector<16xi32>
        %add3A_311 = arith.addi %mul3A_310, %iota3A_51 : vector<16xi32>
        tpu.vector_store_idx %arg7[%add3A_311], %broadcast_in_dim3A_53 masked %lt3A_307 {add = true} : memref<4096xi32, #tpu.memory_space<vmem>>[vector<16xi32>], vector<16xi32>, vector<16xi1>
        %while3A_312 = arith.constant 0 : i32
        scf.yield %while3A_312 : i32
      }
      %sub3A = arith.constant 0 : i32
      %sub3A_77 = arith.subi %scan3A_15, %sub3A : i32
      %iota3A_78 = tpu.iota {dimensions = array<i32: 0>} : vector<16xi32>
      %mul3A_79 = arith.constant 16 : i32
      %mul3A_80 = vector.broadcast %mul3A_79 : i32 to vector<16xi32>
      %mul3A_81 = arith.muli %iota3A_78, %mul3A_80 : vector<16xi32>
      %scan3A_82 = arith.constant 0 : i32
      %scan3A_83 = arith.constant 0 : i32
      %scan3A_84 = arith.constant 0 : i32
      %scan3A_85 = arith.constant 0 : i32
      %scan3A_86 = arith.constant 16 : i32
      %scan3A_87 = arith.addi %scan3A_85, %scan3A_86 : i32
      %scan3A_88 = arith.constant 1 : i32
      %scan3A_89:3 = scf.for %scan3A_292 = %scan3A_85 to %scan3A_87 step %scan3A_88 iter_args(%scan3A_293 = %scan3A_82, %scan3A_294 = %scan3A_83, %scan3A_295 = %scan3A_84) -> (i32, i32, i32)  : i32 {
        %sub3A_296 = arith.constant 15 : i32
        %sub3A_297 = arith.subi %sub3A_296, %scan3A_292 : i32
        %broadcast_in_dim3A_298 = arith.constant 0 : i32
        %broadcast_in_dim3A_299 = vector.broadcast %broadcast_in_dim3A_298 : i32 to vector<16xi32>
        %mul3A_300 = arith.constant 256 : i32
        %mul3A_301 = arith.muli %sub3A_297, %mul3A_300 : i32
        %add3A_302 = vector.broadcast %mul3A_301 : i32 to vector<16xi32>
        %add3A_303 = arith.addi %add3A_302, %mul3A_81 : vector<16xi32>
        %add3A_304 = arith.constant 0 : i32
        %add3A_305 = vector.broadcast %add3A_304 : i32 to vector<16xi32>
        %add3A_306 = arith.addi %add3A_303, %add3A_305 : vector<16xi32>
        %gather3A = tpu.vector_load_idx %arg7[%add3A_306] : memref<4096xi32, #tpu.memory_space<vmem>>[vector<16xi32>], vector<16xi32>,
        %add3A_307 = arith.addi %broadcast_in_dim3A_299, %gather3A : vector<16xi32>
        %mul3A_308 = arith.constant 256 : i32
        %mul3A_309 = arith.muli %sub3A_297, %mul3A_308 : i32
        %add3A_310 = vector.broadcast %mul3A_309 : i32 to vector<16xi32>
        %add3A_311 = arith.addi %add3A_310, %mul3A_81 : vector<16xi32>
        %add3A_312 = arith.constant 1 : i32
        %add3A_313 = vector.broadcast %add3A_312 : i32 to vector<16xi32>
        %add3A_314 = arith.addi %add3A_311, %add3A_313 : vector<16xi32>
        %gather3A_315 = tpu.vector_load_idx %arg7[%add3A_314] : memref<4096xi32, #tpu.memory_space<vmem>>[vector<16xi32>], vector<16xi32>,
        %add3A_316 = arith.addi %add3A_307, %gather3A_315 : vector<16xi32>
        %mul3A_317 = arith.constant 256 : i32
        %mul3A_318 = arith.muli %sub3A_297, %mul3A_317 : i32
        %add3A_319 = vector.broadcast %mul3A_318 : i32 to vector<16xi32>
        %add3A_320 = arith.addi %add3A_319, %mul3A_81 : vector<16xi32>
        %add3A_321 = arith.constant 2 : i32
        %add3A_322 = vector.broadcast %add3A_321 : i32 to vector<16xi32>
        %add3A_323 = arith.addi %add3A_320, %add3A_322 : vector<16xi32>
        %gather3A_324 = tpu.vector_load_idx %arg7[%add3A_323] : memref<4096xi32, #tpu.memory_space<vmem>>[vector<16xi32>], vector<16xi32>,
        %add3A_325 = arith.addi %add3A_316, %gather3A_324 : vector<16xi32>
        %mul3A_326 = arith.constant 256 : i32
        %mul3A_327 = arith.muli %sub3A_297, %mul3A_326 : i32
        %add3A_328 = vector.broadcast %mul3A_327 : i32 to vector<16xi32>
        %add3A_329 = arith.addi %add3A_328, %mul3A_81 : vector<16xi32>
        %add3A_330 = arith.constant 3 : i32
        %add3A_331 = vector.broadcast %add3A_330 : i32 to vector<16xi32>
        %add3A_332 = arith.addi %add3A_329, %add3A_331 : vector<16xi32>
        %gather3A_333 = tpu.vector_load_idx %arg7[%add3A_332] : memref<4096xi32, #tpu.memory_space<vmem>>[vector<16xi32>], vector<16xi32>,
        %add3A_334 = arith.addi %add3A_325, %gather3A_333 : vector<16xi32>
        %mul3A_335 = arith.constant 256 : i32
        %mul3A_336 = arith.muli %sub3A_297, %mul3A_335 : i32
        %add3A_337 = vector.broadcast %mul3A_336 : i32 to vector<16xi32>
        %add3A_338 = arith.addi %add3A_337, %mul3A_81 : vector<16xi32>
        %add3A_339 = arith.constant 4 : i32
        %add3A_340 = vector.broadcast %add3A_339 : i32 to vector<16xi32>
        %add3A_341 = arith.addi %add3A_338, %add3A_340 : vector<16xi32>
        %gather3A_342 = tpu.vector_load_idx %arg7[%add3A_341] : memref<4096xi32, #tpu.memory_space<vmem>>[vector<16xi32>], vector<16xi32>,
        %add3A_343 = arith.addi %add3A_334, %gather3A_342 : vector<16xi32>
        %mul3A_344 = arith.constant 256 : i32
        %mul3A_345 = arith.muli %sub3A_297, %mul3A_344 : i32
        %add3A_346 = vector.broadcast %mul3A_345 : i32 to vector<16xi32>
        %add3A_347 = arith.addi %add3A_346, %mul3A_81 : vector<16xi32>
        %add3A_348 = arith.constant 5 : i32
        %add3A_349 = vector.broadcast %add3A_348 : i32 to vector<16xi32>
        %add3A_350 = arith.addi %add3A_347, %add3A_349 : vector<16xi32>
        %gather3A_351 = tpu.vector_load_idx %arg7[%add3A_350] : memref<4096xi32, #tpu.memory_space<vmem>>[vector<16xi32>], vector<16xi32>,
        %add3A_352 = arith.addi %add3A_343, %gather3A_351 : vector<16xi32>
        %mul3A_353 = arith.constant 256 : i32
        %mul3A_354 = arith.muli %sub3A_297, %mul3A_353 : i32
        %add3A_355 = vector.broadcast %mul3A_354 : i32 to vector<16xi32>
        %add3A_356 = arith.addi %add3A_355, %mul3A_81 : vector<16xi32>
        %add3A_357 = arith.constant 6 : i32
        %add3A_358 = vector.broadcast %add3A_357 : i32 to vector<16xi32>
        %add3A_359 = arith.addi %add3A_356, %add3A_358 : vector<16xi32>
        %gather3A_360 = tpu.vector_load_idx %arg7[%add3A_359] : memref<4096xi32, #tpu.memory_space<vmem>>[vector<16xi32>], vector<16xi32>,
        %add3A_361 = arith.addi %add3A_352, %gather3A_360 : vector<16xi32>
        %mul3A_362 = arith.constant 256 : i32
        %mul3A_363 = arith.muli %sub3A_297, %mul3A_362 : i32
        %add3A_364 = vector.broadcast %mul3A_363 : i32 to vector<16xi32>
        %add3A_365 = arith.addi %add3A_364, %mul3A_81 : vector<16xi32>
        %add3A_366 = arith.constant 7 : i32
        %add3A_367 = vector.broadcast %add3A_366 : i32 to vector<16xi32>
        %add3A_368 = arith.addi %add3A_365, %add3A_367 : vector<16xi32>
        %gather3A_369 = tpu.vector_load_idx %arg7[%add3A_368] : memref<4096xi32, #tpu.memory_space<vmem>>[vector<16xi32>], vector<16xi32>,
        %add3A_370 = arith.addi %add3A_361, %gather3A_369 : vector<16xi32>
        %mul3A_371 = arith.constant 256 : i32
        %mul3A_372 = arith.muli %sub3A_297, %mul3A_371 : i32
        %add3A_373 = vector.broadcast %mul3A_372 : i32 to vector<16xi32>
        %add3A_374 = arith.addi %add3A_373, %mul3A_81 : vector<16xi32>
        %add3A_375 = arith.constant 8 : i32
        %add3A_376 = vector.broadcast %add3A_375 : i32 to vector<16xi32>
        %add3A_377 = arith.addi %add3A_374, %add3A_376 : vector<16xi32>
        %gather3A_378 = tpu.vector_load_idx %arg7[%add3A_377] : memref<4096xi32, #tpu.memory_space<vmem>>[vector<16xi32>], vector<16xi32>,
        %add3A_379 = arith.addi %add3A_370, %gather3A_378 : vector<16xi32>
        %mul3A_380 = arith.constant 256 : i32
        %mul3A_381 = arith.muli %sub3A_297, %mul3A_380 : i32
        %add3A_382 = vector.broadcast %mul3A_381 : i32 to vector<16xi32>
        %add3A_383 = arith.addi %add3A_382, %mul3A_81 : vector<16xi32>
        %add3A_384 = arith.constant 9 : i32
        %add3A_385 = vector.broadcast %add3A_384 : i32 to vector<16xi32>
        %add3A_386 = arith.addi %add3A_383, %add3A_385 : vector<16xi32>
        %gather3A_387 = tpu.vector_load_idx %arg7[%add3A_386] : memref<4096xi32, #tpu.memory_space<vmem>>[vector<16xi32>], vector<16xi32>,
        %add3A_388 = arith.addi %add3A_379, %gather3A_387 : vector<16xi32>
        %mul3A_389 = arith.constant 256 : i32
        %mul3A_390 = arith.muli %sub3A_297, %mul3A_389 : i32
        %add3A_391 = vector.broadcast %mul3A_390 : i32 to vector<16xi32>
        %add3A_392 = arith.addi %add3A_391, %mul3A_81 : vector<16xi32>
        %add3A_393 = arith.constant 10 : i32
        %add3A_394 = vector.broadcast %add3A_393 : i32 to vector<16xi32>
        %add3A_395 = arith.addi %add3A_392, %add3A_394 : vector<16xi32>
        %gather3A_396 = tpu.vector_load_idx %arg7[%add3A_395] : memref<4096xi32, #tpu.memory_space<vmem>>[vector<16xi32>], vector<16xi32>,
        %add3A_397 = arith.addi %add3A_388, %gather3A_396 : vector<16xi32>
        %mul3A_398 = arith.constant 256 : i32
        %mul3A_399 = arith.muli %sub3A_297, %mul3A_398 : i32
        %add3A_400 = vector.broadcast %mul3A_399 : i32 to vector<16xi32>
        %add3A_401 = arith.addi %add3A_400, %mul3A_81 : vector<16xi32>
        %add3A_402 = arith.constant 11 : i32
        %add3A_403 = vector.broadcast %add3A_402 : i32 to vector<16xi32>
        %add3A_404 = arith.addi %add3A_401, %add3A_403 : vector<16xi32>
        %gather3A_405 = tpu.vector_load_idx %arg7[%add3A_404] : memref<4096xi32, #tpu.memory_space<vmem>>[vector<16xi32>], vector<16xi32>,
        %add3A_406 = arith.addi %add3A_397, %gather3A_405 : vector<16xi32>
        %mul3A_407 = arith.constant 256 : i32
        %mul3A_408 = arith.muli %sub3A_297, %mul3A_407 : i32
        %add3A_409 = vector.broadcast %mul3A_408 : i32 to vector<16xi32>
        %add3A_410 = arith.addi %add3A_409, %mul3A_81 : vector<16xi32>
        %add3A_411 = arith.constant 12 : i32
        %add3A_412 = vector.broadcast %add3A_411 : i32 to vector<16xi32>
        %add3A_413 = arith.addi %add3A_410, %add3A_412 : vector<16xi32>
        %gather3A_414 = tpu.vector_load_idx %arg7[%add3A_413] : memref<4096xi32, #tpu.memory_space<vmem>>[vector<16xi32>], vector<16xi32>,
        %add3A_415 = arith.addi %add3A_406, %gather3A_414 : vector<16xi32>
        %mul3A_416 = arith.constant 256 : i32
        %mul3A_417 = arith.muli %sub3A_297, %mul3A_416 : i32
        %add3A_418 = vector.broadcast %mul3A_417 : i32 to vector<16xi32>
        %add3A_419 = arith.addi %add3A_418, %mul3A_81 : vector<16xi32>
        %add3A_420 = arith.constant 13 : i32
        %add3A_421 = vector.broadcast %add3A_420 : i32 to vector<16xi32>
        %add3A_422 = arith.addi %add3A_419, %add3A_421 : vector<16xi32>
        %gather3A_423 = tpu.vector_load_idx %arg7[%add3A_422] : memref<4096xi32, #tpu.memory_space<vmem>>[vector<16xi32>], vector<16xi32>,
        %add3A_424 = arith.addi %add3A_415, %gather3A_423 : vector<16xi32>
        %mul3A_425 = arith.constant 256 : i32
        %mul3A_426 = arith.muli %sub3A_297, %mul3A_425 : i32
        %add3A_427 = vector.broadcast %mul3A_426 : i32 to vector<16xi32>
        %add3A_428 = arith.addi %add3A_427, %mul3A_81 : vector<16xi32>
        %add3A_429 = arith.constant 14 : i32
        %add3A_430 = vector.broadcast %add3A_429 : i32 to vector<16xi32>
        %add3A_431 = arith.addi %add3A_428, %add3A_430 : vector<16xi32>
        %gather3A_432 = tpu.vector_load_idx %arg7[%add3A_431] : memref<4096xi32, #tpu.memory_space<vmem>>[vector<16xi32>], vector<16xi32>,
        %add3A_433 = arith.addi %add3A_424, %gather3A_432 : vector<16xi32>
        %mul3A_434 = arith.constant 256 : i32
        %mul3A_435 = arith.muli %sub3A_297, %mul3A_434 : i32
        %add3A_436 = vector.broadcast %mul3A_435 : i32 to vector<16xi32>
        %add3A_437 = arith.addi %add3A_436, %mul3A_81 : vector<16xi32>
        %add3A_438 = arith.constant 15 : i32
        %add3A_439 = vector.broadcast %add3A_438 : i32 to vector<16xi32>
        %add3A_440 = arith.addi %add3A_437, %add3A_439 : vector<16xi32>
        %gather3A_441 = tpu.vector_load_idx %arg7[%add3A_440] : memref<4096xi32, #tpu.memory_space<vmem>>[vector<16xi32>], vector<16xi32>,
        %add3A_442 = arith.addi %add3A_433, %gather3A_441 : vector<16xi32>
        %rev3A = arith.constant 15 : i32
        %rev3A_443 = vector.broadcast %rev3A : i32 to vector<16xi32>
        %rev3A_444 = tpu.iota {dimensions = array<i32: 0>} : vector<16xi32>
        %rev3A_445 = arith.subi %rev3A_443, %rev3A_444 : vector<16xi32>
        %rev3A_446 = tpu.dynamic_gather %add3A_442[%rev3A_445] in [0] : vector<16xi32>, vector<16xi32> -> vector<16xi32>
        %broadcast_in_dim3A_447 = arith.constant true
        %broadcast_in_dim3A_448 = vector.broadcast %broadcast_in_dim3A_447 : i1 to vector<16xi1>
        %masked_cumsum3A = tpu.scan <sum>, %rev3A_446 masked %broadcast_in_dim3A_448 : vector<16xi32>, vector<16xi1> -> vector<16xi32>
        %reduce_sum3A = arith.constant true
        %reduce_sum3A_449 = vector.broadcast %reduce_sum3A : i1 to vector<16xi1>
        %reduce_sum3A_450 = tpu.scan <sum>, %add3A_442 masked %reduce_sum3A_449 : vector<16xi32>, vector<16xi1> -> vector<16xi32>
        %reduce_sum3A_451 = vector.extract %reduce_sum3A_450[15] : i32 from vector<16xi32>
        %lt3A_452 = arith.cmpi slt, %scan3A_293, %sub3A_77 : i32
        %add3A_453 = arith.addi %scan3A_293, %reduce_sum3A_451 : i32
        %ge3A = arith.cmpi sge, %add3A_453, %sub3A_77 : i32
        %and3A = arith.andi %lt3A_452, %ge3A : i1
        %add3A_454 = vector.broadcast %scan3A_293 : i32 to vector<16xi32>
        %add3A_455 = arith.addi %add3A_454, %masked_cumsum3A : vector<16xi32>
        %lt3A_456 = vector.broadcast %sub3A_77 : i32 to vector<16xi32>
        %lt3A_457 = arith.cmpi slt, %add3A_455, %lt3A_456 : vector<16xi32>
        %convert_element_type3A_458 = arith.extui %lt3A_457 : vector<16xi1> to vector<16xi32>
        %reduce_sum3A_459 = arith.constant true
        %reduce_sum3A_460 = vector.broadcast %reduce_sum3A_459 : i1 to vector<16xi1>
        %reduce_sum3A_461 = tpu.scan <sum>, %convert_element_type3A_458 masked %reduce_sum3A_460 : vector<16xi32>, vector<16xi1> -> vector<16xi32>
        %reduce_sum3A_462 = vector.extract %reduce_sum3A_461[15] : i32 from vector<16xi32>
        %lt3A_463 = vector.broadcast %reduce_sum3A_462 : i32 to vector<16xi32>
        %lt3A_464 = arith.cmpi slt, %iota3A_78, %lt3A_463 : vector<16xi32>
        %jit3A = arith.constant 0 : i32
        %broadcast_in_dim3A_465 = vector.broadcast %jit3A : i32 to vector<16xi32>
        %select_n3A_466 = arith.select %lt3A_464, %rev3A_446, %broadcast_in_dim3A_465 : vector<16xi1>, vector<16xi32>
        %reduce_sum3A_467 = arith.constant true
        %reduce_sum3A_468 = vector.broadcast %reduce_sum3A_467 : i1 to vector<16xi1>
        %reduce_sum3A_469 = tpu.scan <sum>, %select_n3A_466 masked %reduce_sum3A_468 : vector<16xi32>, vector<16xi1> -> vector<16xi32>
        %reduce_sum3A_470 = vector.extract %reduce_sum3A_469[15] : i32 from vector<16xi32>
        %mul3A_471 = arith.constant 16 : i32
        %mul3A_472 = arith.muli %sub3A_297, %mul3A_471 : i32
        %add3A_473 = arith.constant 15 : i32
        %add3A_474 = arith.addi %mul3A_472, %add3A_473 : i32
        %sub3A_475 = arith.subi %add3A_474, %reduce_sum3A_462 : i32
        %select_n3A_476 = arith.select %and3A, %sub3A_475, %scan3A_294 : i32
        %add3A_477 = arith.addi %scan3A_293, %reduce_sum3A_470 : i32
        %select_n3A_478 = arith.select %and3A, %add3A_477, %scan3A_295 : i32
        %add3A_479 = arith.addi %scan3A_293, %reduce_sum3A_451 : i32
        scf.yield %add3A_479, %select_n3A_476, %select_n3A_478 : i32, i32, i32
      }
      %scan3A_90 = arith.constant 16 : i32
      %shift_left3A = arith.constant 0 : i32
      %shift_left3A_91 = arith.constant 8 : i32
      %shift_left3A_92 = arith.shli %shift_left3A, %shift_left3A_91 : i32
      %or3A = arith.ori %shift_left3A_92, %scan3A_89#1 : i32
      %add3A_93 = arith.constant 0 : i32
      %add3A_94 = arith.addi %add3A_93, %scan3A_89#2 : i32
      %shift_left3A_95 = arith.constant 24 : i32
      %shift_left3A_96 = arith.shli %or3A, %shift_left3A_95 : i32
      %xor3A = arith.xori %shift_left3A_96, %scan3A : i32
      %scan3A_97 = arith.constant 0 : i32
      %scan3A_98 = arith.constant 0 : i32
      %scan3A_99 = arith.constant 1024 : i32
      %scan3A_100 = arith.addi %scan3A_98, %scan3A_99 : i32
      %scan3A_101 = arith.constant 4 : i32
      %scan3A_102 = scf.for %scan3A_292 = %scan3A_98 to %scan3A_100 step %scan3A_101 iter_args(%scan3A_293 = %scan3A_97) -> (i32)  : i32 {
        %mul3A_294 = arith.constant 16 : i32
        %mul3A_295 = arith.muli %scan3A_292, %mul3A_294 : i32
        %get3A = arith.index_cast %mul3A_295 : i32 to index
        %get3A_296 = tpu.vector_load %arg4[%get3A] {strides = array<i32>} : memref<16384xf32, #tpu.memory_space<vmem>>, vector<16xf32>,
        %bitcast3A = vector.bitcast %get3A_296 : vector<16xf32> to vector<16xi32>
        %shift_right_arithmetic3A_297 = arith.constant 31 : i32
        %shift_right_arithmetic3A_298 = vector.broadcast %shift_right_arithmetic3A_297 : i32 to vector<16xi32>
        %shift_right_arithmetic3A_299 = arith.shrsi %bitcast3A, %shift_right_arithmetic3A_298 : vector<16xi32>
        %and3A = arith.constant 2147483647 : i32
        %and3A_300 = vector.broadcast %and3A : i32 to vector<16xi32>
        %and3A_301 = arith.andi %shift_right_arithmetic3A_299, %and3A_300 : vector<16xi32>
        %xor3A_302 = arith.xori %bitcast3A, %and3A_301 : vector<16xi32>
        %ge3A = vector.broadcast %xor3A : i32 to vector<16xi32>
        %ge3A_303 = arith.cmpi sge, %xor3A_302, %ge3A : vector<16xi32>
        %xor3A_304 = vector.broadcast %scan3A : i32 to vector<16xi32>
        %xor3A_305 = arith.xori %xor3A_302, %xor3A_304 : vector<16xi32>
        %swap3A_306 = arith.index_cast %scan3A_293 : i32 to index
        %swap3A_307 = tpu.vector_load %arg6[%swap3A_306] masked %ge3A_303 {strides = array<i32>} : memref<32800xi32, #tpu.memory_space<vmem>>, vector<16xi32>, vector<16xi1>
        tpu.vector_store %arg6[%swap3A_306], %xor3A_305 masked %ge3A_303 {strides = array<i32>} : memref<32800xi32, #tpu.memory_space<vmem>>, vector<16xi32>, vector<16xi1>
        %all_reduce_population_count3A = tpu.all_reduce %ge3A_303 {dim = 0 : i64, kind = #tpu.reduction_kind<sum>} : vector<16xi1> -> vector<16xi32>
        %slice3A = vector.extract_strided_slice %all_reduce_population_count3A {offsets = [0], sizes = [1], strides = [1]} : vector<16xi32> to vector<1xi32>
        %squeeze3A = vector.extract %slice3A[0] : i32 from vector<1xi32>
        %add3A_308 = arith.addi %scan3A_293, %squeeze3A : i32
        %scan3A_309 = arith.constant 1 : i32
        %scan3A_310 = arith.addi %scan3A_292, %scan3A_309 : i32
        %mul3A_311 = arith.constant 16 : i32
        %mul3A_312 = arith.muli %scan3A_310, %mul3A_311 : i32
        %get3A_313 = arith.index_cast %mul3A_312 : i32 to index
        %get3A_314 = tpu.vector_load %arg4[%get3A_313] {strides = array<i32>} : memref<16384xf32, #tpu.memory_space<vmem>>, vector<16xf32>,
        %bitcast3A_315 = vector.bitcast %get3A_314 : vector<16xf32> to vector<16xi32>
        %shift_right_arithmetic3A_316 = arith.constant 31 : i32
        %shift_right_arithmetic3A_317 = vector.broadcast %shift_right_arithmetic3A_316 : i32 to vector<16xi32>
        %shift_right_arithmetic3A_318 = arith.shrsi %bitcast3A_315, %shift_right_arithmetic3A_317 : vector<16xi32>
        %and3A_319 = arith.constant 2147483647 : i32
        %and3A_320 = vector.broadcast %and3A_319 : i32 to vector<16xi32>
        %and3A_321 = arith.andi %shift_right_arithmetic3A_318, %and3A_320 : vector<16xi32>
        %xor3A_322 = arith.xori %bitcast3A_315, %and3A_321 : vector<16xi32>
        %ge3A_323 = vector.broadcast %xor3A : i32 to vector<16xi32>
        %ge3A_324 = arith.cmpi sge, %xor3A_322, %ge3A_323 : vector<16xi32>
        %xor3A_325 = vector.broadcast %scan3A : i32 to vector<16xi32>
        %xor3A_326 = arith.xori %xor3A_322, %xor3A_325 : vector<16xi32>
        %swap3A_327 = arith.index_cast %add3A_308 : i32 to index
        %swap3A_328 = tpu.vector_load %arg6[%swap3A_327] masked %ge3A_324 {strides = array<i32>} : memref<32800xi32, #tpu.memory_space<vmem>>, vector<16xi32>, vector<16xi1>
        tpu.vector_store %arg6[%swap3A_327], %xor3A_326 masked %ge3A_324 {strides = array<i32>} : memref<32800xi32, #tpu.memory_space<vmem>>, vector<16xi32>, vector<16xi1>
        %all_reduce_population_count3A_329 = tpu.all_reduce %ge3A_324 {dim = 0 : i64, kind = #tpu.reduction_kind<sum>} : vector<16xi1> -> vector<16xi32>
        %slice3A_330 = vector.extract_strided_slice %all_reduce_population_count3A_329 {offsets = [0], sizes = [1], strides = [1]} : vector<16xi32> to vector<1xi32>
        %squeeze3A_331 = vector.extract %slice3A_330[0] : i32 from vector<1xi32>
        %add3A_332 = arith.addi %add3A_308, %squeeze3A_331 : i32
        %scan3A_333 = arith.constant 2 : i32
        %scan3A_334 = arith.addi %scan3A_292, %scan3A_333 : i32
        %mul3A_335 = arith.constant 16 : i32
        %mul3A_336 = arith.muli %scan3A_334, %mul3A_335 : i32
        %get3A_337 = arith.index_cast %mul3A_336 : i32 to index
        %get3A_338 = tpu.vector_load %arg4[%get3A_337] {strides = array<i32>} : memref<16384xf32, #tpu.memory_space<vmem>>, vector<16xf32>,
        %bitcast3A_339 = vector.bitcast %get3A_338 : vector<16xf32> to vector<16xi32>
        %shift_right_arithmetic3A_340 = arith.constant 31 : i32
        %shift_right_arithmetic3A_341 = vector.broadcast %shift_right_arithmetic3A_340 : i32 to vector<16xi32>
        %shift_right_arithmetic3A_342 = arith.shrsi %bitcast3A_339, %shift_right_arithmetic3A_341 : vector<16xi32>
        %and3A_343 = arith.constant 2147483647 : i32
        %and3A_344 = vector.broadcast %and3A_343 : i32 to vector<16xi32>
        %and3A_345 = arith.andi %shift_right_arithmetic3A_342, %and3A_344 : vector<16xi32>
        %xor3A_346 = arith.xori %bitcast3A_339, %and3A_345 : vector<16xi32>
        %ge3A_347 = vector.broadcast %xor3A : i32 to vector<16xi32>
        %ge3A_348 = arith.cmpi sge, %xor3A_346, %ge3A_347 : vector<16xi32>
        %xor3A_349 = vector.broadcast %scan3A : i32 to vector<16xi32>
        %xor3A_350 = arith.xori %xor3A_346, %xor3A_349 : vector<16xi32>
        %swap3A_351 = arith.index_cast %add3A_332 : i32 to index
        %swap3A_352 = tpu.vector_load %arg6[%swap3A_351] masked %ge3A_348 {strides = array<i32>} : memref<32800xi32, #tpu.memory_space<vmem>>, vector<16xi32>, vector<16xi1>
        tpu.vector_store %arg6[%swap3A_351], %xor3A_350 masked %ge3A_348 {strides = array<i32>} : memref<32800xi32, #tpu.memory_space<vmem>>, vector<16xi32>, vector<16xi1>
        %all_reduce_population_count3A_353 = tpu.all_reduce %ge3A_348 {dim = 0 : i64, kind = #tpu.reduction_kind<sum>} : vector<16xi1> -> vector<16xi32>
        %slice3A_354 = vector.extract_strided_slice %all_reduce_population_count3A_353 {offsets = [0], sizes = [1], strides = [1]} : vector<16xi32> to vector<1xi32>
        %squeeze3A_355 = vector.extract %slice3A_354[0] : i32 from vector<1xi32>
        %add3A_356 = arith.addi %add3A_332, %squeeze3A_355 : i32
        %scan3A_357 = arith.constant 3 : i32
        %scan3A_358 = arith.addi %scan3A_292, %scan3A_357 : i32
        %mul3A_359 = arith.constant 16 : i32
        %mul3A_360 = arith.muli %scan3A_358, %mul3A_359 : i32
        %get3A_361 = arith.index_cast %mul3A_360 : i32 to index
        %get3A_362 = tpu.vector_load %arg4[%get3A_361] {strides = array<i32>} : memref<16384xf32, #tpu.memory_space<vmem>>, vector<16xf32>,
        %bitcast3A_363 = vector.bitcast %get3A_362 : vector<16xf32> to vector<16xi32>
        %shift_right_arithmetic3A_364 = arith.constant 31 : i32
        %shift_right_arithmetic3A_365 = vector.broadcast %shift_right_arithmetic3A_364 : i32 to vector<16xi32>
        %shift_right_arithmetic3A_366 = arith.shrsi %bitcast3A_363, %shift_right_arithmetic3A_365 : vector<16xi32>
        %and3A_367 = arith.constant 2147483647 : i32
        %and3A_368 = vector.broadcast %and3A_367 : i32 to vector<16xi32>
        %and3A_369 = arith.andi %shift_right_arithmetic3A_366, %and3A_368 : vector<16xi32>
        %xor3A_370 = arith.xori %bitcast3A_363, %and3A_369 : vector<16xi32>
        %ge3A_371 = vector.broadcast %xor3A : i32 to vector<16xi32>
        %ge3A_372 = arith.cmpi sge, %xor3A_370, %ge3A_371 : vector<16xi32>
        %xor3A_373 = vector.broadcast %scan3A : i32 to vector<16xi32>
        %xor3A_374 = arith.xori %xor3A_370, %xor3A_373 : vector<16xi32>
        %swap3A_375 = arith.index_cast %add3A_356 : i32 to index
        %swap3A_376 = tpu.vector_load %arg6[%swap3A_375] masked %ge3A_372 {strides = array<i32>} : memref<32800xi32, #tpu.memory_space<vmem>>, vector<16xi32>, vector<16xi1>
        tpu.vector_store %arg6[%swap3A_375], %xor3A_374 masked %ge3A_372 {strides = array<i32>} : memref<32800xi32, #tpu.memory_space<vmem>>, vector<16xi32>, vector<16xi1>
        %all_reduce_population_count3A_377 = tpu.all_reduce %ge3A_372 {dim = 0 : i64, kind = #tpu.reduction_kind<sum>} : vector<16xi1> -> vector<16xi32>
        %slice3A_378 = vector.extract_strided_slice %all_reduce_population_count3A_377 {offsets = [0], sizes = [1], strides = [1]} : vector<16xi32> to vector<1xi32>
        %squeeze3A_379 = vector.extract %slice3A_378[0] : i32 from vector<1xi32>
        %add3A_380 = arith.addi %add3A_356, %squeeze3A_379 : i32
        scf.yield %add3A_380 : i32
      }
      %scan3A_103 = arith.constant 1024 : i32
      %add3A_104 = arith.constant 1 : i32
      %add3A_105 = arith.addi %scan3A_23, %add3A_104 : i32
      %lt3A = arith.constant 4 : i32
      %lt3A_106 = arith.cmpi slt, %add3A_105, %lt3A : i32
      %convert_element_type3A = arith.extui %lt3A_106 : i1 to i32
      %cond3A = arith.constant 0 : i32
      %cond3A_107 = arith.cmpi ne, %convert_element_type3A, %cond3A : i32
      scf.if %cond3A_107 {
        %add3A_292 = arith.constant 1 : i32
        %add3A_293 = arith.addi %add3A_25, %add3A_292 : i32
        %dma_start3A_294 = arith.constant 0 : i32
        %dma_start3A_295 = tpu.memref_slice %arg2[%add3A_293, %dma_start3A_294] : memref<128x32768xf32, #tpu.memory_space<hbm>> -> memref<1x16384xf32, #tpu.memory_space<hbm>>
        %dma_start3A_296 = tpu.memref_squeeze %dma_start3A_295 : memref<1x16384xf32, #tpu.memory_space<hbm>> -> memref<16384xf32, #tpu.memory_space<hbm>>
        %dma_start3A_297 = arith.constant 0 : i32
        %dma_start3A_298 = tpu.memref_slice %arg2[%add3A_293, %dma_start3A_297] : memref<128x32768xf32, #tpu.memory_space<hbm>> -> memref<1x16384xf32, #tpu.memory_space<hbm>>
        %dma_start3A_299 = tpu.memref_squeeze %dma_start3A_298 : memref<1x16384xf32, #tpu.memory_space<hbm>> -> memref<16384xf32, #tpu.memory_space<hbm>>
        tpu.enqueue_dma source(%dma_start3A_299 : memref<16384xf32, #tpu.memory_space<hbm>>) target(%arg4 : memref<16384xf32, #tpu.memory_space<vmem>>) target_semaphore(%arg10 : memref<!tpu.dma_semaphore, #tpu.memory_space<semaphore_mem>>)
      } else {
      }
      %scan3A_108 = arith.constant 0 : i32
      %scan3A_109 = arith.constant 1024 : i32
      %scan3A_110 = arith.addi %scan3A_108, %scan3A_109 : i32
      %scan3A_111 = arith.constant 4 : i32
      %scan3A_112 = scf.for %scan3A_292 = %scan3A_108 to %scan3A_110 step %scan3A_111 iter_args(%scan3A_293 = %scan3A_102) -> (i32)  : i32 {
        %mul3A_294 = arith.constant 16 : i32
        %mul3A_295 = arith.muli %scan3A_292, %mul3A_294 : i32
        %get3A = arith.index_cast %mul3A_295 : i32 to index
        %get3A_296 = tpu.vector_load %arg5[%get3A] {strides = array<i32>} : memref<16384xf32, #tpu.memory_space<vmem>>, vector<16xf32>,
        %bitcast3A = vector.bitcast %get3A_296 : vector<16xf32> to vector<16xi32>
        %shift_right_arithmetic3A_297 = arith.constant 31 : i32
        %shift_right_arithmetic3A_298 = vector.broadcast %shift_right_arithmetic3A_297 : i32 to vector<16xi32>
        %shift_right_arithmetic3A_299 = arith.shrsi %bitcast3A, %shift_right_arithmetic3A_298 : vector<16xi32>
        %and3A = arith.constant 2147483647 : i32
        %and3A_300 = vector.broadcast %and3A : i32 to vector<16xi32>
        %and3A_301 = arith.andi %shift_right_arithmetic3A_299, %and3A_300 : vector<16xi32>
        %xor3A_302 = arith.xori %bitcast3A, %and3A_301 : vector<16xi32>
        %ge3A = vector.broadcast %xor3A : i32 to vector<16xi32>
        %ge3A_303 = arith.cmpi sge, %xor3A_302, %ge3A : vector<16xi32>
        %xor3A_304 = vector.broadcast %scan3A : i32 to vector<16xi32>
        %xor3A_305 = arith.xori %xor3A_302, %xor3A_304 : vector<16xi32>
        %swap3A_306 = arith.index_cast %scan3A_293 : i32 to index
        %swap3A_307 = tpu.vector_load %arg6[%swap3A_306] masked %ge3A_303 {strides = array<i32>} : memref<32800xi32, #tpu.memory_space<vmem>>, vector<16xi32>, vector<16xi1>
        tpu.vector_store %arg6[%swap3A_306], %xor3A_305 masked %ge3A_303 {strides = array<i32>} : memref<32800xi32, #tpu.memory_space<vmem>>, vector<16xi32>, vector<16xi1>
        %all_reduce_population_count3A = tpu.all_reduce %ge3A_303 {dim = 0 : i64, kind = #tpu.reduction_kind<sum>} : vector<16xi1> -> vector<16xi32>
        %slice3A = vector.extract_strided_slice %all_reduce_population_count3A {offsets = [0], sizes = [1], strides = [1]} : vector<16xi32> to vector<1xi32>
        %squeeze3A = vector.extract %slice3A[0] : i32 from vector<1xi32>
        %add3A_308 = arith.addi %scan3A_293, %squeeze3A : i32
        %scan3A_309 = arith.constant 1 : i32
        %scan3A_310 = arith.addi %scan3A_292, %scan3A_309 : i32
        %mul3A_311 = arith.constant 16 : i32
        %mul3A_312 = arith.muli %scan3A_310, %mul3A_311 : i32
        %get3A_313 = arith.index_cast %mul3A_312 : i32 to index
        %get3A_314 = tpu.vector_load %arg5[%get3A_313] {strides = array<i32>} : memref<16384xf32, #tpu.memory_space<vmem>>, vector<16xf32>,
        %bitcast3A_315 = vector.bitcast %get3A_314 : vector<16xf32> to vector<16xi32>
        %shift_right_arithmetic3A_316 = arith.constant 31 : i32
        %shift_right_arithmetic3A_317 = vector.broadcast %shift_right_arithmetic3A_316 : i32 to vector<16xi32>
        %shift_right_arithmetic3A_318 = arith.shrsi %bitcast3A_315, %shift_right_arithmetic3A_317 : vector<16xi32>
        %and3A_319 = arith.constant 2147483647 : i32
        %and3A_320 = vector.broadcast %and3A_319 : i32 to vector<16xi32>
        %and3A_321 = arith.andi %shift_right_arithmetic3A_318, %and3A_320 : vector<16xi32>
        %xor3A_322 = arith.xori %bitcast3A_315, %and3A_321 : vector<16xi32>
        %ge3A_323 = vector.broadcast %xor3A : i32 to vector<16xi32>
        %ge3A_324 = arith.cmpi sge, %xor3A_322, %ge3A_323 : vector<16xi32>
        %xor3A_325 = vector.broadcast %scan3A : i32 to vector<16xi32>
        %xor3A_326 = arith.xori %xor3A_322, %xor3A_325 : vector<16xi32>
        %swap3A_327 = arith.index_cast %add3A_308 : i32 to index
        %swap3A_328 = tpu.vector_load %arg6[%swap3A_327] masked %ge3A_324 {strides = array<i32>} : memref<32800xi32, #tpu.memory_space<vmem>>, vector<16xi32>, vector<16xi1>
        tpu.vector_store %arg6[%swap3A_327], %xor3A_326 masked %ge3A_324 {strides = array<i32>} : memref<32800xi32, #tpu.memory_space<vmem>>, vector<16xi32>, vector<16xi1>
        %all_reduce_population_count3A_329 = tpu.all_reduce %ge3A_324 {dim = 0 : i64, kind = #tpu.reduction_kind<sum>} : vector<16xi1> -> vector<16xi32>
        %slice3A_330 = vector.extract_strided_slice %all_reduce_population_count3A_329 {offsets = [0], sizes = [1], strides = [1]} : vector<16xi32> to vector<1xi32>
        %squeeze3A_331 = vector.extract %slice3A_330[0] : i32 from vector<1xi32>
        %add3A_332 = arith.addi %add3A_308, %squeeze3A_331 : i32
        %scan3A_333 = arith.constant 2 : i32
        %scan3A_334 = arith.addi %scan3A_292, %scan3A_333 : i32
        %mul3A_335 = arith.constant 16 : i32
        %mul3A_336 = arith.muli %scan3A_334, %mul3A_335 : i32
        %get3A_337 = arith.index_cast %mul3A_336 : i32 to index
        %get3A_338 = tpu.vector_load %arg5[%get3A_337] {strides = array<i32>} : memref<16384xf32, #tpu.memory_space<vmem>>, vector<16xf32>,
        %bitcast3A_339 = vector.bitcast %get3A_338 : vector<16xf32> to vector<16xi32>
        %shift_right_arithmetic3A_340 = arith.constant 31 : i32
        %shift_right_arithmetic3A_341 = vector.broadcast %shift_right_arithmetic3A_340 : i32 to vector<16xi32>
        %shift_right_arithmetic3A_342 = arith.shrsi %bitcast3A_339, %shift_right_arithmetic3A_341 : vector<16xi32>
        %and3A_343 = arith.constant 2147483647 : i32
        %and3A_344 = vector.broadcast %and3A_343 : i32 to vector<16xi32>
        %and3A_345 = arith.andi %shift_right_arithmetic3A_342, %and3A_344 : vector<16xi32>
        %xor3A_346 = arith.xori %bitcast3A_339, %and3A_345 : vector<16xi32>
        %ge3A_347 = vector.broadcast %xor3A : i32 to vector<16xi32>
        %ge3A_348 = arith.cmpi sge, %xor3A_346, %ge3A_347 : vector<16xi32>
        %xor3A_349 = vector.broadcast %scan3A : i32 to vector<16xi32>
        %xor3A_350 = arith.xori %xor3A_346, %xor3A_349 : vector<16xi32>
        %swap3A_351 = arith.index_cast %add3A_332 : i32 to index
        %swap3A_352 = tpu.vector_load %arg6[%swap3A_351] masked %ge3A_348 {strides = array<i32>} : memref<32800xi32, #tpu.memory_space<vmem>>, vector<16xi32>, vector<16xi1>
        tpu.vector_store %arg6[%swap3A_351], %xor3A_350 masked %ge3A_348 {strides = array<i32>} : memref<32800xi32, #tpu.memory_space<vmem>>, vector<16xi32>, vector<16xi1>
        %all_reduce_population_count3A_353 = tpu.all_reduce %ge3A_348 {dim = 0 : i64, kind = #tpu.reduction_kind<sum>} : vector<16xi1> -> vector<16xi32>
        %slice3A_354 = vector.extract_strided_slice %all_reduce_population_count3A_353 {offsets = [0], sizes = [1], strides = [1]} : vector<16xi32> to vector<1xi32>
        %squeeze3A_355 = vector.extract %slice3A_354[0] : i32 from vector<1xi32>
        %add3A_356 = arith.addi %add3A_332, %squeeze3A_355 : i32
        %scan3A_357 = arith.constant 3 : i32
        %scan3A_358 = arith.addi %scan3A_292, %scan3A_357 : i32
        %mul3A_359 = arith.constant 16 : i32
        %mul3A_360 = arith.muli %scan3A_358, %mul3A_359 : i32
        %get3A_361 = arith.index_cast %mul3A_360 : i32 to index
        %get3A_362 = tpu.vector_load %arg5[%get3A_361] {strides = array<i32>} : memref<16384xf32, #tpu.memory_space<vmem>>, vector<16xf32>,
        %bitcast3A_363 = vector.bitcast %get3A_362 : vector<16xf32> to vector<16xi32>
        %shift_right_arithmetic3A_364 = arith.constant 31 : i32
        %shift_right_arithmetic3A_365 = vector.broadcast %shift_right_arithmetic3A_364 : i32 to vector<16xi32>
        %shift_right_arithmetic3A_366 = arith.shrsi %bitcast3A_363, %shift_right_arithmetic3A_365 : vector<16xi32>
        %and3A_367 = arith.constant 2147483647 : i32
        %and3A_368 = vector.broadcast %and3A_367 : i32 to vector<16xi32>
        %and3A_369 = arith.andi %shift_right_arithmetic3A_366, %and3A_368 : vector<16xi32>
        %xor3A_370 = arith.xori %bitcast3A_363, %and3A_369 : vector<16xi32>
        %ge3A_371 = vector.broadcast %xor3A : i32 to vector<16xi32>
        %ge3A_372 = arith.cmpi sge, %xor3A_370, %ge3A_371 : vector<16xi32>
        %xor3A_373 = vector.broadcast %scan3A : i32 to vector<16xi32>
        %xor3A_374 = arith.xori %xor3A_370, %xor3A_373 : vector<16xi32>
        %swap3A_375 = arith.index_cast %add3A_356 : i32 to index
        %swap3A_376 = tpu.vector_load %arg6[%swap3A_375] masked %ge3A_372 {strides = array<i32>} : memref<32800xi32, #tpu.memory_space<vmem>>, vector<16xi32>, vector<16xi1>
        tpu.vector_store %arg6[%swap3A_375], %xor3A_374 masked %ge3A_372 {strides = array<i32>} : memref<32800xi32, #tpu.memory_space<vmem>>, vector<16xi32>, vector<16xi1>
        %all_reduce_population_count3A_377 = tpu.all_reduce %ge3A_372 {dim = 0 : i64, kind = #tpu.reduction_kind<sum>} : vector<16xi1> -> vector<16xi32>
        %slice3A_378 = vector.extract_strided_slice %all_reduce_population_count3A_377 {offsets = [0], sizes = [1], strides = [1]} : vector<16xi32> to vector<1xi32>
        %squeeze3A_379 = vector.extract %slice3A_378[0] : i32 from vector<1xi32>
        %add3A_380 = arith.addi %add3A_356, %squeeze3A_379 : i32
        scf.yield %add3A_380 : i32
      }
      %scan3A_113 = arith.constant 1024 : i32
      %add3A_114 = arith.constant 1 : i32
      %add3A_115 = arith.addi %scan3A_23, %add3A_114 : i32
      %lt3A_116 = arith.constant 4 : i32
      %lt3A_117 = arith.cmpi slt, %add3A_115, %lt3A_116 : i32
      %convert_element_type3A_118 = arith.extui %lt3A_117 : i1 to i32
      %cond3A_119 = arith.constant 0 : i32
      %cond3A_120 = arith.cmpi ne, %convert_element_type3A_118, %cond3A_119 : i32
      scf.if %cond3A_120 {
        %add3A_292 = arith.constant 1 : i32
        %add3A_293 = arith.addi %add3A_25, %add3A_292 : i32
        %dma_start3A_294 = arith.constant 16384 : i32
        %dma_start3A_295 = tpu.memref_slice %arg2[%add3A_293, %dma_start3A_294] : memref<128x32768xf32, #tpu.memory_space<hbm>> -> memref<1x16384xf32, #tpu.memory_space<hbm>>
        %dma_start3A_296 = tpu.memref_squeeze %dma_start3A_295 : memref<1x16384xf32, #tpu.memory_space<hbm>> -> memref<16384xf32, #tpu.memory_space<hbm>>
        %dma_start3A_297 = arith.constant 16384 : i32
        %dma_start3A_298 = tpu.memref_slice %arg2[%add3A_293, %dma_start3A_297] : memref<128x32768xf32, #tpu.memory_space<hbm>> -> memref<1x16384xf32, #tpu.memory_space<hbm>>
        %dma_start3A_299 = tpu.memref_squeeze %dma_start3A_298 : memref<1x16384xf32, #tpu.memory_space<hbm>> -> memref<16384xf32, #tpu.memory_space<hbm>>
        tpu.enqueue_dma source(%dma_start3A_299 : memref<16384xf32, #tpu.memory_space<hbm>>) target(%arg5 : memref<16384xf32, #tpu.memory_space<vmem>>) target_semaphore(%arg11 : memref<!tpu.dma_semaphore, #tpu.memory_space<semaphore_mem>>)
      } else {
      }
      %iota3A_121 = tpu.iota {dimensions = array<i32: 0>} : vector<16xi32>
      %broadcast_in_dim3A_122 = arith.constant 1 : i32
      %broadcast_in_dim3A_123 = vector.broadcast %broadcast_in_dim3A_122 : i32 to vector<16xi32>
      %add3A_124 = arith.constant 15 : i32
      %add3A_125 = arith.addi %scan3A_112, %add3A_124 : i32
      %shift_right_arithmetic3A_126 = arith.constant 4 : i32
      %shift_right_arithmetic3A_127 = arith.shrsi %add3A_125, %shift_right_arithmetic3A_126 : i32
      %scan3A_128 = arith.constant 0 : i32
      %scan3A_129 = arith.constant 0 : i32
      %scan3A_130 = arith.constant 256 : i32
      %scan3A_131 = arith.addi %scan3A_129, %scan3A_130 : i32
      %scan3A_132 = arith.constant 8 : i32
      %scan3A_133 = scf.for %scan3A_292 = %scan3A_129 to %scan3A_131 step %scan3A_132 iter_args(%scan3A_293 = %scan3A_128) -> (i32)  : i32 {
        %broadcast_in_dim3A_294 = arith.constant 0 : i32
        %broadcast_in_dim3A_295 = vector.broadcast %broadcast_in_dim3A_294 : i32 to vector<16xi32>
        %mul3A_296 = arith.constant 16 : i32
        %mul3A_297 = arith.muli %scan3A_292, %mul3A_296 : i32
        %swap3A_298 = arith.index_cast %mul3A_297 : i32 to index
        %swap3A_299 = tpu.vector_load %arg7[%swap3A_298] {strides = array<i32>} : memref<4096xi32, #tpu.memory_space<vmem>>, vector<16xi32>,
        tpu.vector_store %arg7[%swap3A_298], %broadcast_in_dim3A_295 {strides = array<i32>} : memref<4096xi32, #tpu.memory_space<vmem>>, vector<16xi32>,
        %scan3A_300 = arith.constant 0 : i32
        %scan3A_301 = arith.constant 1 : i32
        %scan3A_302 = arith.addi %scan3A_292, %scan3A_301 : i32
        %broadcast_in_dim3A_303 = arith.constant 0 : i32
        %broadcast_in_dim3A_304 = vector.broadcast %broadcast_in_dim3A_303 : i32 to vector<16xi32>
        %mul3A_305 = arith.constant 16 : i32
        %mul3A_306 = arith.muli %scan3A_302, %mul3A_305 : i32
        %swap3A_307 = arith.index_cast %mul3A_306 : i32 to index
        %swap3A_308 = tpu.vector_load %arg7[%swap3A_307] {strides = array<i32>} : memref<4096xi32, #tpu.memory_space<vmem>>, vector<16xi32>,
        tpu.vector_store %arg7[%swap3A_307], %broadcast_in_dim3A_304 {strides = array<i32>} : memref<4096xi32, #tpu.memory_space<vmem>>, vector<16xi32>,
        %scan3A_309 = arith.constant 0 : i32
        %scan3A_310 = arith.constant 2 : i32
        %scan3A_311 = arith.addi %scan3A_292, %scan3A_310 : i32
        %broadcast_in_dim3A_312 = arith.constant 0 : i32
        %broadcast_in_dim3A_313 = vector.broadcast %broadcast_in_dim3A_312 : i32 to vector<16xi32>
        %mul3A_314 = arith.constant 16 : i32
        %mul3A_315 = arith.muli %scan3A_311, %mul3A_314 : i32
        %swap3A_316 = arith.index_cast %mul3A_315 : i32 to index
        %swap3A_317 = tpu.vector_load %arg7[%swap3A_316] {strides = array<i32>} : memref<4096xi32, #tpu.memory_space<vmem>>, vector<16xi32>,
        tpu.vector_store %arg7[%swap3A_316], %broadcast_in_dim3A_313 {strides = array<i32>} : memref<4096xi32, #tpu.memory_space<vmem>>, vector<16xi32>,
        %scan3A_318 = arith.constant 0 : i32
        %scan3A_319 = arith.constant 3 : i32
        %scan3A_320 = arith.addi %scan3A_292, %scan3A_319 : i32
        %broadcast_in_dim3A_321 = arith.constant 0 : i32
        %broadcast_in_dim3A_322 = vector.broadcast %broadcast_in_dim3A_321 : i32 to vector<16xi32>
        %mul3A_323 = arith.constant 16 : i32
        %mul3A_324 = arith.muli %scan3A_320, %mul3A_323 : i32
        %swap3A_325 = arith.index_cast %mul3A_324 : i32 to index
        %swap3A_326 = tpu.vector_load %arg7[%swap3A_325] {strides = array<i32>} : memref<4096xi32, #tpu.memory_space<vmem>>, vector<16xi32>,
        tpu.vector_store %arg7[%swap3A_325], %broadcast_in_dim3A_322 {strides = array<i32>} : memref<4096xi32, #tpu.memory_space<vmem>>, vector<16xi32>,
        %scan3A_327 = arith.constant 0 : i32
        %scan3A_328 = arith.constant 4 : i32
        %scan3A_329 = arith.addi %scan3A_292, %scan3A_328 : i32
        %broadcast_in_dim3A_330 = arith.constant 0 : i32
        %broadcast_in_dim3A_331 = vector.broadcast %broadcast_in_dim3A_330 : i32 to vector<16xi32>
        %mul3A_332 = arith.constant 16 : i32
        %mul3A_333 = arith.muli %scan3A_329, %mul3A_332 : i32
        %swap3A_334 = arith.index_cast %mul3A_333 : i32 to index
        %swap3A_335 = tpu.vector_load %arg7[%swap3A_334] {strides = array<i32>} : memref<4096xi32, #tpu.memory_space<vmem>>, vector<16xi32>,
        tpu.vector_store %arg7[%swap3A_334], %broadcast_in_dim3A_331 {strides = array<i32>} : memref<4096xi32, #tpu.memory_space<vmem>>, vector<16xi32>,
        %scan3A_336 = arith.constant 0 : i32
        %scan3A_337 = arith.constant 5 : i32
        %scan3A_338 = arith.addi %scan3A_292, %scan3A_337 : i32
        %broadcast_in_dim3A_339 = arith.constant 0 : i32
        %broadcast_in_dim3A_340 = vector.broadcast %broadcast_in_dim3A_339 : i32 to vector<16xi32>
        %mul3A_341 = arith.constant 16 : i32
        %mul3A_342 = arith.muli %scan3A_338, %mul3A_341 : i32
        %swap3A_343 = arith.index_cast %mul3A_342 : i32 to index
        %swap3A_344 = tpu.vector_load %arg7[%swap3A_343] {strides = array<i32>} : memref<4096xi32, #tpu.memory_space<vmem>>, vector<16xi32>,
        tpu.vector_store %arg7[%swap3A_343], %broadcast_in_dim3A_340 {strides = array<i32>} : memref<4096xi32, #tpu.memory_space<vmem>>, vector<16xi32>,
        %scan3A_345 = arith.constant 0 : i32
        %scan3A_346 = arith.constant 6 : i32
        %scan3A_347 = arith.addi %scan3A_292, %scan3A_346 : i32
        %broadcast_in_dim3A_348 = arith.constant 0 : i32
        %broadcast_in_dim3A_349 = vector.broadcast %broadcast_in_dim3A_348 : i32 to vector<16xi32>
        %mul3A_350 = arith.constant 16 : i32
        %mul3A_351 = arith.muli %scan3A_347, %mul3A_350 : i32
        %swap3A_352 = arith.index_cast %mul3A_351 : i32 to index
        %swap3A_353 = tpu.vector_load %arg7[%swap3A_352] {strides = array<i32>} : memref<4096xi32, #tpu.memory_space<vmem>>, vector<16xi32>,
        tpu.vector_store %arg7[%swap3A_352], %broadcast_in_dim3A_349 {strides = array<i32>} : memref<4096xi32, #tpu.memory_space<vmem>>, vector<16xi32>,
        %scan3A_354 = arith.constant 0 : i32
        %scan3A_355 = arith.constant 7 : i32
        %scan3A_356 = arith.addi %scan3A_292, %scan3A_355 : i32
        %broadcast_in_dim3A_357 = arith.constant 0 : i32
        %broadcast_in_dim3A_358 = vector.broadcast %broadcast_in_dim3A_357 : i32 to vector<16xi32>
        %mul3A_359 = arith.constant 16 : i32
        %mul3A_360 = arith.muli %scan3A_356, %mul3A_359 : i32
        %swap3A_361 = arith.index_cast %mul3A_360 : i32 to index
        %swap3A_362 = tpu.vector_load %arg7[%swap3A_361] {strides = array<i32>} : memref<4096xi32, #tpu.memory_space<vmem>>, vector<16xi32>,
        tpu.vector_store %arg7[%swap3A_361], %broadcast_in_dim3A_358 {strides = array<i32>} : memref<4096xi32, #tpu.memory_space<vmem>>, vector<16xi32>,
        %scan3A_363 = arith.constant 0 : i32
        scf.yield %scan3A_363 : i32
      }
      %scan3A_134 = arith.constant 256 : i32
      %while3A_135 = arith.constant 0 : i32
      %while3A_136 = arith.constant 0 : i32
      %while3A_137 = arith.subi %shift_right_arithmetic3A_127, %while3A_135 : i32
      %while3A_138 = arith.addi %while3A_135, %while3A_137 : i32
      %while3A_139 = arith.constant 1 : i32
      %while3A_140 = arith.divsi %while3A_137, %while3A_139 : i32
      %while3A_141 = arith.muli %while3A_140, %while3A_139 : i32
      %while3A_142 = arith.addi %while3A_135, %while3A_141 : i32
      %while3A_143 = arith.constant 1 : i32
      %while3A_144 = scf.for %while3A_292 = %while3A_135 to %while3A_142 step %while3A_143 iter_args(%while3A_293 = %while3A_136) -> (i32)  : i32 {
        %mul3A_294 = arith.constant 16 : i32
        %mul3A_295 = arith.muli %while3A_292, %mul3A_294 : i32
        %get3A = arith.index_cast %mul3A_295 : i32 to index
        %get3A_296 = tpu.vector_load %arg6[%get3A] {strides = array<i32>} : memref<32800xi32, #tpu.memory_space<vmem>>, vector<16xi32>,
        %shift_right_arithmetic3A_297 = arith.constant 24 : i32
        %shift_right_arithmetic3A_298 = vector.broadcast %shift_right_arithmetic3A_297 : i32 to vector<16xi32>
        %shift_right_arithmetic3A_299 = arith.shrsi %get3A_296, %shift_right_arithmetic3A_298 : vector<16xi32>
        %and3A = arith.constant 255 : i32
        %and3A_300 = vector.broadcast %and3A : i32 to vector<16xi32>
        %and3A_301 = arith.andi %shift_right_arithmetic3A_299, %and3A_300 : vector<16xi32>
        %mul3A_302 = arith.constant 16 : i32
        %mul3A_303 = arith.muli %while3A_292, %mul3A_302 : i32
        %add3A_304 = vector.broadcast %mul3A_303 : i32 to vector<16xi32>
        %add3A_305 = arith.addi %add3A_304, %iota3A_121 : vector<16xi32>
        %lt3A_306 = vector.broadcast %scan3A_112 : i32 to vector<16xi32>
        %lt3A_307 = arith.cmpi slt, %add3A_305, %lt3A_306 : vector<16xi32>
        %mul3A_308 = arith.constant 16 : i32
        %mul3A_309 = vector.broadcast %mul3A_308 : i32 to vector<16xi32>
        %mul3A_310 = arith.muli %and3A_301, %mul3A_309 : vector<16xi32>
        %add3A_311 = arith.addi %mul3A_310, %iota3A_121 : vector<16xi32>
        tpu.vector_store_idx %arg7[%add3A_311], %broadcast_in_dim3A_123 masked %lt3A_307 {add = true} : memref<4096xi32, #tpu.memory_space<vmem>>[vector<16xi32>], vector<16xi32>, vector<16xi1>
        %while3A_312 = arith.constant 0 : i32
        scf.yield %while3A_312 : i32
      }
      %while3A_145 = arith.constant 1 : i32
      %while3A_146 = scf.for %while3A_292 = %while3A_142 to %while3A_138 step %while3A_145 iter_args(%while3A_293 = %while3A_144) -> (i32)  : i32 {
        %mul3A_294 = arith.constant 16 : i32
        %mul3A_295 = arith.muli %while3A_292, %mul3A_294 : i32
        %get3A = arith.index_cast %mul3A_295 : i32 to index
        %get3A_296 = tpu.vector_load %arg6[%get3A] {strides = array<i32>} : memref<32800xi32, #tpu.memory_space<vmem>>, vector<16xi32>,
        %shift_right_arithmetic3A_297 = arith.constant 24 : i32
        %shift_right_arithmetic3A_298 = vector.broadcast %shift_right_arithmetic3A_297 : i32 to vector<16xi32>
        %shift_right_arithmetic3A_299 = arith.shrsi %get3A_296, %shift_right_arithmetic3A_298 : vector<16xi32>
        %and3A = arith.constant 255 : i32
        %and3A_300 = vector.broadcast %and3A : i32 to vector<16xi32>
        %and3A_301 = arith.andi %shift_right_arithmetic3A_299, %and3A_300 : vector<16xi32>
        %mul3A_302 = arith.constant 16 : i32
        %mul3A_303 = arith.muli %while3A_292, %mul3A_302 : i32
        %add3A_304 = vector.broadcast %mul3A_303 : i32 to vector<16xi32>
        %add3A_305 = arith.addi %add3A_304, %iota3A_121 : vector<16xi32>
        %lt3A_306 = vector.broadcast %scan3A_112 : i32 to vector<16xi32>
        %lt3A_307 = arith.cmpi slt, %add3A_305, %lt3A_306 : vector<16xi32>
        %mul3A_308 = arith.constant 16 : i32
        %mul3A_309 = vector.broadcast %mul3A_308 : i32 to vector<16xi32>
        %mul3A_310 = arith.muli %and3A_301, %mul3A_309 : vector<16xi32>
        %add3A_311 = arith.addi %mul3A_310, %iota3A_121 : vector<16xi32>
        tpu.vector_store_idx %arg7[%add3A_311], %broadcast_in_dim3A_123 masked %lt3A_307 {add = true} : memref<4096xi32, #tpu.memory_space<vmem>>[vector<16xi32>], vector<16xi32>, vector<16xi1>
        %while3A_312 = arith.constant 0 : i32
        scf.yield %while3A_312 : i32
      }
      %sub3A_147 = arith.constant 0 : i32
      %sub3A_148 = arith.subi %scan3A_15, %sub3A_147 : i32
      %iota3A_149 = tpu.iota {dimensions = array<i32: 0>} : vector<16xi32>
      %mul3A_150 = arith.constant 16 : i32
      %mul3A_151 = vector.broadcast %mul3A_150 : i32 to vector<16xi32>
      %mul3A_152 = arith.muli %iota3A_149, %mul3A_151 : vector<16xi32>
      %scan3A_153 = arith.constant 0 : i32
      %scan3A_154 = arith.constant 0 : i32
      %scan3A_155 = arith.constant 0 : i32
      %scan3A_156 = arith.constant 0 : i32
      %scan3A_157 = arith.constant 16 : i32
      %scan3A_158 = arith.addi %scan3A_156, %scan3A_157 : i32
      %scan3A_159 = arith.constant 1 : i32
      %scan3A_160:3 = scf.for %scan3A_292 = %scan3A_156 to %scan3A_158 step %scan3A_159 iter_args(%scan3A_293 = %scan3A_153, %scan3A_294 = %scan3A_154, %scan3A_295 = %scan3A_155) -> (i32, i32, i32)  : i32 {
        %sub3A_296 = arith.constant 15 : i32
        %sub3A_297 = arith.subi %sub3A_296, %scan3A_292 : i32
        %broadcast_in_dim3A_298 = arith.constant 0 : i32
        %broadcast_in_dim3A_299 = vector.broadcast %broadcast_in_dim3A_298 : i32 to vector<16xi32>
        %mul3A_300 = arith.constant 256 : i32
        %mul3A_301 = arith.muli %sub3A_297, %mul3A_300 : i32
        %add3A_302 = vector.broadcast %mul3A_301 : i32 to vector<16xi32>
        %add3A_303 = arith.addi %add3A_302, %mul3A_152 : vector<16xi32>
        %add3A_304 = arith.constant 0 : i32
        %add3A_305 = vector.broadcast %add3A_304 : i32 to vector<16xi32>
        %add3A_306 = arith.addi %add3A_303, %add3A_305 : vector<16xi32>
        %gather3A = tpu.vector_load_idx %arg7[%add3A_306] : memref<4096xi32, #tpu.memory_space<vmem>>[vector<16xi32>], vector<16xi32>,
        %add3A_307 = arith.addi %broadcast_in_dim3A_299, %gather3A : vector<16xi32>
        %mul3A_308 = arith.constant 256 : i32
        %mul3A_309 = arith.muli %sub3A_297, %mul3A_308 : i32
        %add3A_310 = vector.broadcast %mul3A_309 : i32 to vector<16xi32>
        %add3A_311 = arith.addi %add3A_310, %mul3A_152 : vector<16xi32>
        %add3A_312 = arith.constant 1 : i32
        %add3A_313 = vector.broadcast %add3A_312 : i32 to vector<16xi32>
        %add3A_314 = arith.addi %add3A_311, %add3A_313 : vector<16xi32>
        %gather3A_315 = tpu.vector_load_idx %arg7[%add3A_314] : memref<4096xi32, #tpu.memory_space<vmem>>[vector<16xi32>], vector<16xi32>,
        %add3A_316 = arith.addi %add3A_307, %gather3A_315 : vector<16xi32>
        %mul3A_317 = arith.constant 256 : i32
        %mul3A_318 = arith.muli %sub3A_297, %mul3A_317 : i32
        %add3A_319 = vector.broadcast %mul3A_318 : i32 to vector<16xi32>
        %add3A_320 = arith.addi %add3A_319, %mul3A_152 : vector<16xi32>
        %add3A_321 = arith.constant 2 : i32
        %add3A_322 = vector.broadcast %add3A_321 : i32 to vector<16xi32>
        %add3A_323 = arith.addi %add3A_320, %add3A_322 : vector<16xi32>
        %gather3A_324 = tpu.vector_load_idx %arg7[%add3A_323] : memref<4096xi32, #tpu.memory_space<vmem>>[vector<16xi32>], vector<16xi32>,
        %add3A_325 = arith.addi %add3A_316, %gather3A_324 : vector<16xi32>
        %mul3A_326 = arith.constant 256 : i32
        %mul3A_327 = arith.muli %sub3A_297, %mul3A_326 : i32
        %add3A_328 = vector.broadcast %mul3A_327 : i32 to vector<16xi32>
        %add3A_329 = arith.addi %add3A_328, %mul3A_152 : vector<16xi32>
        %add3A_330 = arith.constant 3 : i32
        %add3A_331 = vector.broadcast %add3A_330 : i32 to vector<16xi32>
        %add3A_332 = arith.addi %add3A_329, %add3A_331 : vector<16xi32>
        %gather3A_333 = tpu.vector_load_idx %arg7[%add3A_332] : memref<4096xi32, #tpu.memory_space<vmem>>[vector<16xi32>], vector<16xi32>,
        %add3A_334 = arith.addi %add3A_325, %gather3A_333 : vector<16xi32>
        %mul3A_335 = arith.constant 256 : i32
        %mul3A_336 = arith.muli %sub3A_297, %mul3A_335 : i32
        %add3A_337 = vector.broadcast %mul3A_336 : i32 to vector<16xi32>
        %add3A_338 = arith.addi %add3A_337, %mul3A_152 : vector<16xi32>
        %add3A_339 = arith.constant 4 : i32
        %add3A_340 = vector.broadcast %add3A_339 : i32 to vector<16xi32>
        %add3A_341 = arith.addi %add3A_338, %add3A_340 : vector<16xi32>
        %gather3A_342 = tpu.vector_load_idx %arg7[%add3A_341] : memref<4096xi32, #tpu.memory_space<vmem>>[vector<16xi32>], vector<16xi32>,
        %add3A_343 = arith.addi %add3A_334, %gather3A_342 : vector<16xi32>
        %mul3A_344 = arith.constant 256 : i32
        %mul3A_345 = arith.muli %sub3A_297, %mul3A_344 : i32
        %add3A_346 = vector.broadcast %mul3A_345 : i32 to vector<16xi32>
        %add3A_347 = arith.addi %add3A_346, %mul3A_152 : vector<16xi32>
        %add3A_348 = arith.constant 5 : i32
        %add3A_349 = vector.broadcast %add3A_348 : i32 to vector<16xi32>
        %add3A_350 = arith.addi %add3A_347, %add3A_349 : vector<16xi32>
        %gather3A_351 = tpu.vector_load_idx %arg7[%add3A_350] : memref<4096xi32, #tpu.memory_space<vmem>>[vector<16xi32>], vector<16xi32>,
        %add3A_352 = arith.addi %add3A_343, %gather3A_351 : vector<16xi32>
        %mul3A_353 = arith.constant 256 : i32
        %mul3A_354 = arith.muli %sub3A_297, %mul3A_353 : i32
        %add3A_355 = vector.broadcast %mul3A_354 : i32 to vector<16xi32>
        %add3A_356 = arith.addi %add3A_355, %mul3A_152 : vector<16xi32>
        %add3A_357 = arith.constant 6 : i32
        %add3A_358 = vector.broadcast %add3A_357 : i32 to vector<16xi32>
        %add3A_359 = arith.addi %add3A_356, %add3A_358 : vector<16xi32>
        %gather3A_360 = tpu.vector_load_idx %arg7[%add3A_359] : memref<4096xi32, #tpu.memory_space<vmem>>[vector<16xi32>], vector<16xi32>,
        %add3A_361 = arith.addi %add3A_352, %gather3A_360 : vector<16xi32>
        %mul3A_362 = arith.constant 256 : i32
        %mul3A_363 = arith.muli %sub3A_297, %mul3A_362 : i32
        %add3A_364 = vector.broadcast %mul3A_363 : i32 to vector<16xi32>
        %add3A_365 = arith.addi %add3A_364, %mul3A_152 : vector<16xi32>
        %add3A_366 = arith.constant 7 : i32
        %add3A_367 = vector.broadcast %add3A_366 : i32 to vector<16xi32>
        %add3A_368 = arith.addi %add3A_365, %add3A_367 : vector<16xi32>
        %gather3A_369 = tpu.vector_load_idx %arg7[%add3A_368] : memref<4096xi32, #tpu.memory_space<vmem>>[vector<16xi32>], vector<16xi32>,
        %add3A_370 = arith.addi %add3A_361, %gather3A_369 : vector<16xi32>
        %mul3A_371 = arith.constant 256 : i32
        %mul3A_372 = arith.muli %sub3A_297, %mul3A_371 : i32
        %add3A_373 = vector.broadcast %mul3A_372 : i32 to vector<16xi32>
        %add3A_374 = arith.addi %add3A_373, %mul3A_152 : vector<16xi32>
        %add3A_375 = arith.constant 8 : i32
        %add3A_376 = vector.broadcast %add3A_375 : i32 to vector<16xi32>
        %add3A_377 = arith.addi %add3A_374, %add3A_376 : vector<16xi32>
        %gather3A_378 = tpu.vector_load_idx %arg7[%add3A_377] : memref<4096xi32, #tpu.memory_space<vmem>>[vector<16xi32>], vector<16xi32>,
        %add3A_379 = arith.addi %add3A_370, %gather3A_378 : vector<16xi32>
        %mul3A_380 = arith.constant 256 : i32
        %mul3A_381 = arith.muli %sub3A_297, %mul3A_380 : i32
        %add3A_382 = vector.broadcast %mul3A_381 : i32 to vector<16xi32>
        %add3A_383 = arith.addi %add3A_382, %mul3A_152 : vector<16xi32>
        %add3A_384 = arith.constant 9 : i32
        %add3A_385 = vector.broadcast %add3A_384 : i32 to vector<16xi32>
        %add3A_386 = arith.addi %add3A_383, %add3A_385 : vector<16xi32>
        %gather3A_387 = tpu.vector_load_idx %arg7[%add3A_386] : memref<4096xi32, #tpu.memory_space<vmem>>[vector<16xi32>], vector<16xi32>,
        %add3A_388 = arith.addi %add3A_379, %gather3A_387 : vector<16xi32>
        %mul3A_389 = arith.constant 256 : i32
        %mul3A_390 = arith.muli %sub3A_297, %mul3A_389 : i32
        %add3A_391 = vector.broadcast %mul3A_390 : i32 to vector<16xi32>
        %add3A_392 = arith.addi %add3A_391, %mul3A_152 : vector<16xi32>
        %add3A_393 = arith.constant 10 : i32
        %add3A_394 = vector.broadcast %add3A_393 : i32 to vector<16xi32>
        %add3A_395 = arith.addi %add3A_392, %add3A_394 : vector<16xi32>
        %gather3A_396 = tpu.vector_load_idx %arg7[%add3A_395] : memref<4096xi32, #tpu.memory_space<vmem>>[vector<16xi32>], vector<16xi32>,
        %add3A_397 = arith.addi %add3A_388, %gather3A_396 : vector<16xi32>
        %mul3A_398 = arith.constant 256 : i32
        %mul3A_399 = arith.muli %sub3A_297, %mul3A_398 : i32
        %add3A_400 = vector.broadcast %mul3A_399 : i32 to vector<16xi32>
        %add3A_401 = arith.addi %add3A_400, %mul3A_152 : vector<16xi32>
        %add3A_402 = arith.constant 11 : i32
        %add3A_403 = vector.broadcast %add3A_402 : i32 to vector<16xi32>
        %add3A_404 = arith.addi %add3A_401, %add3A_403 : vector<16xi32>
        %gather3A_405 = tpu.vector_load_idx %arg7[%add3A_404] : memref<4096xi32, #tpu.memory_space<vmem>>[vector<16xi32>], vector<16xi32>,
        %add3A_406 = arith.addi %add3A_397, %gather3A_405 : vector<16xi32>
        %mul3A_407 = arith.constant 256 : i32
        %mul3A_408 = arith.muli %sub3A_297, %mul3A_407 : i32
        %add3A_409 = vector.broadcast %mul3A_408 : i32 to vector<16xi32>
        %add3A_410 = arith.addi %add3A_409, %mul3A_152 : vector<16xi32>
        %add3A_411 = arith.constant 12 : i32
        %add3A_412 = vector.broadcast %add3A_411 : i32 to vector<16xi32>
        %add3A_413 = arith.addi %add3A_410, %add3A_412 : vector<16xi32>
        %gather3A_414 = tpu.vector_load_idx %arg7[%add3A_413] : memref<4096xi32, #tpu.memory_space<vmem>>[vector<16xi32>], vector<16xi32>,
        %add3A_415 = arith.addi %add3A_406, %gather3A_414 : vector<16xi32>
        %mul3A_416 = arith.constant 256 : i32
        %mul3A_417 = arith.muli %sub3A_297, %mul3A_416 : i32
        %add3A_418 = vector.broadcast %mul3A_417 : i32 to vector<16xi32>
        %add3A_419 = arith.addi %add3A_418, %mul3A_152 : vector<16xi32>
        %add3A_420 = arith.constant 13 : i32
        %add3A_421 = vector.broadcast %add3A_420 : i32 to vector<16xi32>
        %add3A_422 = arith.addi %add3A_419, %add3A_421 : vector<16xi32>
        %gather3A_423 = tpu.vector_load_idx %arg7[%add3A_422] : memref<4096xi32, #tpu.memory_space<vmem>>[vector<16xi32>], vector<16xi32>,
        %add3A_424 = arith.addi %add3A_415, %gather3A_423 : vector<16xi32>
        %mul3A_425 = arith.constant 256 : i32
        %mul3A_426 = arith.muli %sub3A_297, %mul3A_425 : i32
        %add3A_427 = vector.broadcast %mul3A_426 : i32 to vector<16xi32>
        %add3A_428 = arith.addi %add3A_427, %mul3A_152 : vector<16xi32>
        %add3A_429 = arith.constant 14 : i32
        %add3A_430 = vector.broadcast %add3A_429 : i32 to vector<16xi32>
        %add3A_431 = arith.addi %add3A_428, %add3A_430 : vector<16xi32>
        %gather3A_432 = tpu.vector_load_idx %arg7[%add3A_431] : memref<4096xi32, #tpu.memory_space<vmem>>[vector<16xi32>], vector<16xi32>,
        %add3A_433 = arith.addi %add3A_424, %gather3A_432 : vector<16xi32>
        %mul3A_434 = arith.constant 256 : i32
        %mul3A_435 = arith.muli %sub3A_297, %mul3A_434 : i32
        %add3A_436 = vector.broadcast %mul3A_435 : i32 to vector<16xi32>
        %add3A_437 = arith.addi %add3A_436, %mul3A_152 : vector<16xi32>
        %add3A_438 = arith.constant 15 : i32
        %add3A_439 = vector.broadcast %add3A_438 : i32 to vector<16xi32>
        %add3A_440 = arith.addi %add3A_437, %add3A_439 : vector<16xi32>
        %gather3A_441 = tpu.vector_load_idx %arg7[%add3A_440] : memref<4096xi32, #tpu.memory_space<vmem>>[vector<16xi32>], vector<16xi32>,
        %add3A_442 = arith.addi %add3A_433, %gather3A_441 : vector<16xi32>
        %rev3A = arith.constant 15 : i32
        %rev3A_443 = vector.broadcast %rev3A : i32 to vector<16xi32>
        %rev3A_444 = tpu.iota {dimensions = array<i32: 0>} : vector<16xi32>
        %rev3A_445 = arith.subi %rev3A_443, %rev3A_444 : vector<16xi32>
        %rev3A_446 = tpu.dynamic_gather %add3A_442[%rev3A_445] in [0] : vector<16xi32>, vector<16xi32> -> vector<16xi32>
        %broadcast_in_dim3A_447 = arith.constant true
        %broadcast_in_dim3A_448 = vector.broadcast %broadcast_in_dim3A_447 : i1 to vector<16xi1>
        %masked_cumsum3A = tpu.scan <sum>, %rev3A_446 masked %broadcast_in_dim3A_448 : vector<16xi32>, vector<16xi1> -> vector<16xi32>
        %reduce_sum3A = arith.constant true
        %reduce_sum3A_449 = vector.broadcast %reduce_sum3A : i1 to vector<16xi1>
        %reduce_sum3A_450 = tpu.scan <sum>, %add3A_442 masked %reduce_sum3A_449 : vector<16xi32>, vector<16xi1> -> vector<16xi32>
        %reduce_sum3A_451 = vector.extract %reduce_sum3A_450[15] : i32 from vector<16xi32>
        %lt3A_452 = arith.cmpi slt, %scan3A_293, %sub3A_148 : i32
        %add3A_453 = arith.addi %scan3A_293, %reduce_sum3A_451 : i32
        %ge3A = arith.cmpi sge, %add3A_453, %sub3A_148 : i32
        %and3A = arith.andi %lt3A_452, %ge3A : i1
        %add3A_454 = vector.broadcast %scan3A_293 : i32 to vector<16xi32>
        %add3A_455 = arith.addi %add3A_454, %masked_cumsum3A : vector<16xi32>
        %lt3A_456 = vector.broadcast %sub3A_148 : i32 to vector<16xi32>
        %lt3A_457 = arith.cmpi slt, %add3A_455, %lt3A_456 : vector<16xi32>
        %convert_element_type3A_458 = arith.extui %lt3A_457 : vector<16xi1> to vector<16xi32>
        %reduce_sum3A_459 = arith.constant true
        %reduce_sum3A_460 = vector.broadcast %reduce_sum3A_459 : i1 to vector<16xi1>
        %reduce_sum3A_461 = tpu.scan <sum>, %convert_element_type3A_458 masked %reduce_sum3A_460 : vector<16xi32>, vector<16xi1> -> vector<16xi32>
        %reduce_sum3A_462 = vector.extract %reduce_sum3A_461[15] : i32 from vector<16xi32>
        %lt3A_463 = vector.broadcast %reduce_sum3A_462 : i32 to vector<16xi32>
        %lt3A_464 = arith.cmpi slt, %iota3A_149, %lt3A_463 : vector<16xi32>
        %jit3A = arith.constant 0 : i32
        %broadcast_in_dim3A_465 = vector.broadcast %jit3A : i32 to vector<16xi32>
        %select_n3A_466 = arith.select %lt3A_464, %rev3A_446, %broadcast_in_dim3A_465 : vector<16xi1>, vector<16xi32>
        %reduce_sum3A_467 = arith.constant true
        %reduce_sum3A_468 = vector.broadcast %reduce_sum3A_467 : i1 to vector<16xi1>
        %reduce_sum3A_469 = tpu.scan <sum>, %select_n3A_466 masked %reduce_sum3A_468 : vector<16xi32>, vector<16xi1> -> vector<16xi32>
        %reduce_sum3A_470 = vector.extract %reduce_sum3A_469[15] : i32 from vector<16xi32>
        %mul3A_471 = arith.constant 16 : i32
        %mul3A_472 = arith.muli %sub3A_297, %mul3A_471 : i32
        %add3A_473 = arith.constant 15 : i32
        %add3A_474 = arith.addi %mul3A_472, %add3A_473 : i32
        %sub3A_475 = arith.subi %add3A_474, %reduce_sum3A_462 : i32
        %select_n3A_476 = arith.select %and3A, %sub3A_475, %scan3A_294 : i32
        %add3A_477 = arith.addi %scan3A_293, %reduce_sum3A_470 : i32
        %select_n3A_478 = arith.select %and3A, %add3A_477, %scan3A_295 : i32
        %add3A_479 = arith.addi %scan3A_293, %reduce_sum3A_451 : i32
        scf.yield %add3A_479, %select_n3A_476, %select_n3A_478 : i32, i32, i32
      }
      %scan3A_161 = arith.constant 16 : i32
      %shift_left3A_162 = arith.constant 0 : i32
      %shift_left3A_163 = arith.constant 8 : i32
      %shift_left3A_164 = arith.shli %shift_left3A_162, %shift_left3A_163 : i32
      %or3A_165 = arith.ori %shift_left3A_164, %scan3A_160#1 : i32
      %add3A_166 = arith.constant 0 : i32
      %add3A_167 = arith.addi %add3A_166, %scan3A_160#2 : i32
      %scan3A_168 = arith.constant 0 : i32
      %scan3A_169 = arith.constant 0 : i32
      %scan3A_170 = arith.constant 256 : i32
      %scan3A_171 = arith.addi %scan3A_169, %scan3A_170 : i32
      %scan3A_172 = arith.constant 8 : i32
      %scan3A_173 = scf.for %scan3A_292 = %scan3A_169 to %scan3A_171 step %scan3A_172 iter_args(%scan3A_293 = %scan3A_168) -> (i32)  : i32 {
        %broadcast_in_dim3A_294 = arith.constant 0 : i32
        %broadcast_in_dim3A_295 = vector.broadcast %broadcast_in_dim3A_294 : i32 to vector<16xi32>
        %mul3A_296 = arith.constant 16 : i32
        %mul3A_297 = arith.muli %scan3A_292, %mul3A_296 : i32
        %swap3A_298 = arith.index_cast %mul3A_297 : i32 to index
        %swap3A_299 = tpu.vector_load %arg7[%swap3A_298] {strides = array<i32>} : memref<4096xi32, #tpu.memory_space<vmem>>, vector<16xi32>,
        tpu.vector_store %arg7[%swap3A_298], %broadcast_in_dim3A_295 {strides = array<i32>} : memref<4096xi32, #tpu.memory_space<vmem>>, vector<16xi32>,
        %scan3A_300 = arith.constant 0 : i32
        %scan3A_301 = arith.constant 1 : i32
        %scan3A_302 = arith.addi %scan3A_292, %scan3A_301 : i32
        %broadcast_in_dim3A_303 = arith.constant 0 : i32
        %broadcast_in_dim3A_304 = vector.broadcast %broadcast_in_dim3A_303 : i32 to vector<16xi32>
        %mul3A_305 = arith.constant 16 : i32
        %mul3A_306 = arith.muli %scan3A_302, %mul3A_305 : i32
        %swap3A_307 = arith.index_cast %mul3A_306 : i32 to index
        %swap3A_308 = tpu.vector_load %arg7[%swap3A_307] {strides = array<i32>} : memref<4096xi32, #tpu.memory_space<vmem>>, vector<16xi32>,
        tpu.vector_store %arg7[%swap3A_307], %broadcast_in_dim3A_304 {strides = array<i32>} : memref<4096xi32, #tpu.memory_space<vmem>>, vector<16xi32>,
        %scan3A_309 = arith.constant 0 : i32
        %scan3A_310 = arith.constant 2 : i32
        %scan3A_311 = arith.addi %scan3A_292, %scan3A_310 : i32
        %broadcast_in_dim3A_312 = arith.constant 0 : i32
        %broadcast_in_dim3A_313 = vector.broadcast %broadcast_in_dim3A_312 : i32 to vector<16xi32>
        %mul3A_314 = arith.constant 16 : i32
        %mul3A_315 = arith.muli %scan3A_311, %mul3A_314 : i32
        %swap3A_316 = arith.index_cast %mul3A_315 : i32 to index
        %swap3A_317 = tpu.vector_load %arg7[%swap3A_316] {strides = array<i32>} : memref<4096xi32, #tpu.memory_space<vmem>>, vector<16xi32>,
        tpu.vector_store %arg7[%swap3A_316], %broadcast_in_dim3A_313 {strides = array<i32>} : memref<4096xi32, #tpu.memory_space<vmem>>, vector<16xi32>,
        %scan3A_318 = arith.constant 0 : i32
        %scan3A_319 = arith.constant 3 : i32
        %scan3A_320 = arith.addi %scan3A_292, %scan3A_319 : i32
        %broadcast_in_dim3A_321 = arith.constant 0 : i32
        %broadcast_in_dim3A_322 = vector.broadcast %broadcast_in_dim3A_321 : i32 to vector<16xi32>
        %mul3A_323 = arith.constant 16 : i32
        %mul3A_324 = arith.muli %scan3A_320, %mul3A_323 : i32
        %swap3A_325 = arith.index_cast %mul3A_324 : i32 to index
        %swap3A_326 = tpu.vector_load %arg7[%swap3A_325] {strides = array<i32>} : memref<4096xi32, #tpu.memory_space<vmem>>, vector<16xi32>,
        tpu.vector_store %arg7[%swap3A_325], %broadcast_in_dim3A_322 {strides = array<i32>} : memref<4096xi32, #tpu.memory_space<vmem>>, vector<16xi32>,
        %scan3A_327 = arith.constant 0 : i32
        %scan3A_328 = arith.constant 4 : i32
        %scan3A_329 = arith.addi %scan3A_292, %scan3A_328 : i32
        %broadcast_in_dim3A_330 = arith.constant 0 : i32
        %broadcast_in_dim3A_331 = vector.broadcast %broadcast_in_dim3A_330 : i32 to vector<16xi32>
        %mul3A_332 = arith.constant 16 : i32
        %mul3A_333 = arith.muli %scan3A_329, %mul3A_332 : i32
        %swap3A_334 = arith.index_cast %mul3A_333 : i32 to index
        %swap3A_335 = tpu.vector_load %arg7[%swap3A_334] {strides = array<i32>} : memref<4096xi32, #tpu.memory_space<vmem>>, vector<16xi32>,
        tpu.vector_store %arg7[%swap3A_334], %broadcast_in_dim3A_331 {strides = array<i32>} : memref<4096xi32, #tpu.memory_space<vmem>>, vector<16xi32>,
        %scan3A_336 = arith.constant 0 : i32
        %scan3A_337 = arith.constant 5 : i32
        %scan3A_338 = arith.addi %scan3A_292, %scan3A_337 : i32
        %broadcast_in_dim3A_339 = arith.constant 0 : i32
        %broadcast_in_dim3A_340 = vector.broadcast %broadcast_in_dim3A_339 : i32 to vector<16xi32>
        %mul3A_341 = arith.constant 16 : i32
        %mul3A_342 = arith.muli %scan3A_338, %mul3A_341 : i32
        %swap3A_343 = arith.index_cast %mul3A_342 : i32 to index
        %swap3A_344 = tpu.vector_load %arg7[%swap3A_343] {strides = array<i32>} : memref<4096xi32, #tpu.memory_space<vmem>>, vector<16xi32>,
        tpu.vector_store %arg7[%swap3A_343], %broadcast_in_dim3A_340 {strides = array<i32>} : memref<4096xi32, #tpu.memory_space<vmem>>, vector<16xi32>,
        %scan3A_345 = arith.constant 0 : i32
        %scan3A_346 = arith.constant 6 : i32
        %scan3A_347 = arith.addi %scan3A_292, %scan3A_346 : i32
        %broadcast_in_dim3A_348 = arith.constant 0 : i32
        %broadcast_in_dim3A_349 = vector.broadcast %broadcast_in_dim3A_348 : i32 to vector<16xi32>
        %mul3A_350 = arith.constant 16 : i32
        %mul3A_351 = arith.muli %scan3A_347, %mul3A_350 : i32
        %swap3A_352 = arith.index_cast %mul3A_351 : i32 to index
        %swap3A_353 = tpu.vector_load %arg7[%swap3A_352] {strides = array<i32>} : memref<4096xi32, #tpu.memory_space<vmem>>, vector<16xi32>,
        tpu.vector_store %arg7[%swap3A_352], %broadcast_in_dim3A_349 {strides = array<i32>} : memref<4096xi32, #tpu.memory_space<vmem>>, vector<16xi32>,
        %scan3A_354 = arith.constant 0 : i32
        %scan3A_355 = arith.constant 7 : i32
        %scan3A_356 = arith.addi %scan3A_292, %scan3A_355 : i32
        %broadcast_in_dim3A_357 = arith.constant 0 : i32
        %broadcast_in_dim3A_358 = vector.broadcast %broadcast_in_dim3A_357 : i32 to vector<16xi32>
        %mul3A_359 = arith.constant 16 : i32
        %mul3A_360 = arith.muli %scan3A_356, %mul3A_359 : i32
        %swap3A_361 = arith.index_cast %mul3A_360 : i32 to index
        %swap3A_362 = tpu.vector_load %arg7[%swap3A_361] {strides = array<i32>} : memref<4096xi32, #tpu.memory_space<vmem>>, vector<16xi32>,
        tpu.vector_store %arg7[%swap3A_361], %broadcast_in_dim3A_358 {strides = array<i32>} : memref<4096xi32, #tpu.memory_space<vmem>>, vector<16xi32>,
        %scan3A_363 = arith.constant 0 : i32
        scf.yield %scan3A_363 : i32
      }
      %scan3A_174 = arith.constant 256 : i32
      %while3A_175 = arith.constant 255 : i32
      %while3A_176 = arith.constant 0 : i32
      %while3A_177 = arith.constant 0 : i32
      %while3A_178 = arith.subi %shift_right_arithmetic3A_127, %while3A_176 : i32
      %while3A_179 = arith.addi %while3A_176, %while3A_178 : i32
      %while3A_180 = arith.constant 1 : i32
      %while3A_181 = arith.divsi %while3A_178, %while3A_180 : i32
      %while3A_182 = arith.muli %while3A_181, %while3A_180 : i32
      %while3A_183 = arith.addi %while3A_176, %while3A_182 : i32
      %while3A_184 = arith.constant 1 : i32
      %while3A_185 = scf.for %while3A_292 = %while3A_176 to %while3A_183 step %while3A_184 iter_args(%while3A_293 = %while3A_177) -> (i32)  : i32 {
        %mul3A_294 = arith.constant 16 : i32
        %mul3A_295 = arith.muli %while3A_292, %mul3A_294 : i32
        %get3A = arith.index_cast %mul3A_295 : i32 to index
        %get3A_296 = tpu.vector_load %arg6[%get3A] {strides = array<i32>} : memref<32800xi32, #tpu.memory_space<vmem>>, vector<16xi32>,
        %shift_right_arithmetic3A_297 = arith.constant 16 : i32
        %shift_right_arithmetic3A_298 = vector.broadcast %shift_right_arithmetic3A_297 : i32 to vector<16xi32>
        %shift_right_arithmetic3A_299 = arith.shrsi %get3A_296, %shift_right_arithmetic3A_298 : vector<16xi32>
        %and3A = arith.constant 255 : i32
        %and3A_300 = vector.broadcast %and3A : i32 to vector<16xi32>
        %and3A_301 = arith.andi %shift_right_arithmetic3A_299, %and3A_300 : vector<16xi32>
        %mul3A_302 = arith.constant 16 : i32
        %mul3A_303 = arith.muli %while3A_292, %mul3A_302 : i32
        %add3A_304 = vector.broadcast %mul3A_303 : i32 to vector<16xi32>
        %add3A_305 = arith.addi %add3A_304, %iota3A_121 : vector<16xi32>
        %lt3A_306 = vector.broadcast %scan3A_112 : i32 to vector<16xi32>
        %lt3A_307 = arith.cmpi slt, %add3A_305, %lt3A_306 : vector<16xi32>
        %shift_right_arithmetic3A_308 = arith.constant 24 : i32
        %shift_right_arithmetic3A_309 = vector.broadcast %shift_right_arithmetic3A_308 : i32 to vector<16xi32>
        %shift_right_arithmetic3A_310 = arith.shrsi %get3A_296, %shift_right_arithmetic3A_309 : vector<16xi32>
        %and3A_311 = vector.broadcast %while3A_175 : i32 to vector<16xi32>
        %and3A_312 = arith.andi %shift_right_arithmetic3A_310, %and3A_311 : vector<16xi32>
        %and3A_313 = arith.andi %or3A_165, %while3A_175 : i32
        %eq3A_314 = vector.broadcast %and3A_313 : i32 to vector<16xi32>
        %eq3A_315 = arith.cmpi eq, %and3A_312, %eq3A_314 : vector<16xi32>
        %and3A_316 = arith.andi %lt3A_307, %eq3A_315 : vector<16xi1>
        %mul3A_317 = arith.constant 16 : i32
        %mul3A_318 = vector.broadcast %mul3A_317 : i32 to vector<16xi32>
        %mul3A_319 = arith.muli %and3A_301, %mul3A_318 : vector<16xi32>
        %add3A_320 = arith.addi %mul3A_319, %iota3A_121 : vector<16xi32>
        tpu.vector_store_idx %arg7[%add3A_320], %broadcast_in_dim3A_123 masked %and3A_316 {add = true} : memref<4096xi32, #tpu.memory_space<vmem>>[vector<16xi32>], vector<16xi32>, vector<16xi1>
        %while3A_321 = arith.constant 0 : i32
        scf.yield %while3A_321 : i32
      }
      %while3A_186 = arith.constant 1 : i32
      %while3A_187 = scf.for %while3A_292 = %while3A_183 to %while3A_179 step %while3A_186 iter_args(%while3A_293 = %while3A_185) -> (i32)  : i32 {
        %mul3A_294 = arith.constant 16 : i32
        %mul3A_295 = arith.muli %while3A_292, %mul3A_294 : i32
        %get3A = arith.index_cast %mul3A_295 : i32 to index
        %get3A_296 = tpu.vector_load %arg6[%get3A] {strides = array<i32>} : memref<32800xi32, #tpu.memory_space<vmem>>, vector<16xi32>,
        %shift_right_arithmetic3A_297 = arith.constant 16 : i32
        %shift_right_arithmetic3A_298 = vector.broadcast %shift_right_arithmetic3A_297 : i32 to vector<16xi32>
        %shift_right_arithmetic3A_299 = arith.shrsi %get3A_296, %shift_right_arithmetic3A_298 : vector<16xi32>
        %and3A = arith.constant 255 : i32
        %and3A_300 = vector.broadcast %and3A : i32 to vector<16xi32>
        %and3A_301 = arith.andi %shift_right_arithmetic3A_299, %and3A_300 : vector<16xi32>
        %mul3A_302 = arith.constant 16 : i32
        %mul3A_303 = arith.muli %while3A_292, %mul3A_302 : i32
        %add3A_304 = vector.broadcast %mul3A_303 : i32 to vector<16xi32>
        %add3A_305 = arith.addi %add3A_304, %iota3A_121 : vector<16xi32>
        %lt3A_306 = vector.broadcast %scan3A_112 : i32 to vector<16xi32>
        %lt3A_307 = arith.cmpi slt, %add3A_305, %lt3A_306 : vector<16xi32>
        %shift_right_arithmetic3A_308 = arith.constant 24 : i32
        %shift_right_arithmetic3A_309 = vector.broadcast %shift_right_arithmetic3A_308 : i32 to vector<16xi32>
        %shift_right_arithmetic3A_310 = arith.shrsi %get3A_296, %shift_right_arithmetic3A_309 : vector<16xi32>
        %and3A_311 = vector.broadcast %while3A_175 : i32 to vector<16xi32>
        %and3A_312 = arith.andi %shift_right_arithmetic3A_310, %and3A_311 : vector<16xi32>
        %and3A_313 = arith.andi %or3A_165, %while3A_175 : i32
        %eq3A_314 = vector.broadcast %and3A_313 : i32 to vector<16xi32>
        %eq3A_315 = arith.cmpi eq, %and3A_312, %eq3A_314 : vector<16xi32>
        %and3A_316 = arith.andi %lt3A_307, %eq3A_315 : vector<16xi1>
        %mul3A_317 = arith.constant 16 : i32
        %mul3A_318 = vector.broadcast %mul3A_317 : i32 to vector<16xi32>
        %mul3A_319 = arith.muli %and3A_301, %mul3A_318 : vector<16xi32>
        %add3A_320 = arith.addi %mul3A_319, %iota3A_121 : vector<16xi32>
        tpu.vector_store_idx %arg7[%add3A_320], %broadcast_in_dim3A_123 masked %and3A_316 {add = true} : memref<4096xi32, #tpu.memory_space<vmem>>[vector<16xi32>], vector<16xi32>, vector<16xi1>
        %while3A_321 = arith.constant 0 : i32
        scf.yield %while3A_321 : i32
      }
      %sub3A_188 = arith.subi %scan3A_15, %add3A_167 : i32
      %iota3A_189 = tpu.iota {dimensions = array<i32: 0>} : vector<16xi32>
      %mul3A_190 = arith.constant 16 : i32
      %mul3A_191 = vector.broadcast %mul3A_190 : i32 to vector<16xi32>
      %mul3A_192 = arith.muli %iota3A_189, %mul3A_191 : vector<16xi32>
      %scan3A_193 = arith.constant 0 : i32
      %scan3A_194 = arith.constant 0 : i32
      %scan3A_195 = arith.constant 0 : i32
      %scan3A_196 = arith.constant 0 : i32
      %scan3A_197 = arith.constant 16 : i32
      %scan3A_198 = arith.addi %scan3A_196, %scan3A_197 : i32
      %scan3A_199 = arith.constant 1 : i32
      %scan3A_200:3 = scf.for %scan3A_292 = %scan3A_196 to %scan3A_198 step %scan3A_199 iter_args(%scan3A_293 = %scan3A_193, %scan3A_294 = %scan3A_194, %scan3A_295 = %scan3A_195) -> (i32, i32, i32)  : i32 {
        %sub3A_296 = arith.constant 15 : i32
        %sub3A_297 = arith.subi %sub3A_296, %scan3A_292 : i32
        %broadcast_in_dim3A_298 = arith.constant 0 : i32
        %broadcast_in_dim3A_299 = vector.broadcast %broadcast_in_dim3A_298 : i32 to vector<16xi32>
        %mul3A_300 = arith.constant 256 : i32
        %mul3A_301 = arith.muli %sub3A_297, %mul3A_300 : i32
        %add3A_302 = vector.broadcast %mul3A_301 : i32 to vector<16xi32>
        %add3A_303 = arith.addi %add3A_302, %mul3A_192 : vector<16xi32>
        %add3A_304 = arith.constant 0 : i32
        %add3A_305 = vector.broadcast %add3A_304 : i32 to vector<16xi32>
        %add3A_306 = arith.addi %add3A_303, %add3A_305 : vector<16xi32>
        %gather3A = tpu.vector_load_idx %arg7[%add3A_306] : memref<4096xi32, #tpu.memory_space<vmem>>[vector<16xi32>], vector<16xi32>,
        %add3A_307 = arith.addi %broadcast_in_dim3A_299, %gather3A : vector<16xi32>
        %mul3A_308 = arith.constant 256 : i32
        %mul3A_309 = arith.muli %sub3A_297, %mul3A_308 : i32
        %add3A_310 = vector.broadcast %mul3A_309 : i32 to vector<16xi32>
        %add3A_311 = arith.addi %add3A_310, %mul3A_192 : vector<16xi32>
        %add3A_312 = arith.constant 1 : i32
        %add3A_313 = vector.broadcast %add3A_312 : i32 to vector<16xi32>
        %add3A_314 = arith.addi %add3A_311, %add3A_313 : vector<16xi32>
        %gather3A_315 = tpu.vector_load_idx %arg7[%add3A_314] : memref<4096xi32, #tpu.memory_space<vmem>>[vector<16xi32>], vector<16xi32>,
        %add3A_316 = arith.addi %add3A_307, %gather3A_315 : vector<16xi32>
        %mul3A_317 = arith.constant 256 : i32
        %mul3A_318 = arith.muli %sub3A_297, %mul3A_317 : i32
        %add3A_319 = vector.broadcast %mul3A_318 : i32 to vector<16xi32>
        %add3A_320 = arith.addi %add3A_319, %mul3A_192 : vector<16xi32>
        %add3A_321 = arith.constant 2 : i32
        %add3A_322 = vector.broadcast %add3A_321 : i32 to vector<16xi32>
        %add3A_323 = arith.addi %add3A_320, %add3A_322 : vector<16xi32>
        %gather3A_324 = tpu.vector_load_idx %arg7[%add3A_323] : memref<4096xi32, #tpu.memory_space<vmem>>[vector<16xi32>], vector<16xi32>,
        %add3A_325 = arith.addi %add3A_316, %gather3A_324 : vector<16xi32>
        %mul3A_326 = arith.constant 256 : i32
        %mul3A_327 = arith.muli %sub3A_297, %mul3A_326 : i32
        %add3A_328 = vector.broadcast %mul3A_327 : i32 to vector<16xi32>
        %add3A_329 = arith.addi %add3A_328, %mul3A_192 : vector<16xi32>
        %add3A_330 = arith.constant 3 : i32
        %add3A_331 = vector.broadcast %add3A_330 : i32 to vector<16xi32>
        %add3A_332 = arith.addi %add3A_329, %add3A_331 : vector<16xi32>
        %gather3A_333 = tpu.vector_load_idx %arg7[%add3A_332] : memref<4096xi32, #tpu.memory_space<vmem>>[vector<16xi32>], vector<16xi32>,
        %add3A_334 = arith.addi %add3A_325, %gather3A_333 : vector<16xi32>
        %mul3A_335 = arith.constant 256 : i32
        %mul3A_336 = arith.muli %sub3A_297, %mul3A_335 : i32
        %add3A_337 = vector.broadcast %mul3A_336 : i32 to vector<16xi32>
        %add3A_338 = arith.addi %add3A_337, %mul3A_192 : vector<16xi32>
        %add3A_339 = arith.constant 4 : i32
        %add3A_340 = vector.broadcast %add3A_339 : i32 to vector<16xi32>
        %add3A_341 = arith.addi %add3A_338, %add3A_340 : vector<16xi32>
        %gather3A_342 = tpu.vector_load_idx %arg7[%add3A_341] : memref<4096xi32, #tpu.memory_space<vmem>>[vector<16xi32>], vector<16xi32>,
        %add3A_343 = arith.addi %add3A_334, %gather3A_342 : vector<16xi32>
        %mul3A_344 = arith.constant 256 : i32
        %mul3A_345 = arith.muli %sub3A_297, %mul3A_344 : i32
        %add3A_346 = vector.broadcast %mul3A_345 : i32 to vector<16xi32>
        %add3A_347 = arith.addi %add3A_346, %mul3A_192 : vector<16xi32>
        %add3A_348 = arith.constant 5 : i32
        %add3A_349 = vector.broadcast %add3A_348 : i32 to vector<16xi32>
        %add3A_350 = arith.addi %add3A_347, %add3A_349 : vector<16xi32>
        %gather3A_351 = tpu.vector_load_idx %arg7[%add3A_350] : memref<4096xi32, #tpu.memory_space<vmem>>[vector<16xi32>], vector<16xi32>,
        %add3A_352 = arith.addi %add3A_343, %gather3A_351 : vector<16xi32>
        %mul3A_353 = arith.constant 256 : i32
        %mul3A_354 = arith.muli %sub3A_297, %mul3A_353 : i32
        %add3A_355 = vector.broadcast %mul3A_354 : i32 to vector<16xi32>
        %add3A_356 = arith.addi %add3A_355, %mul3A_192 : vector<16xi32>
        %add3A_357 = arith.constant 6 : i32
        %add3A_358 = vector.broadcast %add3A_357 : i32 to vector<16xi32>
        %add3A_359 = arith.addi %add3A_356, %add3A_358 : vector<16xi32>
        %gather3A_360 = tpu.vector_load_idx %arg7[%add3A_359] : memref<4096xi32, #tpu.memory_space<vmem>>[vector<16xi32>], vector<16xi32>,
        %add3A_361 = arith.addi %add3A_352, %gather3A_360 : vector<16xi32>
        %mul3A_362 = arith.constant 256 : i32
        %mul3A_363 = arith.muli %sub3A_297, %mul3A_362 : i32
        %add3A_364 = vector.broadcast %mul3A_363 : i32 to vector<16xi32>
        %add3A_365 = arith.addi %add3A_364, %mul3A_192 : vector<16xi32>
        %add3A_366 = arith.constant 7 : i32
        %add3A_367 = vector.broadcast %add3A_366 : i32 to vector<16xi32>
        %add3A_368 = arith.addi %add3A_365, %add3A_367 : vector<16xi32>
        %gather3A_369 = tpu.vector_load_idx %arg7[%add3A_368] : memref<4096xi32, #tpu.memory_space<vmem>>[vector<16xi32>], vector<16xi32>,
        %add3A_370 = arith.addi %add3A_361, %gather3A_369 : vector<16xi32>
        %mul3A_371 = arith.constant 256 : i32
        %mul3A_372 = arith.muli %sub3A_297, %mul3A_371 : i32
        %add3A_373 = vector.broadcast %mul3A_372 : i32 to vector<16xi32>
        %add3A_374 = arith.addi %add3A_373, %mul3A_192 : vector<16xi32>
        %add3A_375 = arith.constant 8 : i32
        %add3A_376 = vector.broadcast %add3A_375 : i32 to vector<16xi32>
        %add3A_377 = arith.addi %add3A_374, %add3A_376 : vector<16xi32>
        %gather3A_378 = tpu.vector_load_idx %arg7[%add3A_377] : memref<4096xi32, #tpu.memory_space<vmem>>[vector<16xi32>], vector<16xi32>,
        %add3A_379 = arith.addi %add3A_370, %gather3A_378 : vector<16xi32>
        %mul3A_380 = arith.constant 256 : i32
        %mul3A_381 = arith.muli %sub3A_297, %mul3A_380 : i32
        %add3A_382 = vector.broadcast %mul3A_381 : i32 to vector<16xi32>
        %add3A_383 = arith.addi %add3A_382, %mul3A_192 : vector<16xi32>
        %add3A_384 = arith.constant 9 : i32
        %add3A_385 = vector.broadcast %add3A_384 : i32 to vector<16xi32>
        %add3A_386 = arith.addi %add3A_383, %add3A_385 : vector<16xi32>
        %gather3A_387 = tpu.vector_load_idx %arg7[%add3A_386] : memref<4096xi32, #tpu.memory_space<vmem>>[vector<16xi32>], vector<16xi32>,
        %add3A_388 = arith.addi %add3A_379, %gather3A_387 : vector<16xi32>
        %mul3A_389 = arith.constant 256 : i32
        %mul3A_390 = arith.muli %sub3A_297, %mul3A_389 : i32
        %add3A_391 = vector.broadcast %mul3A_390 : i32 to vector<16xi32>
        %add3A_392 = arith.addi %add3A_391, %mul3A_192 : vector<16xi32>
        %add3A_393 = arith.constant 10 : i32
        %add3A_394 = vector.broadcast %add3A_393 : i32 to vector<16xi32>
        %add3A_395 = arith.addi %add3A_392, %add3A_394 : vector<16xi32>
        %gather3A_396 = tpu.vector_load_idx %arg7[%add3A_395] : memref<4096xi32, #tpu.memory_space<vmem>>[vector<16xi32>], vector<16xi32>,
        %add3A_397 = arith.addi %add3A_388, %gather3A_396 : vector<16xi32>
        %mul3A_398 = arith.constant 256 : i32
        %mul3A_399 = arith.muli %sub3A_297, %mul3A_398 : i32
        %add3A_400 = vector.broadcast %mul3A_399 : i32 to vector<16xi32>
        %add3A_401 = arith.addi %add3A_400, %mul3A_192 : vector<16xi32>
        %add3A_402 = arith.constant 11 : i32
        %add3A_403 = vector.broadcast %add3A_402 : i32 to vector<16xi32>
        %add3A_404 = arith.addi %add3A_401, %add3A_403 : vector<16xi32>
        %gather3A_405 = tpu.vector_load_idx %arg7[%add3A_404] : memref<4096xi32, #tpu.memory_space<vmem>>[vector<16xi32>], vector<16xi32>,
        %add3A_406 = arith.addi %add3A_397, %gather3A_405 : vector<16xi32>
        %mul3A_407 = arith.constant 256 : i32
        %mul3A_408 = arith.muli %sub3A_297, %mul3A_407 : i32
        %add3A_409 = vector.broadcast %mul3A_408 : i32 to vector<16xi32>
        %add3A_410 = arith.addi %add3A_409, %mul3A_192 : vector<16xi32>
        %add3A_411 = arith.constant 12 : i32
        %add3A_412 = vector.broadcast %add3A_411 : i32 to vector<16xi32>
        %add3A_413 = arith.addi %add3A_410, %add3A_412 : vector<16xi32>
        %gather3A_414 = tpu.vector_load_idx %arg7[%add3A_413] : memref<4096xi32, #tpu.memory_space<vmem>>[vector<16xi32>], vector<16xi32>,
        %add3A_415 = arith.addi %add3A_406, %gather3A_414 : vector<16xi32>
        %mul3A_416 = arith.constant 256 : i32
        %mul3A_417 = arith.muli %sub3A_297, %mul3A_416 : i32
        %add3A_418 = vector.broadcast %mul3A_417 : i32 to vector<16xi32>
        %add3A_419 = arith.addi %add3A_418, %mul3A_192 : vector<16xi32>
        %add3A_420 = arith.constant 13 : i32
        %add3A_421 = vector.broadcast %add3A_420 : i32 to vector<16xi32>
        %add3A_422 = arith.addi %add3A_419, %add3A_421 : vector<16xi32>
        %gather3A_423 = tpu.vector_load_idx %arg7[%add3A_422] : memref<4096xi32, #tpu.memory_space<vmem>>[vector<16xi32>], vector<16xi32>,
        %add3A_424 = arith.addi %add3A_415, %gather3A_423 : vector<16xi32>
        %mul3A_425 = arith.constant 256 : i32
        %mul3A_426 = arith.muli %sub3A_297, %mul3A_425 : i32
        %add3A_427 = vector.broadcast %mul3A_426 : i32 to vector<16xi32>
        %add3A_428 = arith.addi %add3A_427, %mul3A_192 : vector<16xi32>
        %add3A_429 = arith.constant 14 : i32
        %add3A_430 = vector.broadcast %add3A_429 : i32 to vector<16xi32>
        %add3A_431 = arith.addi %add3A_428, %add3A_430 : vector<16xi32>
        %gather3A_432 = tpu.vector_load_idx %arg7[%add3A_431] : memref<4096xi32, #tpu.memory_space<vmem>>[vector<16xi32>], vector<16xi32>,
        %add3A_433 = arith.addi %add3A_424, %gather3A_432 : vector<16xi32>
        %mul3A_434 = arith.constant 256 : i32
        %mul3A_435 = arith.muli %sub3A_297, %mul3A_434 : i32
        %add3A_436 = vector.broadcast %mul3A_435 : i32 to vector<16xi32>
        %add3A_437 = arith.addi %add3A_436, %mul3A_192 : vector<16xi32>
        %add3A_438 = arith.constant 15 : i32
        %add3A_439 = vector.broadcast %add3A_438 : i32 to vector<16xi32>
        %add3A_440 = arith.addi %add3A_437, %add3A_439 : vector<16xi32>
        %gather3A_441 = tpu.vector_load_idx %arg7[%add3A_440] : memref<4096xi32, #tpu.memory_space<vmem>>[vector<16xi32>], vector<16xi32>,
        %add3A_442 = arith.addi %add3A_433, %gather3A_441 : vector<16xi32>
        %rev3A = arith.constant 15 : i32
        %rev3A_443 = vector.broadcast %rev3A : i32 to vector<16xi32>
        %rev3A_444 = tpu.iota {dimensions = array<i32: 0>} : vector<16xi32>
        %rev3A_445 = arith.subi %rev3A_443, %rev3A_444 : vector<16xi32>
        %rev3A_446 = tpu.dynamic_gather %add3A_442[%rev3A_445] in [0] : vector<16xi32>, vector<16xi32> -> vector<16xi32>
        %broadcast_in_dim3A_447 = arith.constant true
        %broadcast_in_dim3A_448 = vector.broadcast %broadcast_in_dim3A_447 : i1 to vector<16xi1>
        %masked_cumsum3A = tpu.scan <sum>, %rev3A_446 masked %broadcast_in_dim3A_448 : vector<16xi32>, vector<16xi1> -> vector<16xi32>
        %reduce_sum3A = arith.constant true
        %reduce_sum3A_449 = vector.broadcast %reduce_sum3A : i1 to vector<16xi1>
        %reduce_sum3A_450 = tpu.scan <sum>, %add3A_442 masked %reduce_sum3A_449 : vector<16xi32>, vector<16xi1> -> vector<16xi32>
        %reduce_sum3A_451 = vector.extract %reduce_sum3A_450[15] : i32 from vector<16xi32>
        %lt3A_452 = arith.cmpi slt, %scan3A_293, %sub3A_188 : i32
        %add3A_453 = arith.addi %scan3A_293, %reduce_sum3A_451 : i32
        %ge3A = arith.cmpi sge, %add3A_453, %sub3A_188 : i32
        %and3A = arith.andi %lt3A_452, %ge3A : i1
        %add3A_454 = vector.broadcast %scan3A_293 : i32 to vector<16xi32>
        %add3A_455 = arith.addi %add3A_454, %masked_cumsum3A : vector<16xi32>
        %lt3A_456 = vector.broadcast %sub3A_188 : i32 to vector<16xi32>
        %lt3A_457 = arith.cmpi slt, %add3A_455, %lt3A_456 : vector<16xi32>
        %convert_element_type3A_458 = arith.extui %lt3A_457 : vector<16xi1> to vector<16xi32>
        %reduce_sum3A_459 = arith.constant true
        %reduce_sum3A_460 = vector.broadcast %reduce_sum3A_459 : i1 to vector<16xi1>
        %reduce_sum3A_461 = tpu.scan <sum>, %convert_element_type3A_458 masked %reduce_sum3A_460 : vector<16xi32>, vector<16xi1> -> vector<16xi32>
        %reduce_sum3A_462 = vector.extract %reduce_sum3A_461[15] : i32 from vector<16xi32>
        %lt3A_463 = vector.broadcast %reduce_sum3A_462 : i32 to vector<16xi32>
        %lt3A_464 = arith.cmpi slt, %iota3A_189, %lt3A_463 : vector<16xi32>
        %jit3A = arith.constant 0 : i32
        %broadcast_in_dim3A_465 = vector.broadcast %jit3A : i32 to vector<16xi32>
        %select_n3A_466 = arith.select %lt3A_464, %rev3A_446, %broadcast_in_dim3A_465 : vector<16xi1>, vector<16xi32>
        %reduce_sum3A_467 = arith.constant true
        %reduce_sum3A_468 = vector.broadcast %reduce_sum3A_467 : i1 to vector<16xi1>
        %reduce_sum3A_469 = tpu.scan <sum>, %select_n3A_466 masked %reduce_sum3A_468 : vector<16xi32>, vector<16xi1> -> vector<16xi32>
        %reduce_sum3A_470 = vector.extract %reduce_sum3A_469[15] : i32 from vector<16xi32>
        %mul3A_471 = arith.constant 16 : i32
        %mul3A_472 = arith.muli %sub3A_297, %mul3A_471 : i32
        %add3A_473 = arith.constant 15 : i32
        %add3A_474 = arith.addi %mul3A_472, %add3A_473 : i32
        %sub3A_475 = arith.subi %add3A_474, %reduce_sum3A_462 : i32
        %select_n3A_476 = arith.select %and3A, %sub3A_475, %scan3A_294 : i32
        %add3A_477 = arith.addi %scan3A_293, %reduce_sum3A_470 : i32
        %select_n3A_478 = arith.select %and3A, %add3A_477, %scan3A_295 : i32
        %add3A_479 = arith.addi %scan3A_293, %reduce_sum3A_451 : i32
        scf.yield %add3A_479, %select_n3A_476, %select_n3A_478 : i32, i32, i32
      }
      %scan3A_201 = arith.constant 16 : i32
      %shift_left3A_202 = arith.constant 8 : i32
      %shift_left3A_203 = arith.shli %or3A_165, %shift_left3A_202 : i32
      %or3A_204 = arith.ori %shift_left3A_203, %scan3A_200#1 : i32
      %add3A_205 = arith.addi %add3A_167, %scan3A_200#2 : i32
      %scan3A_206 = arith.constant 0 : i32
      %scan3A_207 = arith.constant 0 : i32
      %scan3A_208 = arith.constant 256 : i32
      %scan3A_209 = arith.addi %scan3A_207, %scan3A_208 : i32
      %scan3A_210 = arith.constant 8 : i32
      %scan3A_211 = scf.for %scan3A_292 = %scan3A_207 to %scan3A_209 step %scan3A_210 iter_args(%scan3A_293 = %scan3A_206) -> (i32)  : i32 {
        %broadcast_in_dim3A_294 = arith.constant 0 : i32
        %broadcast_in_dim3A_295 = vector.broadcast %broadcast_in_dim3A_294 : i32 to vector<16xi32>
        %mul3A_296 = arith.constant 16 : i32
        %mul3A_297 = arith.muli %scan3A_292, %mul3A_296 : i32
        %swap3A_298 = arith.index_cast %mul3A_297 : i32 to index
        %swap3A_299 = tpu.vector_load %arg7[%swap3A_298] {strides = array<i32>} : memref<4096xi32, #tpu.memory_space<vmem>>, vector<16xi32>,
        tpu.vector_store %arg7[%swap3A_298], %broadcast_in_dim3A_295 {strides = array<i32>} : memref<4096xi32, #tpu.memory_space<vmem>>, vector<16xi32>,
        %scan3A_300 = arith.constant 0 : i32
        %scan3A_301 = arith.constant 1 : i32
        %scan3A_302 = arith.addi %scan3A_292, %scan3A_301 : i32
        %broadcast_in_dim3A_303 = arith.constant 0 : i32
        %broadcast_in_dim3A_304 = vector.broadcast %broadcast_in_dim3A_303 : i32 to vector<16xi32>
        %mul3A_305 = arith.constant 16 : i32
        %mul3A_306 = arith.muli %scan3A_302, %mul3A_305 : i32
        %swap3A_307 = arith.index_cast %mul3A_306 : i32 to index
        %swap3A_308 = tpu.vector_load %arg7[%swap3A_307] {strides = array<i32>} : memref<4096xi32, #tpu.memory_space<vmem>>, vector<16xi32>,
        tpu.vector_store %arg7[%swap3A_307], %broadcast_in_dim3A_304 {strides = array<i32>} : memref<4096xi32, #tpu.memory_space<vmem>>, vector<16xi32>,
        %scan3A_309 = arith.constant 0 : i32
        %scan3A_310 = arith.constant 2 : i32
        %scan3A_311 = arith.addi %scan3A_292, %scan3A_310 : i32
        %broadcast_in_dim3A_312 = arith.constant 0 : i32
        %broadcast_in_dim3A_313 = vector.broadcast %broadcast_in_dim3A_312 : i32 to vector<16xi32>
        %mul3A_314 = arith.constant 16 : i32
        %mul3A_315 = arith.muli %scan3A_311, %mul3A_314 : i32
        %swap3A_316 = arith.index_cast %mul3A_315 : i32 to index
        %swap3A_317 = tpu.vector_load %arg7[%swap3A_316] {strides = array<i32>} : memref<4096xi32, #tpu.memory_space<vmem>>, vector<16xi32>,
        tpu.vector_store %arg7[%swap3A_316], %broadcast_in_dim3A_313 {strides = array<i32>} : memref<4096xi32, #tpu.memory_space<vmem>>, vector<16xi32>,
        %scan3A_318 = arith.constant 0 : i32
        %scan3A_319 = arith.constant 3 : i32
        %scan3A_320 = arith.addi %scan3A_292, %scan3A_319 : i32
        %broadcast_in_dim3A_321 = arith.constant 0 : i32
        %broadcast_in_dim3A_322 = vector.broadcast %broadcast_in_dim3A_321 : i32 to vector<16xi32>
        %mul3A_323 = arith.constant 16 : i32
        %mul3A_324 = arith.muli %scan3A_320, %mul3A_323 : i32
        %swap3A_325 = arith.index_cast %mul3A_324 : i32 to index
        %swap3A_326 = tpu.vector_load %arg7[%swap3A_325] {strides = array<i32>} : memref<4096xi32, #tpu.memory_space<vmem>>, vector<16xi32>,
        tpu.vector_store %arg7[%swap3A_325], %broadcast_in_dim3A_322 {strides = array<i32>} : memref<4096xi32, #tpu.memory_space<vmem>>, vector<16xi32>,
        %scan3A_327 = arith.constant 0 : i32
        %scan3A_328 = arith.constant 4 : i32
        %scan3A_329 = arith.addi %scan3A_292, %scan3A_328 : i32
        %broadcast_in_dim3A_330 = arith.constant 0 : i32
        %broadcast_in_dim3A_331 = vector.broadcast %broadcast_in_dim3A_330 : i32 to vector<16xi32>
        %mul3A_332 = arith.constant 16 : i32
        %mul3A_333 = arith.muli %scan3A_329, %mul3A_332 : i32
        %swap3A_334 = arith.index_cast %mul3A_333 : i32 to index
        %swap3A_335 = tpu.vector_load %arg7[%swap3A_334] {strides = array<i32>} : memref<4096xi32, #tpu.memory_space<vmem>>, vector<16xi32>,
        tpu.vector_store %arg7[%swap3A_334], %broadcast_in_dim3A_331 {strides = array<i32>} : memref<4096xi32, #tpu.memory_space<vmem>>, vector<16xi32>,
        %scan3A_336 = arith.constant 0 : i32
        %scan3A_337 = arith.constant 5 : i32
        %scan3A_338 = arith.addi %scan3A_292, %scan3A_337 : i32
        %broadcast_in_dim3A_339 = arith.constant 0 : i32
        %broadcast_in_dim3A_340 = vector.broadcast %broadcast_in_dim3A_339 : i32 to vector<16xi32>
        %mul3A_341 = arith.constant 16 : i32
        %mul3A_342 = arith.muli %scan3A_338, %mul3A_341 : i32
        %swap3A_343 = arith.index_cast %mul3A_342 : i32 to index
        %swap3A_344 = tpu.vector_load %arg7[%swap3A_343] {strides = array<i32>} : memref<4096xi32, #tpu.memory_space<vmem>>, vector<16xi32>,
        tpu.vector_store %arg7[%swap3A_343], %broadcast_in_dim3A_340 {strides = array<i32>} : memref<4096xi32, #tpu.memory_space<vmem>>, vector<16xi32>,
        %scan3A_345 = arith.constant 0 : i32
        %scan3A_346 = arith.constant 6 : i32
        %scan3A_347 = arith.addi %scan3A_292, %scan3A_346 : i32
        %broadcast_in_dim3A_348 = arith.constant 0 : i32
        %broadcast_in_dim3A_349 = vector.broadcast %broadcast_in_dim3A_348 : i32 to vector<16xi32>
        %mul3A_350 = arith.constant 16 : i32
        %mul3A_351 = arith.muli %scan3A_347, %mul3A_350 : i32
        %swap3A_352 = arith.index_cast %mul3A_351 : i32 to index
        %swap3A_353 = tpu.vector_load %arg7[%swap3A_352] {strides = array<i32>} : memref<4096xi32, #tpu.memory_space<vmem>>, vector<16xi32>,
        tpu.vector_store %arg7[%swap3A_352], %broadcast_in_dim3A_349 {strides = array<i32>} : memref<4096xi32, #tpu.memory_space<vmem>>, vector<16xi32>,
        %scan3A_354 = arith.constant 0 : i32
        %scan3A_355 = arith.constant 7 : i32
        %scan3A_356 = arith.addi %scan3A_292, %scan3A_355 : i32
        %broadcast_in_dim3A_357 = arith.constant 0 : i32
        %broadcast_in_dim3A_358 = vector.broadcast %broadcast_in_dim3A_357 : i32 to vector<16xi32>
        %mul3A_359 = arith.constant 16 : i32
        %mul3A_360 = arith.muli %scan3A_356, %mul3A_359 : i32
        %swap3A_361 = arith.index_cast %mul3A_360 : i32 to index
        %swap3A_362 = tpu.vector_load %arg7[%swap3A_361] {strides = array<i32>} : memref<4096xi32, #tpu.memory_space<vmem>>, vector<16xi32>,
        tpu.vector_store %arg7[%swap3A_361], %broadcast_in_dim3A_358 {strides = array<i32>} : memref<4096xi32, #tpu.memory_space<vmem>>, vector<16xi32>,
        %scan3A_363 = arith.constant 0 : i32
        scf.yield %scan3A_363 : i32
      }
      %scan3A_212 = arith.constant 256 : i32
      %while3A_213 = arith.constant 65535 : i32
      %while3A_214 = arith.constant 0 : i32
      %while3A_215 = arith.constant 0 : i32
      %while3A_216 = arith.subi %shift_right_arithmetic3A_127, %while3A_214 : i32
      %while3A_217 = arith.addi %while3A_214, %while3A_216 : i32
      %while3A_218 = arith.constant 1 : i32
      %while3A_219 = arith.divsi %while3A_216, %while3A_218 : i32
      %while3A_220 = arith.muli %while3A_219, %while3A_218 : i32
      %while3A_221 = arith.addi %while3A_214, %while3A_220 : i32
      %while3A_222 = arith.constant 1 : i32
      %while3A_223 = scf.for %while3A_292 = %while3A_214 to %while3A_221 step %while3A_222 iter_args(%while3A_293 = %while3A_215) -> (i32)  : i32 {
        %mul3A_294 = arith.constant 16 : i32
        %mul3A_295 = arith.muli %while3A_292, %mul3A_294 : i32
        %get3A = arith.index_cast %mul3A_295 : i32 to index
        %get3A_296 = tpu.vector_load %arg6[%get3A] {strides = array<i32>} : memref<32800xi32, #tpu.memory_space<vmem>>, vector<16xi32>,
        %shift_right_arithmetic3A_297 = arith.constant 8 : i32
        %shift_right_arithmetic3A_298 = vector.broadcast %shift_right_arithmetic3A_297 : i32 to vector<16xi32>
        %shift_right_arithmetic3A_299 = arith.shrsi %get3A_296, %shift_right_arithmetic3A_298 : vector<16xi32>
        %and3A = arith.constant 255 : i32
        %and3A_300 = vector.broadcast %and3A : i32 to vector<16xi32>
        %and3A_301 = arith.andi %shift_right_arithmetic3A_299, %and3A_300 : vector<16xi32>
        %mul3A_302 = arith.constant 16 : i32
        %mul3A_303 = arith.muli %while3A_292, %mul3A_302 : i32
        %add3A_304 = vector.broadcast %mul3A_303 : i32 to vector<16xi32>
        %add3A_305 = arith.addi %add3A_304, %iota3A_121 : vector<16xi32>
        %lt3A_306 = vector.broadcast %scan3A_112 : i32 to vector<16xi32>
        %lt3A_307 = arith.cmpi slt, %add3A_305, %lt3A_306 : vector<16xi32>
        %shift_right_arithmetic3A_308 = arith.constant 16 : i32
        %shift_right_arithmetic3A_309 = vector.broadcast %shift_right_arithmetic3A_308 : i32 to vector<16xi32>
        %shift_right_arithmetic3A_310 = arith.shrsi %get3A_296, %shift_right_arithmetic3A_309 : vector<16xi32>
        %and3A_311 = vector.broadcast %while3A_213 : i32 to vector<16xi32>
        %and3A_312 = arith.andi %shift_right_arithmetic3A_310, %and3A_311 : vector<16xi32>
        %and3A_313 = arith.andi %or3A_204, %while3A_213 : i32
        %eq3A_314 = vector.broadcast %and3A_313 : i32 to vector<16xi32>
        %eq3A_315 = arith.cmpi eq, %and3A_312, %eq3A_314 : vector<16xi32>
        %and3A_316 = arith.andi %lt3A_307, %eq3A_315 : vector<16xi1>
        %mul3A_317 = arith.constant 16 : i32
        %mul3A_318 = vector.broadcast %mul3A_317 : i32 to vector<16xi32>
        %mul3A_319 = arith.muli %and3A_301, %mul3A_318 : vector<16xi32>
        %add3A_320 = arith.addi %mul3A_319, %iota3A_121 : vector<16xi32>
        tpu.vector_store_idx %arg7[%add3A_320], %broadcast_in_dim3A_123 masked %and3A_316 {add = true} : memref<4096xi32, #tpu.memory_space<vmem>>[vector<16xi32>], vector<16xi32>, vector<16xi1>
        %while3A_321 = arith.constant 0 : i32
        scf.yield %while3A_321 : i32
      }
      %while3A_224 = arith.constant 1 : i32
      %while3A_225 = scf.for %while3A_292 = %while3A_221 to %while3A_217 step %while3A_224 iter_args(%while3A_293 = %while3A_223) -> (i32)  : i32 {
        %mul3A_294 = arith.constant 16 : i32
        %mul3A_295 = arith.muli %while3A_292, %mul3A_294 : i32
        %get3A = arith.index_cast %mul3A_295 : i32 to index
        %get3A_296 = tpu.vector_load %arg6[%get3A] {strides = array<i32>} : memref<32800xi32, #tpu.memory_space<vmem>>, vector<16xi32>,
        %shift_right_arithmetic3A_297 = arith.constant 8 : i32
        %shift_right_arithmetic3A_298 = vector.broadcast %shift_right_arithmetic3A_297 : i32 to vector<16xi32>
        %shift_right_arithmetic3A_299 = arith.shrsi %get3A_296, %shift_right_arithmetic3A_298 : vector<16xi32>
        %and3A = arith.constant 255 : i32
        %and3A_300 = vector.broadcast %and3A : i32 to vector<16xi32>
        %and3A_301 = arith.andi %shift_right_arithmetic3A_299, %and3A_300 : vector<16xi32>
        %mul3A_302 = arith.constant 16 : i32
        %mul3A_303 = arith.muli %while3A_292, %mul3A_302 : i32
        %add3A_304 = vector.broadcast %mul3A_303 : i32 to vector<16xi32>
        %add3A_305 = arith.addi %add3A_304, %iota3A_121 : vector<16xi32>
        %lt3A_306 = vector.broadcast %scan3A_112 : i32 to vector<16xi32>
        %lt3A_307 = arith.cmpi slt, %add3A_305, %lt3A_306 : vector<16xi32>
        %shift_right_arithmetic3A_308 = arith.constant 16 : i32
        %shift_right_arithmetic3A_309 = vector.broadcast %shift_right_arithmetic3A_308 : i32 to vector<16xi32>
        %shift_right_arithmetic3A_310 = arith.shrsi %get3A_296, %shift_right_arithmetic3A_309 : vector<16xi32>
        %and3A_311 = vector.broadcast %while3A_213 : i32 to vector<16xi32>
        %and3A_312 = arith.andi %shift_right_arithmetic3A_310, %and3A_311 : vector<16xi32>
        %and3A_313 = arith.andi %or3A_204, %while3A_213 : i32
        %eq3A_314 = vector.broadcast %and3A_313 : i32 to vector<16xi32>
        %eq3A_315 = arith.cmpi eq, %and3A_312, %eq3A_314 : vector<16xi32>
        %and3A_316 = arith.andi %lt3A_307, %eq3A_315 : vector<16xi1>
        %mul3A_317 = arith.constant 16 : i32
        %mul3A_318 = vector.broadcast %mul3A_317 : i32 to vector<16xi32>
        %mul3A_319 = arith.muli %and3A_301, %mul3A_318 : vector<16xi32>
        %add3A_320 = arith.addi %mul3A_319, %iota3A_121 : vector<16xi32>
        tpu.vector_store_idx %arg7[%add3A_320], %broadcast_in_dim3A_123 masked %and3A_316 {add = true} : memref<4096xi32, #tpu.memory_space<vmem>>[vector<16xi32>], vector<16xi32>, vector<16xi1>
        %while3A_321 = arith.constant 0 : i32
        scf.yield %while3A_321 : i32
      }
      %sub3A_226 = arith.subi %scan3A_15, %add3A_205 : i32
      %iota3A_227 = tpu.iota {dimensions = array<i32: 0>} : vector<16xi32>
      %mul3A_228 = arith.constant 16 : i32
      %mul3A_229 = vector.broadcast %mul3A_228 : i32 to vector<16xi32>
      %mul3A_230 = arith.muli %iota3A_227, %mul3A_229 : vector<16xi32>
      %scan3A_231 = arith.constant 0 : i32
      %scan3A_232 = arith.constant 0 : i32
      %scan3A_233 = arith.constant 0 : i32
      %scan3A_234 = arith.constant 0 : i32
      %scan3A_235 = arith.constant 16 : i32
      %scan3A_236 = arith.addi %scan3A_234, %scan3A_235 : i32
      %scan3A_237 = arith.constant 1 : i32
      %scan3A_238:3 = scf.for %scan3A_292 = %scan3A_234 to %scan3A_236 step %scan3A_237 iter_args(%scan3A_293 = %scan3A_231, %scan3A_294 = %scan3A_232, %scan3A_295 = %scan3A_233) -> (i32, i32, i32)  : i32 {
        %sub3A_296 = arith.constant 15 : i32
        %sub3A_297 = arith.subi %sub3A_296, %scan3A_292 : i32
        %broadcast_in_dim3A_298 = arith.constant 0 : i32
        %broadcast_in_dim3A_299 = vector.broadcast %broadcast_in_dim3A_298 : i32 to vector<16xi32>
        %mul3A_300 = arith.constant 256 : i32
        %mul3A_301 = arith.muli %sub3A_297, %mul3A_300 : i32
        %add3A_302 = vector.broadcast %mul3A_301 : i32 to vector<16xi32>
        %add3A_303 = arith.addi %add3A_302, %mul3A_230 : vector<16xi32>
        %add3A_304 = arith.constant 0 : i32
        %add3A_305 = vector.broadcast %add3A_304 : i32 to vector<16xi32>
        %add3A_306 = arith.addi %add3A_303, %add3A_305 : vector<16xi32>
        %gather3A = tpu.vector_load_idx %arg7[%add3A_306] : memref<4096xi32, #tpu.memory_space<vmem>>[vector<16xi32>], vector<16xi32>,
        %add3A_307 = arith.addi %broadcast_in_dim3A_299, %gather3A : vector<16xi32>
        %mul3A_308 = arith.constant 256 : i32
        %mul3A_309 = arith.muli %sub3A_297, %mul3A_308 : i32
        %add3A_310 = vector.broadcast %mul3A_309 : i32 to vector<16xi32>
        %add3A_311 = arith.addi %add3A_310, %mul3A_230 : vector<16xi32>
        %add3A_312 = arith.constant 1 : i32
        %add3A_313 = vector.broadcast %add3A_312 : i32 to vector<16xi32>
        %add3A_314 = arith.addi %add3A_311, %add3A_313 : vector<16xi32>
        %gather3A_315 = tpu.vector_load_idx %arg7[%add3A_314] : memref<4096xi32, #tpu.memory_space<vmem>>[vector<16xi32>], vector<16xi32>,
        %add3A_316 = arith.addi %add3A_307, %gather3A_315 : vector<16xi32>
        %mul3A_317 = arith.constant 256 : i32
        %mul3A_318 = arith.muli %sub3A_297, %mul3A_317 : i32
        %add3A_319 = vector.broadcast %mul3A_318 : i32 to vector<16xi32>
        %add3A_320 = arith.addi %add3A_319, %mul3A_230 : vector<16xi32>
        %add3A_321 = arith.constant 2 : i32
        %add3A_322 = vector.broadcast %add3A_321 : i32 to vector<16xi32>
        %add3A_323 = arith.addi %add3A_320, %add3A_322 : vector<16xi32>
        %gather3A_324 = tpu.vector_load_idx %arg7[%add3A_323] : memref<4096xi32, #tpu.memory_space<vmem>>[vector<16xi32>], vector<16xi32>,
        %add3A_325 = arith.addi %add3A_316, %gather3A_324 : vector<16xi32>
        %mul3A_326 = arith.constant 256 : i32
        %mul3A_327 = arith.muli %sub3A_297, %mul3A_326 : i32
        %add3A_328 = vector.broadcast %mul3A_327 : i32 to vector<16xi32>
        %add3A_329 = arith.addi %add3A_328, %mul3A_230 : vector<16xi32>
        %add3A_330 = arith.constant 3 : i32
        %add3A_331 = vector.broadcast %add3A_330 : i32 to vector<16xi32>
        %add3A_332 = arith.addi %add3A_329, %add3A_331 : vector<16xi32>
        %gather3A_333 = tpu.vector_load_idx %arg7[%add3A_332] : memref<4096xi32, #tpu.memory_space<vmem>>[vector<16xi32>], vector<16xi32>,
        %add3A_334 = arith.addi %add3A_325, %gather3A_333 : vector<16xi32>
        %mul3A_335 = arith.constant 256 : i32
        %mul3A_336 = arith.muli %sub3A_297, %mul3A_335 : i32
        %add3A_337 = vector.broadcast %mul3A_336 : i32 to vector<16xi32>
        %add3A_338 = arith.addi %add3A_337, %mul3A_230 : vector<16xi32>
        %add3A_339 = arith.constant 4 : i32
        %add3A_340 = vector.broadcast %add3A_339 : i32 to vector<16xi32>
        %add3A_341 = arith.addi %add3A_338, %add3A_340 : vector<16xi32>
        %gather3A_342 = tpu.vector_load_idx %arg7[%add3A_341] : memref<4096xi32, #tpu.memory_space<vmem>>[vector<16xi32>], vector<16xi32>,
        %add3A_343 = arith.addi %add3A_334, %gather3A_342 : vector<16xi32>
        %mul3A_344 = arith.constant 256 : i32
        %mul3A_345 = arith.muli %sub3A_297, %mul3A_344 : i32
        %add3A_346 = vector.broadcast %mul3A_345 : i32 to vector<16xi32>
        %add3A_347 = arith.addi %add3A_346, %mul3A_230 : vector<16xi32>
        %add3A_348 = arith.constant 5 : i32
        %add3A_349 = vector.broadcast %add3A_348 : i32 to vector<16xi32>
        %add3A_350 = arith.addi %add3A_347, %add3A_349 : vector<16xi32>
        %gather3A_351 = tpu.vector_load_idx %arg7[%add3A_350] : memref<4096xi32, #tpu.memory_space<vmem>>[vector<16xi32>], vector<16xi32>,
        %add3A_352 = arith.addi %add3A_343, %gather3A_351 : vector<16xi32>
        %mul3A_353 = arith.constant 256 : i32
        %mul3A_354 = arith.muli %sub3A_297, %mul3A_353 : i32
        %add3A_355 = vector.broadcast %mul3A_354 : i32 to vector<16xi32>
        %add3A_356 = arith.addi %add3A_355, %mul3A_230 : vector<16xi32>
        %add3A_357 = arith.constant 6 : i32
        %add3A_358 = vector.broadcast %add3A_357 : i32 to vector<16xi32>
        %add3A_359 = arith.addi %add3A_356, %add3A_358 : vector<16xi32>
        %gather3A_360 = tpu.vector_load_idx %arg7[%add3A_359] : memref<4096xi32, #tpu.memory_space<vmem>>[vector<16xi32>], vector<16xi32>,
        %add3A_361 = arith.addi %add3A_352, %gather3A_360 : vector<16xi32>
        %mul3A_362 = arith.constant 256 : i32
        %mul3A_363 = arith.muli %sub3A_297, %mul3A_362 : i32
        %add3A_364 = vector.broadcast %mul3A_363 : i32 to vector<16xi32>
        %add3A_365 = arith.addi %add3A_364, %mul3A_230 : vector<16xi32>
        %add3A_366 = arith.constant 7 : i32
        %add3A_367 = vector.broadcast %add3A_366 : i32 to vector<16xi32>
        %add3A_368 = arith.addi %add3A_365, %add3A_367 : vector<16xi32>
        %gather3A_369 = tpu.vector_load_idx %arg7[%add3A_368] : memref<4096xi32, #tpu.memory_space<vmem>>[vector<16xi32>], vector<16xi32>,
        %add3A_370 = arith.addi %add3A_361, %gather3A_369 : vector<16xi32>
        %mul3A_371 = arith.constant 256 : i32
        %mul3A_372 = arith.muli %sub3A_297, %mul3A_371 : i32
        %add3A_373 = vector.broadcast %mul3A_372 : i32 to vector<16xi32>
        %add3A_374 = arith.addi %add3A_373, %mul3A_230 : vector<16xi32>
        %add3A_375 = arith.constant 8 : i32
        %add3A_376 = vector.broadcast %add3A_375 : i32 to vector<16xi32>
        %add3A_377 = arith.addi %add3A_374, %add3A_376 : vector<16xi32>
        %gather3A_378 = tpu.vector_load_idx %arg7[%add3A_377] : memref<4096xi32, #tpu.memory_space<vmem>>[vector<16xi32>], vector<16xi32>,
        %add3A_379 = arith.addi %add3A_370, %gather3A_378 : vector<16xi32>
        %mul3A_380 = arith.constant 256 : i32
        %mul3A_381 = arith.muli %sub3A_297, %mul3A_380 : i32
        %add3A_382 = vector.broadcast %mul3A_381 : i32 to vector<16xi32>
        %add3A_383 = arith.addi %add3A_382, %mul3A_230 : vector<16xi32>
        %add3A_384 = arith.constant 9 : i32
        %add3A_385 = vector.broadcast %add3A_384 : i32 to vector<16xi32>
        %add3A_386 = arith.addi %add3A_383, %add3A_385 : vector<16xi32>
        %gather3A_387 = tpu.vector_load_idx %arg7[%add3A_386] : memref<4096xi32, #tpu.memory_space<vmem>>[vector<16xi32>], vector<16xi32>,
        %add3A_388 = arith.addi %add3A_379, %gather3A_387 : vector<16xi32>
        %mul3A_389 = arith.constant 256 : i32
        %mul3A_390 = arith.muli %sub3A_297, %mul3A_389 : i32
        %add3A_391 = vector.broadcast %mul3A_390 : i32 to vector<16xi32>
        %add3A_392 = arith.addi %add3A_391, %mul3A_230 : vector<16xi32>
        %add3A_393 = arith.constant 10 : i32
        %add3A_394 = vector.broadcast %add3A_393 : i32 to vector<16xi32>
        %add3A_395 = arith.addi %add3A_392, %add3A_394 : vector<16xi32>
        %gather3A_396 = tpu.vector_load_idx %arg7[%add3A_395] : memref<4096xi32, #tpu.memory_space<vmem>>[vector<16xi32>], vector<16xi32>,
        %add3A_397 = arith.addi %add3A_388, %gather3A_396 : vector<16xi32>
        %mul3A_398 = arith.constant 256 : i32
        %mul3A_399 = arith.muli %sub3A_297, %mul3A_398 : i32
        %add3A_400 = vector.broadcast %mul3A_399 : i32 to vector<16xi32>
        %add3A_401 = arith.addi %add3A_400, %mul3A_230 : vector<16xi32>
        %add3A_402 = arith.constant 11 : i32
        %add3A_403 = vector.broadcast %add3A_402 : i32 to vector<16xi32>
        %add3A_404 = arith.addi %add3A_401, %add3A_403 : vector<16xi32>
        %gather3A_405 = tpu.vector_load_idx %arg7[%add3A_404] : memref<4096xi32, #tpu.memory_space<vmem>>[vector<16xi32>], vector<16xi32>,
        %add3A_406 = arith.addi %add3A_397, %gather3A_405 : vector<16xi32>
        %mul3A_407 = arith.constant 256 : i32
        %mul3A_408 = arith.muli %sub3A_297, %mul3A_407 : i32
        %add3A_409 = vector.broadcast %mul3A_408 : i32 to vector<16xi32>
        %add3A_410 = arith.addi %add3A_409, %mul3A_230 : vector<16xi32>
        %add3A_411 = arith.constant 12 : i32
        %add3A_412 = vector.broadcast %add3A_411 : i32 to vector<16xi32>
        %add3A_413 = arith.addi %add3A_410, %add3A_412 : vector<16xi32>
        %gather3A_414 = tpu.vector_load_idx %arg7[%add3A_413] : memref<4096xi32, #tpu.memory_space<vmem>>[vector<16xi32>], vector<16xi32>,
        %add3A_415 = arith.addi %add3A_406, %gather3A_414 : vector<16xi32>
        %mul3A_416 = arith.constant 256 : i32
        %mul3A_417 = arith.muli %sub3A_297, %mul3A_416 : i32
        %add3A_418 = vector.broadcast %mul3A_417 : i32 to vector<16xi32>
        %add3A_419 = arith.addi %add3A_418, %mul3A_230 : vector<16xi32>
        %add3A_420 = arith.constant 13 : i32
        %add3A_421 = vector.broadcast %add3A_420 : i32 to vector<16xi32>
        %add3A_422 = arith.addi %add3A_419, %add3A_421 : vector<16xi32>
        %gather3A_423 = tpu.vector_load_idx %arg7[%add3A_422] : memref<4096xi32, #tpu.memory_space<vmem>>[vector<16xi32>], vector<16xi32>,
        %add3A_424 = arith.addi %add3A_415, %gather3A_423 : vector<16xi32>
        %mul3A_425 = arith.constant 256 : i32
        %mul3A_426 = arith.muli %sub3A_297, %mul3A_425 : i32
        %add3A_427 = vector.broadcast %mul3A_426 : i32 to vector<16xi32>
        %add3A_428 = arith.addi %add3A_427, %mul3A_230 : vector<16xi32>
        %add3A_429 = arith.constant 14 : i32
        %add3A_430 = vector.broadcast %add3A_429 : i32 to vector<16xi32>
        %add3A_431 = arith.addi %add3A_428, %add3A_430 : vector<16xi32>
        %gather3A_432 = tpu.vector_load_idx %arg7[%add3A_431] : memref<4096xi32, #tpu.memory_space<vmem>>[vector<16xi32>], vector<16xi32>,
        %add3A_433 = arith.addi %add3A_424, %gather3A_432 : vector<16xi32>
        %mul3A_434 = arith.constant 256 : i32
        %mul3A_435 = arith.muli %sub3A_297, %mul3A_434 : i32
        %add3A_436 = vector.broadcast %mul3A_435 : i32 to vector<16xi32>
        %add3A_437 = arith.addi %add3A_436, %mul3A_230 : vector<16xi32>
        %add3A_438 = arith.constant 15 : i32
        %add3A_439 = vector.broadcast %add3A_438 : i32 to vector<16xi32>
        %add3A_440 = arith.addi %add3A_437, %add3A_439 : vector<16xi32>
        %gather3A_441 = tpu.vector_load_idx %arg7[%add3A_440] : memref<4096xi32, #tpu.memory_space<vmem>>[vector<16xi32>], vector<16xi32>,
        %add3A_442 = arith.addi %add3A_433, %gather3A_441 : vector<16xi32>
        %rev3A = arith.constant 15 : i32
        %rev3A_443 = vector.broadcast %rev3A : i32 to vector<16xi32>
        %rev3A_444 = tpu.iota {dimensions = array<i32: 0>} : vector<16xi32>
        %rev3A_445 = arith.subi %rev3A_443, %rev3A_444 : vector<16xi32>
        %rev3A_446 = tpu.dynamic_gather %add3A_442[%rev3A_445] in [0] : vector<16xi32>, vector<16xi32> -> vector<16xi32>
        %broadcast_in_dim3A_447 = arith.constant true
        %broadcast_in_dim3A_448 = vector.broadcast %broadcast_in_dim3A_447 : i1 to vector<16xi1>
        %masked_cumsum3A = tpu.scan <sum>, %rev3A_446 masked %broadcast_in_dim3A_448 : vector<16xi32>, vector<16xi1> -> vector<16xi32>
        %reduce_sum3A = arith.constant true
        %reduce_sum3A_449 = vector.broadcast %reduce_sum3A : i1 to vector<16xi1>
        %reduce_sum3A_450 = tpu.scan <sum>, %add3A_442 masked %reduce_sum3A_449 : vector<16xi32>, vector<16xi1> -> vector<16xi32>
        %reduce_sum3A_451 = vector.extract %reduce_sum3A_450[15] : i32 from vector<16xi32>
        %lt3A_452 = arith.cmpi slt, %scan3A_293, %sub3A_226 : i32
        %add3A_453 = arith.addi %scan3A_293, %reduce_sum3A_451 : i32
        %ge3A = arith.cmpi sge, %add3A_453, %sub3A_226 : i32
        %and3A = arith.andi %lt3A_452, %ge3A : i1
        %add3A_454 = vector.broadcast %scan3A_293 : i32 to vector<16xi32>
        %add3A_455 = arith.addi %add3A_454, %masked_cumsum3A : vector<16xi32>
        %lt3A_456 = vector.broadcast %sub3A_226 : i32 to vector<16xi32>
        %lt3A_457 = arith.cmpi slt, %add3A_455, %lt3A_456 : vector<16xi32>
        %convert_element_type3A_458 = arith.extui %lt3A_457 : vector<16xi1> to vector<16xi32>
        %reduce_sum3A_459 = arith.constant true
        %reduce_sum3A_460 = vector.broadcast %reduce_sum3A_459 : i1 to vector<16xi1>
        %reduce_sum3A_461 = tpu.scan <sum>, %convert_element_type3A_458 masked %reduce_sum3A_460 : vector<16xi32>, vector<16xi1> -> vector<16xi32>
        %reduce_sum3A_462 = vector.extract %reduce_sum3A_461[15] : i32 from vector<16xi32>
        %lt3A_463 = vector.broadcast %reduce_sum3A_462 : i32 to vector<16xi32>
        %lt3A_464 = arith.cmpi slt, %iota3A_227, %lt3A_463 : vector<16xi32>
        %jit3A = arith.constant 0 : i32
        %broadcast_in_dim3A_465 = vector.broadcast %jit3A : i32 to vector<16xi32>
        %select_n3A_466 = arith.select %lt3A_464, %rev3A_446, %broadcast_in_dim3A_465 : vector<16xi1>, vector<16xi32>
        %reduce_sum3A_467 = arith.constant true
        %reduce_sum3A_468 = vector.broadcast %reduce_sum3A_467 : i1 to vector<16xi1>
        %reduce_sum3A_469 = tpu.scan <sum>, %select_n3A_466 masked %reduce_sum3A_468 : vector<16xi32>, vector<16xi1> -> vector<16xi32>
        %reduce_sum3A_470 = vector.extract %reduce_sum3A_469[15] : i32 from vector<16xi32>
        %mul3A_471 = arith.constant 16 : i32
        %mul3A_472 = arith.muli %sub3A_297, %mul3A_471 : i32
        %add3A_473 = arith.constant 15 : i32
        %add3A_474 = arith.addi %mul3A_472, %add3A_473 : i32
        %sub3A_475 = arith.subi %add3A_474, %reduce_sum3A_462 : i32
        %select_n3A_476 = arith.select %and3A, %sub3A_475, %scan3A_294 : i32
        %add3A_477 = arith.addi %scan3A_293, %reduce_sum3A_470 : i32
        %select_n3A_478 = arith.select %and3A, %add3A_477, %scan3A_295 : i32
        %add3A_479 = arith.addi %scan3A_293, %reduce_sum3A_451 : i32
        scf.yield %add3A_479, %select_n3A_476, %select_n3A_478 : i32, i32, i32
      }
      %scan3A_239 = arith.constant 16 : i32
      %shift_left3A_240 = arith.constant 8 : i32
      %shift_left3A_241 = arith.shli %or3A_204, %shift_left3A_240 : i32
      %or3A_242 = arith.ori %shift_left3A_241, %scan3A_238#1 : i32
      %add3A_243 = arith.addi %add3A_205, %scan3A_238#2 : i32
      %scan3A_244 = arith.constant 0 : i32
      %scan3A_245 = arith.constant 0 : i32
      %scan3A_246 = arith.constant 256 : i32
      %scan3A_247 = arith.addi %scan3A_245, %scan3A_246 : i32
      %scan3A_248 = arith.constant 8 : i32
      %scan3A_249 = scf.for %scan3A_292 = %scan3A_245 to %scan3A_247 step %scan3A_248 iter_args(%scan3A_293 = %scan3A_244) -> (i32)  : i32 {
        %broadcast_in_dim3A_294 = arith.constant 0 : i32
        %broadcast_in_dim3A_295 = vector.broadcast %broadcast_in_dim3A_294 : i32 to vector<16xi32>
        %mul3A_296 = arith.constant 16 : i32
        %mul3A_297 = arith.muli %scan3A_292, %mul3A_296 : i32
        %swap3A_298 = arith.index_cast %mul3A_297 : i32 to index
        %swap3A_299 = tpu.vector_load %arg7[%swap3A_298] {strides = array<i32>} : memref<4096xi32, #tpu.memory_space<vmem>>, vector<16xi32>,
        tpu.vector_store %arg7[%swap3A_298], %broadcast_in_dim3A_295 {strides = array<i32>} : memref<4096xi32, #tpu.memory_space<vmem>>, vector<16xi32>,
        %scan3A_300 = arith.constant 0 : i32
        %scan3A_301 = arith.constant 1 : i32
        %scan3A_302 = arith.addi %scan3A_292, %scan3A_301 : i32
        %broadcast_in_dim3A_303 = arith.constant 0 : i32
        %broadcast_in_dim3A_304 = vector.broadcast %broadcast_in_dim3A_303 : i32 to vector<16xi32>
        %mul3A_305 = arith.constant 16 : i32
        %mul3A_306 = arith.muli %scan3A_302, %mul3A_305 : i32
        %swap3A_307 = arith.index_cast %mul3A_306 : i32 to index
        %swap3A_308 = tpu.vector_load %arg7[%swap3A_307] {strides = array<i32>} : memref<4096xi32, #tpu.memory_space<vmem>>, vector<16xi32>,
        tpu.vector_store %arg7[%swap3A_307], %broadcast_in_dim3A_304 {strides = array<i32>} : memref<4096xi32, #tpu.memory_space<vmem>>, vector<16xi32>,
        %scan3A_309 = arith.constant 0 : i32
        %scan3A_310 = arith.constant 2 : i32
        %scan3A_311 = arith.addi %scan3A_292, %scan3A_310 : i32
        %broadcast_in_dim3A_312 = arith.constant 0 : i32
        %broadcast_in_dim3A_313 = vector.broadcast %broadcast_in_dim3A_312 : i32 to vector<16xi32>
        %mul3A_314 = arith.constant 16 : i32
        %mul3A_315 = arith.muli %scan3A_311, %mul3A_314 : i32
        %swap3A_316 = arith.index_cast %mul3A_315 : i32 to index
        %swap3A_317 = tpu.vector_load %arg7[%swap3A_316] {strides = array<i32>} : memref<4096xi32, #tpu.memory_space<vmem>>, vector<16xi32>,
        tpu.vector_store %arg7[%swap3A_316], %broadcast_in_dim3A_313 {strides = array<i32>} : memref<4096xi32, #tpu.memory_space<vmem>>, vector<16xi32>,
        %scan3A_318 = arith.constant 0 : i32
        %scan3A_319 = arith.constant 3 : i32
        %scan3A_320 = arith.addi %scan3A_292, %scan3A_319 : i32
        %broadcast_in_dim3A_321 = arith.constant 0 : i32
        %broadcast_in_dim3A_322 = vector.broadcast %broadcast_in_dim3A_321 : i32 to vector<16xi32>
        %mul3A_323 = arith.constant 16 : i32
        %mul3A_324 = arith.muli %scan3A_320, %mul3A_323 : i32
        %swap3A_325 = arith.index_cast %mul3A_324 : i32 to index
        %swap3A_326 = tpu.vector_load %arg7[%swap3A_325] {strides = array<i32>} : memref<4096xi32, #tpu.memory_space<vmem>>, vector<16xi32>,
        tpu.vector_store %arg7[%swap3A_325], %broadcast_in_dim3A_322 {strides = array<i32>} : memref<4096xi32, #tpu.memory_space<vmem>>, vector<16xi32>,
        %scan3A_327 = arith.constant 0 : i32
        %scan3A_328 = arith.constant 4 : i32
        %scan3A_329 = arith.addi %scan3A_292, %scan3A_328 : i32
        %broadcast_in_dim3A_330 = arith.constant 0 : i32
        %broadcast_in_dim3A_331 = vector.broadcast %broadcast_in_dim3A_330 : i32 to vector<16xi32>
        %mul3A_332 = arith.constant 16 : i32
        %mul3A_333 = arith.muli %scan3A_329, %mul3A_332 : i32
        %swap3A_334 = arith.index_cast %mul3A_333 : i32 to index
        %swap3A_335 = tpu.vector_load %arg7[%swap3A_334] {strides = array<i32>} : memref<4096xi32, #tpu.memory_space<vmem>>, vector<16xi32>,
        tpu.vector_store %arg7[%swap3A_334], %broadcast_in_dim3A_331 {strides = array<i32>} : memref<4096xi32, #tpu.memory_space<vmem>>, vector<16xi32>,
        %scan3A_336 = arith.constant 0 : i32
        %scan3A_337 = arith.constant 5 : i32
        %scan3A_338 = arith.addi %scan3A_292, %scan3A_337 : i32
        %broadcast_in_dim3A_339 = arith.constant 0 : i32
        %broadcast_in_dim3A_340 = vector.broadcast %broadcast_in_dim3A_339 : i32 to vector<16xi32>
        %mul3A_341 = arith.constant 16 : i32
        %mul3A_342 = arith.muli %scan3A_338, %mul3A_341 : i32
        %swap3A_343 = arith.index_cast %mul3A_342 : i32 to index
        %swap3A_344 = tpu.vector_load %arg7[%swap3A_343] {strides = array<i32>} : memref<4096xi32, #tpu.memory_space<vmem>>, vector<16xi32>,
        tpu.vector_store %arg7[%swap3A_343], %broadcast_in_dim3A_340 {strides = array<i32>} : memref<4096xi32, #tpu.memory_space<vmem>>, vector<16xi32>,
        %scan3A_345 = arith.constant 0 : i32
        %scan3A_346 = arith.constant 6 : i32
        %scan3A_347 = arith.addi %scan3A_292, %scan3A_346 : i32
        %broadcast_in_dim3A_348 = arith.constant 0 : i32
        %broadcast_in_dim3A_349 = vector.broadcast %broadcast_in_dim3A_348 : i32 to vector<16xi32>
        %mul3A_350 = arith.constant 16 : i32
        %mul3A_351 = arith.muli %scan3A_347, %mul3A_350 : i32
        %swap3A_352 = arith.index_cast %mul3A_351 : i32 to index
        %swap3A_353 = tpu.vector_load %arg7[%swap3A_352] {strides = array<i32>} : memref<4096xi32, #tpu.memory_space<vmem>>, vector<16xi32>,
        tpu.vector_store %arg7[%swap3A_352], %broadcast_in_dim3A_349 {strides = array<i32>} : memref<4096xi32, #tpu.memory_space<vmem>>, vector<16xi32>,
        %scan3A_354 = arith.constant 0 : i32
        %scan3A_355 = arith.constant 7 : i32
        %scan3A_356 = arith.addi %scan3A_292, %scan3A_355 : i32
        %broadcast_in_dim3A_357 = arith.constant 0 : i32
        %broadcast_in_dim3A_358 = vector.broadcast %broadcast_in_dim3A_357 : i32 to vector<16xi32>
        %mul3A_359 = arith.constant 16 : i32
        %mul3A_360 = arith.muli %scan3A_356, %mul3A_359 : i32
        %swap3A_361 = arith.index_cast %mul3A_360 : i32 to index
        %swap3A_362 = tpu.vector_load %arg7[%swap3A_361] {strides = array<i32>} : memref<4096xi32, #tpu.memory_space<vmem>>, vector<16xi32>,
        tpu.vector_store %arg7[%swap3A_361], %broadcast_in_dim3A_358 {strides = array<i32>} : memref<4096xi32, #tpu.memory_space<vmem>>, vector<16xi32>,
        %scan3A_363 = arith.constant 0 : i32
        scf.yield %scan3A_363 : i32
      }
      %scan3A_250 = arith.constant 256 : i32
      %while3A_251 = arith.constant 16777215 : i32
      %while3A_252 = arith.constant 0 : i32
      %while3A_253 = arith.constant 0 : i32
      %while3A_254 = arith.subi %shift_right_arithmetic3A_127, %while3A_252 : i32
      %while3A_255 = arith.addi %while3A_252, %while3A_254 : i32
      %while3A_256 = arith.constant 1 : i32
      %while3A_257 = arith.divsi %while3A_254, %while3A_256 : i32
      %while3A_258 = arith.muli %while3A_257, %while3A_256 : i32
      %while3A_259 = arith.addi %while3A_252, %while3A_258 : i32
      %while3A_260 = arith.constant 1 : i32
      %while3A_261 = scf.for %while3A_292 = %while3A_252 to %while3A_259 step %while3A_260 iter_args(%while3A_293 = %while3A_253) -> (i32)  : i32 {
        %mul3A_294 = arith.constant 16 : i32
        %mul3A_295 = arith.muli %while3A_292, %mul3A_294 : i32
        %get3A = arith.index_cast %mul3A_295 : i32 to index
        %get3A_296 = tpu.vector_load %arg6[%get3A] {strides = array<i32>} : memref<32800xi32, #tpu.memory_space<vmem>>, vector<16xi32>,
        %shift_right_arithmetic3A_297 = arith.constant 0 : i32
        %shift_right_arithmetic3A_298 = vector.broadcast %shift_right_arithmetic3A_297 : i32 to vector<16xi32>
        %shift_right_arithmetic3A_299 = arith.shrsi %get3A_296, %shift_right_arithmetic3A_298 : vector<16xi32>
        %and3A = arith.constant 255 : i32
        %and3A_300 = vector.broadcast %and3A : i32 to vector<16xi32>
        %and3A_301 = arith.andi %shift_right_arithmetic3A_299, %and3A_300 : vector<16xi32>
        %mul3A_302 = arith.constant 16 : i32
        %mul3A_303 = arith.muli %while3A_292, %mul3A_302 : i32
        %add3A_304 = vector.broadcast %mul3A_303 : i32 to vector<16xi32>
        %add3A_305 = arith.addi %add3A_304, %iota3A_121 : vector<16xi32>
        %lt3A_306 = vector.broadcast %scan3A_112 : i32 to vector<16xi32>
        %lt3A_307 = arith.cmpi slt, %add3A_305, %lt3A_306 : vector<16xi32>
        %shift_right_arithmetic3A_308 = arith.constant 8 : i32
        %shift_right_arithmetic3A_309 = vector.broadcast %shift_right_arithmetic3A_308 : i32 to vector<16xi32>
        %shift_right_arithmetic3A_310 = arith.shrsi %get3A_296, %shift_right_arithmetic3A_309 : vector<16xi32>
        %and3A_311 = vector.broadcast %while3A_251 : i32 to vector<16xi32>
        %and3A_312 = arith.andi %shift_right_arithmetic3A_310, %and3A_311 : vector<16xi32>
        %and3A_313 = arith.andi %or3A_242, %while3A_251 : i32
        %eq3A_314 = vector.broadcast %and3A_313 : i32 to vector<16xi32>
        %eq3A_315 = arith.cmpi eq, %and3A_312, %eq3A_314 : vector<16xi32>
        %and3A_316 = arith.andi %lt3A_307, %eq3A_315 : vector<16xi1>
        %mul3A_317 = arith.constant 16 : i32
        %mul3A_318 = vector.broadcast %mul3A_317 : i32 to vector<16xi32>
        %mul3A_319 = arith.muli %and3A_301, %mul3A_318 : vector<16xi32>
        %add3A_320 = arith.addi %mul3A_319, %iota3A_121 : vector<16xi32>
        tpu.vector_store_idx %arg7[%add3A_320], %broadcast_in_dim3A_123 masked %and3A_316 {add = true} : memref<4096xi32, #tpu.memory_space<vmem>>[vector<16xi32>], vector<16xi32>, vector<16xi1>
        %while3A_321 = arith.constant 0 : i32
        scf.yield %while3A_321 : i32
      }
      %while3A_262 = arith.constant 1 : i32
      %while3A_263 = scf.for %while3A_292 = %while3A_259 to %while3A_255 step %while3A_262 iter_args(%while3A_293 = %while3A_261) -> (i32)  : i32 {
        %mul3A_294 = arith.constant 16 : i32
        %mul3A_295 = arith.muli %while3A_292, %mul3A_294 : i32
        %get3A = arith.index_cast %mul3A_295 : i32 to index
        %get3A_296 = tpu.vector_load %arg6[%get3A] {strides = array<i32>} : memref<32800xi32, #tpu.memory_space<vmem>>, vector<16xi32>,
        %shift_right_arithmetic3A_297 = arith.constant 0 : i32
        %shift_right_arithmetic3A_298 = vector.broadcast %shift_right_arithmetic3A_297 : i32 to vector<16xi32>
        %shift_right_arithmetic3A_299 = arith.shrsi %get3A_296, %shift_right_arithmetic3A_298 : vector<16xi32>
        %and3A = arith.constant 255 : i32
        %and3A_300 = vector.broadcast %and3A : i32 to vector<16xi32>
        %and3A_301 = arith.andi %shift_right_arithmetic3A_299, %and3A_300 : vector<16xi32>
        %mul3A_302 = arith.constant 16 : i32
        %mul3A_303 = arith.muli %while3A_292, %mul3A_302 : i32
        %add3A_304 = vector.broadcast %mul3A_303 : i32 to vector<16xi32>
        %add3A_305 = arith.addi %add3A_304, %iota3A_121 : vector<16xi32>
        %lt3A_306 = vector.broadcast %scan3A_112 : i32 to vector<16xi32>
        %lt3A_307 = arith.cmpi slt, %add3A_305, %lt3A_306 : vector<16xi32>
        %shift_right_arithmetic3A_308 = arith.constant 8 : i32
        %shift_right_arithmetic3A_309 = vector.broadcast %shift_right_arithmetic3A_308 : i32 to vector<16xi32>
        %shift_right_arithmetic3A_310 = arith.shrsi %get3A_296, %shift_right_arithmetic3A_309 : vector<16xi32>
        %and3A_311 = vector.broadcast %while3A_251 : i32 to vector<16xi32>
        %and3A_312 = arith.andi %shift_right_arithmetic3A_310, %and3A_311 : vector<16xi32>
        %and3A_313 = arith.andi %or3A_242, %while3A_251 : i32
        %eq3A_314 = vector.broadcast %and3A_313 : i32 to vector<16xi32>
        %eq3A_315 = arith.cmpi eq, %and3A_312, %eq3A_314 : vector<16xi32>
        %and3A_316 = arith.andi %lt3A_307, %eq3A_315 : vector<16xi1>
        %mul3A_317 = arith.constant 16 : i32
        %mul3A_318 = vector.broadcast %mul3A_317 : i32 to vector<16xi32>
        %mul3A_319 = arith.muli %and3A_301, %mul3A_318 : vector<16xi32>
        %add3A_320 = arith.addi %mul3A_319, %iota3A_121 : vector<16xi32>
        tpu.vector_store_idx %arg7[%add3A_320], %broadcast_in_dim3A_123 masked %and3A_316 {add = true} : memref<4096xi32, #tpu.memory_space<vmem>>[vector<16xi32>], vector<16xi32>, vector<16xi1>
        %while3A_321 = arith.constant 0 : i32
        scf.yield %while3A_321 : i32
      }
      %sub3A_264 = arith.subi %scan3A_15, %add3A_243 : i32
      %iota3A_265 = tpu.iota {dimensions = array<i32: 0>} : vector<16xi32>
      %mul3A_266 = arith.constant 16 : i32
      %mul3A_267 = vector.broadcast %mul3A_266 : i32 to vector<16xi32>
      %mul3A_268 = arith.muli %iota3A_265, %mul3A_267 : vector<16xi32>
      %scan3A_269 = arith.constant 0 : i32
      %scan3A_270 = arith.constant 0 : i32
      %scan3A_271 = arith.constant 0 : i32
      %scan3A_272 = arith.constant 0 : i32
      %scan3A_273 = arith.constant 16 : i32
      %scan3A_274 = arith.addi %scan3A_272, %scan3A_273 : i32
      %scan3A_275 = arith.constant 1 : i32
      %scan3A_276:3 = scf.for %scan3A_292 = %scan3A_272 to %scan3A_274 step %scan3A_275 iter_args(%scan3A_293 = %scan3A_269, %scan3A_294 = %scan3A_270, %scan3A_295 = %scan3A_271) -> (i32, i32, i32)  : i32 {
        %sub3A_296 = arith.constant 15 : i32
        %sub3A_297 = arith.subi %sub3A_296, %scan3A_292 : i32
        %broadcast_in_dim3A_298 = arith.constant 0 : i32
        %broadcast_in_dim3A_299 = vector.broadcast %broadcast_in_dim3A_298 : i32 to vector<16xi32>
        %mul3A_300 = arith.constant 256 : i32
        %mul3A_301 = arith.muli %sub3A_297, %mul3A_300 : i32
        %add3A_302 = vector.broadcast %mul3A_301 : i32 to vector<16xi32>
        %add3A_303 = arith.addi %add3A_302, %mul3A_268 : vector<16xi32>
        %add3A_304 = arith.constant 0 : i32
        %add3A_305 = vector.broadcast %add3A_304 : i32 to vector<16xi32>
        %add3A_306 = arith.addi %add3A_303, %add3A_305 : vector<16xi32>
        %gather3A = tpu.vector_load_idx %arg7[%add3A_306] : memref<4096xi32, #tpu.memory_space<vmem>>[vector<16xi32>], vector<16xi32>,
        %add3A_307 = arith.addi %broadcast_in_dim3A_299, %gather3A : vector<16xi32>
        %mul3A_308 = arith.constant 256 : i32
        %mul3A_309 = arith.muli %sub3A_297, %mul3A_308 : i32
        %add3A_310 = vector.broadcast %mul3A_309 : i32 to vector<16xi32>
        %add3A_311 = arith.addi %add3A_310, %mul3A_268 : vector<16xi32>
        %add3A_312 = arith.constant 1 : i32
        %add3A_313 = vector.broadcast %add3A_312 : i32 to vector<16xi32>
        %add3A_314 = arith.addi %add3A_311, %add3A_313 : vector<16xi32>
        %gather3A_315 = tpu.vector_load_idx %arg7[%add3A_314] : memref<4096xi32, #tpu.memory_space<vmem>>[vector<16xi32>], vector<16xi32>,
        %add3A_316 = arith.addi %add3A_307, %gather3A_315 : vector<16xi32>
        %mul3A_317 = arith.constant 256 : i32
        %mul3A_318 = arith.muli %sub3A_297, %mul3A_317 : i32
        %add3A_319 = vector.broadcast %mul3A_318 : i32 to vector<16xi32>
        %add3A_320 = arith.addi %add3A_319, %mul3A_268 : vector<16xi32>
        %add3A_321 = arith.constant 2 : i32
        %add3A_322 = vector.broadcast %add3A_321 : i32 to vector<16xi32>
        %add3A_323 = arith.addi %add3A_320, %add3A_322 : vector<16xi32>
        %gather3A_324 = tpu.vector_load_idx %arg7[%add3A_323] : memref<4096xi32, #tpu.memory_space<vmem>>[vector<16xi32>], vector<16xi32>,
        %add3A_325 = arith.addi %add3A_316, %gather3A_324 : vector<16xi32>
        %mul3A_326 = arith.constant 256 : i32
        %mul3A_327 = arith.muli %sub3A_297, %mul3A_326 : i32
        %add3A_328 = vector.broadcast %mul3A_327 : i32 to vector<16xi32>
        %add3A_329 = arith.addi %add3A_328, %mul3A_268 : vector<16xi32>
        %add3A_330 = arith.constant 3 : i32
        %add3A_331 = vector.broadcast %add3A_330 : i32 to vector<16xi32>
        %add3A_332 = arith.addi %add3A_329, %add3A_331 : vector<16xi32>
        %gather3A_333 = tpu.vector_load_idx %arg7[%add3A_332] : memref<4096xi32, #tpu.memory_space<vmem>>[vector<16xi32>], vector<16xi32>,
        %add3A_334 = arith.addi %add3A_325, %gather3A_333 : vector<16xi32>
        %mul3A_335 = arith.constant 256 : i32
        %mul3A_336 = arith.muli %sub3A_297, %mul3A_335 : i32
        %add3A_337 = vector.broadcast %mul3A_336 : i32 to vector<16xi32>
        %add3A_338 = arith.addi %add3A_337, %mul3A_268 : vector<16xi32>
        %add3A_339 = arith.constant 4 : i32
        %add3A_340 = vector.broadcast %add3A_339 : i32 to vector<16xi32>
        %add3A_341 = arith.addi %add3A_338, %add3A_340 : vector<16xi32>
        %gather3A_342 = tpu.vector_load_idx %arg7[%add3A_341] : memref<4096xi32, #tpu.memory_space<vmem>>[vector<16xi32>], vector<16xi32>,
        %add3A_343 = arith.addi %add3A_334, %gather3A_342 : vector<16xi32>
        %mul3A_344 = arith.constant 256 : i32
        %mul3A_345 = arith.muli %sub3A_297, %mul3A_344 : i32
        %add3A_346 = vector.broadcast %mul3A_345 : i32 to vector<16xi32>
        %add3A_347 = arith.addi %add3A_346, %mul3A_268 : vector<16xi32>
        %add3A_348 = arith.constant 5 : i32
        %add3A_349 = vector.broadcast %add3A_348 : i32 to vector<16xi32>
        %add3A_350 = arith.addi %add3A_347, %add3A_349 : vector<16xi32>
        %gather3A_351 = tpu.vector_load_idx %arg7[%add3A_350] : memref<4096xi32, #tpu.memory_space<vmem>>[vector<16xi32>], vector<16xi32>,
        %add3A_352 = arith.addi %add3A_343, %gather3A_351 : vector<16xi32>
        %mul3A_353 = arith.constant 256 : i32
        %mul3A_354 = arith.muli %sub3A_297, %mul3A_353 : i32
        %add3A_355 = vector.broadcast %mul3A_354 : i32 to vector<16xi32>
        %add3A_356 = arith.addi %add3A_355, %mul3A_268 : vector<16xi32>
        %add3A_357 = arith.constant 6 : i32
        %add3A_358 = vector.broadcast %add3A_357 : i32 to vector<16xi32>
        %add3A_359 = arith.addi %add3A_356, %add3A_358 : vector<16xi32>
        %gather3A_360 = tpu.vector_load_idx %arg7[%add3A_359] : memref<4096xi32, #tpu.memory_space<vmem>>[vector<16xi32>], vector<16xi32>,
        %add3A_361 = arith.addi %add3A_352, %gather3A_360 : vector<16xi32>
        %mul3A_362 = arith.constant 256 : i32
        %mul3A_363 = arith.muli %sub3A_297, %mul3A_362 : i32
        %add3A_364 = vector.broadcast %mul3A_363 : i32 to vector<16xi32>
        %add3A_365 = arith.addi %add3A_364, %mul3A_268 : vector<16xi32>
        %add3A_366 = arith.constant 7 : i32
        %add3A_367 = vector.broadcast %add3A_366 : i32 to vector<16xi32>
        %add3A_368 = arith.addi %add3A_365, %add3A_367 : vector<16xi32>
        %gather3A_369 = tpu.vector_load_idx %arg7[%add3A_368] : memref<4096xi32, #tpu.memory_space<vmem>>[vector<16xi32>], vector<16xi32>,
        %add3A_370 = arith.addi %add3A_361, %gather3A_369 : vector<16xi32>
        %mul3A_371 = arith.constant 256 : i32
        %mul3A_372 = arith.muli %sub3A_297, %mul3A_371 : i32
        %add3A_373 = vector.broadcast %mul3A_372 : i32 to vector<16xi32>
        %add3A_374 = arith.addi %add3A_373, %mul3A_268 : vector<16xi32>
        %add3A_375 = arith.constant 8 : i32
        %add3A_376 = vector.broadcast %add3A_375 : i32 to vector<16xi32>
        %add3A_377 = arith.addi %add3A_374, %add3A_376 : vector<16xi32>
        %gather3A_378 = tpu.vector_load_idx %arg7[%add3A_377] : memref<4096xi32, #tpu.memory_space<vmem>>[vector<16xi32>], vector<16xi32>,
        %add3A_379 = arith.addi %add3A_370, %gather3A_378 : vector<16xi32>
        %mul3A_380 = arith.constant 256 : i32
        %mul3A_381 = arith.muli %sub3A_297, %mul3A_380 : i32
        %add3A_382 = vector.broadcast %mul3A_381 : i32 to vector<16xi32>
        %add3A_383 = arith.addi %add3A_382, %mul3A_268 : vector<16xi32>
        %add3A_384 = arith.constant 9 : i32
        %add3A_385 = vector.broadcast %add3A_384 : i32 to vector<16xi32>
        %add3A_386 = arith.addi %add3A_383, %add3A_385 : vector<16xi32>
        %gather3A_387 = tpu.vector_load_idx %arg7[%add3A_386] : memref<4096xi32, #tpu.memory_space<vmem>>[vector<16xi32>], vector<16xi32>,
        %add3A_388 = arith.addi %add3A_379, %gather3A_387 : vector<16xi32>
        %mul3A_389 = arith.constant 256 : i32
        %mul3A_390 = arith.muli %sub3A_297, %mul3A_389 : i32
        %add3A_391 = vector.broadcast %mul3A_390 : i32 to vector<16xi32>
        %add3A_392 = arith.addi %add3A_391, %mul3A_268 : vector<16xi32>
        %add3A_393 = arith.constant 10 : i32
        %add3A_394 = vector.broadcast %add3A_393 : i32 to vector<16xi32>
        %add3A_395 = arith.addi %add3A_392, %add3A_394 : vector<16xi32>
        %gather3A_396 = tpu.vector_load_idx %arg7[%add3A_395] : memref<4096xi32, #tpu.memory_space<vmem>>[vector<16xi32>], vector<16xi32>,
        %add3A_397 = arith.addi %add3A_388, %gather3A_396 : vector<16xi32>
        %mul3A_398 = arith.constant 256 : i32
        %mul3A_399 = arith.muli %sub3A_297, %mul3A_398 : i32
        %add3A_400 = vector.broadcast %mul3A_399 : i32 to vector<16xi32>
        %add3A_401 = arith.addi %add3A_400, %mul3A_268 : vector<16xi32>
        %add3A_402 = arith.constant 11 : i32
        %add3A_403 = vector.broadcast %add3A_402 : i32 to vector<16xi32>
        %add3A_404 = arith.addi %add3A_401, %add3A_403 : vector<16xi32>
        %gather3A_405 = tpu.vector_load_idx %arg7[%add3A_404] : memref<4096xi32, #tpu.memory_space<vmem>>[vector<16xi32>], vector<16xi32>,
        %add3A_406 = arith.addi %add3A_397, %gather3A_405 : vector<16xi32>
        %mul3A_407 = arith.constant 256 : i32
        %mul3A_408 = arith.muli %sub3A_297, %mul3A_407 : i32
        %add3A_409 = vector.broadcast %mul3A_408 : i32 to vector<16xi32>
        %add3A_410 = arith.addi %add3A_409, %mul3A_268 : vector<16xi32>
        %add3A_411 = arith.constant 12 : i32
        %add3A_412 = vector.broadcast %add3A_411 : i32 to vector<16xi32>
        %add3A_413 = arith.addi %add3A_410, %add3A_412 : vector<16xi32>
        %gather3A_414 = tpu.vector_load_idx %arg7[%add3A_413] : memref<4096xi32, #tpu.memory_space<vmem>>[vector<16xi32>], vector<16xi32>,
        %add3A_415 = arith.addi %add3A_406, %gather3A_414 : vector<16xi32>
        %mul3A_416 = arith.constant 256 : i32
        %mul3A_417 = arith.muli %sub3A_297, %mul3A_416 : i32
        %add3A_418 = vector.broadcast %mul3A_417 : i32 to vector<16xi32>
        %add3A_419 = arith.addi %add3A_418, %mul3A_268 : vector<16xi32>
        %add3A_420 = arith.constant 13 : i32
        %add3A_421 = vector.broadcast %add3A_420 : i32 to vector<16xi32>
        %add3A_422 = arith.addi %add3A_419, %add3A_421 : vector<16xi32>
        %gather3A_423 = tpu.vector_load_idx %arg7[%add3A_422] : memref<4096xi32, #tpu.memory_space<vmem>>[vector<16xi32>], vector<16xi32>,
        %add3A_424 = arith.addi %add3A_415, %gather3A_423 : vector<16xi32>
        %mul3A_425 = arith.constant 256 : i32
        %mul3A_426 = arith.muli %sub3A_297, %mul3A_425 : i32
        %add3A_427 = vector.broadcast %mul3A_426 : i32 to vector<16xi32>
        %add3A_428 = arith.addi %add3A_427, %mul3A_268 : vector<16xi32>
        %add3A_429 = arith.constant 14 : i32
        %add3A_430 = vector.broadcast %add3A_429 : i32 to vector<16xi32>
        %add3A_431 = arith.addi %add3A_428, %add3A_430 : vector<16xi32>
        %gather3A_432 = tpu.vector_load_idx %arg7[%add3A_431] : memref<4096xi32, #tpu.memory_space<vmem>>[vector<16xi32>], vector<16xi32>,
        %add3A_433 = arith.addi %add3A_424, %gather3A_432 : vector<16xi32>
        %mul3A_434 = arith.constant 256 : i32
        %mul3A_435 = arith.muli %sub3A_297, %mul3A_434 : i32
        %add3A_436 = vector.broadcast %mul3A_435 : i32 to vector<16xi32>
        %add3A_437 = arith.addi %add3A_436, %mul3A_268 : vector<16xi32>
        %add3A_438 = arith.constant 15 : i32
        %add3A_439 = vector.broadcast %add3A_438 : i32 to vector<16xi32>
        %add3A_440 = arith.addi %add3A_437, %add3A_439 : vector<16xi32>
        %gather3A_441 = tpu.vector_load_idx %arg7[%add3A_440] : memref<4096xi32, #tpu.memory_space<vmem>>[vector<16xi32>], vector<16xi32>,
        %add3A_442 = arith.addi %add3A_433, %gather3A_441 : vector<16xi32>
        %rev3A = arith.constant 15 : i32
        %rev3A_443 = vector.broadcast %rev3A : i32 to vector<16xi32>
        %rev3A_444 = tpu.iota {dimensions = array<i32: 0>} : vector<16xi32>
        %rev3A_445 = arith.subi %rev3A_443, %rev3A_444 : vector<16xi32>
        %rev3A_446 = tpu.dynamic_gather %add3A_442[%rev3A_445] in [0] : vector<16xi32>, vector<16xi32> -> vector<16xi32>
        %broadcast_in_dim3A_447 = arith.constant true
        %broadcast_in_dim3A_448 = vector.broadcast %broadcast_in_dim3A_447 : i1 to vector<16xi1>
        %masked_cumsum3A = tpu.scan <sum>, %rev3A_446 masked %broadcast_in_dim3A_448 : vector<16xi32>, vector<16xi1> -> vector<16xi32>
        %reduce_sum3A = arith.constant true
        %reduce_sum3A_449 = vector.broadcast %reduce_sum3A : i1 to vector<16xi1>
        %reduce_sum3A_450 = tpu.scan <sum>, %add3A_442 masked %reduce_sum3A_449 : vector<16xi32>, vector<16xi1> -> vector<16xi32>
        %reduce_sum3A_451 = vector.extract %reduce_sum3A_450[15] : i32 from vector<16xi32>
        %lt3A_452 = arith.cmpi slt, %scan3A_293, %sub3A_264 : i32
        %add3A_453 = arith.addi %scan3A_293, %reduce_sum3A_451 : i32
        %ge3A = arith.cmpi sge, %add3A_453, %sub3A_264 : i32
        %and3A = arith.andi %lt3A_452, %ge3A : i1
        %add3A_454 = vector.broadcast %scan3A_293 : i32 to vector<16xi32>
        %add3A_455 = arith.addi %add3A_454, %masked_cumsum3A : vector<16xi32>
        %lt3A_456 = vector.broadcast %sub3A_264 : i32 to vector<16xi32>
        %lt3A_457 = arith.cmpi slt, %add3A_455, %lt3A_456 : vector<16xi32>
        %convert_element_type3A_458 = arith.extui %lt3A_457 : vector<16xi1> to vector<16xi32>
        %reduce_sum3A_459 = arith.constant true
        %reduce_sum3A_460 = vector.broadcast %reduce_sum3A_459 : i1 to vector<16xi1>
        %reduce_sum3A_461 = tpu.scan <sum>, %convert_element_type3A_458 masked %reduce_sum3A_460 : vector<16xi32>, vector<16xi1> -> vector<16xi32>
        %reduce_sum3A_462 = vector.extract %reduce_sum3A_461[15] : i32 from vector<16xi32>
        %lt3A_463 = vector.broadcast %reduce_sum3A_462 : i32 to vector<16xi32>
        %lt3A_464 = arith.cmpi slt, %iota3A_265, %lt3A_463 : vector<16xi32>
        %jit3A = arith.constant 0 : i32
        %broadcast_in_dim3A_465 = vector.broadcast %jit3A : i32 to vector<16xi32>
        %select_n3A_466 = arith.select %lt3A_464, %rev3A_446, %broadcast_in_dim3A_465 : vector<16xi1>, vector<16xi32>
        %reduce_sum3A_467 = arith.constant true
        %reduce_sum3A_468 = vector.broadcast %reduce_sum3A_467 : i1 to vector<16xi1>
        %reduce_sum3A_469 = tpu.scan <sum>, %select_n3A_466 masked %reduce_sum3A_468 : vector<16xi32>, vector<16xi1> -> vector<16xi32>
        %reduce_sum3A_470 = vector.extract %reduce_sum3A_469[15] : i32 from vector<16xi32>
        %mul3A_471 = arith.constant 16 : i32
        %mul3A_472 = arith.muli %sub3A_297, %mul3A_471 : i32
        %add3A_473 = arith.constant 15 : i32
        %add3A_474 = arith.addi %mul3A_472, %add3A_473 : i32
        %sub3A_475 = arith.subi %add3A_474, %reduce_sum3A_462 : i32
        %select_n3A_476 = arith.select %and3A, %sub3A_475, %scan3A_294 : i32
        %add3A_477 = arith.addi %scan3A_293, %reduce_sum3A_470 : i32
        %select_n3A_478 = arith.select %and3A, %add3A_477, %scan3A_295 : i32
        %add3A_479 = arith.addi %scan3A_293, %reduce_sum3A_451 : i32
        scf.yield %add3A_479, %select_n3A_476, %select_n3A_478 : i32, i32, i32
      }
      %scan3A_277 = arith.constant 16 : i32
      %shift_left3A_278 = arith.constant 8 : i32
      %shift_left3A_279 = arith.shli %or3A_242, %shift_left3A_278 : i32
      %or3A_280 = arith.ori %shift_left3A_279, %scan3A_276#1 : i32
      %add3A_281 = arith.addi %add3A_243, %scan3A_276#2 : i32
      %shift_left3A_282 = arith.constant 0 : i32
      %shift_left3A_283 = arith.shli %or3A_280, %shift_left3A_282 : i32
      %eq3A = vector.broadcast %scan3A_23 : i32 to vector<16xi32>
      %eq3A_284 = arith.cmpi eq, %iota3A, %eq3A : vector<16xi32>
      %broadcast_in_dim3A_285 = vector.broadcast %shift_left3A_283 : i32 to vector<16xi32>
      %select_n3A = arith.select %eq3A_284, %broadcast_in_dim3A_285, %scan3A_24 : vector<16xi1>, vector<16xi32>
      %add3A_286 = arith.constant 8 : i32
      %add3A_287 = arith.addi %add3A_286, %scan3A_23 : i32
      %eq3A_288 = vector.broadcast %add3A_287 : i32 to vector<16xi32>
      %eq3A_289 = arith.cmpi eq, %iota3A, %eq3A_288 : vector<16xi32>
      %broadcast_in_dim3A_290 = vector.broadcast %add3A_281 : i32 to vector<16xi32>
      %select_n3A_291 = arith.select %eq3A_289, %broadcast_in_dim3A_290, %select_n3A : vector<16xi1>, vector<16xi32>
      scf.yield %select_n3A_291 : vector<16xi32>
    }
    %scan3A_21 = arith.constant 4 : i32
    %swap3A = arith.constant 0 : index
    %swap3A_22 = tpu.vector_load %arg9[%swap3A] {strides = array<i32>} : memref<16xi32, #tpu.memory_space<vmem>>, vector<16xi32>,
    tpu.vector_store %arg9[%swap3A], %scan3A_20 {strides = array<i32>} : memref<16xi32, #tpu.memory_space<vmem>>, vector<16xi32>,
    "tpu.region"() ({
      %run_scoped3A = tpu.sem_alloc : memref<!tpu.dma_semaphore, #tpu.memory_space<semaphore_mem>>
      %dma_start3A_23 = arith.constant 0 : i32
      %dma_start3A_24 = tpu.memref_slice %arg3[%add3A, %dma_start3A_23] : memref<32x16xi32, #tpu.memory_space<hbm>> -> memref<1x16xi32, #tpu.memory_space<hbm>>
      %dma_start3A_25 = tpu.memref_squeeze %dma_start3A_24 : memref<1x16xi32, #tpu.memory_space<hbm>> -> memref<16xi32, #tpu.memory_space<hbm>>
      %dma_start3A_26 = arith.constant 0 : i32
      %dma_start3A_27 = tpu.memref_slice %arg3[%add3A, %dma_start3A_26] : memref<32x16xi32, #tpu.memory_space<hbm>> -> memref<1x16xi32, #tpu.memory_space<hbm>>
      %dma_start3A_28 = tpu.memref_squeeze %dma_start3A_27 : memref<1x16xi32, #tpu.memory_space<hbm>> -> memref<16xi32, #tpu.memory_space<hbm>>
      tpu.enqueue_dma source(%arg9 : memref<16xi32, #tpu.memory_space<vmem>>) target(%dma_start3A_28 : memref<16xi32, #tpu.memory_space<hbm>>) target_semaphore(%run_scoped3A : memref<!tpu.dma_semaphore, #tpu.memory_space<semaphore_mem>>)
      %dma_wait3A = arith.constant 0 : i32
      %dma_wait3A_29 = tpu.memref_slice %arg3[%add3A, %dma_wait3A] : memref<32x16xi32, #tpu.memory_space<hbm>> -> memref<1x16xi32, #tpu.memory_space<hbm>>
      %dma_wait3A_30 = tpu.memref_squeeze %dma_wait3A_29 : memref<1x16xi32, #tpu.memory_space<hbm>> -> memref<16xi32, #tpu.memory_space<hbm>>
      %dma_wait3A_31 = arith.constant 0 : i32
      %dma_wait3A_32 = tpu.memref_slice %arg3[%add3A, %dma_wait3A_31] : memref<32x16xi32, #tpu.memory_space<hbm>> -> memref<1x16xi32, #tpu.memory_space<hbm>>
      %dma_wait3A_33 = tpu.memref_squeeze %dma_wait3A_32 : memref<1x16xi32, #tpu.memory_space<hbm>> -> memref<16xi32, #tpu.memory_space<hbm>>
      tpu.wait_dma2 semaphore(%run_scoped3A : memref<!tpu.dma_semaphore, #tpu.memory_space<semaphore_mem>>) src(%arg9 : memref<16xi32, #tpu.memory_space<vmem>>) dst(%dma_wait3A_33 : memref<16xi32, #tpu.memory_space<hbm>>)
      tpu.yield
    }) : () -> ()
    return
  }
}

module attributes {stable_mosaic.version = 14 : i64} {
  func.func @_tc_mask_body(%arg0: i32, %arg1: memref<8x32768xf32, #tpu.memory_space<vmem>>, %arg2: memref<8x1x1xi32, #tpu.memory_space<vmem>>, %arg3: memref<8x1x1xf32, #tpu.memory_space<vmem>>, %arg4: memref<8x32768xf32, #tpu.memory_space<vmem>>) attributes {dimension_semantics = [#tpu.dimension_semantics<arbitrary>], iteration_bounds = array<i64: 16>, scalar_prefetch = 0 : i64, scratch_operands = 0 : i64, tpu.core_type = #tpu.core_type<tc>, window_params = [{transform_indices = @transform_0, window_bounds = array<i64: 8, 32768>}, {transform_indices = @transform_1, window_bounds = array<i64: 8, 1, 1>}, {transform_indices = @transform_2, window_bounds = array<i64: 8, 1, 1>}, {transform_indices = @transform_3, window_bounds = array<i64: 8, 32768>}]} {
    %get3A = arith.constant 0 : index
    %get3A_0 = arith.constant 0 : index
    %get3A_1 = vector.load %arg1[%get3A, %get3A_0] : memref<8x32768xf32, #tpu.memory_space<vmem>>, vector<8x32768xf32>
    %reshape3A = vector.shape_cast %get3A_1 : vector<8x32768xf32> to vector<8x256x128xf32>
    %bitcast_convert_type3A = tpu.bitcast %reshape3A : vector<8x256x128xf32> -> vector<8x256x128xi32>
    %shift_right_arithmetic3A = arith.constant 31 : i32
    %shift_right_arithmetic3A_2 = vector.broadcast %shift_right_arithmetic3A : i32 to vector<8x256x128xi32>
    %shift_right_arithmetic3A_3 = arith.shrsi %bitcast_convert_type3A, %shift_right_arithmetic3A_2 : vector<8x256x128xi32>
    %and3A = arith.constant 2147483647 : i32
    %and3A_4 = vector.broadcast %and3A : i32 to vector<8x256x128xi32>
    %and3A_5 = arith.andi %shift_right_arithmetic3A_3, %and3A_4 : vector<8x256x128xi32>
    %xor3A = arith.xori %bitcast_convert_type3A, %and3A_5 : vector<8x256x128xi32>
    %get3A_6 = arith.constant 0 : index
    %get3A_7 = arith.constant 0 : index
    %get3A_8 = arith.constant 0 : index
    %get3A_9 = vector.load %arg2[%get3A_6, %get3A_7, %get3A_8] : memref<8x1x1xi32, #tpu.memory_space<vmem>>, vector<8x1x1xi32>
    %get3A_10 = arith.constant 0 : index
    %get3A_11 = arith.constant 0 : index
    %get3A_12 = arith.constant 0 : index
    %get3A_13 = vector.load %arg3[%get3A_10, %get3A_11, %get3A_12] : memref<8x1x1xf32, #tpu.memory_space<vmem>>, vector<8x1x1xf32>
    %gt3A = vector.broadcast %get3A_9 : vector<8x1x1xi32> to vector<8x256x128xi32>
    %gt3A_14 = arith.cmpi sgt, %xor3A, %gt3A : vector<8x256x128xi32>
    %eq3A = vector.broadcast %get3A_9 : vector<8x1x1xi32> to vector<8x256x128xi32>
    %eq3A_15 = arith.cmpi eq, %xor3A, %eq3A : vector<8x256x128xi32>
    %convert_element_type3A = arith.extui %eq3A_15 : vector<8x256x128xi1> to vector<8x256x128xi32>
    %convert_element_type3A_16 = arith.sitofp %convert_element_type3A : vector<8x256x128xi32> to vector<8x256x128xf32>
    %iota3A = tpu.iota {dimensions = array<i32: 0>} : vector<128x128xi32>
    %iota3A_17 = tpu.iota {dimensions = array<i32: 1>} : vector<128x128xi32>
    %lt3A = arith.cmpi slt, %iota3A, %iota3A_17 : vector<128x128xi32>
    %convert_element_type3A_18 = arith.extui %lt3A : vector<128x128xi1> to vector<128x128xi32>
    %convert_element_type3A_19 = arith.sitofp %convert_element_type3A_18 : vector<128x128xi32> to vector<128x128xf32>
    %dot_general3A = arith.constant dense<0.000000e+00> : vector<8x256x128xf32>
    %dot_general3A_20 = tpu.matmul %convert_element_type3A_16, %convert_element_type3A_19, %dot_general3A {dimension_numbers = #tpu.dot_dimension_numbers<[2], [0], [0, 1], [1], [0, 0, 0, 1, 1, 1], [], []>, transpose_lhs_hint = false} : vector<8x256x128xf32>, vector<128x128xf32>, vector<8x256x128xf32> -> vector<8x256x128xf32>
    %reduce_sum3A = arith.constant dense<0.000000e+00> : vector<8x256xf32>
    %reduce_sum3A_21 = vector.multi_reduction <add>, %convert_element_type3A_16, %reduce_sum3A [2] : vector<8x256x128xf32> to vector<8x256xf32>
    %iota3A_22 = tpu.iota {dimensions = array<i32: 0>} : vector<256x256xi32>
    %iota3A_23 = tpu.iota {dimensions = array<i32: 1>} : vector<256x256xi32>
    %lt3A_24 = arith.cmpi slt, %iota3A_22, %iota3A_23 : vector<256x256xi32>
    %convert_element_type3A_25 = arith.extui %lt3A_24 : vector<256x256xi1> to vector<256x256xi32>
    %convert_element_type3A_26 = arith.sitofp %convert_element_type3A_25 : vector<256x256xi32> to vector<256x256xf32>
    %dot_general3A_27 = arith.constant dense<0.000000e+00> : vector<8x256xf32>
    %dot_general3A_28 = tpu.matmul %reduce_sum3A_21, %convert_element_type3A_26, %dot_general3A_27 {dimension_numbers = #tpu.dot_dimension_numbers<[1], [0], [0], [1], [0, 0, 1, 1], [], []>, transpose_lhs_hint = false} : vector<8x256xf32>, vector<256x256xf32>, vector<8x256xf32> -> vector<8x256xf32>
    %broadcast_in_dim3A = vector.shape_cast %dot_general3A_28 : vector<8x256xf32> to vector<8x256x1xf32>
    %add3A = vector.broadcast %broadcast_in_dim3A : vector<8x256x1xf32> to vector<8x256x128xf32>
    %add3A_29 = arith.addf %dot_general3A_20, %add3A : vector<8x256x128xf32>
    %lt3A_30 = vector.broadcast %get3A_13 : vector<8x1x1xf32> to vector<8x256x128xf32>
    %lt3A_31 = arith.cmpf olt, %add3A_29, %lt3A_30 : vector<8x256x128xf32>
    %and3A_32 = arith.andi %eq3A_15, %lt3A_31 : vector<8x256x128xi1>
    %or3A = arith.ori %gt3A_14, %and3A_32 : vector<8x256x128xi1>
    %max3A = arith.constant 0.000000e+00 : f32
    %max3A_33 = vector.broadcast %max3A : f32 to vector<8x256x128xf32>
    %max3A_34 = arith.maximumf %reshape3A, %max3A_33 : vector<8x256x128xf32>
    %jit3A = arith.constant 0.000000e+00 : f32
    %broadcast_in_dim3A_35 = vector.broadcast %jit3A : f32 to vector<8x256x128xf32>
    %select_n3A = arith.select %or3A, %max3A_34, %broadcast_in_dim3A_35 : vector<8x256x128xi1>, vector<8x256x128xf32>
    %reshape3A_36 = vector.shape_cast %select_n3A : vector<8x256x128xf32> to vector<8x32768xf32>
    %swap3A = arith.constant 0 : index
    %swap3A_37 = arith.constant 0 : index
    %swap3A_38 = vector.load %arg4[%swap3A, %swap3A_37] : memref<8x32768xf32, #tpu.memory_space<vmem>>, vector<8x32768xf32>
    tpu.vector_store %arg4[%swap3A, %swap3A_37], %reshape3A_36 {strides = array<i32>} : memref<8x32768xf32, #tpu.memory_space<vmem>>, vector<8x32768xf32>,
    return
  }
  func.func @transform_0(%arg0: i32) -> (i32, i32) {
    %c0_i32 = arith.constant 0 : i32
    %c0_i32_0 = arith.constant 0 : i32
    return %arg0, %c0_i32 : i32, i32
  }
  func.func @transform_1(%arg0: i32) -> (i32, i32, i32) {
    %c0_i32 = arith.constant 0 : i32
    %c0_i32_0 = arith.constant 0 : i32
    %c0_i32_1 = arith.constant 0 : i32
    return %arg0, %c0_i32, %c0_i32_0 : i32, i32, i32
  }
  func.func @transform_2(%arg0: i32) -> (i32, i32, i32) {
    %c0_i32 = arith.constant 0 : i32
    %c0_i32_0 = arith.constant 0 : i32
    %c0_i32_1 = arith.constant 0 : i32
    return %arg0, %c0_i32, %c0_i32_0 : i32, i32, i32
  }
  func.func @transform_3(%arg0: i32) -> (i32, i32) {
    %c0_i32 = arith.constant 0 : i32
    %c0_i32_0 = arith.constant 0 : i32
    return %arg0, %c0_i32 : i32, i32
  }
}

</mosaic_0001>

<sc_bundles>
// kernel: kernel.4.cloned.1.call-start
scs
__scs_entry_jumppad:
0x0: {  	(pc) =	sbr.rel $0x88, $3  }
0x1: {  	(tag) =	ssettag $0x0;
	lr =	simm.s32 $0x1  }
0x2: {  	[smem:$0x3FA0] =	sst lr;
	_ =	strace $0xD0000000  }
0x3: {  	_ = 	snop  }
0x4: {  	_ = 	snop  }
0x5: {  	_ = 	snop  }
0x6: {  	_ = 	snop  }
0x7: {  	_ = 	snop  }
__scs_overlays_trampoline_lowered:
0x8: {  	[smem:$0x3FAF] =	sst s0  }
0x9: {  	[smem:$0x3FB0] =	sst s1  }
0xa: {  	[smem:$0x3FB1] =	sst s2  }
0xb: {  	[smem:$0x3FB2] =	sst s3  }
0xc: {  	[smem:$0x3FB3] =	sst s4  }
0xd: {  	[smem:$0x3FB4] =	sst s5  }
0xe: {  	[smem:$0x3FB5] =	sst s6  }
0xf: {  	[smem:$0x3FB6] =	sst s7  }
0x10: {  	[smem:$0x3FB7] =	sst s8  }
0x11: {  	[smem:$0x3FB8] =	sst s9;
	s0 =	simm.s32 @!p0 $0x0  }
0x12: {  	s1 =	sld [smem:$0x3F9E];
	s0 =	simm.s32 @p0 $0x1  }
0x13: {  	[smem:$0x3FB9] =	sst s0;
	s0 =	simm.s32 @!p1 $0x0  }
0x14: {  	s2 =	sld [smem:$0x3F9D];
	s0 =	simm.s32 @p1 $0x1  }
0x15: {  	[smem:$0x3FBA] =	sst s0;
	s0 =	simm.s32 @!p2 $0x0  }
0x16: {  	s3 =	sld [smem:$0x3FDB];
	s0 =	simm.s32 @p2 $0x1  }
0x17: {  	s4 =	simm.s32 $0x1BF5;
	[smem:$0x3FBC] =	sst s0  }
0x18: {  	s0 =	sld [smem:$0x3F9F];
	_ =	swait.ge [sflag:s4], $0x0  }
0x19: {  	s7 =	sld [smem:$0x3FA0]  }
0x1a: {  	s8 =	sadd.s32 $0xFFFFE003, lr  }
0x1b: {  	s9 =	sadd.s32 $0xFFFFFEF7, lr;
	s5 =	simm.s32 $0xFFFFFFFF;
	p2 =	slt.u32 s8, $0xFFFFF086  }
0x1c: {  	p1 =	slt.u32 s9, $0xF7A;
	s5 =	simm.s32 @!p2 $0x0  }
0x1d: {  	s5 =	simm.s32 @p1 $0x1;
	p0 =	seq.s32 s7, s2  }
0x1e: {  	s7 =	smul.u32 @!p0 $0xF7A, s2;
	p2 =	seq.s32 @!p0 s5, $0x0  }
0x1f: {  	s9 =	smul.u32 $0xF7A, s1;
	s8 =	simm.s32 @!p0 $0x1BF5;
	p2 =	por !p2, p0  }
0x20: {  	[sflag:s8] =	ssyncset.s32 @!p0 $0xFFFFF086;
	s6 =	sadd.s32 @!p0 s3, s7;
	s7 =	simm.s32 @!p0 $0x108  }
0x21: {  	s3 =	sadd.s32 s3, s9;
	s6 =	sadd.s32 @!p0 $0x88, s6;
	s7 =	simm.s32 @p2 $0x1082  }
0x22: {  	[simem:s7], [sflag:s8] =	dma.local @!p0 [hbm:s6], $0xF7A  }
0x23: {  	s9 =	sor.u32 $0xD0000000, s2;
	s6 =	simm.s32 $0x108;
	_ =	swait.ge @!p0 [sflag:s8], $0x0  }
0x24: {  	s3 =	sadd.s32 $0x88, s3;
	s6 =	simm.s32 @!p1 $0x1082;
	[sflag:s4] =	ssyncset.s32 $0xFFFFF086  }
0x25: {  	[simem:s6], [sflag:s4] =	dma.local [hbm:s3], $0xF7A  }
0x26: {  	[smem:$0x3FA0] =	sst s1;
	(tag) =	ssettag s2;
	_ =	strace s9  }
0x27: {  	s1 =	sld [smem:$0x3FB0]  }
0x28: {  	s2 =	sld [smem:$0x3FB1]  }
0x29: {  	s4 =	sld [smem:$0x3FB3]  }
0x2a: {  	p0 =	seq.s32 s5, $0x0;
	s5 =	sld [smem:$0x3FB4]  }
0x2b: {  	s6 =	sld [smem:$0x3FB5]  }
0x2c: {  	s7 =	sld [smem:$0x3FB6]  }
0x2d: {  	s3 =	simm.s32 $0x108;
	s8 =	sld [smem:$0x3FB7]  }
0x2e: {  	s3 =	simm.s32 @!p0 $0x1082;
	s9 =	sld [smem:$0x3FB8]  }
0x2f: {  	lr =	sadd.s32 s0, s3;
	s0 =	sld [smem:$0x3FAF]  }
0x30: {  	s3 =	sld [smem:$0x3FB2]  }
0x31: {  	[smem:$0x3FBB] =	sst s10  }
0x32: {  	s10 =	sld [smem:$0x3FB9];
	_ =	sdelay $0x3  }
0x33: {  	p0 =	seq.s32 s10, $0x1;
	s10 =	sld [smem:$0x3FBB];
	_ =	sdelay $0x3  }
0x34: {  	[smem:$0x3FBB] =	sst s10  }
0x35: {  	s10 =	sld [smem:$0x3FBA];
	_ =	sdelay $0x3  }
0x36: {  	p1 =	seq.s32 s10, $0x1;
	s10 =	sld [smem:$0x3FBB];
	_ =	sdelay $0x3  }
0x37: {  	[smem:$0x3FBB] =	sst s10  }
0x38: {  	s10 =	sld [smem:$0x3FBC]  }
0x39: {  	_ = 	snop;
	(pc) =	sbr.ind lr, $3  }
0x3a: {  	_ = 	snop  }
0x3b: {  	_ = 	snop  }
0x3c: {  	p2 =	seq.s32 s10, $0x1;
	s10 =	sld [smem:$0x3FBB]  }
0x3d: {  	_ =	shalt  }
0x3e: {  	_ =	shalt  }
0x3f: {  	_ =	shalt  }
0x40: {  	_ =	shalt  }
0x41: {  	_ =	shalt  }
0x42: {  	_ =	shalt  }
0x43: {  	_ =	shalt  }
0x44: {  	_ =	shalt  }
0x45: {  	_ =	shalt  }
0x46: {  	_ =	shalt  }
0x47: {  	_ =	shalt  }
0x48: {  	_ =	shalt  }
0x49: {  	_ =	shalt  }
0x4a: {  	_ =	shalt  }
0x4b: {  	_ =	shalt  }
0x4c: {  	_ =	shalt  }
0x4d: {  	_ =	shalt  }
0x4e: {  	_ =	shalt  }
0x4f: {  	_ =	shalt  }
0x50: {  	_ =	shalt  }
0x51: {  	_ =	shalt  }
0x52: {  	_ =	shalt  }
0x53: {  	_ =	shalt  }
0x54: {  	_ =	shalt  }
0x55: {  	_ =	shalt  }
0x56: {  	_ =	shalt  }
0x57: {  	_ =	shalt  }
0x58: {  	_ =	shalt  }
0x59: {  	_ =	shalt  }
0x5a: {  	_ =	shalt  }
0x5b: {  	_ =	shalt  }
0x5c: {  	_ =	shalt  }
0x5d: {  	_ =	shalt  }
0x5e: {  	_ =	shalt  }
0x5f: {  	_ =	shalt  }
0x60: {  	_ =	shalt  }
0x61: {  	_ =	shalt  }
0x62: {  	_ =	shalt  }
0x63: {  	_ =	shalt  }
0x64: {  	_ =	shalt  }
0x65: {  	_ =	shalt  }
0x66: {  	_ =	shalt  }
0x67: {  	_ =	shalt  }
0x68: {  	_ =	shalt  }
0x69: {  	_ =	shalt  }
0x6a: {  	_ =	shalt  }
0x6b: {  	_ =	shalt  }
0x6c: {  	_ =	shalt  }
0x6d: {  	_ =	shalt  }
0x6e: {  	_ =	shalt  }
0x6f: {  	_ =	shalt  }
0x70: {  	_ =	shalt  }
0x71: {  	_ =	shalt  }
0x72: {  	_ =	shalt  }
0x73: {  	_ =	shalt  }
0x74: {  	_ =	shalt  }
0x75: {  	_ =	shalt  }
0x76: {  	_ =	shalt  }
0x77: {  	_ =	shalt  }
0x78: {  	_ =	shalt  }
0x79: {  	_ =	shalt  }
0x7a: {  	_ =	shalt  }
0x7b: {  	_ =	shalt  }
0x7c: {  	_ =	shalt  }
0x7d: {  	_ =	shalt  }
0x7e: {  	_ =	shalt  }
0x7f: {  	_ =	shalt  }
0x80: {  	_ =	shalt  }
0x81: {  	_ =	shalt  }
0x82: {  	_ =	shalt  }
0x83: {  	_ =	shalt  }
0x84: {  	_ =	shalt  }
0x85: {  	_ =	shalt  }
0x86: {  	_ =	shalt  }
0x87: {  	_ =	shalt  }
.Lfunc_end0:
.L_simem_size_0:
called_computation_lowered:
.L_overlay_start_0:
0x88: {  	s2 =	sld [smem:$0x3FD9]  }
0x89: {  	s3 =	sld [smem:$0x3FFE];
	_ =	sdelay $0x1  }
0x8a: {  	s1 =	srdreg.scid  }
0x8b: {  	s0 =	sand.u32 $0x1, s1  }
0x8c: {  	s18 =	sshll.u32 s0, $0xA;
	s2 =	sadd.s32 s3, s2  }
0x8d: {  	s2 =	sadd.s32 s2, s18  }
0x8e: {  	[smem:$0x3FC7] =	sst s2  }
0x8f: {  	_ = 	snop  }
0x90: {  	s2 =	sld [smem:$0x3FC9]  }
0x91: {  	s19 =	sld [smem:$0x3FD0];
	(tm) =	ssettm $0x1  }
0x92: {  	s4 =	sld [smem:$0x3FFB];
	_ =	sdelay $0x3  }
0x93: {  	_ =	strace s4  }
0x94: {  	s4 =	sld [smem:$0x3FFC];
	_ =	sdelay $0x3  }
0x95: {  	_ =	strace s4  }
0x96: {  	s4 =	sld [smem:$0x3FFD];
	_ =	sdelay $0x3  }
0x97: {  	_ =	strace s4  }
0x98: {  	_ =	strace $0x8FFFFFFF  }
0x99: {  	s20 =	sld [smem:$0x3FDB];
	_ =	sdelay $0x1  }
0x9a: {  	s5 =	simm.s32 $_scs_section_size  }
0x9b: {  	s6 =	simm.s32 $_size__tile_overlayer_lowered;
	s7 =	simm.s32 $_tile_overlayer_lowered  }
0x9c: {  	s23 =	simm.s32 $0x1BFF;
	s22 =	sshll.u32 s7, $0x1;
	s4 =	sadd.s32 s5, s20  }
0x9d: {  	s8 =	simm.s32 $0x0;
	s21 =	sshll.u32 s6, $0x1;
	s6 =	sadd.s32 s22, s4  }
0x9e: {  	[timem:s8], [sflag:s23] =	dma.local [hbm:s6], s21  }
0x9f: {  	_ =	swait.ge [sflag:s23], s21  }
0xa0: {  	s5 =	ssub.s32 $0x0, s21;
	[sflag:s23] =	ssyncset.done $0x0  }
0xa1: {  	[sflag:s23] =	ssyncadd.s32 s5;
	_ =	sdelay $0x1  }
0xa2: {  	s24 =	simm.s32 $0x1B8B  }
0xa3: {  	_ =	swait.ge [sflag:s24], $0x1  }
0xa4: {  	[sflag:s24] =	ssyncset.done $0x0  }
0xa5: {  	s25 =	simm.s32 $0x1B8E;
	[sflag:s24] =	ssyncadd.s32 $0xFFFFFFFF  }
0xa6: {  	s26 =	simm.s32 $execute0_lowered;
	[smem:$0x3FD2] =	sst s25  }
0xa7: {  	s5 =	sshll.u32 s26, $0x1;
	_ =	strace $0x80000046;
	[dreg:$0x1] =	wrdreg $0xFFFFFFFF  }
0xa8: {  	s28 =	simm.s32 $_size_execute0_lowered;
	s4 =	sadd.s32 s4, s5;
	[dreg:$0x0] =	wrdreg $0x0  }
0xa9: {  	s5 =	sshll.u32 s28, $0x1;
	[dreg:$0x2] =	wrdreg s4  }
0xaa: {  	[dreg:$0x3] =	wrdreg s5  }
0xab: {  	[dreg:$0x4] =	wrdreg $0xC0  }
0xac: {  	_ =	task [dreg:s8], $0x5FFFF  }
0xad: {  	[dreg:$0x1] =	wrdreg $0xFFFFFFFF  }
0xae: {  	[dreg:$0x0] =	wrdreg $0x60  }
0xaf: {  	[dreg:$0x2] =	wrdreg s2  }
0xb0: {  	[dreg:$0x3] =	wrdreg s19  }
0xb1: {  	[dreg:$0x4] =	wrdreg $0x9  }
0xb2: {  	_ =	task.clear_ibuf [dreg:s8], $0x5FFFF;
	_ =	strace $0x90000046  }
0xb3: {  	s29 =	simm.s32 $0x9;
	_ =	strace $0x80000048  }
0xb4: {  	_ =	swait.ge [sflag:s29], $0x1  }
0xb5: {  	[sflag:s29] =	ssyncadd.s32 $0xFFFFFFFF  }
0xb6: {  	_ =	strace $0x90000048  }
0xb7: {  	_ =	sfence  }
0xb8: {  	s30 =	sld [smem:$0x0];
	_ =	sdelay $0x2  }
0xb9: {  	s31 =	sshll.u32 s1, $0xD;
	s1 =	sshrl.u32 s1, $0x2  }
0xba: {  	s3 =	sand.u32 $0x4000, s31;
	s1 =	sadd.s32 s1, s30  }
0xbb: {  	s0 =	sor.u32 s3, s0;
	s1 =	sshll.u32 s1, $0x11  }
0xbc: {  	s0 =	sor.u32 s1, s0  }
0xbd: {  	s0 =	sadd.s32 $0x8F2B, s0  }
0xbe: {  	[sflag:s0] =	ssyncadd.remote.s32 $0x1  }
0xbf: {  	_ =	sfence.sel $0xFFFF  }
0xc0: {  	[dreg:$0x0] =	wrdreg $0xFFFFFFFF;
	(pc) =	sbr.abs _section_cstart, $3  }
0xc1: {  	[dreg:$0x1] =	wrdreg $0xFFFFFFFF  }
0xc2: {  	_ =	task.clear_ibuf [dreg:s8], $0x2FFFF;
	_ =	strace $0x9FFFFFFF  }
0xc3: {  	(tm) =	ssettm $0x7FFFFFFF  }
tec
execute0_lowered:
.L_overlay_start_1:
0x0: {  	(tag) =	ssettag $0x1  }
0x1: {  	s7 =	rddreg [dreg:$0x0]  }
0x2: {  	s0 =	rddreg [dreg:$0x1];
	s8 =	simm.s32 $0x0;
	s1 =	srdreg.scid  }
0x3: {  	s2 =	stileid.u32;
	s13 =	simm.s32 $0x1;
	s14 =	simm.s32 $0x2  }
0x4: {  	[smem:$0x7FF] =	sst s8;
	s1 =	sand.u32 $0x1, s1;
	s2 =	sshll.u32 s2, $0x1  }
0x5: {  	s15 =	simm.s32 $0x10080;
	_ =	strace $0x80000047;
	s2 =	sor.u32 s1, s2  }
0x6: {  	s3 =	ssub.s32 $0x2, s1;
	s1 =	sshll.u32 s1, $0x9;
	s4 =	sshll.u32 s2, $0x11  }
0x7: {  	s5 =	sshrl.u32 s3, $0x1;
	s30 =	sshll.u32 s2, $0x4;
	s6 =	sand.u32 $0x3C0000, s4  }
0x8: {  	s4 =	sor.u32 s1, s4;
	s3 =	ssub.s32 s3, s5;
	s0 =	sadd.s32 s0, s30  }
.Ltmp0:
0x9: {  	s1 =	sor.u32 s1, s6;
	s28 =	sshrl.u32 s4, $0x3;
	(pc) =	sbr.rel .LBB2_1-.Ltmp0, $4  }
0xa: {  	[dreg:$0x5] =	wrdreg s0;
	s31 =	smax.u32 s3, $0x1;
	s1 =	sshrl.u32 s1, $0x3  }
0xb: {  	s5 =	sor.u32 $0x4000, s28;
	[dreg:$0x6] =	wrdreg s31;
	s1 =	sadd.s32 s7, s1  }
0xc: {  	s4 =	sshll.u32 s2, $0x2;
	s29 =	sadd.s32 s7, s5;
	[dreg:$0x3] =	wrdreg s1  }
0xd: {  	v0 =	vimm.s32 $0x0;
	v1 =	vlaneseq.u32;
	v2 =	vimm.s32 $0x1;
	s2 =	simm.s32 $0x0;
	s7 =	sadd.s32 $0x4000, s7;
	[dreg:$0x4] =	wrdreg s29  }
.LBB2_97:
0xe: {  	s8 =	simm.s32 $0x0  }
0xf: {  	[tilespmem:$0x11880] =	vst v3;
	s0 =	rddreg [dreg:$0x5];
	s1 =	simm.s32 $0x11880;
	s30 =	simm.s32 $0x3  }
0x10: {  	[hbm4b:s0+s8] =	stream.linear.scatter [tilespmem:s1], [sflag:$0x3], $0x80, $0x38;
	[tilespmem:$0x11900] =	vst v63  }
0x11: {  	_ =	swait.ge [sflag:s30], $0x80  }
0x12: {  	s2 =	rddreg [dreg:$0x7]  }
0x13: {  	s31 =	rddreg [dreg:$0x6];
	s2 =	sadd.s32 $0x1, s2  }
0x14: {  	p0 =	sne.s32 s2, s31  }
.Ltmp1:
0x15: {  	_ = 	snop;
	(pc) =	sbr.rel @!p0 .LBB2_98-.Ltmp1, $3  }
0x16: {  	_ =	sdelay $0x1  }
0x17: {  	[sflag:s30] =	ssyncset.done $0x0  }
0x18: {  	[sflag:s30] =	ssyncadd.s32 $0xFFFFFF80  }
.LBB2_1:
0x19: {  	[dreg:$0x7] =	wrdreg s2  }
0x1a: {  	s0 =	rddreg [dreg:$0x3];
	s1 =	simm.s32 $0x80;
	s30 =	simm.s32 $0x400  }
0x1b: {  	[tilespmem:s8], [sflag:$0x1] =	stream.strided.gather [hbm4b:s0+s1], $0x4000, s30, s1, $0x38;
	[tilespmem:$0x11900] =	vst v63  }
0x1c: {  	s31 =	rddreg [dreg:$0x4];
	s3 =	simm.s32 $0x4000;
	s19 =	simm.s32 $0x0  }
0x1d: {  	v3 =	vimm.s32 $0x0;
	[tilespmem:s3], [sflag:$0x2] =	stream.strided.gather [hbm4b:s31+s1], $0x4000, s30, s1, $0x38;
	[tilespmem:$0x11900] =	vst v63  }
.LBB2_2:
0x1e: {  	_ =	swait.ge [sflag:s13], $0x4000  }
0x1f: {  	[sflag:s13] =	ssyncset.done $0x0  }
0x20: {  	s2 =	simm.s32 $0x80;
	[sflag:s13] =	ssyncadd.s32 $0xFFFFC000  }
0x21: {  	v4 =	vld [tilespmem:s2+$0xFFFFFF80]  }
0x22: {  	s0 =	simm.s32 $0x0;
	s10 =	simm.s32 $0x40;
	v5 =	vld [tilespmem:s2+$0xFFFFFF90]  }
.LBB2_3:
0x23: {  	p0 =	sne.s32 s10, $0xFC0  }
0x24: {  	v6 =	vld [tilespmem:s2+$0xFFFFFFA0];
	_ =	sdelay $0x1  }
0x25: {  	v7 =	vld [tilespmem:s2+$0xFFFFFFB0]  }
0x26: {  	v8 =	vshra.s32 v4, $0x1F;
	v9 =	vshra.s32 v5, $0x1F  }
0x27: {  	v8 =	vand.u32 $0x7FFFFFFF, v8;
	v9 =	vand.u32 $0x7FFFFFFF, v9;
	v10 =	vld [tilespmem:s2+$0xFFFFFFC0]  }
0x28: {  	v4 =	vxor.u32 v4, v8;
	v5 =	vxor.u32 v5, v9;
	v8 =	vshra.s32 v6, $0x1F  }
0x29: {  	vm0 =	vgt.s32 v4, v5;
	v8 =	vand.u32 $0x7FFFFFFF, v8;
	v9 =	vld [tilespmem:s2+$0xFFFFFFD0]  }
0x2a: {  	v4 =	vsel vm0, v4, v5;
	v5 =	vxor.u32 v6, v8;
	v6 =	vshra.s32 v7, $0x1F  }
0x2b: {  	vm0 =	vgt.s32 v4, v5;
	v6 =	vand.u32 $0x7FFFFFFF, v6;
	v8 =	vld [tilespmem:s2+$0xFFFFFFE0]  }
0x2c: {  	v4 =	vsel vm0, v4, v5;
	v5 =	vxor.u32 v7, v6;
	v6 =	vshra.s32 v10, $0x1F  }
0x2d: {  	vm0 =	vgt.s32 v4, v5;
	v6 =	vand.u32 $0x7FFFFFFF, v6;
	v7 =	vld [tilespmem:s2+$0xFFFFFFF0]  }
0x2e: {  	v4 =	vsel vm0, v4, v5;
	v5 =	vxor.u32 v10, v6;
	v6 =	vshra.s32 v9, $0x1F  }
0x2f: {  	vm0 =	vgt.s32 v4, v5;
	v6 =	vand.u32 $0x7FFFFFFF, v6;
	v10 =	vld [tilespmem:s2+$0x0]  }
0x30: {  	v4 =	vsel vm0, v4, v5;
	v5 =	vxor.u32 v9, v6;
	v6 =	vshra.s32 v8, $0x1F  }
0x31: {  	vm0 =	vgt.s32 v4, v5;
	v6 =	vand.u32 $0x7FFFFFFF, v6;
	v9 =	vld [tilespmem:s2+$0x10]  }
0x32: {  	v4 =	vsel vm0, v4, v5;
	v5 =	vxor.u32 v8, v6;
	v6 =	vshra.s32 v7, $0x1F  }
0x33: {  	vm0 =	vgt.s32 v4, v5;
	v6 =	vand.u32 $0x7FFFFFFF, v6;
	v8 =	vld [tilespmem:s2+$0x20]  }
0x34: {  	v4 =	vsel vm0, v4, v5;
	v5 =	vxor.u32 v7, v6;
	v6 =	vshra.s32 v10, $0x1F  }
0x35: {  	vm0 =	vgt.s32 v4, v5;
	v6 =	vand.u32 $0x7FFFFFFF, v6;
	v7 =	vld [tilespmem:s2+$0x30]  }
0x36: {  	v4 =	vsel vm0, v4, v5;
	v5 =	vxor.u32 v10, v6;
	v6 =	vshra.s32 v9, $0x1F  }
0x37: {  	vm0 =	vgt.s32 v4, v5;
	v6 =	vand.u32 $0x7FFFFFFF, v6;
	v10 =	vld [tilespmem:s2+$0x40]  }
0x38: {  	v4 =	vsel vm0, v4, v5;
	v5 =	vxor.u32 v9, v6;
	v6 =	vshra.s32 v8, $0x1F  }
0x39: {  	vm0 =	vgt.s32 v4, v5;
	v6 =	vand.u32 $0x7FFFFFFF, v6;
	v9 =	vld [tilespmem:s2+$0x50]  }
0x3a: {  	v4 =	vsel vm0, v4, v5;
	v5 =	vxor.u32 v8, v6;
	v6 =	vshra.s32 v7, $0x1F  }
0x3b: {  	vm0 =	vgt.s32 v4, v5;
	v6 =	vand.u32 $0x7FFFFFFF, v6;
	v8 =	vld [tilespmem:s2+$0x60]  }
0x3c: {  	v4 =	vsel vm0, v4, v5;
	v5 =	vxor.u32 v7, v6;
	v6 =	vshra.s32 v10, $0x1F  }
0x3d: {  	vm0 =	vgt.s32 v4, v5;
	v6 =	vand.u32 $0x7FFFFFFF, v6;
	v7 =	vld [tilespmem:s2+$0x70]  }
0x3e: {  	v4 =	vsel vm0, v4, v5;
	v5 =	vxor.u32 v10, v6;
	v6 =	vshra.s32 v9, $0x1F  }
0x3f: {  	vm0 =	vgt.s32 v4, v5;
	v6 =	vand.u32 $0x7FFFFFFF, v6  }
0x40: {  	v4 =	vsel vm0, v4, v5;
	v5 =	vxor.u32 v9, v6;
	v6 =	vshra.s32 v8, $0x1F  }
0x41: {  	vm0 =	vgt.s32 v4, v5;
	v6 =	vand.u32 $0x7FFFFFFF, v6  }
0x42: {  	v4 =	vsel vm0, v4, v5;
	v5 =	vxor.u32 v8, v6;
	v6 =	vshra.s32 v7, $0x1F  }
0x43: {  	vm0 =	vgt.s32 v4, v5;
	v6 =	vand.u32 $0x7FFFFFFF, v6  }
0x44: {  	v4 =	vsel vm0, v4, v5;
	v5 =	vxor.u32 v7, v6  }
0x45: {  	vm0 =	vgt.s32 v4, v5  }
.Ltmp2:
0x46: {  	v4 =	vsel vm0, v4, v5;
	(pc) =	sbr.rel @p0 .LBB2_3-.Ltmp2, $4  }
0x47: {  	s1 =	sshra.s32 s0, $0x2;
	s0 =	smov.u32 s10;
	v4 =	vxor.u32 $0x80000000, v4  }
0x48: {  	s2 =	sadd.s32 $0x100, s2;
	[tilespmem:s1+$0x11080] =	vst v4  }
0x49: {  	v4 =	vld [tilespmem:s2+$0xFFFFFF80]  }
0x4a: {  	s10 =	sadd.s32 $0x40, s10;
	v5 =	vld [tilespmem:s2+$0xFFFFFF90]  }
0x4b: {  	_ = 	snop  }
0x4c: {  	v6 =	vld [tilespmem:s2+$0xFFFFFFA0];
	_ =	sdelay $0x1  }
0x4d: {  	v7 =	vld [tilespmem:s2+$0xFFFFFFB0]  }
0x4e: {  	v8 =	vshra.s32 v4, $0x1F;
	v9 =	vshra.s32 v5, $0x1F  }
0x4f: {  	v10 =	vld [tilespmem:s2+$0xFFFFFFC0];
	v8 =	vand.u32 $0x7FFFFFFF, v8;
	v9 =	vand.u32 $0x7FFFFFFF, v9  }
0x50: {  	v4 =	vxor.u32 v4, v8;
	v55 =	vshra.s32 v6, $0x1F;
	v5 =	vxor.u32 v5, v9  }
0x51: {  	v56 =	vld [tilespmem:s2+$0xFFFFFFD0];
	v8 =	vand.u32 $0x7FFFFFFF, v55;
	vm0 =	vgt.s32 v4, v5  }
0x52: {  	v4 =	vsel vm0, v4, v5;
	v5 =	vxor.u32 v6, v8;
	v6 =	vshra.s32 v7, $0x1F  }
0x53: {  	v57 =	vld [tilespmem:s2+$0xFFFFFFE0];
	vm0 =	vgt.s32 v4, v5;
	v6 =	vand.u32 $0x7FFFFFFF, v6  }
0x54: {  	v4 =	vsel vm0, v4, v5;
	v5 =	vxor.u32 v7, v6;
	v6 =	vshra.s32 v10, $0x1F  }
0x55: {  	v7 =	vld [tilespmem:s2+$0xFFFFFFF0];
	vm0 =	vgt.s32 v4, v5;
	v6 =	vand.u32 $0x7FFFFFFF, v6  }
0x56: {  	v4 =	vsel vm0, v4, v5;
	v5 =	vxor.u32 v10, v6;
	v6 =	vshra.s32 v56, $0x1F  }
0x57: {  	v58 =	vld [tilespmem:s2+$0x0];
	vm0 =	vgt.s32 v4, v5;
	v6 =	vand.u32 $0x7FFFFFFF, v6  }
0x58: {  	v4 =	vsel vm0, v4, v5;
	v5 =	vxor.u32 v56, v6;
	v6 =	vshra.s32 v57, $0x1F  }
0x59: {  	v59 =	vld [tilespmem:s2+$0x10];
	vm0 =	vgt.s32 v4, v5;
	v6 =	vand.u32 $0x7FFFFFFF, v6  }
0x5a: {  	v4 =	vsel vm0, v4, v5;
	v5 =	vxor.u32 v57, v6;
	v6 =	vshra.s32 v7, $0x1F  }
0x5b: {  	v60 =	vld [tilespmem:s2+$0x20];
	vm0 =	vgt.s32 v4, v5;
	v6 =	vand.u32 $0x7FFFFFFF, v6  }
0x5c: {  	v4 =	vsel vm0, v4, v5;
	v5 =	vxor.u32 v7, v6;
	v6 =	vshra.s32 v58, $0x1F  }
0x5d: {  	v7 =	vld [tilespmem:s2+$0x30];
	vm0 =	vgt.s32 v4, v5;
	v6 =	vand.u32 $0x7FFFFFFF, v6  }
0x5e: {  	v4 =	vsel vm0, v4, v5;
	v5 =	vxor.u32 v58, v6;
	v6 =	vshra.s32 v59, $0x1F  }
0x5f: {  	v61 =	vld [tilespmem:s2+$0x40];
	vm0 =	vgt.s32 v4, v5;
	v6 =	vand.u32 $0x7FFFFFFF, v6  }
0x60: {  	v4 =	vsel vm0, v4, v5;
	v5 =	vxor.u32 v59, v6;
	v6 =	vshra.s32 v60, $0x1F  }
0x61: {  	v62 =	vld [tilespmem:s2+$0x50];
	vm0 =	vgt.s32 v4, v5;
	v6 =	vand.u32 $0x7FFFFFFF, v6  }
0x62: {  	v4 =	vsel vm0, v4, v5;
	v5 =	vxor.u32 v60, v6;
	v6 =	vshra.s32 v7, $0x1F  }
0x63: {  	v63 =	vld [tilespmem:s2+$0x60];
	vm0 =	vgt.s32 v4, v5;
	v6 =	vand.u32 $0x7FFFFFFF, v6  }
0x64: {  	v4 =	vsel vm0, v4, v5;
	v5 =	vxor.u32 v7, v6;
	v6 =	vshra.s32 v61, $0x1F  }
0x65: {  	v7 =	vld [tilespmem:s2+$0x70];
	vm0 =	vgt.s32 v4, v5;
	v6 =	vand.u32 $0x7FFFFFFF, v6  }
0x66: {  	v4 =	vsel vm0, v4, v5;
	v5 =	vxor.u32 v61, v6;
	v6 =	vshra.s32 v62, $0x1F  }
0x67: {  	vm0 =	vgt.s32 v4, v5;
	v6 =	vand.u32 $0x7FFFFFFF, v6  }
0x68: {  	v4 =	vsel vm0, v4, v5;
	v5 =	vxor.u32 v62, v6;
	v6 =	vshra.s32 v63, $0x1F  }
0x69: {  	vm0 =	vgt.s32 v4, v5;
	v6 =	vand.u32 $0x7FFFFFFF, v6  }
0x6a: {  	v4 =	vsel vm0, v4, v5;
	v5 =	vxor.u32 v63, v6;
	v6 =	vshra.s32 v7, $0x1F  }
0x6b: {  	vm0 =	vgt.s32 v4, v5;
	v6 =	vand.u32 $0x7FFFFFFF, v6  }
0x6c: {  	v4 =	vsel vm0, v4, v5;
	v5 =	vxor.u32 v7, v6  }
0x6d: {  	vm0 =	vgt.s32 v4, v5  }
0x6e: {  	v4 =	vsel vm0, v4, v5  }
0x6f: {  	s0 =	sshra.s32 s0, $0x2;
	v4 =	vxor.u32 $0x80000000, v4  }
0x70: {  	[tilespmem:s0+$0x11080] =	vst v4  }
0x71: {  	_ =	swait.ge [sflag:s14], $0x4000  }
0x72: {  	[sflag:s14] =	ssyncset.done $0x0  }
0x73: {  	s2 =	simm.s32 $0x4080;
	[sflag:s14] =	ssyncadd.s32 $0xFFFFC000  }
0x74: {  	v4 =	vld [tilespmem:s2+$0xFFFFFF80]  }
0x75: {  	s10 =	simm.s32 $0x10;
	s0 =	simm.s32 $0x0;
	v5 =	vld [tilespmem:s2+$0xFFFFFF90]  }
.LBB2_5:
0x76: {  	p0 =	sne.s32 s10, $0x3F0  }
0x77: {  	v6 =	vld [tilespmem:s2+$0xFFFFFFA0];
	_ =	sdelay $0x1  }
0x78: {  	v7 =	vld [tilespmem:s2+$0xFFFFFFB0]  }
0x79: {  	v8 =	vshra.s32 v4, $0x1F;
	v9 =	vshra.s32 v5, $0x1F  }
0x7a: {  	v8 =	vand.u32 $0x7FFFFFFF, v8;
	v9 =	vand.u32 $0x7FFFFFFF, v9;
	v10 =	vld [tilespmem:s2+$0xFFFFFFC0]  }
0x7b: {  	v4 =	vxor.u32 v4, v8;
	v5 =	vxor.u32 v5, v9;
	v8 =	vshra.s32 v6, $0x1F  }
0x7c: {  	vm0 =	vgt.s32 v4, v5;
	v8 =	vand.u32 $0x7FFFFFFF, v8;
	v9 =	vld [tilespmem:s2+$0xFFFFFFD0]  }
0x7d: {  	v4 =	vsel vm0, v4, v5;
	v5 =	vxor.u32 v6, v8;
	v6 =	vshra.s32 v7, $0x1F  }
0x7e: {  	vm0 =	vgt.s32 v4, v5;
	v6 =	vand.u32 $0x7FFFFFFF, v6;
	v8 =	vld [tilespmem:s2+$0xFFFFFFE0]  }
0x7f: {  	v4 =	vsel vm0, v4, v5;
	v5 =	vxor.u32 v7, v6;
	v6 =	vshra.s32 v10, $0x1F  }
0x80: {  	vm0 =	vgt.s32 v4, v5;
	v6 =	vand.u32 $0x7FFFFFFF, v6;
	v7 =	vld [tilespmem:s2+$0xFFFFFFF0]  }
0x81: {  	v4 =	vsel vm0, v4, v5;
	v5 =	vxor.u32 v10, v6;
	v6 =	vshra.s32 v9, $0x1F  }
0x82: {  	vm0 =	vgt.s32 v4, v5;
	v6 =	vand.u32 $0x7FFFFFFF, v6;
	v10 =	vld [tilespmem:s2+$0x0]  }
0x83: {  	v4 =	vsel vm0, v4, v5;
	v5 =	vxor.u32 v9, v6;
	v6 =	vshra.s32 v8, $0x1F  }
0x84: {  	vm0 =	vgt.s32 v4, v5;
	v6 =	vand.u32 $0x7FFFFFFF, v6;
	v9 =	vld [tilespmem:s2+$0x10]  }
0x85: {  	v4 =	vsel vm0, v4, v5;
	v5 =	vxor.u32 v8, v6;
	v6 =	vshra.s32 v7, $0x1F  }
0x86: {  	vm0 =	vgt.s32 v4, v5;
	v6 =	vand.u32 $0x7FFFFFFF, v6;
	v8 =	vld [tilespmem:s2+$0x20]  }
0x87: {  	v4 =	vsel vm0, v4, v5;
	v5 =	vxor.u32 v7, v6;
	v6 =	vshra.s32 v10, $0x1F  }
0x88: {  	vm0 =	vgt.s32 v4, v5;
	v6 =	vand.u32 $0x7FFFFFFF, v6;
	v7 =	vld [tilespmem:s2+$0x30]  }
0x89: {  	v4 =	vsel vm0, v4, v5;
	v5 =	vxor.u32 v10, v6;
	v6 =	vshra.s32 v9, $0x1F  }
0x8a: {  	vm0 =	vgt.s32 v4, v5;
	v6 =	vand.u32 $0x7FFFFFFF, v6;
	v10 =	vld [tilespmem:s2+$0x40]  }
0x8b: {  	v4 =	vsel vm0, v4, v5;
	v5 =	vxor.u32 v9, v6;
	v6 =	vshra.s32 v8, $0x1F  }
0x8c: {  	vm0 =	vgt.s32 v4, v5;
	v6 =	vand.u32 $0x7FFFFFFF, v6;
	v9 =	vld [tilespmem:s2+$0x50]  }
0x8d: {  	v4 =	vsel vm0, v4, v5;
	v5 =	vxor.u32 v8, v6;
	v6 =	vshra.s32 v7, $0x1F  }
0x8e: {  	vm0 =	vgt.s32 v4, v5;
	v6 =	vand.u32 $0x7FFFFFFF, v6;
	v8 =	vld [tilespmem:s2+$0x60]  }
0x8f: {  	v4 =	vsel vm0, v4, v5;
	v5 =	vxor.u32 v7, v6;
	v6 =	vshra.s32 v10, $0x1F  }
0x90: {  	vm0 =	vgt.s32 v4, v5;
	v6 =	vand.u32 $0x7FFFFFFF, v6;
	v7 =	vld [tilespmem:s2+$0x70]  }
0x91: {  	v4 =	vsel vm0, v4, v5;
	v5 =	vxor.u32 v10, v6;
	v6 =	vshra.s32 v9, $0x1F  }
0x92: {  	vm0 =	vgt.s32 v4, v5;
	v6 =	vand.u32 $0x7FFFFFFF, v6  }
0x93: {  	v4 =	vsel vm0, v4, v5;
	v5 =	vxor.u32 v9, v6;
	v6 =	vshra.s32 v8, $0x1F  }
0x94: {  	vm0 =	vgt.s32 v4, v5;
	v6 =	vand.u32 $0x7FFFFFFF, v6  }
0x95: {  	v4 =	vsel vm0, v4, v5;
	v5 =	vxor.u32 v8, v6;
	v6 =	vshra.s32 v7, $0x1F  }
0x96: {  	vm0 =	vgt.s32 v4, v5;
	v6 =	vand.u32 $0x7FFFFFFF, v6  }
0x97: {  	v4 =	vsel vm0, v4, v5;
	v5 =	vxor.u32 v7, v6  }
0x98: {  	vm0 =	vgt.s32 v4, v5  }
.Ltmp3:
0x99: {  	v4 =	vsel vm0, v4, v5;
	(pc) =	sbr.rel @p0 .LBB2_5-.Ltmp3, $4  }
0x9a: {  	s1 =	sand.u32 $0x3F0, s0;
	s0 =	smov.u32 s10;
	v4 =	vxor.u32 $0x80000000, v4  }
0x9b: {  	s2 =	sadd.s32 $0x100, s2;
	[tilespmem:s1+$0x11480] =	vst v4  }
0x9c: {  	v4 =	vld [tilespmem:s2+$0xFFFFFF80]  }
0x9d: {  	s10 =	sadd.s32 $0x10, s10;
	v5 =	vld [tilespmem:s2+$0xFFFFFF90]  }
0x9e: {  	_ = 	snop  }
0x9f: {  	v6 =	vld [tilespmem:s2+$0xFFFFFFA0];
	_ =	sdelay $0x1  }
0xa0: {  	v7 =	vld [tilespmem:s2+$0xFFFFFFB0]  }
0xa1: {  	v8 =	vshra.s32 v4, $0x1F;
	v9 =	vshra.s32 v5, $0x1F  }
0xa2: {  	v10 =	vld [tilespmem:s2+$0xFFFFFFC0];
	v8 =	vand.u32 $0x7FFFFFFF, v8;
	v9 =	vand.u32 $0x7FFFFFFF, v9  }
0xa3: {  	v4 =	vxor.u32 v4, v8;
	v39 =	vshra.s32 v6, $0x1F;
	v5 =	vxor.u32 v5, v9  }
0xa4: {  	v40 =	vld [tilespmem:s2+$0xFFFFFFD0];
	v8 =	vand.u32 $0x7FFFFFFF, v39;
	vm0 =	vgt.s32 v4, v5  }
0xa5: {  	v41 =	vshra.s32 v7, $0x1F;
	v4 =	vsel vm0, v4, v5;
	v5 =	vxor.u32 v6, v8  }
0xa6: {  	v42 =	vld [tilespmem:s2+$0xFFFFFFE0];
	v6 =	vand.u32 $0x7FFFFFFF, v41;
	vm0 =	vgt.s32 v4, v5  }
0xa7: {  	v43 =	vshra.s32 v10, $0x1F;
	v4 =	vsel vm0, v4, v5;
	v5 =	vxor.u32 v7, v6  }
0xa8: {  	v44 =	vld [tilespmem:s2+$0xFFFFFFF0];
	v6 =	vand.u32 $0x7FFFFFFF, v43;
	vm0 =	vgt.s32 v4, v5  }
0xa9: {  	v45 =	vshra.s32 v40, $0x1F;
	v4 =	vsel vm0, v4, v5;
	v5 =	vxor.u32 v10, v6  }
0xaa: {  	v46 =	vld [tilespmem:s2+$0x0];
	v6 =	vand.u32 $0x7FFFFFFF, v45;
	vm0 =	vgt.s32 v4, v5  }
0xab: {  	v47 =	vshra.s32 v42, $0x1F;
	v4 =	vsel vm0, v4, v5;
	v5 =	vxor.u32 v40, v6  }
0xac: {  	v48 =	vld [tilespmem:s2+$0x10];
	v6 =	vand.u32 $0x7FFFFFFF, v47;
	vm0 =	vgt.s32 v4, v5  }
0xad: {  	v49 =	vshra.s32 v44, $0x1F;
	v4 =	vsel vm0, v4, v5;
	v5 =	vxor.u32 v42, v6  }
0xae: {  	v50 =	vld [tilespmem:s2+$0x20];
	v6 =	vand.u32 $0x7FFFFFFF, v49;
	vm0 =	vgt.s32 v4, v5  }
0xaf: {  	v51 =	vshra.s32 v46, $0x1F;
	v4 =	vsel vm0, v4, v5;
	v5 =	vxor.u32 v44, v6  }
0xb0: {  	v52 =	vld [tilespmem:s2+$0x30];
	v6 =	vand.u32 $0x7FFFFFFF, v51;
	vm0 =	vgt.s32 v4, v5  }
0xb1: {  	v53 =	vshra.s32 v48, $0x1F;
	v4 =	vsel vm0, v4, v5;
	v5 =	vxor.u32 v46, v6  }
0xb2: {  	v54 =	vld [tilespmem:s2+$0x40];
	v6 =	vand.u32 $0x7FFFFFFF, v53;
	vm0 =	vgt.s32 v4, v5  }
0xb3: {  	v55 =	vshra.s32 v50, $0x1F;
	v4 =	vsel vm0, v4, v5;
	v5 =	vxor.u32 v48, v6  }
0xb4: {  	v56 =	vld [tilespmem:s2+$0x50];
	v6 =	vand.u32 $0x7FFFFFFF, v55;
	vm0 =	vgt.s32 v4, v5  }
0xb5: {  	v57 =	vshra.s32 v52, $0x1F;
	v4 =	vsel vm0, v4, v5;
	v5 =	vxor.u32 v50, v6  }
0xb6: {  	v58 =	vld [tilespmem:s2+$0x60];
	v6 =	vand.u32 $0x7FFFFFFF, v57;
	vm0 =	vgt.s32 v4, v5  }
0xb7: {  	v59 =	vshra.s32 v54, $0x1F;
	v4 =	vsel vm0, v4, v5;
	v5 =	vxor.u32 v52, v6  }
0xb8: {  	v60 =	vld [tilespmem:s2+$0x70];
	v6 =	vand.u32 $0x7FFFFFFF, v59;
	vm0 =	vgt.s32 v4, v5  }
0xb9: {  	v61 =	vshra.s32 v56, $0x1F;
	v4 =	vsel vm0, v4, v5;
	v5 =	vxor.u32 v54, v6  }
0xba: {  	v6 =	vand.u32 $0x7FFFFFFF, v61;
	vm0 =	vgt.s32 v4, v5  }
0xbb: {  	v62 =	vshra.s32 v58, $0x1F;
	v4 =	vsel vm0, v4, v5;
	v5 =	vxor.u32 v56, v6  }
0xbc: {  	v6 =	vand.u32 $0x7FFFFFFF, v62;
	vm0 =	vgt.s32 v4, v5  }
0xbd: {  	v63 =	vshra.s32 v60, $0x1F;
	v4 =	vsel vm0, v4, v5;
	v5 =	vxor.u32 v58, v6  }
0xbe: {  	v6 =	vand.u32 $0x7FFFFFFF, v63;
	vm0 =	vgt.s32 v4, v5  }
0xbf: {  	v4 =	vsel vm0, v4, v5;
	v5 =	vxor.u32 v60, v6  }
0xc0: {  	vm0 =	vgt.s32 v4, v5  }
0xc1: {  	v4 =	vsel vm0, v4, v5  }
0xc2: {  	s0 =	sand.u32 $0x3F0, s0;
	v4 =	vxor.u32 $0x80000000, v4  }
0xc3: {  	[tilespmem:s0+$0x11480] =	vst v4;
	s0 =	simm.s32 $0x100C0  }
0xc4: {  	[tilespmem:s0+$0xFFFFFFC0] =	vst v0  }
0xc5: {  	[tilespmem:s0+$0x30] =	vst v0  }
0xc6: {  	[tilespmem:s0+$0x20] =	vst v0  }
0xc7: {  	[tilespmem:s0+$0x10] =	vst v0  }
0xc8: {  	[tilespmem:s0+$0x0] =	vst v0  }
0xc9: {  	[tilespmem:s0+$0xFFFFFFF0] =	vst v0  }
0xca: {  	s1 =	simm.s32 $0x0;
	[tilespmem:s0+$0xFFFFFFE0] =	vst v0  }
.LBB2_7:
0xcb: {  	s1 =	sadd.s32 $0x8, s1;
	[tilespmem:s0+$0xFFFFFFD0] =	vst v0;
	s0 =	sadd.s32 $0x80, s0  }
0xcc: {  	[tilespmem:s0+$0xFFFFFFC0] =	vst v0;
	p0 =	slt.u32 s1, $0xF8  }
0xcd: {  	[tilespmem:s0+$0x30] =	vst v0  }
.Ltmp4:
0xce: {  	[tilespmem:s0+$0x20] =	vst v0;
	(pc) =	sbr.rel @p0 .LBB2_7-.Ltmp4, $4  }
0xcf: {  	[tilespmem:s0+$0x10] =	vst v0  }
0xd0: {  	[tilespmem:s0+$0x0] =	vst v0  }
0xd1: {  	[tilespmem:s0+$0xFFFFFFF0] =	vst v0  }
0xd2: {  	[tilespmem:s0+$0xFFFFFFE0] =	vst v0  }
0xd3: {  	[tilespmem:s0+$0xFFFFFFD0] =	vst v0;
	s20 =	simm.s32 $0x0;
	s0 =	simm.s32 $0x0  }
.LBB2_9:
0xd4: {  	s1 =	sshra.s32 s0, $0x2  }
0xd5: {  	v4 =	vld [tilespmem:s1+$0x11080];
	_ =	sdelay $0x4  }
0xd6: {  	v4 =	vshrl.u32 v4, $0x14  }
0xd7: {  	v4 =	vand.u32 $0xFF0, v4  }
0xd8: {  	p0 =	sne.s32 s0, $0x1FC0;
	v4 =	vor.u32 v1, v4  }
.Ltmp5:
0xd9: {  	_ = 	snop;
	(pc) =	sbr.rel @p0 .LBB2_9-.Ltmp5, $2  }
0xda: {  	_ =	sdelay $0x2  }
0xdb: {  	s0 =	sadd.s32 $0x40, s0;
	[tilespmem:v4+s15+$0x0] =	vst.idx.add.s32.msk $0xffff, v2  }
0xdc: {  	v5 =	vmul.u32 $0x10, v1;
	v4 =	vand.u32 $0x7, v1  }
0xdd: {  	v8 =	vmul.u32 $0x10, v4  }
0xde: {  	s0 =	simm.s32 $0xF00;
	v21 =	vor.u32 $0x1, v5  }
0xdf: {  	v4 =	vor.u32 s0, v5;
	v6 =	vor.u32 $0xFFFFFF80, v8;
	v7 =	vor.u32 s0, v21  }
0xe0: {  	v22 =	vor.u32 $0x2, v5;
	v4 =	vand.u32 v6, v4  }
0xe1: {  	v20 =	vor.u32 $0x3, v5;
	v9 =	vor.u32 s0, v22  }
0xe2: {  	v19 =	vor.u32 $0x4, v5;
	v10 =	vor.u32 s0, v20  }
0xe3: {  	v18 =	vor.u32 $0x5, v5;
	v11 =	vor.u32 s0, v19  }
0xe4: {  	v15 =	vor.u32 $0x6, v5;
	v16 =	vor.u32 s0, v18;
	v23 =	vld.idx.msk [tilespmem:v7+s15+$0x0], $0xffff  }
0xe5: {  	v17 =	vor.u32 s0, v15;
	v7 =	vor.u32 $0x7, v5;
	v4 =	vld.idx.msk [tilespmem:v4+s15+$0x0], $0xffff  }
0xe6: {  	v12 =	vor.u32 $0x8, v5;
	v24 =	vld.idx.msk [tilespmem:v9+s15+$0x0], $0xffff;
	v9 =	vor.u32 s0, v7  }
0xe7: {  	v13 =	vor.u32 $0x9, v5;
	v25 =	vld.idx.msk [tilespmem:v10+s15+$0x0], $0xffff;
	v10 =	vor.u32 s0, v12  }
0xe8: {  	v14 =	vor.u32 $0xA, v5;
	v27 =	vor.u32 s0, v13;
	v26 =	vld.idx.msk [tilespmem:v11+s15+$0x0], $0xffff  }
0xe9: {  	v29 =	vor.u32 s0, v14;
	v28 =	vld.idx.msk [tilespmem:v16+s15+$0x0], $0xffff;
	v16 =	vor.u32 $0xB, v5  }
0xea: {  	v30 =	vld.idx.msk [tilespmem:v17+s15+$0x0], $0xffff;
	v17 =	vor.u32 $0xC, v5;
	v31 =	vor.u32 s0, v16;
	v4 =	vadd.s32 v4, v23  }
0xeb: {  	v11 =	vor.u32 $0xD, v5;
	v33 =	vor.u32 s0, v17;
	v32 =	vld.idx.msk [tilespmem:v9+s15+$0x0], $0xffff;
	v4 =	vadd.s32 v24, v4  }
0xec: {  	v35 =	vor.u32 s0, v11;
	v34 =	vld.idx.msk [tilespmem:v10+s15+$0x0], $0xffff;
	v10 =	vor.u32 $0xE, v5;
	v4 =	vadd.s32 v25, v4  }
0xed: {  	v44 =	vld.idx.msk [tilespmem:v27+s15+$0x0], $0xffff;
	v45 =	vor.u32 s0, v10;
	v9 =	vor.u32 $0xF, v5;
	v4 =	vadd.s32 v26, v4  }
0xee: {  	v46 =	vld.idx.msk [tilespmem:v29+s15+$0x0], $0xffff;
	v47 =	vor.u32 s0, v9;
	v4 =	vadd.s32 v28, v4  }
0xef: {  	v48 =	vld.idx.msk [tilespmem:v31+s15+$0x0], $0xffff;
	v4 =	vadd.s32 v30, v4  }
0xf0: {  	s1 =	simm.s32 $0xE00;
	v50 =	vld.idx.msk [tilespmem:v33+s15+$0x0], $0xffff;
	v4 =	vadd.s32 v32, v4  }
0xf1: {  	v49 =	vor.u32 s1, v5;
	v36 =	vor.u32 s1, v21;
	v51 =	vld.idx.msk [tilespmem:v35+s15+$0x0], $0xffff;
	v4 =	vadd.s32 v34, v4  }
0xf2: {  	v31 =	vand.u32 v6, v49;
	v27 =	vld.idx.msk [tilespmem:v45+s15+$0x0], $0xffff;
	v4 =	vadd.s32 v44, v4  }
0xf3: {  	v52 =	vor.u32 s1, v22;
	v29 =	vld.idx.msk [tilespmem:v47+s15+$0x0], $0xffff;
	v4 =	vadd.s32 v46, v4  }
0xf4: {  	v53 =	vor.u32 s1, v20;
	v4 =	vadd.s32 v48, v4  }
0xf5: {  	v54 =	vor.u32 s1, v19;
	v4 =	vadd.s32 v50, v4  }
0xf6: {  	v41 =	vmul.u32 $0xFFFFFFFF, v1;
	v56 =	vor.u32 s1, v18;
	v55 =	vld.idx.msk [tilespmem:v36+s15+$0x0], $0xffff;
	v4 =	vadd.s32 v51, v4  }
0xf7: {  	v58 =	vor.u32 s1, v15;
	v57 =	vld.idx.msk [tilespmem:v31+s15+$0x0], $0xffff;
	v27 =	vadd.s32 v27, v4  }
0xf8: {  	v59 =	vld.idx.msk [tilespmem:v52+s15+$0x0], $0xffff;
	v60 =	vor.u32 s1, v7;
	v4 =	vadd.s32 $0xF, v41;
	v27 =	vadd.s32 v29, v27  }
0xf9: {  	v62 =	vor.u32 s1, v12;
	v61 =	vld.idx.msk [tilespmem:v53+s15+$0x0], $0xffff;
	v48 =	vperm.xlane v27, v4  }
0xfa: {  	v40 =	vor.u32 s1, v13;
	v63 =	vld.idx.msk [tilespmem:v54+s15+$0x0], $0xffff  }
0xfb: {  	v43 =	vor.u32 s1, v14;
	v42 =	vld.idx.msk [tilespmem:v56+s15+$0x0], $0xffff;
	(xrf0) =	vadd.scan.msk.s32 $0xffff, v48  }
0xfc: {  	v31 =	vld.idx.msk [tilespmem:v58+s15+$0x0], $0xffff;
	v44 =	vor.u32 s1, v16;
	v23 =	vadd.s32 v57, v55;
	(xrf0) =	vadd.scan.msk.s32 $0xffff, v27  }
0xfd: {  	v33 =	vld.idx.msk [tilespmem:v60+s15+$0x0], $0xffff;
	v45 =	vor.u32 s1, v17;
	v23 =	vadd.s32 v59, v23  }
0xfe: {  	v47 =	vor.u32 s1, v11;
	v46 =	vld.idx.msk [tilespmem:v62+s15+$0x0], $0xffff;
	v23 =	vadd.s32 v61, v23  }
0xff: {  	v49 =	vor.u32 s1, v10;
	v32 =	vld.idx.msk [tilespmem:v40+s15+$0x0], $0xffff;
	v23 =	vadd.s32 v63, v23  }
0x100: {  	v35 =	vld.idx.msk [tilespmem:v43+s15+$0x0], $0xffff;
	v50 =	vor.u32 s1, v9;
	v23 =	vadd.s32 v42, v23  }
0x101: {  	v51 =	vld.idx.msk [tilespmem:v44+s15+$0x0], $0xffff;
	v23 =	vadd.s32 v31, v23;
	v56, _, _ =	vpop (xrf0)  }
0x102: {  	v24 =	vld.idx.msk [tilespmem:v45+s15+$0x0], $0xffff;
	v23 =	vadd.s32 v33, v23;
	v59, _, _ =	vpop (xrf0)  }
0x103: {  	v30 =	vld.idx.msk [tilespmem:v47+s15+$0x0], $0xffff;
	v23 =	vadd.s32 v46, v23;
	(v2sf) =	vpush v59, $0xF  }
0x104: {  	s29 =	simm.s32 $0xD00;
	v26 =	vld.idx.msk [tilespmem:v49+s15+$0x0], $0xffff;
	v23 =	vadd.s32 v32, v23  }
0x105: {  	v52 =	vor.u32 s29, v5;
	v53 =	vor.u32 s29, v21;
	v28 =	vld.idx.msk [tilespmem:v50+s15+$0x0], $0xffff;
	v23 =	vadd.s32 v35, v23  }
0x106: {  	v27 =	vand.u32 v6, v52;
	v23 =	vadd.s32 v51, v23  }
0x107: {  	v54 =	vor.u32 s29, v22;
	v23 =	vadd.s32 v24, v23  }
0x108: {  	v55 =	vor.u32 s29, v20;
	v23 =	vadd.s32 v30, v23  }
0x109: {  	v57 =	vor.u32 s29, v19;
	v23 =	vadd.s32 v26, v23;
	v32 =	vadd.s32 s20, v56  }
0x10a: {  	v58 =	vor.u32 s29, v18;
	v29 =	vld.idx.msk [tilespmem:v53+s15+$0x0], $0xffff;
	v23 =	vadd.s32 v28, v23;
	vm0 =	vlt.s32 v32, $0x40  }
0x10b: {  	v61 =	vor.u32 s29, v15;
	v60 =	vld.idx.msk [tilespmem:v27+s15+$0x0], $0xffff;
	v37 =	vperm.xlane v23, v4;
	v36 =	vsel vm0, $0x1, v0  }
0x10c: {  	v62 =	vld.idx.msk [tilespmem:v54+s15+$0x0], $0xffff;
	v63 =	vor.u32 s29, v7;
	(xrf0) =	vadd.scan.msk.s32 $0xffff, v36  }
0x10d: {  	v38 =	vor.u32 s29, v12;
	v25 =	vld.idx.msk [tilespmem:v55+s15+$0x0], $0xffff;
	(xrf0) =	vadd.scan.msk.s32 $0xffff, v37  }
0x10e: {  	v39 =	vor.u32 s29, v13;
	v24 =	vld.idx.msk [tilespmem:v57+s15+$0x0], $0xffff  }
0x10f: {  	v40 =	vor.u32 s29, v14;
	v30 =	vld.idx.msk [tilespmem:v58+s15+$0x0], $0xffff  }
0x110: {  	v41 =	vor.u32 s29, v16;
	v27 =	vld.idx.msk [tilespmem:v61+s15+$0x0], $0xffff;
	v26 =	vadd.s32 v60, v29;
	(xrf0) =	vadd.scan.msk.s32 $0xffff, v23  }
0x111: {  	v43 =	vor.u32 s29, v17;
	v42 =	vld.idx.msk [tilespmem:v63+s15+$0x0], $0xffff;
	v26 =	vadd.s32 v62, v26  }
0x112: {  	v45 =	vor.u32 s29, v11;
	v44 =	vld.idx.msk [tilespmem:v38+s15+$0x0], $0xffff;
	v25 =	vadd.s32 v25, v26;
	v48, _, _ =	vpop (xrf0);
	s30 =	spop (v2sf)  }
0x113: {  	v47 =	vor.u32 s29, v10;
	v46 =	vld.idx.msk [tilespmem:v39+s15+$0x0], $0xffff;
	v24 =	vadd.s32 v24, v25;
	v50, _, _ =	vpop (xrf0);
	s0 =	sadd.s32 $0x0, s30  }
0x114: {  	s3 =	simm.s32 $0xC00;
	v49 =	vor.u32 s29, v9;
	v33 =	vld.idx.msk [tilespmem:v40+s15+$0x0], $0xffff;
	v24 =	vadd.s32 v30, v24;
	v57 =	vadd.s32 s0, v50  }
0x115: {  	v21 =	vor.u32 s3, v21;
	v35 =	vld.idx.msk [tilespmem:v41+s15+$0x0], $0xffff;
	v24 =	vadd.s32 v27, v24;
	vm0 =	vlt.s32 v57, $0x40  }
0x116: {  	v51 =	vld.idx.msk [tilespmem:v43+s15+$0x0], $0xffff;
	(v2sf) =	vpush v48, $0xF;
	v23 =	vadd.s32 v42, v24;
	v52, _, _ =	vpop (xrf0);
	v25 =	vsel vm0, $0x1, v0  }
0x117: {  	v54 =	vor.u32 s3, v5;
	v53 =	vld.idx.msk [tilespmem:v45+s15+$0x0], $0xffff;
	v23 =	vadd.s32 v44, v23;
	(v2sf) =	vpush v52, $0xF;
	(xrf0) =	vadd.scan.msk.s32 $0xffff, v25  }
0x118: {  	v55 =	vld.idx.msk [tilespmem:v47+s15+$0x0], $0xffff;
	v24 =	vand.u32 v6, v54;
	v23 =	vadd.s32 v46, v23  }
0x119: {  	v22 =	vor.u32 s3, v22;
	v56 =	vld.idx.msk [tilespmem:v49+s15+$0x0], $0xffff;
	v23 =	vadd.s32 v33, v23  }
0x11a: {  	v20 =	vor.u32 s3, v20;
	v23 =	vadd.s32 v35, v23  }
0x11b: {  	v23 =	vadd.s32 v51, v23  }
0x11c: {  	v21 =	vld.idx.msk [tilespmem:v21+s15+$0x0], $0xffff;
	v19 =	vor.u32 s3, v19;
	v23 =	vadd.s32 v53, v23  }
0x11d: {  	v18 =	vor.u32 s3, v18;
	v63 =	vor.u32 s3, v16;
	v24 =	vld.idx.msk [tilespmem:v24+s15+$0x0], $0xffff;
	v23 =	vadd.s32 v55, v23;
	v16, _, _ =	vpop (xrf0)  }
0x11e: {  	v22 =	vld.idx.msk [tilespmem:v22+s15+$0x0], $0xffff;
	v15 =	vor.u32 s3, v15;
	v23 =	vadd.s32 v56, v23;
	(v2sf) =	vpush v16, $0xF  }
0x11f: {  	v20 =	vld.idx.msk [tilespmem:v20+s15+$0x0], $0xffff;
	v58 =	vor.u32 s3, v7;
	v59 =	vperm.xlane v23, v4  }
0x120: {  	v12 =	vor.u32 s3, v12  }
0x121: {  	v19 =	vld.idx.msk [tilespmem:v19+s15+$0x0], $0xffff;
	v60 =	vor.u32 s3, v13;
	(xrf0) =	vadd.scan.msk.s32 $0xffff, v59  }
0x122: {  	v18 =	vld.idx.msk [tilespmem:v18+s15+$0x0], $0xffff;
	v61 =	vor.u32 s3, v14;
	v14 =	vadd.s32 v24, v21  }
0x123: {  	v17 =	vor.u32 s3, v17;
	v62 =	vld.idx.msk [tilespmem:v15+s15+$0x0], $0xffff;
	v15 =	vadd.s32 v22, v14  }
0x124: {  	v13 =	vld.idx.msk [tilespmem:v58+s15+$0x0], $0xffff;
	v20 =	vadd.s32 v20, v15;
	(xrf0) =	vadd.scan.msk.s32 $0xffff, v23  }
0x125: {  	v14 =	vld.idx.msk [tilespmem:v12+s15+$0x0], $0xffff;
	v15 =	vor.u32 s3, v11;
	s31 =	spop (v2sf)  }
0x126: {  	s5 =	simm.s32 $0x0;
	v12 =	vld.idx.msk [tilespmem:v60+s15+$0x0], $0xffff;
	v19 =	vadd.s32 v19, v20;
	s2 =	spop (v2sf);
	v16 =	vor.u32 s3, v10  }
0x127: {  	p0 =	sgt.s32 s0, $0x3F;
	v11 =	vld.idx.msk [tilespmem:v61+s15+$0x0], $0xffff;
	v18 =	vadd.s32 v18, v19;
	v19 =	vor.u32 s3, v9;
	s1 =	ssub.s32 $0xFF, s31;
	v20, _, _ =	vpop (xrf0);
	s2 =	sadd.s32 s0, s2  }
0x128: {  	s10 =	simm.s32 $0xFF;
	p1 =	por $0x1, $0x1;
	v9 =	vld.idx.msk [tilespmem:v17+s15+$0x0], $0xffff;
	s5 =	smov.u32 @p0 s1;
	v20 =	vadd.s32 s2, v20  }
0x129: {  	s11 =	simm.s32 $0xB00;
	v17 =	vmov v5;
	v18 =	vadd.s32 v62, v18;
	v10 =	vld.idx.msk [tilespmem:v63+s15+$0x0], $0xffff;
	s20 =	smov.u32 @p1 s5;
	s3 =	simm.s32 $0xA00;
	vm0 =	vlt.s32 v20, $0x40  }
.LBB2_11:
0x12a: {  	p0 =	sne.s32 s3, $0x0;
	v20 =	vor.u32 s11, v17;
	v13 =	vadd.s32 v13, v18;
	v15 =	vld.idx.msk [tilespmem:v15+s15+$0x0], $0xffff;
	v18 =	vsel vm0, $0x1, v0;
	v21, _, _ =	vpop (xrf0)  }
0x12b: {  	v22 =	vor.u32 $0x1, v17;
	v13 =	vadd.s32 v14, v13;
	v14 =	vld.idx.msk [tilespmem:v16+s15+$0x0], $0xffff;
	(v2sf) =	vpush v21, $0xF;
	(xrf0) =	vadd.scan.msk.s32 $0xffff, v18  }
0x12c: {  	v16 =	vor.u32 $0xFFFFFF80, v8;
	v18 =	vor.u32 s11, v22;
	v12 =	vadd.s32 v12, v13;
	v13 =	vld.idx.msk [tilespmem:v19+s15+$0x0], $0xffff  }
0x12d: {  	s10 =	sadd.s32 $0xFFFFFFF0, s10;
	v16 =	vand.u32 v16, v20;
	v19 =	vor.u32 $0x2, v17;
	v11 =	vadd.s32 v11, v12;
	s1 =	spop (v2sf)  }
0x12e: {  	p1 =	sgt.s32 s2, $0x3F;
	s5 =	smov.u32 s20;
	v12 =	vor.u32 s11, v19;
	v19 =	vor.u32 $0x3, v17;
	v10 =	vadd.s32 v10, v11;
	s1 =	ssub.s32 s10, s1  }
0x12f: {  	p2 =	slt.s32 s0, $0x40;
	s0 =	smov.u32 s2;
	v11 =	vor.u32 s11, v19;
	v19 =	vor.u32 $0x4, v17;
	v9 =	vadd.s32 v9, v10;
	s5 =	smov.u32 @p1 s1  }
0x130: {  	v10 =	vor.u32 s11, v19;
	v19 =	vor.u32 $0x5, v17;
	v9 =	vadd.s32 v15, v9;
	s20 =	smov.u32 @p2 s5  }
0x131: {  	v15 =	vld.idx.msk [tilespmem:v18+s15+$0x0], $0xffff;
	v18 =	vor.u32 s11, v19;
	v19 =	vor.u32 $0x6, v17;
	v9 =	vadd.s32 v14, v9;
	v14, _, _ =	vpop (xrf0)  }
0x132: {  	v16 =	vld.idx.msk [tilespmem:v16+s15+$0x0], $0xffff;
	v19 =	vor.u32 s11, v19;
	v9 =	vadd.s32 v13, v9;
	(v2sf) =	vpush v14, $0xF  }
0x133: {  	v7 =	vor.u32 s11, v7;
	v13 =	vor.u32 $0x8, v17;
	v12 =	vld.idx.msk [tilespmem:v12+s15+$0x0], $0xffff;
	v14 =	vperm.xlane v9, v4  }
0x134: {  	v20 =	vor.u32 s11, v13;
	v13 =	vor.u32 $0x9, v17;
	v11 =	vld.idx.msk [tilespmem:v11+s15+$0x0], $0xffff  }
0x135: {  	v21 =	vor.u32 s11, v13;
	v13 =	vor.u32 $0xA, v17;
	v10 =	vld.idx.msk [tilespmem:v10+s15+$0x0], $0xffff;
	(xrf0) =	vadd.scan.msk.s32 $0xffff, v14  }
0x136: {  	v22 =	vor.u32 s11, v13;
	v13 =	vor.u32 $0xB, v17;
	v18 =	vld.idx.msk [tilespmem:v18+s15+$0x0], $0xffff  }
0x137: {  	v14 =	vor.u32 $0xC, v17;
	v24 =	vor.u32 s11, v13;
	v23 =	vld.idx.msk [tilespmem:v19+s15+$0x0], $0xffff  }
0x138: {  	v25 =	vor.u32 s11, v14;
	v15 =	vadd.s32 v16, v15;
	v13 =	vld.idx.msk [tilespmem:v7+s15+$0x0], $0xffff;
	v7 =	vor.u32 $0xD, v17;
	(xrf0) =	vadd.scan.msk.s32 $0xffff, v9  }
.Ltmp6:
0x139: {  	v26 =	vor.u32 $0xE, v17;
	v9 =	vadd.s32 v12, v15;
	v14 =	vld.idx.msk [tilespmem:v20+s15+$0x0], $0xffff;
	v15 =	vor.u32 s11, v7;
	(pc) =	sbr.rel @p0 .LBB2_11-.Ltmp6, $4  }
0x13a: {  	v16 =	vor.u32 s11, v26;
	v9 =	vadd.s32 v11, v9;
	v20 =	vor.u32 $0xF, v17;
	v17 =	vmovc v5;
	v12 =	vld.idx.msk [tilespmem:v21+s15+$0x0], $0xffff;
	s1 =	spop (v2sf)  }
0x13b: {  	v9 =	vadd.s32 v10, v9;
	v19 =	vor.u32 s11, v20;
	s11 =	smov.u32 s3;
	v11 =	vld.idx.msk [tilespmem:v22+s15+$0x0], $0xffff;
	v7, _, _ =	vpop (xrf0);
	s2 =	sadd.s32 s2, s1  }
0x13c: {  	v9 =	vadd.s32 v18, v9;
	v10 =	vld.idx.msk [tilespmem:v24+s15+$0x0], $0xffff;
	v20 =	vadd.s32 s2, v7  }
0x13d: {  	s3 =	sadd.s32 $0xFFFFFF00, s3;
	v7 =	vor.u32 $0x7, v17;
	v18 =	vadd.s32 v23, v9;
	v9 =	vld.idx.msk [tilespmem:v25+s15+$0x0], $0xffff;
	vm0 =	vlt.s32 v20, $0x40  }
0x13e: {  	_ =	sdelay $0x2  }
0x13f: {  	v8 =	vor.u32 s11, v17;
	v13 =	vadd.s32 v13, v18;
	v18 =	vor.u32 $0x1, v17  }
0x140: {  	v15 =	vld.idx.msk [tilespmem:v15+s15+$0x0], $0xffff;
	v22 =	vsel vm0, $0x1, v0;
	v13 =	vadd.s32 v14, v13;
	v23 =	vor.u32 s11, v18  }
0x141: {  	v16 =	vld.idx.msk [tilespmem:v16+s15+$0x0], $0xffff;
	v20 =	vor.u32 $0x2, v17;
	v8 =	vand.u32 v6, v8;
	v12 =	vadd.s32 v12, v13  }
0x142: {  	v21 =	vor.u32 $0x3, v17;
	v13 =	vld.idx.msk [tilespmem:v19+s15+$0x0], $0xffff;
	v11 =	vadd.s32 v11, v12;
	v12 =	vor.u32 s11, v20  }
0x143: {  	v24 =	vor.u32 s11, v21;
	v19 =	vor.u32 $0x4, v17;
	v10 =	vadd.s32 v10, v11  }
0x144: {  	v14 =	vor.u32 $0x5, v17;
	v9 =	vadd.s32 v9, v10;
	v10 =	vor.u32 s11, v19  }
0x145: {  	v11 =	vor.u32 $0x6, v17;
	v9 =	vadd.s32 v15, v9;
	v15 =	vld.idx.msk [tilespmem:v23+s15+$0x0], $0xffff;
	v23 =	vor.u32 s11, v14  }
0x146: {  	v25, _, _ =	vpop (xrf0);
	v28 =	vor.u32 s11, v7;
	v45 =	vor.u32 s11, v11;
	v9 =	vadd.s32 v16, v9;
	v16 =	vld.idx.msk [tilespmem:v8+s15+$0x0], $0xffff  }
0x147: {  	(v2sf) =	vpush v25, $0xF;
	v26 =	vadd.s32 v13, v9;
	v27 =	vld.idx.msk [tilespmem:v12+s15+$0x0], $0xffff;
	v12 =	vor.u32 $0x8, v17  }
0x148: {  	v24 =	vld.idx.msk [tilespmem:v24+s15+$0x0], $0xffff;
	v8 =	vor.u32 $0x9, v17;
	v13 =	vperm.xlane v26, v4;
	v29 =	vor.u32 s11, v12  }
0x149: {  	(xrf0) =	vadd.scan.msk.s32 $0xffff, v22;
	v30 =	vor.u32 s11, v8;
	v9 =	vor.u32 $0xA, v17;
	v22 =	vld.idx.msk [tilespmem:v10+s15+$0x0], $0xffff  }
0x14a: {  	v31 =	vor.u32 s11, v9;
	(xrf0) =	vadd.scan.msk.s32 $0xffff, v13;
	v23 =	vld.idx.msk [tilespmem:v23+s15+$0x0], $0xffff;
	v13 =	vor.u32 $0xB, v17  }
0x14b: {  	v25 =	vld.idx.msk [tilespmem:v45+s15+$0x0], $0xffff;
	v10 =	vor.u32 $0xC, v17;
	v32 =	vor.u32 s11, v13;
	v16 =	vadd.s32 v16, v15;
	(xrf0) =	vadd.scan.msk.s32 $0xffff, v26  }
0x14c: {  	v46 =	vld.idx.msk [tilespmem:v28+s15+$0x0], $0xffff;
	v47 =	vor.u32 s11, v10;
	v15 =	vor.u32 $0xD, v17;
	v27 =	vadd.s32 v27, v16  }
0x14d: {  	v33 =	vor.u32 s11, v15;
	v16 =	vor.u32 $0xE, v17;
	v29 =	vld.idx.msk [tilespmem:v29+s15+$0x0], $0xffff;
	v24 =	vadd.s32 v24, v27  }
0x14e: {  	v48 =	vld.idx.msk [tilespmem:v30+s15+$0x0], $0xffff;
	v17 =	vor.u32 $0xF, v17;
	v49 =	vor.u32 s11, v16;
	v22 =	vadd.s32 v22, v24  }
0x14f: {  	v50, _, _ =	vpop (xrf0);
	v31 =	vld.idx.msk [tilespmem:v31+s15+$0x0], $0xffff;
	v34 =	vor.u32 s11, v17;
	v22 =	vadd.s32 v23, v22  }
0x150: {  	v23, _, _ =	vpop (xrf0);
	v32 =	vld.idx.msk [tilespmem:v32+s15+$0x0], $0xffff;
	v22 =	vadd.s32 v25, v22  }
0x151: {  	(v2sf) =	vpush v50, $0xF;
	v51 =	vld.idx.msk [tilespmem:v47+s15+$0x0], $0xffff;
	v22 =	vadd.s32 v46, v22;
	v52, _, _ =	vpop (xrf0)  }
0x152: {  	v53 =	vld.idx.msk [tilespmem:v33+s15+$0x0], $0xffff;
	v22 =	vadd.s32 v29, v22;
	(v2sf) =	vpush v52, $0xF  }
0x153: {  	v54 =	vld.idx.msk [tilespmem:v49+s15+$0x0], $0xffff;
	v22 =	vadd.s32 v48, v22  }
0x154: {  	v55 =	vld.idx.msk [tilespmem:v34+s15+$0x0], $0xffff;
	v22 =	vadd.s32 v31, v22  }
0x155: {  	s1 =	spop (v2sf);
	v22 =	vadd.s32 v32, v22  }
0x156: {  	s3 =	spop (v2sf);
	v22 =	vadd.s32 v51, v22  }
0x157: {  	s3 =	sadd.s32 s2, s3;
	v22 =	vadd.s32 v53, v22  }
0x158: {  	v23 =	vadd.s32 s3, v23;
	v22 =	vadd.s32 v54, v22  }
0x159: {  	vm10 =	vlt.s32 v23, $0x40;
	v22 =	vadd.s32 v55, v22  }
0x15a: {  	v23 =	vsel vm10, $0x1, v0;
	v56 =	vperm.xlane v22, v4  }
0x15b: {  	(xrf0) =	vadd.scan.msk.s32 $0xffff, v23  }
0x15c: {  	(xrf0) =	vadd.scan.msk.s32 $0xffff, v56;
	_ =	sdelay $0x3  }
0x15d: {  	s5 =	spop (v2sf)  }
0x15e: {  	v23, _, _ =	vpop (xrf0);
	s6 =	spop (v2sf)  }
0x15f: {  	v24, _, _ =	vpop (xrf0);
	s6 =	sadd.s32 s3, s6  }
0x160: {  	v24 =	vadd.s32 s6, v24  }
0x161: {  	vm11 =	vlt.s32 v24, $0x40  }
0x162: {  	(xrf0) =	vadd.scan.msk.s32 $0xffff, v22;
	v22 =	vsel vm11, $0x1, v0  }
0x163: {  	(xrf0) =	vadd.scan.msk.s32 $0xffff, v22;
	_ =	sdelay $0x3  }
0x164: {  	(v2sf) =	vpush v23, $0xF  }
0x165: {  	v22, _, _ =	vpop (xrf0)  }
0x166: {  	(v2sf) =	vpush v22, $0xF;
	v22, _, _ =	vpop (xrf0)  }
0x167: {  	(v2sf) =	vpush v22, $0xF;
	_ =	sdelay $0x5  }
0x168: {  	s8 =	sadd.s32 $0xFFFFFFF0, s10  }
0x169: {  	p0 =	sgt.s32 s2, $0x3F;
	s9 =	smov.u32 s20;
	s1 =	ssub.s32 s8, s1  }
0x16a: {  	p1 =	slt.s32 s0, $0x40;
	s9 =	smov.u32 @p0 s1  }
0x16b: {  	s23 =	simm.s32 $0x20;
	s21 =	sadd.s32 $0xFFFFFFF0, s8;
	s20 =	smov.u32 @p1 s9  }
0x16c: {  	p0 =	sgt.s32 s3, $0x3F;
	s1 =	ssub.s32 s21, s5;
	s5 =	smov.u32 s20  }
0x16d: {  	s0 =	sadd.s32 $0xFFFFFFF0, s21;
	p1 =	slt.s32 s2, $0x40;
	s5 =	smov.u32 @p0 s1  }
0x16e: {  	s20 =	smov.u32 @p1 s5;
	p1 =	slt.s32 s3, $0x40;
	s22 =	spop (v2sf)  }
0x16f: {  	s2 =	smov.u32 s20;
	p0 =	sgt.s32 s6, $0x3F;
	s1 =	ssub.s32 s0, s22  }
0x170: {  	v23 =	vld [tilespmem:s23+$0xFFFFFFE0];
	s0 =	sadd.s32 $0xFFFFFFF0, s0;
	s2 =	smov.u32 @p0 s1;
	s24 =	spop (v2sf)  }
0x171: {  	s20 =	smov.u32 @p1 s2;
	s2 =	sadd.s32 s6, s24;
	s25 =	spop (v2sf)  }
0x172: {  	p0 =	sgt.s32 s2, $0x3F;
	s2 =	smov.u32 s20;
	s0 =	ssub.s32 s0, s25  }
0x173: {  	p1 =	slt.s32 s6, $0x40;
	s2 =	smov.u32 @p0 s0  }
0x174: {  	s20 =	smov.u32 @p1 s2  }
0x175: {  	v22 =	vshra.s32 v23, $0x1F;
	s26 =	sshll.u32 s20, $0x18  }
0x176: {  	v57 =	vand.u32 $0x7FFFFFFF, v22;
	s0 =	sxor.u32 $0x80000000, s26  }
0x177: {  	v23 =	vxor.u32 v23, v57;
	v22 =	vmov s0  }
0x178: {  	s28 =	simm.s32 $0x0;
	vm12 =	vge.s32 v23, v22;
	v23 =	vxor.u32 $0x80000000, v23  }
0x179: {  	[tilespmem:s28+$0x8000] =	vst.msk vm12, v23;
	v23 =	vmpcnt.ones.xlane vm12  }
0x17a: {  	v58 =	vld [tilespmem:s23+$0xFFFFFFF0]  }
0x17b: {  	(v2sf) =	vpush v23, $0x0;
	_ =	sdelay $0x3  }
0x17c: {  	v23 =	vshra.s32 v58, $0x1F  }
0x17d: {  	v23 =	vand.u32 $0x7FFFFFFF, v23  }
0x17e: {  	v23 =	vxor.u32 v58, v23  }
0x17f: {  	vm13 =	vge.s32 v23, v22  }
0x180: {  	v59 =	vmpcnt.ones.xlane vm13;
	_ =	sdelay $0x1  }
0x181: {  	(v2sf) =	vpush v59, $0x0;
	_ =	sdelay $0x4  }
0x182: {  	s29 =	spop (v2sf)  }
0x183: {  	v23 =	vxor.u32 $0x80000000, v23;
	s0 =	sadd.s32 $0x0, s29  }
0x184: {  	[tilespmem:s0+$0x8000] =	vst.msk vm13, v23  }
0x185: {  	v23 =	vld [tilespmem:s23+$0x0];
	_ =	sdelay $0x4  }
0x186: {  	v60 =	vshra.s32 v23, $0x1F  }
0x187: {  	v24 =	vand.u32 $0x7FFFFFFF, v60  }
0x188: {  	v23 =	vxor.u32 v23, v24;
	s30 =	spop (v2sf)  }
0x189: {  	s0 =	sadd.s32 s0, s30;
	vm14 =	vge.s32 v23, v22;
	v23 =	vxor.u32 $0x80000000, v23  }
0x18a: {  	[tilespmem:s0+$0x8000] =	vst.msk vm14, v23;
	v23 =	vmpcnt.ones.xlane vm14  }
0x18b: {  	v61 =	vld [tilespmem:s23+$0x10]  }
0x18c: {  	(v2sf) =	vpush v23, $0x0;
	_ =	sdelay $0x3  }
0x18d: {  	v23 =	vshra.s32 v61, $0x1F  }
0x18e: {  	v23 =	vand.u32 $0x7FFFFFFF, v23  }
0x18f: {  	v23 =	vxor.u32 v61, v23  }
0x190: {  	vm15 =	vge.s32 v23, v22  }
0x191: {  	v62 =	vmpcnt.ones.xlane vm15;
	_ =	sdelay $0x1  }
0x192: {  	(v2sf) =	vpush v62, $0x0;
	_ =	sdelay $0x4  }
0x193: {  	s31 =	spop (v2sf)  }
0x194: {  	v23 =	vxor.u32 $0x80000000, v23;
	s1 =	sadd.s32 s0, s31  }
0x195: {  	s0 =	simm.s32 $0x60;
	[tilespmem:s1+$0x8000] =	vst.msk vm15, v23  }
0x196: {  	v23 =	vld [tilespmem:s0+$0xFFFFFFE0];
	_ =	sdelay $0x4  }
0x197: {  	v63 =	vshra.s32 v23, $0x1F  }
0x198: {  	v24 =	vand.u32 $0x7FFFFFFF, v63  }
0x199: {  	s2 =	simm.s32 $0x4;
	v23 =	vxor.u32 v23, v24;
	s3 =	spop (v2sf)  }
.LBB2_13:
0x19a: {  	s2 =	sadd.s32 $0x4, s2;
	vm0 =	vge.s32 v23, v22;
	v23 =	vxor.u32 $0x80000000, v23;
	s1 =	sadd.s32 s1, s3  }
0x19b: {  	p0 =	slt.u32 s2, $0x3FC;
	[tilespmem:s1+$0x8000] =	vst.msk vm0, v23;
	v23 =	vmpcnt.ones.xlane vm0  }
0x19c: {  	v24 =	vld [tilespmem:s0+$0xFFFFFFF0]  }
0x19d: {  	(v2sf) =	vpush v23, $0x0;
	_ =	sdelay $0x3  }
0x19e: {  	v23 =	vshra.s32 v24, $0x1F  }
0x19f: {  	v23 =	vand.u32 $0x7FFFFFFF, v23  }
0x1a0: {  	v23 =	vxor.u32 v24, v23  }
0x1a1: {  	vm0 =	vge.s32 v23, v22  }
0x1a2: {  	v24 =	vmpcnt.ones.xlane vm0;
	_ =	sdelay $0x1  }
0x1a3: {  	(v2sf) =	vpush v24, $0x0;
	_ =	sdelay $0x4  }
0x1a4: {  	s3 =	spop (v2sf)  }
0x1a5: {  	v23 =	vxor.u32 $0x80000000, v23;
	s1 =	sadd.s32 s1, s3  }
0x1a6: {  	[tilespmem:s1+$0x8000] =	vst.msk vm0, v23  }
0x1a7: {  	v23 =	vld [tilespmem:s0+$0x0];
	_ =	sdelay $0x4  }
0x1a8: {  	v24 =	vshra.s32 v23, $0x1F  }
0x1a9: {  	v24 =	vand.u32 $0x7FFFFFFF, v24  }
0x1aa: {  	v23 =	vxor.u32 v23, v24;
	s3 =	spop (v2sf)  }
0x1ab: {  	s1 =	sadd.s32 s1, s3;
	vm0 =	vge.s32 v23, v22;
	v23 =	vxor.u32 $0x80000000, v23  }
0x1ac: {  	[tilespmem:s1+$0x8000] =	vst.msk vm0, v23;
	v23 =	vmpcnt.ones.xlane vm0  }
0x1ad: {  	v24 =	vld [tilespmem:s0+$0x10]  }
0x1ae: {  	(v2sf) =	vpush v23, $0x0;
	_ =	sdelay $0x3  }
0x1af: {  	v23 =	vshra.s32 v24, $0x1F  }
0x1b0: {  	v23 =	vand.u32 $0x7FFFFFFF, v23  }
0x1b1: {  	v23 =	vxor.u32 v24, v23  }
0x1b2: {  	vm0 =	vge.s32 v23, v22  }
0x1b3: {  	v24 =	vmpcnt.ones.xlane vm0;
	_ =	sdelay $0x1  }
0x1b4: {  	(v2sf) =	vpush v24, $0x0;
	_ =	sdelay $0x4  }
0x1b5: {  	s3 =	spop (v2sf)  }
0x1b6: {  	v23 =	vxor.u32 $0x80000000, v23;
	s1 =	sadd.s32 s1, s3  }
0x1b7: {  	s0 =	sadd.s32 $0x40, s0;
	[tilespmem:s1+$0x8000] =	vst.msk vm0, v23  }
0x1b8: {  	v23 =	vld [tilespmem:s0+$0xFFFFFFE0];
	_ =	sdelay $0x2  }
.Ltmp7:
0x1b9: {  	(pc) =	sbr.rel @p0 .LBB2_13-.Ltmp7, $4  }
0x1ba: {  	_ = 	snop  }
0x1bb: {  	v24 =	vshra.s32 v23, $0x1F  }
0x1bc: {  	v24 =	vand.u32 $0x7FFFFFFF, v24  }
0x1bd: {  	v23 =	vxor.u32 v23, v24;
	s3 =	spop (v2sf)  }
0x1be: {  	vm0 =	vge.s32 v23, v22  }
0x1bf: {  	v23 =	vxor.u32 $0x80000000, v23;
	s1 =	sadd.s32 s1, s3;
	v24 =	vmpcnt.ones.xlane vm0  }
0x1c0: {  	[tilespmem:s1+$0x8000] =	vst.msk vm0, v23  }
0x1c1: {  	v23 =	vld [tilespmem:s0+$0xFFFFFFF0];
	(v2sf) =	vpush v24, $0x0;
	_ =	sdelay $0x4  }
0x1c2: {  	v51 =	vshra.s32 v23, $0x1F  }
0x1c3: {  	v24 =	vand.u32 $0x7FFFFFFF, v51  }
0x1c4: {  	v23 =	vxor.u32 v23, v24  }
0x1c5: {  	vm9 =	vge.s32 v23, v22  }
0x1c6: {  	v52 =	vmpcnt.ones.xlane vm9;
	_ =	sdelay $0x1  }
0x1c7: {  	(v2sf) =	vpush v52, $0x0;
	_ =	sdelay $0x3  }
0x1c8: {  	s2 =	spop (v2sf)  }
0x1c9: {  	v23 =	vxor.u32 $0x80000000, v23;
	s1 =	sadd.s32 s1, s2  }
0x1ca: {  	[tilespmem:s1+$0x8000] =	vst.msk vm9, v23  }
0x1cb: {  	v23 =	vld [tilespmem:s0+$0x0];
	_ =	sdelay $0x4  }
0x1cc: {  	v53 =	vshra.s32 v23, $0x1F  }
0x1cd: {  	v24 =	vand.u32 $0x7FFFFFFF, v53  }
0x1ce: {  	v23 =	vxor.u32 v23, v24  }
0x1cf: {  	s25 =	spop (v2sf);
	vm10 =	vge.s32 v23, v22  }
0x1d0: {  	s1 =	sadd.s32 s1, s25;
	v23 =	vxor.u32 $0x80000000, v23;
	v54 =	vmpcnt.ones.xlane vm10  }
0x1d1: {  	[tilespmem:s1+$0x8000] =	vst.msk vm10, v23  }
0x1d2: {  	v23 =	vld [tilespmem:s0+$0x10];
	(v2sf) =	vpush v54, $0x0;
	_ =	sdelay $0x4  }
0x1d3: {  	v55 =	vshra.s32 v23, $0x1F  }
0x1d4: {  	v24 =	vand.u32 $0x7FFFFFFF, v55  }
0x1d5: {  	v23 =	vxor.u32 v23, v24  }
0x1d6: {  	vm11 =	vge.s32 v23, v22  }
0x1d7: {  	v56 =	vmpcnt.ones.xlane vm11;
	_ =	sdelay $0x1  }
0x1d8: {  	(v2sf) =	vpush v56, $0x0  }
0x1d9: {  	p0 =	seq.s32 s19, $0x3;
	s0 =	sadd.s32 s4, s19  }
0x1da: {  	s6 =	rddreg [dreg:$0x0];
	s2 =	sadd.s32 @!p0 $0x1, s0  }
0x1db: {  	s26 =	simm.s32 $0x4020;
	s3 =	sshll.u32 @!p0 s2, $0x4;
	s2 =	sshll.u32 @!p0 s2, $0xC  }
0x1dc: {  	s3 =	sand.u32 @!p0 $0x70, s3;
	s2 =	sand.u32 @!p0 $0xFFF8000, s2;
	s5 =	spop (v2sf)  }
0x1dd: {  	s3 =	sadd.s32 @!p0 s6, s3;
	s6 =	simm.s32 @!p0 $0x0;
	v23 =	vxor.u32 $0x80000000, v23;
	s1 =	sadd.s32 s1, s5  }
0x1de: {  	s2 =	sadd.s32 @!p0 s2, s3;
	s3 =	simm.s32 @!p0 $0x80;
	s5 =	simm.s32 @!p0 $0x400;
	[tilespmem:s1+$0x8000] =	vst.msk vm11, v23  }
0x1df: {  	[tilespmem:s6], [sflag:$0x1] =	stream.strided.gather @!p0 [hbm4b:s2+s3], $0x4000, s5, s3, $0x38;
	[tilespmem:$0x11900] =	vst v63  }
0x1e0: {  	v23 =	vld [tilespmem:s26+$0xFFFFFFE0];
	_ =	sdelay $0x4  }
0x1e1: {  	v57 =	vshra.s32 v23, $0x1F  }
0x1e2: {  	v24 =	vand.u32 $0x7FFFFFFF, v57  }
0x1e3: {  	s28 =	spop (v2sf);
	v23 =	vxor.u32 v23, v24  }
0x1e4: {  	s1 =	sadd.s32 s1, s28;
	vm12 =	vge.s32 v23, v22;
	v23 =	vxor.u32 $0x80000000, v23  }
0x1e5: {  	[tilespmem:s1+$0x8000] =	vst.msk vm12, v23;
	v23 =	vmpcnt.ones.xlane vm12  }
0x1e6: {  	v58 =	vld [tilespmem:s26+$0xFFFFFFF0]  }
0x1e7: {  	(v2sf) =	vpush v23, $0x0;
	_ =	sdelay $0x3  }
0x1e8: {  	v23 =	vshra.s32 v58, $0x1F  }
0x1e9: {  	v23 =	vand.u32 $0x7FFFFFFF, v23  }
0x1ea: {  	v23 =	vxor.u32 v58, v23  }
0x1eb: {  	vm13 =	vge.s32 v23, v22  }
0x1ec: {  	v59 =	vmpcnt.ones.xlane vm13;
	_ =	sdelay $0x1  }
0x1ed: {  	(v2sf) =	vpush v59, $0x0;
	_ =	sdelay $0x4  }
0x1ee: {  	s29 =	spop (v2sf)  }
0x1ef: {  	v23 =	vxor.u32 $0x80000000, v23;
	s1 =	sadd.s32 s1, s29  }
0x1f0: {  	[tilespmem:s1+$0x8000] =	vst.msk vm13, v23  }
0x1f1: {  	v23 =	vld [tilespmem:s26+$0x0];
	_ =	sdelay $0x4  }
0x1f2: {  	v60 =	vshra.s32 v23, $0x1F  }
0x1f3: {  	v24 =	vand.u32 $0x7FFFFFFF, v60  }
0x1f4: {  	v23 =	vxor.u32 v23, v24;
	s30 =	spop (v2sf)  }
0x1f5: {  	s1 =	sadd.s32 s1, s30;
	vm14 =	vge.s32 v23, v22;
	v23 =	vxor.u32 $0x80000000, v23  }
0x1f6: {  	[tilespmem:s1+$0x8000] =	vst.msk vm14, v23;
	v23 =	vmpcnt.ones.xlane vm14  }
0x1f7: {  	v61 =	vld [tilespmem:s26+$0x10]  }
0x1f8: {  	(v2sf) =	vpush v23, $0x0;
	_ =	sdelay $0x3  }
0x1f9: {  	v23 =	vshra.s32 v61, $0x1F  }
0x1fa: {  	v23 =	vand.u32 $0x7FFFFFFF, v23  }
0x1fb: {  	v23 =	vxor.u32 v61, v23  }
0x1fc: {  	vm15 =	vge.s32 v23, v22  }
0x1fd: {  	v62 =	vmpcnt.ones.xlane vm15;
	_ =	sdelay $0x1  }
0x1fe: {  	(v2sf) =	vpush v62, $0x0;
	_ =	sdelay $0x4  }
0x1ff: {  	s31 =	spop (v2sf)  }
0x200: {  	v23 =	vxor.u32 $0x80000000, v23;
	s1 =	sadd.s32 s1, s31  }
0x201: {  	s2 =	simm.s32 $0x4060;
	[tilespmem:s1+$0x8000] =	vst.msk vm15, v23  }
0x202: {  	v23 =	vld [tilespmem:s2+$0xFFFFFFE0];
	_ =	sdelay $0x4  }
0x203: {  	v63 =	vshra.s32 v23, $0x1F  }
0x204: {  	v24 =	vand.u32 $0x7FFFFFFF, v63  }
0x205: {  	s20 =	sadd.s32 $0x1, s19;
	s3 =	simm.s32 $0x4;
	v23 =	vxor.u32 v23, v24;
	s5 =	spop (v2sf)  }
.LBB2_15:
0x206: {  	s3 =	sadd.s32 $0x4, s3;
	vm0 =	vge.s32 v23, v22;
	v23 =	vxor.u32 $0x80000000, v23;
	s1 =	sadd.s32 s1, s5  }
0x207: {  	p0 =	slt.u32 s3, $0x3FC;
	[tilespmem:s1+$0x8000] =	vst.msk vm0, v23;
	v23 =	vmpcnt.ones.xlane vm0  }
0x208: {  	v24 =	vld [tilespmem:s2+$0xFFFFFFF0]  }
0x209: {  	(v2sf) =	vpush v23, $0x0;
	_ =	sdelay $0x3  }
0x20a: {  	v23 =	vshra.s32 v24, $0x1F  }
0x20b: {  	v23 =	vand.u32 $0x7FFFFFFF, v23  }
0x20c: {  	v23 =	vxor.u32 v24, v23  }
0x20d: {  	vm0 =	vge.s32 v23, v22  }
0x20e: {  	v24 =	vmpcnt.ones.xlane vm0;
	_ =	sdelay $0x1  }
0x20f: {  	(v2sf) =	vpush v24, $0x0;
	_ =	sdelay $0x4  }
0x210: {  	s5 =	spop (v2sf)  }
0x211: {  	v23 =	vxor.u32 $0x80000000, v23;
	s1 =	sadd.s32 s1, s5  }
0x212: {  	[tilespmem:s1+$0x8000] =	vst.msk vm0, v23  }
0x213: {  	v23 =	vld [tilespmem:s2+$0x0];
	_ =	sdelay $0x4  }
0x214: {  	v24 =	vshra.s32 v23, $0x1F  }
0x215: {  	v24 =	vand.u32 $0x7FFFFFFF, v24  }
0x216: {  	v23 =	vxor.u32 v23, v24;
	s5 =	spop (v2sf)  }
0x217: {  	s1 =	sadd.s32 s1, s5;
	vm0 =	vge.s32 v23, v22;
	v23 =	vxor.u32 $0x80000000, v23  }
0x218: {  	[tilespmem:s1+$0x8000] =	vst.msk vm0, v23;
	v23 =	vmpcnt.ones.xlane vm0  }
0x219: {  	v24 =	vld [tilespmem:s2+$0x10]  }
0x21a: {  	(v2sf) =	vpush v23, $0x0;
	_ =	sdelay $0x3  }
0x21b: {  	v23 =	vshra.s32 v24, $0x1F  }
0x21c: {  	v23 =	vand.u32 $0x7FFFFFFF, v23  }
0x21d: {  	v23 =	vxor.u32 v24, v23  }
0x21e: {  	vm0 =	vge.s32 v23, v22  }
0x21f: {  	v24 =	vmpcnt.ones.xlane vm0;
	_ =	sdelay $0x1  }
0x220: {  	(v2sf) =	vpush v24, $0x0;
	_ =	sdelay $0x4  }
0x221: {  	s5 =	spop (v2sf)  }
0x222: {  	v23 =	vxor.u32 $0x80000000, v23;
	s1 =	sadd.s32 s1, s5  }
0x223: {  	s2 =	sadd.s32 $0x40, s2;
	[tilespmem:s1+$0x8000] =	vst.msk vm0, v23  }
0x224: {  	v23 =	vld [tilespmem:s2+$0xFFFFFFE0];
	_ =	sdelay $0x2  }
.Ltmp8:
0x225: {  	(pc) =	sbr.rel @p0 .LBB2_15-.Ltmp8, $4  }
0x226: {  	_ = 	snop  }
0x227: {  	v24 =	vshra.s32 v23, $0x1F  }
0x228: {  	v24 =	vand.u32 $0x7FFFFFFF, v24  }
0x229: {  	v23 =	vxor.u32 v23, v24;
	s5 =	spop (v2sf)  }
0x22a: {  	vm0 =	vge.s32 v23, v22;
	v23 =	vxor.u32 $0x80000000, v23;
	s1 =	sadd.s32 s1, s5  }
0x22b: {  	[tilespmem:s1+$0x8000] =	vst.msk vm0, v23;
	v23 =	vmpcnt.ones.xlane vm0  }
0x22c: {  	v24 =	vld [tilespmem:s2+$0xFFFFFFF0]  }
0x22d: {  	(v2sf) =	vpush v23, $0x0;
	_ =	sdelay $0x3  }
0x22e: {  	v23 =	vshra.s32 v24, $0x1F  }
0x22f: {  	v23 =	vand.u32 $0x7FFFFFFF, v23  }
0x230: {  	v23 =	vxor.u32 v24, v23  }
0x231: {  	vm13 =	vge.s32 v23, v22  }
0x232: {  	v61 =	vmpcnt.ones.xlane vm13;
	_ =	sdelay $0x1  }
0x233: {  	(v2sf) =	vpush v61, $0x0;
	_ =	sdelay $0x4  }
0x234: {  	s3 =	spop (v2sf)  }
0x235: {  	v23 =	vxor.u32 $0x80000000, v23;
	s1 =	sadd.s32 s1, s3  }
0x236: {  	[tilespmem:s1+$0x8000] =	vst.msk vm13, v23  }
0x237: {  	v23 =	vld [tilespmem:s2+$0x0];
	_ =	sdelay $0x4  }
0x238: {  	v62 =	vshra.s32 v23, $0x1F  }
0x239: {  	v24 =	vand.u32 $0x7FFFFFFF, v62  }
0x23a: {  	v23 =	vxor.u32 v23, v24;
	s29 =	spop (v2sf)  }
0x23b: {  	s1 =	sadd.s32 s1, s29;
	vm14 =	vge.s32 v23, v22;
	v23 =	vxor.u32 $0x80000000, v23  }
0x23c: {  	[tilespmem:s1+$0x8000] =	vst.msk vm14, v23  }
0x23d: {  	v23 =	vld [tilespmem:s2+$0x10];
	_ =	sdelay $0x4  }
0x23e: {  	v63 =	vmpcnt.ones.xlane vm14;
	v25 =	vshra.s32 v23, $0x1F  }
0x23f: {  	v25 =	vand.u32 $0x7FFFFFFF, v25  }
0x240: {  	(v2sf) =	vpush v63, $0x0;
	v23 =	vxor.u32 v23, v25  }
0x241: {  	vm15 =	vge.s32 v23, v22  }
0x242: {  	v22 =	vmpcnt.ones.xlane vm15;
	_ =	sdelay $0x1  }
0x243: {  	(v2sf) =	vpush v22, $0x0;
	_ =	sdelay $0x7  }
0x244: {  	p0 =	sne.s32 s19, $0x3  }
0x245: {  	s0 =	sadd.s32 @p0 $0x1, s0  }
0x246: {  	s2 =	sshll.u32 @p0 s0, $0xC;
	s0 =	sshll.u32 @p0 s0, $0x4  }
0x247: {  	s2 =	sand.u32 @p0 $0xFFF8000, s2;
	s0 =	sand.u32 @p0 $0x70, s0;
	s30 =	spop (v2sf)  }
0x248: {  	s5 =	simm.s32 @p0 $0x4000;
	s0 =	sor.u32 @p0 s0, s2;
	v22 =	vxor.u32 $0x80000000, v23;
	s1 =	sadd.s32 s1, s30  }
0x249: {  	s3 =	simm.s32 @p0 $0x400;
	s2 =	simm.s32 @p0 $0x80;
	s0 =	sadd.s32 @p0 s0, s7;
	[tilespmem:s1+$0x8000] =	vst.msk vm15, v22  }
0x24a: {  	[tilespmem:s5], [sflag:$0x2] =	stream.strided.gather @p0 [hbm4b:s0+s2], $0x4000, s3, s2, $0x38;
	[tilespmem:$0x11900] =	vst v63  }
0x24b: {  	s31 =	spop (v2sf)  }
0x24c: {  	s0 =	sadd.s32 s1, s31;
	s1 =	simm.s32 $0x100C0  }
0x24d: {  	[tilespmem:s1+$0xFFFFFFC0] =	vst v0  }
0x24e: {  	[tilespmem:s1+$0x30] =	vst v0  }
0x24f: {  	[tilespmem:s1+$0x20] =	vst v0  }
0x250: {  	[tilespmem:s1+$0x10] =	vst v0  }
0x251: {  	[tilespmem:s1+$0x0] =	vst v0  }
0x252: {  	[tilespmem:s1+$0xFFFFFFF0] =	vst v0  }
0x253: {  	s2 =	simm.s32 $0x0;
	[tilespmem:s1+$0xFFFFFFE0] =	vst v0  }
.LBB2_17:
0x254: {  	s2 =	sadd.s32 $0x8, s2;
	[tilespmem:s1+$0xFFFFFFD0] =	vst v0;
	s1 =	sadd.s32 $0x80, s1  }
0x255: {  	[tilespmem:s1+$0xFFFFFFC0] =	vst v0;
	p0 =	slt.u32 s2, $0xF8  }
0x256: {  	[tilespmem:s1+$0x30] =	vst v0  }
.Ltmp9:
0x257: {  	[tilespmem:s1+$0x20] =	vst v0;
	(pc) =	sbr.rel @p0 .LBB2_17-.Ltmp9, $4  }
0x258: {  	[tilespmem:s1+$0x10] =	vst v0  }
0x259: {  	[tilespmem:s1+$0x0] =	vst v0  }
0x25a: {  	[tilespmem:s1+$0xFFFFFFF0] =	vst v0  }
0x25b: {  	[tilespmem:s1+$0xFFFFFFE0] =	vst v0  }
0x25c: {  	s31 =	sadd.s32 $0xF, s0  }
0x25d: {  	s21 =	sshra.s32 s31, $0x4  }
0x25e: {  	p0 =	slt.s32 s21, $0x1  }
.Ltmp10:
0x25f: {  	_ = 	snop;
	(pc) =	sbr.rel @p0 .LBB2_25-.Ltmp10, $4  }
0x260: {  	_ = 	snop  }
0x261: {  	v22 =	vmov s0;
	s0 =	simm.s32 @!p0 $0x0  }
0x262: {  	s0 =	simm.s32 @p0 $0x1  }
0x263: {  	[tilespmem:s1+$0xFFFFFFD0] =	vst v0;
	[smem:$0x7FD] =	sst s0  }
0x264: {  	p2 =	sne.s32 s21, $0x1  }
.Ltmp11:
0x265: {  	_ = 	snop;
	(pc) =	sbr.rel @!p2 .LBB2_20-.Ltmp11, $3  }
0x266: {  	_ =	sdelay $0x1  }
0x267: {  	s1 =	simm.s32 $0x8000  }
0x268: {  	s0 =	simm.s32 $0x0;
	p1 =	por $0x0, $0x0;
	v23 =	vld [tilespmem:s1+$0x0];
	s1 =	sadd.s32 $0xFFFFFFFF, s21  }
0x269: {  	_ =	sdelay $0x3  }
0x26a: {  	v24 =	vor.u32 s0, v1;
	v23 =	vshrl.u32 v23, $0x14  }
0x26b: {  	vm0 =	vlt.s32 v24, v22;
	v23 =	vand.u32 $0xFF0, v23  }
0x26c: {  	v23 =	vor.u32 v1, v23  }
0x26d: {  	p2 =	sne.s32 s1, $0x1  }
.Ltmp12:
0x26e: {  	_ = 	snop;
	(pc) =	sbr.rel @!p2 .LBB2_22-.Ltmp12, $3  }
0x26f: {  	_ =	sdelay $0x1  }
0x270: {  	s2 =	simm.s32 $0x8010;
	[tilespmem:v23+s15+$0x0] =	vst.idx.add.s32.msk vm0, v2  }
0x271: {  	s3 =	sadd.s32 $0xFFFFFFFF, s1;
	p1 =	por $0x1, $0x1;
	s1 =	simm.s32 $0x0;
	v23 =	vld [tilespmem:s2+$0x0]  }
.LBB2_23:
0x272: {  	p2 =	sne.s32 s3, $0x1;
	_ =	sdelay $0x2  }
0x273: {  	s1 =	sadd.s32 $0x10, s1  }
0x274: {  	v24 =	vor.u32 s1, v1;
	v23 =	vshrl.u32 v23, $0x14  }
0x275: {  	vm0 =	vlt.s32 v24, v22;
	v23 =	vand.u32 $0xFF0, v23  }
0x276: {  	v23 =	vor.u32 v1, v23;
	_ =	sdelay $0x1  }
.Ltmp13:
0x277: {  	(pc) =	sbr.rel @p2 .LBB2_23-.Ltmp13, $3  }
0x278: {  	_ =	sdelay $0x1  }
0x279: {  	s2 =	sadd.s32 $0x10, s2;
	[tilespmem:v23+s15+$0x0] =	vst.idx.add.s32.msk vm0, v2  }
0x27a: {  	s3 =	sadd.s32 $0xFFFFFFFF, s3;
	v23 =	vld [tilespmem:s2+$0x0]  }
.LBB2_24:
0x27b: {  	_ =	sdelay $0x1  }
0x27c: {  	s1 =	sadd.s32 @p1 $0x10, s1  }
0x27d: {  	s0 =	smov.u32 @p1 s1  }
0x27e: {  	v24 =	vor.u32 s0, v1;
	v23 =	vshrl.u32 v23, $0x14  }
0x27f: {  	vm0 =	vlt.s32 v24, v22;
	v23 =	vand.u32 $0xFF0, v23  }
0x280: {  	v23 =	vor.u32 v1, v23;
	_ =	sdelay $0x4  }
0x281: {  	[tilespmem:v23+s15+$0x0] =	vst.idx.add.s32.msk vm0, v2  }
.LBB2_25:
0x282: {  	p6 =	por $0x0, $0x0  }
.Ltmp14:
0x283: {  	_ = 	snop;
	(pc) =	sbr.rel @p6 .LBB2_26-.Ltmp14, $4  }
0x284: {  	_ = 	snop  }
0x285: {  	s22 =	simm.s32 $0x0;
	s23 =	simm.s32 $0xF00  }
0x286: {  	s24 =	simm.s32 $0xFF;
	s0 =	simm.s32 $0xE00;
	p1 =	por $0x0, $0x0  }
0x287: {  	p2 =	por $0x0, $0x0;
	p3 =	por $0x0, $0x0;
	p4 =	por $0x0, $0x0;
	v27 =	vor.u32 s23, v18;
	v41 =	vor.u32 s23, v5  }
0x288: {  	v23 =	vand.u32 v6, v41  }
0x289: {  	v24 =	vor.u32 s23, v20  }
0x28a: {  	v25 =	vor.u32 s23, v21  }
0x28b: {  	v26 =	vor.u32 s23, v19  }
0x28c: {  	v27 =	vld.idx.msk [tilespmem:v27+s15+$0x0], $0xffff;
	v28 =	vor.u32 s23, v14  }
0x28d: {  	v29 =	vor.u32 s23, v11;
	v23 =	vld.idx.msk [tilespmem:v23+s15+$0x0], $0xffff  }
0x28e: {  	v30 =	vor.u32 s23, v7;
	v24 =	vld.idx.msk [tilespmem:v24+s15+$0x0], $0xffff  }
0x28f: {  	v32 =	vor.u32 s23, v12;
	v25 =	vld.idx.msk [tilespmem:v25+s15+$0x0], $0xffff  }
0x290: {  	v33 =	vor.u32 s23, v8;
	v26 =	vld.idx.msk [tilespmem:v26+s15+$0x0], $0xffff  }
0x291: {  	v38 =	vor.u32 s23, v9;
	v34 =	vld.idx.msk [tilespmem:v28+s15+$0x0], $0xffff  }
0x292: {  	v39 =	vor.u32 s23, v13;
	p6 =	por $0x0, $0x0;
	v29 =	vld.idx.msk [tilespmem:v29+s15+$0x0], $0xffff  }
.Ltmp15:
0x293: {  	v31 =	vld.idx.msk [tilespmem:v30+s15+$0x0], $0xffff;
	v23 =	vadd.s32 v23, v27;
	(pc) =	sbr.rel @p6 .LBB2_28-.Ltmp15, $4  }
0x294: {  	v28 =	vld.idx.msk [tilespmem:v32+s15+$0x0], $0xffff;
	v23 =	vadd.s32 v24, v23  }
0x295: {  	v37 =	vor.u32 s23, v10;
	v35 =	vor.u32 s23, v15;
	v30 =	vld.idx.msk [tilespmem:v33+s15+$0x0], $0xffff;
	v23 =	vadd.s32 v25, v23  }
0x296: {  	v36 =	vor.u32 s23, v16;
	v41 =	vor.u32 s0, v5;
	v33 =	vld.idx.msk [tilespmem:v38+s15+$0x0], $0xffff;
	v23 =	vadd.s32 v26, v23  }
0x297: {  	p1 =	por $0x1, $0x1;
	v38 =	vor.u32 s23, v17;
	s23 =	simm.s32 $0xD00;
	v27 =	vor.u32 s0, v18;
	v42 =	vadd.s32 v34, v23;
	v34 =	vld.idx.msk [tilespmem:v39+s15+$0x0], $0xffff  }
0x298: {  	_ =	sdelay $0x3  }
0x299: {  	v23 =	vand.u32 v6, v41;
	v24 =	vld.idx.msk [tilespmem:v37+s15+$0x0], $0xffff  }
0x29a: {  	v25 =	vor.u32 s0, v20;
	v26 =	vld.idx.msk [tilespmem:v35+s15+$0x0], $0xffff  }
0x29b: {  	v32 =	vor.u32 s0, v21;
	v59 =	vld.idx.msk [tilespmem:v36+s15+$0x0], $0xffff  }
0x29c: {  	v29 =	vadd.s32 v29, v42;
	v60 =	vld.idx.msk [tilespmem:v38+s15+$0x0], $0xffff;
	v40 =	vor.u32 s0, v9  }
0x29d: {  	v27 =	vld.idx.msk [tilespmem:v27+s15+$0x0], $0xffff;
	v29 =	vadd.s32 v31, v29;
	v31 =	vor.u32 s0, v19  }
0x29e: {  	v28 =	vadd.s32 v28, v29;
	v29 =	vor.u32 s0, v14;
	v23 =	vld.idx.msk [tilespmem:v23+s15+$0x0], $0xffff  }
0x29f: {  	v43 =	vor.u32 s0, v13;
	v28 =	vadd.s32 v30, v28;
	v25 =	vld.idx.msk [tilespmem:v25+s15+$0x0], $0xffff  }
0x2a0: {  	v61 =	vor.u32 s0, v7;
	v28 =	vadd.s32 v33, v28;
	v32 =	vld.idx.msk [tilespmem:v32+s15+$0x0], $0xffff  }
0x2a1: {  	v62 =	vor.u32 s0, v12;
	v28 =	vadd.s32 v34, v28;
	v33 =	vld.idx.msk [tilespmem:v40+s15+$0x0], $0xffff  }
0x2a2: {  	v30 =	vor.u32 s0, v11;
	v24 =	vadd.s32 v24, v28;
	v63 =	vld.idx.msk [tilespmem:v31+s15+$0x0], $0xffff  }
0x2a3: {  	v39 =	vor.u32 s0, v8;
	p6 =	por $0x0, $0x0;
	v24 =	vadd.s32 v26, v24;
	v26 =	vld.idx.msk [tilespmem:v29+s15+$0x0], $0xffff  }
.Ltmp16:
0x2a4: {  	v34 =	vld.idx.msk [tilespmem:v43+s15+$0x0], $0xffff;
	v24 =	vadd.s32 v59, v24;
	v27 =	vadd.s32 v23, v27;
	(pc) =	sbr.rel @p6 .LBB2_30-.Ltmp16, $4  }
0x2a5: {  	v37 =	vor.u32 s0, v10;
	v31 =	vld.idx.msk [tilespmem:v61+s15+$0x0], $0xffff;
	v24 =	vadd.s32 v60, v24;
	v25 =	vadd.s32 v25, v27  }
0x2a6: {  	v35 =	vor.u32 s0, v15;
	v28 =	vld.idx.msk [tilespmem:v62+s15+$0x0], $0xffff;
	v23 =	vperm.xlane v24, v4;
	v25 =	vadd.s32 v32, v25  }
0x2a7: {  	v36 =	vor.u32 s0, v16;
	v38 =	vor.u32 s0, v17;
	v29 =	vld.idx.msk [tilespmem:v30+s15+$0x0], $0xffff;
	(xrf0) =	vadd.scan.msk.s32 $0xffff, v24;
	v24 =	vadd.s32 v63, v25  }
0x2a8: {  	v41 =	vor.u32 s23, v5;
	p2 =	por $0x1, $0x1;
	s0 =	simm.s32 $0xC00;
	v30 =	vld.idx.msk [tilespmem:v39+s15+$0x0], $0xffff;
	v27 =	vor.u32 s23, v18;
	(xrf0) =	vadd.scan.msk.s32 $0xffff, v23;
	v42 =	vadd.s32 v26, v24  }
0x2a9: {  	_ =	sdelay $0x2  }
0x2aa: {  	v24 =	vand.u32 v6, v41  }
0x2ab: {  	v25 =	vld.idx.msk [tilespmem:v37+s15+$0x0], $0xffff  }
0x2ac: {  	v32 =	vld.idx.msk [tilespmem:v35+s15+$0x0], $0xffff;
	v43 =	vor.u32 s23, v9;
	v56, _, _ =	vpop (xrf0)  }
0x2ad: {  	v36 =	vld.idx.msk [tilespmem:v36+s15+$0x0], $0xffff;
	v26 =	vadd.s32 v29, v42;
	v29 =	vor.u32 s23, v20;
	v57, _, _ =	vpop (xrf0)  }
0x2ae: {  	v27 =	vld.idx.msk [tilespmem:v27+s15+$0x0], $0xffff;
	v26 =	vadd.s32 v31, v26;
	v31 =	vor.u32 s23, v21;
	v37 =	vadd.s32 s22, v57  }
0x2af: {  	v26 =	vadd.s32 v28, v26;
	v28 =	vor.u32 s23, v19;
	v24 =	vld.idx.msk [tilespmem:v24+s15+$0x0], $0xffff;
	vm0 =	vlt.s32 v37, $0x40  }
0x2b0: {  	v38 =	vld.idx.msk [tilespmem:v38+s15+$0x0], $0xffff;
	v26 =	vadd.s32 v30, v26;
	v30 =	vor.u32 s23, v14;
	v37 =	vsel vm0, $0x1, v0  }
0x2b1: {  	v58 =	vor.u32 s23, v11;
	v26 =	vadd.s32 v33, v26;
	v33 =	vld.idx.msk [tilespmem:v43+s15+$0x0], $0xffff;
	(xrf0) =	vadd.scan.msk.s32 $0xffff, v37  }
0x2b2: {  	v44 =	vor.u32 s23, v13;
	v26 =	vadd.s32 v34, v26;
	v59 =	vld.idx.msk [tilespmem:v29+s15+$0x0], $0xffff  }
0x2b3: {  	v39 =	vor.u32 s23, v7;
	v25 =	vadd.s32 v25, v26;
	v26 =	vld.idx.msk [tilespmem:v31+s15+$0x0], $0xffff  }
0x2b4: {  	v40 =	vor.u32 s23, v12;
	v60 =	vld.idx.msk [tilespmem:v28+s15+$0x0], $0xffff;
	v24 =	vadd.s32 v24, v27  }
0x2b5: {  	v61 =	vor.u32 s23, v8;
	v35 =	vor.u32 s23, v15;
	p6 =	por $0x0, $0x0;
	v25 =	vadd.s32 v32, v25;
	v62 =	vld.idx.msk [tilespmem:v30+s15+$0x0], $0xffff  }
.Ltmp17:
0x2b6: {  	v41 =	vor.u32 s0, v5;
	(v2sf) =	vpush v56, $0xF;
	v29 =	vld.idx.msk [tilespmem:v58+s15+$0x0], $0xffff;
	v25 =	vadd.s32 v36, v25;
	(pc) =	sbr.rel @p6 .LBB2_32-.Ltmp17, $4  }
0x2b7: {  	v34 =	vld.idx.msk [tilespmem:v44+s15+$0x0], $0xffff;
	v37 =	vor.u32 s23, v10;
	v38 =	vadd.s32 v38, v25;
	v27 =	vadd.s32 v59, v24;
	v24, _, _ =	vpop (xrf0)  }
0x2b8: {  	v31 =	vld.idx.msk [tilespmem:v39+s15+$0x0], $0xffff;
	v25 =	vperm.xlane v38, v4;
	v26 =	vadd.s32 v26, v27;
	v63 =	vbroadcast v24, $0xF  }
0x2b9: {  	v28 =	vld.idx.msk [tilespmem:v40+s15+$0x0], $0xffff;
	v36 =	vor.u32 s23, v16;
	(xrf0) =	vadd.scan.msk.s32 $0xffff, v38;
	v38 =	vor.u32 s23, v17;
	v26 =	vadd.s32 v60, v26  }
0x2ba: {  	p3 =	por $0x1, $0x1;
	v30 =	vld.idx.msk [tilespmem:v61+s15+$0x0], $0xffff;
	s23 =	simm.s32 $0xB00;
	v27 =	vor.u32 s0, v18;
	(xrf0) =	vadd.scan.msk.s32 $0xffff, v25;
	v42 =	vadd.s32 v62, v26;
	vm0 =	vgt.s32 v63, v1  }
0x2bb: {  	_ =	sdelay $0x8  }
0x2bc: {  	v26 =	vand.u32 v6, v41;
	v32 =	vld.idx.msk [tilespmem:v37+s15+$0x0], $0xffff  }
0x2bd: {  	v50 =	vor.u32 s0, v20;
	v35 =	vld.idx.msk [tilespmem:v35+s15+$0x0], $0xffff;
	v39, _, _ =	vpop (xrf0);
	s1 =	spop (v2sf)  }
0x2be: {  	v29 =	vadd.s32 v29, v42;
	v40 =	vnsel vm0, $0x0, v23;
	v36 =	vld.idx.msk [tilespmem:v36+s15+$0x0], $0xffff;
	v44 =	vor.u32 s0, v9;
	v51, _, _ =	vpop (xrf0);
	s25 =	sadd.s32 $0x0, s1  }
0x2bf: {  	v38 =	vld.idx.msk [tilespmem:v38+s15+$0x0], $0xffff;
	v29 =	vadd.s32 v31, v29;
	v31 =	vor.u32 s0, v21;
	v41 =	vadd.s32 s25, v51  }
0x2c0: {  	v27 =	vld.idx.msk [tilespmem:v27+s15+$0x0], $0xffff;
	v28 =	vadd.s32 v28, v29;
	v29 =	vor.u32 s0, v19;
	vm1 =	vlt.s32 v41, $0x40  }
0x2c1: {  	(xrf0) =	vadd.scan.msk.s32 $0xffff, v40;
	v28 =	vadd.s32 v30, v28;
	v30 =	vor.u32 s0, v14;
	v52 =	vld.idx.msk [tilespmem:v26+s15+$0x0], $0xffff;
	v53 =	vsel vm1, $0x1, v0  }
0x2c2: {  	v60 =	vor.u32 s0, v13;
	v28 =	vadd.s32 v33, v28;
	v54 =	vld.idx.msk [tilespmem:v50+s15+$0x0], $0xffff;
	(xrf0) =	vadd.scan.msk.s32 $0xffff, v53  }
0x2c3: {  	v55 =	vor.u32 s0, v7;
	v33 =	vld.idx.msk [tilespmem:v44+s15+$0x0], $0xffff;
	v28 =	vadd.s32 v34, v28  }
0x2c4: {  	v57 =	vor.u32 s0, v12;
	v26 =	vor.u32 s0, v11;
	v28 =	vadd.s32 v32, v28;
	v56 =	vld.idx.msk [tilespmem:v31+s15+$0x0], $0xffff  }
0x2c5: {  	v59 =	vor.u32 s0, v8;
	(v2sf) =	vpush v24, $0xF;
	v28 =	vadd.s32 v35, v28;
	v58 =	vld.idx.msk [tilespmem:v29+s15+$0x0], $0xffff  }
0x2c6: {  	v37 =	vor.u32 s0, v10;
	p6 =	por $0x0, $0x0;
	v35 =	vor.u32 s0, v15;
	v28 =	vadd.s32 v36, v28;
	v43 =	vld.idx.msk [tilespmem:v30+s15+$0x0], $0xffff  }
.Ltmp18:
0x2c7: {  	v34 =	vld.idx.msk [tilespmem:v60+s15+$0x0], $0xffff;
	v36 =	vor.u32 s0, v16;
	(v2sf) =	vpush v39, $0xF;
	v30, _, _ =	vpop (xrf0);
	v27 =	vadd.s32 v52, v27;
	(pc) =	sbr.rel @p6 .LBB2_34-.Ltmp18, $4  }
0x2c8: {  	v31 =	vld.idx.msk [tilespmem:v55+s15+$0x0], $0xffff;
	v38 =	vadd.s32 v38, v28;
	(v2sf) =	vpush v30, $0xF;
	v27 =	vadd.s32 v54, v27;
	v32, _, _ =	vpop (xrf0)  }
0x2c9: {  	v29 =	vld.idx.msk [tilespmem:v26+s15+$0x0], $0xffff;
	v26 =	vperm.xlane v38, v4;
	v61 =	vadd.s32 v56, v27;
	v62 =	vbroadcast v32, $0xF  }
0x2ca: {  	v28 =	vld.idx.msk [tilespmem:v57+s15+$0x0], $0xffff;
	v27 =	vor.u32 s23, v18;
	v63 =	vadd.s32 v58, v61;
	v41 =	vor.u32 s23, v5;
	(xrf0) =	vadd.scan.msk.s32 $0xffff, v38  }
0x2cb: {  	s10 =	simm.s32 $0xA00;
	p4 =	por $0x1, $0x1;
	v30 =	vld.idx.msk [tilespmem:v59+s15+$0x0], $0xffff;
	v42 =	vadd.s32 v43, v63;
	v38 =	vor.u32 s0, v17;
	(xrf0) =	vadd.scan.msk.s32 $0xffff, v26;
	vm1 =	vgt.s32 v62, v1  }
0x2cc: {  	_ =	sdelay $0x7  }
0x2cd: {  	v29 =	vadd.s32 v29, v42  }
0x2ce: {  	v39 =	vand.u32 v6, v41;
	v37 =	vld.idx.msk [tilespmem:v37+s15+$0x0], $0xffff;
	v53 =	vnsel vm1, $0x0, v25;
	v29 =	vadd.s32 v31, v29;
	s0 =	spop (v2sf)  }
0x2cf: {  	v40 =	vor.u32 s23, v20;
	v35 =	vld.idx.msk [tilespmem:v35+s15+$0x0], $0xffff;
	v52, _, _ =	vpop (xrf0);
	v28 =	vadd.s32 v28, v29;
	(xrf0) =	vadd.scan.msk.s32 $0xffff, v53;
	(v2sf) =	vpush v32, $0xF;
	s1 =	spop (v2sf)  }
0x2d0: {  	v36 =	vld.idx.msk [tilespmem:v36+s15+$0x0], $0xffff;
	v43, _, _ =	vpop (xrf0);
	v28 =	vadd.s32 v30, v28;
	v30 =	vor.u32 s23, v14;
	(v2sf) =	vpush v52, $0xF;
	s16 =	sadd.s32 s25, s1  }
0x2d1: {  	v38 =	vld.idx.msk [tilespmem:v38+s15+$0x0], $0xffff;
	v31 =	vor.u32 s23, v21;
	v43 =	vadd.s32 s16, v43  }
0x2d2: {  	v27 =	vld.idx.msk [tilespmem:v27+s15+$0x0], $0xffff;
	v29 =	vor.u32 s23, v19;
	v28 =	vadd.s32 v33, v28;
	vm2 =	vlt.s32 v43, $0x40  }
0x2d3: {  	v47 =	vor.u32 s23, v9;
	v54 =	vld.idx.msk [tilespmem:v39+s15+$0x0], $0xffff;
	v28 =	vadd.s32 v34, v28;
	v56 =	vsel vm2, $0x1, v0  }
0x2d4: {  	v55 =	vor.u32 s23, v11;
	v57 =	vld.idx.msk [tilespmem:v40+s15+$0x0], $0xffff;
	v28 =	vadd.s32 v37, v28;
	(xrf0) =	vadd.scan.msk.s32 $0xffff, v56  }
0x2d5: {  	v58 =	vor.u32 s23, v7;
	v28 =	vadd.s32 v35, v28;
	v46 =	vld.idx.msk [tilespmem:v30+s15+$0x0], $0xffff;
	v30, _, _ =	vpop (xrf0)  }
0x2d6: {  	v60 =	vor.u32 s23, v12;
	v59 =	vld.idx.msk [tilespmem:v31+s15+$0x0], $0xffff;
	v28 =	vadd.s32 v36, v28;
	s31 =	spop (v2sf);
	(v2sf) =	vpush v30, $0xF  }
0x2d7: {  	v45 =	vor.u32 s23, v8;
	p5 =	por $0x1, $0x1;
	p6 =	sgt.s32 s25, $0x3F;
	s28 =	simm.s32 $0x0;
	v44 =	vld.idx.msk [tilespmem:v29+s15+$0x0], $0xffff;
	v38 =	vadd.s32 v38, v28  }
0x2d8: {  	v48 =	vor.u32 s23, v13;
	p0 =	por $0x1, $0x1;
	p5 =	por !p5, !p6;
	p6 =	por $0x0, $0x0;
	v33 =	vld.idx.msk [tilespmem:v47+s15+$0x0], $0xffff;
	v39 =	vperm.xlane v38, v4  }
.Ltmp19:
0x2d9: {  	p5 =	por !p5, !p5;
	v37 =	vor.u32 s23, v10;
	v29 =	vld.idx.msk [tilespmem:v55+s15+$0x0], $0xffff;
	s0 =	ssub.s32 $0xFF, s0;
	v27 =	vadd.s32 v54, v27;
	(xrf0) =	vadd.scan.msk.s32 $0xffff, v38;
	(pc) =	sbr.rel @p6 .LBB2_36-.Ltmp19, $4  }
0x2da: {  	s29 =	simm.s32 $0x0;
	v31 =	vld.idx.msk [tilespmem:v58+s15+$0x0], $0xffff;
	v35 =	vor.u32 s23, v15;
	s28 =	smov.u32 @p5 s0;
	s0 =	simm.s32 @!p0 $0x0;
	v27 =	vadd.s32 v57, v27;
	v43, _, _ =	vpop (xrf0);
	(xrf0) =	vadd.scan.msk.s32 $0xffff, v39  }
0x2db: {  	s3 =	simm.s32 $0x900;
	s26 =	simm.s32 $0xFF;
	v36 =	vor.u32 s23, v16;
	v28 =	vld.idx.msk [tilespmem:v60+s15+$0x0], $0xffff;
	s0 =	simm.s32 @p0 $0x1;
	v61 =	vadd.s32 v59, v27;
	v62 =	vbroadcast v43, $0xF  }
0x2dc: {  	v41 =	vor.u32 s10, v5;
	v30 =	vld.idx.msk [tilespmem:v45+s15+$0x0], $0xffff;
	s1 =	sadd.s32 $0x0, s31;
	[smem:$0x7FC] =	sst s0;
	s0 =	smov.u32 s25;
	v63 =	vadd.s32 v44, v61;
	v38 =	vor.u32 s23, v17  }
0x2dd: {  	v40 =	vmovc v26;
	v34 =	vld.idx.msk [tilespmem:v48+s15+$0x0], $0xffff;
	s2 =	smov.u32 s16;
	s12 =	smov.u32 s16;
	s29 =	smov.u32 @p5 s1;
	v27 =	vor.u32 s10, v18;
	v42 =	vadd.s32 v46, v63;
	vm2 =	vgt.s32 v62, v1  }
.LBB2_37:
0x2de: {  	p6 =	seq.s32 s3, $0x0;
	v41 =	vand.u32 v6, v41;
	v29 =	vadd.s32 v29, v42;
	v37 =	vld.idx.msk [tilespmem:v37+s15+$0x0], $0xffff;
	v42 =	vnsel vm2, $0x0, v40;
	s1 =	spop (v2sf);
	s26 =	sadd.s32 $0xFFFFFFF0, s26;
	v40 =	vmovc v39  }
0x2df: {  	v39 =	vor.u32 s10, v20;
	v29 =	vadd.s32 v31, v29;
	v31 =	vld.idx.msk [tilespmem:v35+s15+$0x0], $0xffff;
	v35, _, _ =	vpop (xrf0);
	s5 =	spop (v2sf);
	(v2sf) =	vpush v43, $0xF;
	(xrf0) =	vadd.scan.msk.s32 $0xffff, v42;
	s1 =	ssub.s32 s26, s1  }
0x2e0: {  	v42 =	vor.u32 s10, v21;
	v28 =	vadd.s32 v28, v29;
	v29 =	vld.idx.msk [tilespmem:v36+s15+$0x0], $0xffff;
	v36, _, _ =	vpop (xrf0);
	(v2sf) =	vpush v35, $0xF;
	s16 =	sadd.s32 s16, s5  }
0x2e1: {  	v35 =	vor.u32 s10, v19;
	v28 =	vadd.s32 v30, v28;
	v30 =	vld.idx.msk [tilespmem:v38+s15+$0x0], $0xffff;
	v36 =	vadd.s32 s16, v36  }
0x2e2: {  	v38 =	vor.u32 s10, v14;
	v27 =	vld.idx.msk [tilespmem:v27+s15+$0x0], $0xffff;
	v28 =	vadd.s32 v33, v28;
	vm2 =	vlt.s32 v36, $0x40  }
0x2e3: {  	v36 =	vor.u32 s10, v11;
	v33 =	vld.idx.msk [tilespmem:v41+s15+$0x0], $0xffff;
	v28 =	vadd.s32 v34, v28;
	v34 =	vsel vm2, $0x1, v0  }
0x2e4: {  	p0 =	slt.s32 s0, $0x40;
	p5 =	sgt.s32 s2, $0x3F;
	v43 =	vor.u32 s10, v7;
	s2 =	smov.u32 s16;
	v41 =	vld.idx.msk [tilespmem:v39+s15+$0x0], $0xffff;
	v28 =	vadd.s32 v37, v28;
	(xrf0) =	vadd.scan.msk.s32 $0xffff, v34  }
0x2e5: {  	p0 =	por !p0, !p5;
	v34 =	vld.idx.msk [tilespmem:v42+s15+$0x0], $0xffff;
	v42 =	vor.u32 s10, v12;
	v28 =	vadd.s32 v31, v28;
	v31, _, _ =	vpop (xrf0);
	s5 =	spop (v2sf)  }
0x2e6: {  	v45 =	vor.u32 s10, v8;
	p0 =	por !p0, !p0;
	v44 =	vld.idx.msk [tilespmem:v35+s15+$0x0], $0xffff;
	v28 =	vadd.s32 v29, v28;
	(v2sf) =	vpush v31, $0xF;
	s5 =	sadd.s32 s0, s5;
	s0 =	smov.u32 s12  }
0x2e7: {  	s28 =	smov.u32 @p0 s1;
	s12 =	smov.u32 s16;
	v46 =	vld.idx.msk [tilespmem:v38+s15+$0x0], $0xffff;
	v38 =	vor.u32 s10, v9;
	v28 =	vadd.s32 v30, v28;
	s29 =	smov.u32 @p0 s5  }
0x2e8: {  	v47 =	vor.u32 s10, v13;
	v29 =	vld.idx.msk [tilespmem:v36+s15+$0x0], $0xffff;
	v39 =	vperm.xlane v28, v4  }
.Ltmp20:
0x2e9: {  	v37 =	vor.u32 s10, v10;
	v27 =	vadd.s32 v33, v27;
	v31 =	vld.idx.msk [tilespmem:v43+s15+$0x0], $0xffff;
	(xrf0) =	vadd.scan.msk.s32 $0xffff, v28;
	(pc) =	sbr.rel @!p6 .LBB2_37-.Ltmp20, $4  }
0x2ea: {  	v35 =	vor.u32 s10, v15;
	v27 =	vadd.s32 v41, v27;
	v28 =	vld.idx.msk [tilespmem:v42+s15+$0x0], $0xffff;
	(xrf0) =	vadd.scan.msk.s32 $0xffff, v39;
	v43, _, _ =	vpop (xrf0)  }
0x2eb: {  	v36 =	vor.u32 s10, v16;
	v33 =	vadd.s32 v34, v27;
	v30 =	vld.idx.msk [tilespmem:v45+s15+$0x0], $0xffff;
	v45 =	vbroadcast v43, $0xF  }
0x2ec: {  	v27 =	vor.u32 s3, v18;
	v34 =	vadd.s32 v44, v33;
	v33 =	vld.idx.msk [tilespmem:v38+s15+$0x0], $0xffff;
	v38 =	vor.u32 s10, v17;
	s10 =	smov.u32 s3  }
0x2ed: {  	s3 =	sadd.s32 $0xFFFFFF00, s3;
	v42 =	vadd.s32 v46, v34;
	v41 =	vor.u32 s10, v5;
	v34 =	vld.idx.msk [tilespmem:v47+s15+$0x0], $0xffff;
	vm2 =	vgt.s32 v45, v1  }
0x2ee: {  	s23 =	smov.u32 s10  }
.LBB2_39:
0x2ef: {  	_ =	sdelay $0x1  }
0x2f0: {  	v29 =	vadd.s32 @p1 v29, v42  }
0x2f1: {  	v29 =	vadd.s32 @p1 v31, v29  }
0x2f2: {  	v41 =	vand.u32 v6, v41;
	v37 =	vld.idx.msk @p1 [tilespmem:v37+s15+$0x0], $0xffff;
	s10 =	spop @p4 (v2sf)  }
0x2f3: {  	v53 =	vor.u32 s23, v20;
	v35 =	vld.idx.msk @p1 [tilespmem:v35+s15+$0x0], $0xffff;
	v54 =	vor.u32 s23, v21;
	s1 =	spop @p3 (v2sf);
	v28 =	vadd.s32 @p1 v28, v29  }
0x2f4: {  	v36 =	vld.idx.msk @p1 [tilespmem:v36+s15+$0x0], $0xffff;
	s11 =	smov.u32 s22;
	v55 =	vor.u32 s23, v19;
	(v2sf) =	vpush @p3 v43, $0xF;
	s16 =	sadd.s32 @p3 s16, s1;
	v28 =	vadd.s32 @p1 v30, v28;
	v29, _, _ =	vpop @p2 (xrf0)  }
0x2f5: {  	v38 =	vld.idx.msk @p1 [tilespmem:v38+s15+$0x0], $0xffff;
	v56 =	vor.u32 s23, v14;
	s11 =	smov.u32 @p3 s16;
	v28 =	vadd.s32 @p1 v33, v28;
	v30, _, _ =	vpop @p2 (xrf0);
	(v2sf) =	vpush @p2 v29, $0xF  }
0x2f6: {  	v27 =	vld.idx.msk [tilespmem:v27+s15+$0x0], $0xffff;
	v58 =	vor.u32 s23, v11;
	v28 =	vadd.s32 @p1 v34, v28;
	v30 =	vadd.s32 @p2 s11, v30  }
0x2f7: {  	v31 =	vnsel @p3 vm2, $0x0, v40;
	v57 =	vld.idx.msk [tilespmem:v41+s15+$0x0], $0xffff;
	v28 =	vadd.s32 @p1 v37, v28;
	vm2 =	vlt.s32 @p2 v30, $0x40  }
0x2f8: {  	v60 =	vor.u32 s23, v7;
	(xrf0) =	vadd.scan.msk.s32 @p3 $0xffff, v31;
	v59 =	vld.idx.msk [tilespmem:v53+s15+$0x0], $0xffff;
	v28 =	vadd.s32 @p1 v35, v28;
	v31 =	vsel @p2 vm2, $0x1, v0  }
0x2f9: {  	v62 =	vor.u32 s23, v12;
	v61 =	vld.idx.msk [tilespmem:v54+s15+$0x0], $0xffff;
	v28 =	vadd.s32 @p1 v36, v28;
	(xrf0) =	vadd.scan.msk.s32 @p2 $0xffff, v31  }
0x2fa: {  	v63 =	vor.u32 s23, v8;
	v29 =	vld.idx.msk [tilespmem:v55+s15+$0x0], $0xffff;
	v28 =	vadd.s32 @p1 v38, v28  }
0x2fb: {  	v45 =	vor.u32 s23, v9;
	v33 =	vld.idx.msk [tilespmem:v56+s15+$0x0], $0xffff;
	(xrf0) =	vadd.scan.msk.s32 @p1 $0xffff, v28  }
0x2fc: {  	v46 =	vor.u32 s23, v13;
	v34 =	vld.idx.msk [tilespmem:v58+s15+$0x0], $0xffff;
	v27 =	vadd.s32 v57, v27  }
0x2fd: {  	v48 =	vor.u32 s23, v10;
	v47 =	vld.idx.msk [tilespmem:v60+s15+$0x0], $0xffff;
	v27 =	vadd.s32 v59, v27  }
0x2fe: {  	v49 =	vor.u32 s23, v15;
	v35 =	vld.idx.msk [tilespmem:v62+s15+$0x0], $0xffff;
	v37, _, _ =	vpop @p3 (xrf0);
	v28 =	vperm.xlane @p1 v28, v4;
	v27 =	vadd.s32 v61, v27  }
0x2ff: {  	v50 =	vor.u32 s23, v16;
	v52 =	vor.u32 s23, v17;
	v36 =	vld.idx.msk [tilespmem:v63+s15+$0x0], $0xffff;
	v27 =	vadd.s32 v29, v27;
	v31, _, _ =	vpop @p2 (xrf0)  }
0x300: {  	v51 =	vld.idx.msk [tilespmem:v45+s15+$0x0], $0xffff;
	(v2sf) =	vpush @p3 v37, $0xF;
	(xrf0) =	vadd.scan.msk.s32 @p1 $0xffff, v28;
	v27 =	vadd.s32 v33, v27;
	v32 =	vpsel p2, v31, v32  }
0x301: {  	v53 =	vld.idx.msk [tilespmem:v46+s15+$0x0], $0xffff;
	v27 =	vadd.s32 v34, v27;
	v34, _, _ =	vpop @p1 (xrf0);
	(v2sf) =	vpush @p2 v32, $0xF  }
0x302: {  	v54 =	vld.idx.msk [tilespmem:v48+s15+$0x0], $0xffff;
	s17 =	spop @p4 (v2sf);
	v27 =	vadd.s32 v47, v27;
	(v2sf) =	vpush @p1 v34, $0xF  }
0x303: {  	v55 =	vld.idx.msk [tilespmem:v49+s15+$0x0], $0xffff;
	s23 =	spop @p3 (v2sf);
	v27 =	vadd.s32 v35, v27  }
0x304: {  	v56 =	vld.idx.msk [tilespmem:v50+s15+$0x0], $0xffff;
	v30 =	vbroadcast @p2 v31, $0xF;
	v27 =	vadd.s32 v36, v27;
	s1 =	spop @p2 (v2sf)  }
0x305: {  	s5 =	smov.u32 s22;
	v57 =	vld.idx.msk [tilespmem:v52+s15+$0x0], $0xffff;
	v29 =	vmov @p2 v39;
	v27 =	vadd.s32 v51, v27;
	s8 =	sadd.s32 @p2 s11, s1  }
0x306: {  	v25 =	vpsel p2, v29, v25;
	vm2 =	vgt.s32 @p2 v30, v1;
	v35, _, _ =	vpop @p1 (xrf0);
	v27 =	vadd.s32 v53, v27;
	s5 =	smov.u32 @p2 s8  }
0x307: {  	vm1 =	vmmov @p2 vm2;
	v27 =	vadd.s32 v54, v27;
	v29 =	vadd.s32 @p1 s5, v35  }
0x308: {  	v25 =	vnsel @p2 vm1, $0x0, v25;
	v27 =	vadd.s32 v55, v27;
	vm1 =	vlt.s32 @p1 v29, $0x40  }
0x309: {  	(xrf0) =	vadd.scan.msk.s32 @p2 $0xffff, v25;
	v27 =	vadd.s32 v56, v27;
	v25 =	vsel @p1 vm1, $0x1, v0  }
0x30a: {  	v58 =	vadd.s32 v57, v27;
	(xrf0) =	vadd.scan.msk.s32 @p1 $0xffff, v25  }
0x30b: {  	v27 =	vperm.xlane v58, v4  }
0x30c: {  	(xrf0) =	vadd.scan.msk.s32 $0xffff, v58  }
0x30d: {  	(xrf0) =	vadd.scan.msk.s32 $0xffff, v27;
	_ =	sdelay $0x1  }
0x30e: {  	s18 =	spop @p3 (v2sf);
	v25, _, _ =	vpop @p2 (xrf0)  }
0x30f: {  	v29, _, _ =	vpop @p1 (xrf0);
	s6 =	spop @p2 (v2sf)  }
0x310: {  	v30 =	vbroadcast @p1 v29, $0xF;
	s1 =	spop @p1 (v2sf)  }
0x311: {  	s3 =	smov.u32 s22;
	v59, _, _ =	vpop (xrf0);
	s9 =	sadd.s32 @p1 s5, s1  }
0x312: {  	v26 =	vpsel p1, v28, v26;
	v60, _, _ =	vpop (xrf0);
	vm1 =	vgt.s32 @p1 v30, v1;
	s3 =	smov.u32 @p1 s9  }
0x313: {  	v23 =	vpsel p1, v26, v23;
	vm0 =	vmmov @p1 vm1;
	v61 =	vadd.s32 s3, v60  }
0x314: {  	v23 =	vnsel @p1 vm0, $0x0, v23;
	vm14 =	vlt.s32 v61, $0x40  }
0x315: {  	(xrf0) =	vadd.scan.msk.s32 @p1 $0xffff, v23;
	v23 =	vsel vm14, $0x1, v0  }
0x316: {  	(xrf0) =	vadd.scan.msk.s32 $0xffff, v23;
	_ =	sdelay $0x1  }
0x317: {  	p5 =	sgt.s32 @p4 s2, $0x3F;
	s2 =	sld [smem:$0x7FC];
	(v2sf) =	vpush @p2 v25, $0xF;
	v23 =	vpsel p1, v29, v24  }
0x318: {  	p0 =	slt.s32 @p4 s0, $0x40;
	(v2sf) =	vpush @p1 v23, $0xF  }
0x319: {  	p0 =	por @p4 !p0, !p5  }
0x31a: {  	p0 =	por @p4 !p0, !p0;
	p5 =	seq.s32 s2, $0x1;
	v23, _, _ =	vpop @p1 (xrf0)  }
0x31b: {  	s2 =	simm.s32 $0xFF;
	p0 =	por !p0, !p4;
	s1 =	sadd.s32 @p5 $0xFFFFFFF0, s26;
	v62, _, _ =	vpop (xrf0)  }
0x31c: {  	s0 =	sadd.s32 @p4 s0, s17;
	s17 =	smov.u32 s25;
	s2 =	smov.u32 @p5 s1;
	v63 =	vbroadcast v62, $0xF  }
0x31d: {  	s0 =	smov.u32 @p0 s29;
	s1 =	ssub.s32 @p4 s2, s10;
	s10 =	smov.u32 @p3 s16  }
0x31e: {  	s16 =	smov.u32 s22;
	s2 =	sadd.s32 @p4 $0xFFFFFFF0, s2;
	s1 =	smov.u32 @p0 s28;
	vm15 =	vgt.s32 v63, v1  }
0x31f: {  	s16 =	smov.u32 @p3 s12;
	s17 =	smov.u32 @p3 s10;
	s10 =	smov.u32 @p2 s11;
	v25 =	vnsel vm15, $0x0, v27  }
0x320: {  	s11 =	simm.s32 $0xFF;
	s12 =	smov.u32 s22;
	s25 =	smov.u32 @p2 s10;
	(xrf0) =	vadd.scan.msk.s32 $0xffff, v25  }
0x321: {  	p0 =	slt.s32 @p3 s16, $0x40;
	p5 =	sgt.s32 @p3 s17, $0x3F;
	s10 =	smov.u32 s22  }
0x322: {  	s11 =	smov.u32 @p4 s2;
	s2 =	smov.u32 @p2 s8;
	s8 =	sadd.s32 @p3 s16, s18  }
0x323: {  	s12 =	smov.u32 @p1 s5;
	s5 =	smov.u32 s22;
	p0 =	por @p3 !p0, !p5  }
0x324: {  	s10 =	smov.u32 @p4 s1;
	s1 =	smov.u32 s22;
	p0 =	por @p3 !p0, !p0;
	(v2sf) =	vpush v59, $0xF  }
0x325: {  	s2 =	smov.u32 @p2 s2;
	s1 =	smov.u32 @p4 s0;
	p0 =	por !p0, !p3;
	(v2sf) =	vpush @p1 v23, $0xF  }
0x326: {  	p5 =	slt.s32 s3, $0x40;
	s8 =	smov.u32 @p0 s1;
	s1 =	spop @p2 (v2sf);
	(v2sf) =	vpush v62, $0xF;
	v23, _, _ =	vpop (xrf0)  }
0x327: {  	s0 =	ssub.s32 @p3 s11, s23;
	p4 =	sgt.s32 @p2 s2, $0x3F;
	s16 =	spop @p1 (v2sf);
	(v2sf) =	vpush v23, $0xF  }
0x328: {  	s2 =	simm.s32 $0xFF;
	s0 =	smov.u32 @p0 s10;
	s10 =	smov.u32 @p2 s25  }
0x329: {  	s10 =	smov.u32 @p2 s10;
	s5 =	smov.u32 @p3 s0;
	s0 =	sadd.s32 @p3 $0xFFFFFFF0, s11  }
0x32a: {  	p0 =	slt.s32 @p2 s10, $0x40;
	s2 =	smov.u32 @p3 s0;
	s0 =	smov.u32 s22  }
0x32b: {  	s23 =	smov.u32 s22;
	p0 =	por @p2 !p0, !p4;
	s0 =	smov.u32 @p3 s8  }
0x32c: {  	s6 =	ssub.s32 @p2 s2, s6;
	s8 =	smov.u32 @p1 s9;
	s9 =	smov.u32 @p1 s12  }
0x32d: {  	s2 =	sadd.s32 @p2 $0xFFFFFFF0, s2;
	p0 =	por @p2 !p0, !p0;
	s8 =	smov.u32 @p1 s8  }
0x32e: {  	p0 =	por !p0, !p2;
	p3 =	sgt.s32 @p1 s8, $0x3F;
	s8 =	simm.s32 $0xFF  }
0x32f: {  	s6 =	smov.u32 @p0 s5;
	s5 =	smov.u32 @p1 s9;
	s1 =	sadd.s32 @p2 s10, s1  }
0x330: {  	s8 =	smov.u32 @p2 s2;
	s1 =	smov.u32 @p0 s0;
	p0 =	slt.s32 @p1 s5, $0x40  }
0x331: {  	s2 =	smov.u32 s22;
	s0 =	smov.u32 s22;
	p0 =	por @p1 !p0, !p3  }
0x332: {  	s0 =	smov.u32 @p2 s6;
	s2 =	smov.u32 @p2 s1;
	p0 =	por @p1 !p0, !p0  }
0x333: {  	p0 =	por !p0, !p1;
	s28 =	spop (v2sf);
	s6 =	ssub.s32 @p1 s8, s16  }
0x334: {  	s6 =	smov.u32 @p0 s0;
	s29 =	sadd.s32 s3, s28;
	s9 =	spop @p1 (v2sf)  }
0x335: {  	p6 =	sgt.s32 s29, $0x3F;
	s1 =	sadd.s32 @p1 s5, s9;
	s30 =	spop (v2sf)  }
0x336: {  	s1 =	smov.u32 @p0 s2;
	p0 =	por !p5, !p6;
	s31 =	spop (v2sf)  }
0x337: {  	s22 =	smov.u32 @p1 s1;
	p0 =	por !p0, !p0;
	s0 =	sadd.s32 s3, s31  }
0x338: {  	s22 =	smov.u32 @p0 s0;
	s0 =	simm.s32 $0x100C0  }
0x339: {  	[tilespmem:s0+$0xFFFFFFC0] =	vst v0  }
0x33a: {  	[tilespmem:s0+$0x30] =	vst v0  }
0x33b: {  	[tilespmem:s0+$0x20] =	vst v0  }
0x33c: {  	s2 =	sadd.s32 @p1 $0xFFFFFFF0, s8;
	[tilespmem:s0+$0x10] =	vst v0  }
0x33d: {  	s24 =	smov.u32 @p1 s2;
	[tilespmem:s0+$0x0] =	vst v0  }
0x33e: {  	s23 =	smov.u32 @p1 s6;
	s1 =	ssub.s32 s24, s30;
	[tilespmem:s0+$0xFFFFFFF0] =	vst v0  }
0x33f: {  	s23 =	smov.u32 @p0 s1;
	s1 =	simm.s32 $0x0;
	[tilespmem:s0+$0xFFFFFFE0] =	vst v0  }
.LBB2_40:
0x340: {  	s1 =	sadd.s32 $0x8, s1;
	[tilespmem:s0+$0xFFFFFFD0] =	vst v0;
	s0 =	sadd.s32 $0x80, s0  }
0x341: {  	[tilespmem:s0+$0xFFFFFFC0] =	vst v0;
	p0 =	slt.u32 s1, $0xF8  }
0x342: {  	[tilespmem:s0+$0x30] =	vst v0  }
.Ltmp21:
0x343: {  	[tilespmem:s0+$0x20] =	vst v0;
	(pc) =	sbr.rel @p0 .LBB2_40-.Ltmp21, $4  }
0x344: {  	[tilespmem:s0+$0x10] =	vst v0  }
0x345: {  	[tilespmem:s0+$0x0] =	vst v0  }
0x346: {  	[tilespmem:s0+$0xFFFFFFF0] =	vst v0  }
0x347: {  	[tilespmem:s0+$0xFFFFFFE0] =	vst v0  }
0x348: {  	s31 =	sld [smem:$0x7FD];
	_ =	sdelay $0x2  }
0x349: {  	p0 =	seq.s32 s31, $0x1  }
.Ltmp22:
0x34a: {  	_ = 	snop;
	(pc) =	sbr.rel @p0 .LBB2_48-.Ltmp22, $2  }
0x34b: {  	_ =	sdelay $0x2  }
0x34c: {  	[tilespmem:s0+$0xFFFFFFD0] =	vst v0  }
0x34d: {  	p0 =	sne.s32 s21, $0x1  }
.Ltmp23:
0x34e: {  	_ = 	snop;
	(pc) =	sbr.rel @!p0 .LBB2_43-.Ltmp23, $3  }
0x34f: {  	_ =	sdelay $0x1  }
0x350: {  	s0 =	sand.u32 $0xFF, s23;
	s1 =	simm.s32 $0x8000  }
0x351: {  	p1 =	por $0x0, $0x0;
	v23 =	vmov s0;
	s0 =	simm.s32 $0x0;
	v24 =	vld [tilespmem:s1+$0x0];
	s1 =	sadd.s32 $0xFFFFFFFF, s21  }
0x352: {  	_ =	sdelay $0x3  }
0x353: {  	v25 =	vor.u32 s0, v1;
	v26 =	vshrl.u32 v24, $0x18  }
0x354: {  	vm0 =	vlt.s32 v25, v22;
	v24 =	vshrl.u32 v24, $0xC;
	vm1 =	veq.s32 v26, v23  }
0x355: {  	v24 =	vand.u32 $0xFF0, v24;
	vm0 =	vmand vm0, vm1  }
0x356: {  	v24 =	vor.u32 v1, v24  }
0x357: {  	p0 =	sne.s32 s1, $0x1  }
.Ltmp24:
0x358: {  	_ = 	snop;
	(pc) =	sbr.rel @!p0 .LBB2_45-.Ltmp24, $3  }
0x359: {  	_ =	sdelay $0x1  }
0x35a: {  	s2 =	simm.s32 $0x8010;
	[tilespmem:v24+s15+$0x0] =	vst.idx.add.s32.msk vm0, v2  }
0x35b: {  	s3 =	sadd.s32 $0xFFFFFFFF, s1;
	p1 =	por $0x1, $0x1;
	s1 =	simm.s32 $0x0;
	v24 =	vld [tilespmem:s2+$0x0]  }
.LBB2_46:
0x35c: {  	p2 =	sne.s32 s3, $0x1;
	_ =	sdelay $0x2  }
0x35d: {  	s1 =	sadd.s32 $0x10, s1  }
0x35e: {  	v25 =	vor.u32 s1, v1;
	v26 =	vshrl.u32 v24, $0x18  }
0x35f: {  	vm0 =	vlt.s32 v25, v22;
	v24 =	vshrl.u32 v24, $0xC;
	vm1 =	veq.s32 v26, v23  }
0x360: {  	v24 =	vand.u32 $0xFF0, v24;
	vm0 =	vmand vm0, vm1  }
0x361: {  	v24 =	vor.u32 v1, v24;
	_ =	sdelay $0x1  }
.Ltmp25:
0x362: {  	(pc) =	sbr.rel @p2 .LBB2_46-.Ltmp25, $3  }
0x363: {  	_ =	sdelay $0x1  }
0x364: {  	s2 =	sadd.s32 $0x10, s2;
	[tilespmem:v24+s15+$0x0] =	vst.idx.add.s32.msk vm0, v2  }
0x365: {  	s3 =	sadd.s32 $0xFFFFFFFF, s3;
	v24 =	vld [tilespmem:s2+$0x0]  }
.LBB2_47:
0x366: {  	_ =	sdelay $0x1  }
0x367: {  	s1 =	sadd.s32 @p1 $0x10, s1  }
0x368: {  	s0 =	smov.u32 @p1 s1  }
0x369: {  	v25 =	vor.u32 s0, v1;
	v26 =	vshrl.u32 v24, $0x18  }
0x36a: {  	vm0 =	vlt.s32 v25, v22;
	vm1 =	veq.s32 v26, v23;
	v23 =	vshrl.u32 v24, $0xC  }
0x36b: {  	vm0 =	vmand vm0, vm1;
	v23 =	vand.u32 $0xFF0, v23  }
0x36c: {  	v23 =	vor.u32 v1, v23;
	_ =	sdelay $0x4  }
0x36d: {  	[tilespmem:v23+s15+$0x0] =	vst.idx.add.s32.msk vm0, v2  }
.LBB2_48:
0x36e: {  	p0 =	por $0x0, $0x0  }
.Ltmp26:
0x36f: {  	_ = 	snop;
	(pc) =	sbr.rel @p0 .LBB2_49-.Ltmp26, $4  }
0x370: {  	s26 =	ssub.s32 $0x40, s22  }
0x371: {  	s6 =	simm.s32 $0x0;
	s11 =	simm.s32 $0xF00;
	s24 =	simm.s32 $0xFF  }
0x372: {  	s0 =	simm.s32 $0xE00;
	p1 =	por $0x0, $0x0;
	p2 =	por $0x0, $0x0  }
0x373: {  	p3 =	por $0x0, $0x0;
	p4 =	por $0x0, $0x0;
	p6 =	por $0x0, $0x0;
	v23 =	vmov s26;
	v28 =	vor.u32 s11, v18;
	v42 =	vor.u32 s11, v5  }
0x374: {  	v24 =	vand.u32 v6, v42  }
0x375: {  	v25 =	vor.u32 s11, v20  }
0x376: {  	v26 =	vor.u32 s11, v21  }
0x377: {  	v27 =	vor.u32 s11, v19  }
0x378: {  	v28 =	vld.idx.msk [tilespmem:v28+s15+$0x0], $0xffff;
	v29 =	vor.u32 s11, v14  }
0x379: {  	v30 =	vor.u32 s11, v11;
	v24 =	vld.idx.msk [tilespmem:v24+s15+$0x0], $0xffff  }
0x37a: {  	v31 =	vor.u32 s11, v7;
	v25 =	vld.idx.msk [tilespmem:v25+s15+$0x0], $0xffff  }
0x37b: {  	v33 =	vor.u32 s11, v12;
	v26 =	vld.idx.msk [tilespmem:v26+s15+$0x0], $0xffff  }
0x37c: {  	v34 =	vor.u32 s11, v8;
	v27 =	vld.idx.msk [tilespmem:v27+s15+$0x0], $0xffff  }
0x37d: {  	v39 =	vor.u32 s11, v9;
	v35 =	vld.idx.msk [tilespmem:v29+s15+$0x0], $0xffff  }
0x37e: {  	v40 =	vor.u32 s11, v13;
	p0 =	por $0x0, $0x0;
	v30 =	vld.idx.msk [tilespmem:v30+s15+$0x0], $0xffff  }
.Ltmp27:
0x37f: {  	v32 =	vld.idx.msk [tilespmem:v31+s15+$0x0], $0xffff;
	v24 =	vadd.s32 v24, v28;
	(pc) =	sbr.rel @p0 .LBB2_51-.Ltmp27, $4  }
0x380: {  	v29 =	vld.idx.msk [tilespmem:v33+s15+$0x0], $0xffff;
	v24 =	vadd.s32 v25, v24  }
0x381: {  	v38 =	vor.u32 s11, v10;
	v36 =	vor.u32 s11, v15;
	v31 =	vld.idx.msk [tilespmem:v34+s15+$0x0], $0xffff;
	v24 =	vadd.s32 v26, v24  }
0x382: {  	v37 =	vor.u32 s11, v16;
	v42 =	vor.u32 s0, v5;
	v34 =	vld.idx.msk [tilespmem:v39+s15+$0x0], $0xffff;
	v24 =	vadd.s32 v27, v24  }
0x383: {  	p1 =	por $0x1, $0x1;
	v39 =	vor.u32 s11, v17;
	s11 =	simm.s32 $0xD00;
	v28 =	vor.u32 s0, v18;
	v43 =	vadd.s32 v35, v24;
	v35 =	vld.idx.msk [tilespmem:v40+s15+$0x0], $0xffff  }
0x384: {  	_ =	sdelay $0x3  }
0x385: {  	v24 =	vand.u32 v6, v42;
	v25 =	vld.idx.msk [tilespmem:v38+s15+$0x0], $0xffff  }
0x386: {  	v26 =	vor.u32 s0, v20;
	v27 =	vld.idx.msk [tilespmem:v36+s15+$0x0], $0xffff  }
0x387: {  	v33 =	vor.u32 s0, v21;
	v58 =	vld.idx.msk [tilespmem:v37+s15+$0x0], $0xffff  }
0x388: {  	v30 =	vadd.s32 v30, v43;
	v59 =	vor.u32 s0, v19;
	v60 =	vld.idx.msk [tilespmem:v39+s15+$0x0], $0xffff  }
0x389: {  	v28 =	vld.idx.msk [tilespmem:v28+s15+$0x0], $0xffff;
	v61 =	vor.u32 s0, v7;
	v30 =	vadd.s32 v32, v30  }
0x38a: {  	v29 =	vadd.s32 v29, v30;
	v30 =	vor.u32 s0, v14;
	v24 =	vld.idx.msk [tilespmem:v24+s15+$0x0], $0xffff  }
0x38b: {  	v41 =	vor.u32 s0, v9;
	v29 =	vadd.s32 v31, v29;
	v26 =	vld.idx.msk [tilespmem:v26+s15+$0x0], $0xffff  }
0x38c: {  	v44 =	vor.u32 s0, v13;
	v29 =	vadd.s32 v34, v29;
	v33 =	vld.idx.msk [tilespmem:v33+s15+$0x0], $0xffff  }
0x38d: {  	v62 =	vor.u32 s0, v12;
	v29 =	vadd.s32 v35, v29;
	v63 =	vld.idx.msk [tilespmem:v59+s15+$0x0], $0xffff  }
0x38e: {  	v31 =	vor.u32 s0, v11;
	v32 =	vld.idx.msk [tilespmem:v61+s15+$0x0], $0xffff;
	v25 =	vadd.s32 v25, v29  }
0x38f: {  	v40 =	vor.u32 s0, v8;
	p0 =	por $0x0, $0x0;
	v25 =	vadd.s32 v27, v25;
	v27 =	vld.idx.msk [tilespmem:v30+s15+$0x0], $0xffff  }
.Ltmp28:
0x390: {  	v34 =	vld.idx.msk [tilespmem:v41+s15+$0x0], $0xffff;
	v25 =	vadd.s32 v58, v25;
	v28 =	vadd.s32 v24, v28;
	(pc) =	sbr.rel @p0 .LBB2_53-.Ltmp28, $4  }
0x391: {  	v38 =	vor.u32 s0, v10;
	v35 =	vld.idx.msk [tilespmem:v44+s15+$0x0], $0xffff;
	v25 =	vadd.s32 v60, v25;
	v26 =	vadd.s32 v26, v28  }
0x392: {  	v36 =	vor.u32 s0, v15;
	v29 =	vld.idx.msk [tilespmem:v62+s15+$0x0], $0xffff;
	v24 =	vperm.xlane v25, v4;
	v26 =	vadd.s32 v33, v26  }
0x393: {  	v37 =	vor.u32 s0, v16;
	v39 =	vor.u32 s0, v17;
	v30 =	vld.idx.msk [tilespmem:v31+s15+$0x0], $0xffff;
	(xrf0) =	vadd.scan.msk.s32 $0xffff, v25;
	v25 =	vadd.s32 v63, v26  }
0x394: {  	v42 =	vor.u32 s11, v5;
	p2 =	por $0x1, $0x1;
	s0 =	simm.s32 $0xC00;
	v31 =	vld.idx.msk [tilespmem:v40+s15+$0x0], $0xffff;
	v28 =	vor.u32 s11, v18;
	(xrf0) =	vadd.scan.msk.s32 $0xffff, v24;
	v43 =	vadd.s32 v27, v25  }
0x395: {  	_ =	sdelay $0x2  }
0x396: {  	v25 =	vand.u32 v6, v42  }
0x397: {  	v26 =	vld.idx.msk [tilespmem:v38+s15+$0x0], $0xffff  }
0x398: {  	v33 =	vld.idx.msk [tilespmem:v36+s15+$0x0], $0xffff;
	v40 =	vor.u32 s11, v7;
	v55, _, _ =	vpop (xrf0)  }
0x399: {  	v37 =	vld.idx.msk [tilespmem:v37+s15+$0x0], $0xffff;
	v27 =	vadd.s32 v30, v43;
	v30 =	vor.u32 s11, v20;
	v57, _, _ =	vpop (xrf0)  }
0x39a: {  	v56 =	vor.u32 s11, v21;
	v28 =	vld.idx.msk [tilespmem:v28+s15+$0x0], $0xffff;
	v27 =	vadd.s32 v32, v27;
	v38 =	vadd.s32 s6, v57  }
0x39b: {  	v27 =	vadd.s32 v29, v27;
	v29 =	vor.u32 s11, v19;
	v25 =	vld.idx.msk [tilespmem:v25+s15+$0x0], $0xffff;
	vm0 =	vlt.s32 v38, v23  }
0x39c: {  	v39 =	vld.idx.msk [tilespmem:v39+s15+$0x0], $0xffff;
	v27 =	vadd.s32 v31, v27;
	v31 =	vor.u32 s11, v14;
	v38 =	vsel vm0, $0x1, v0  }
0x39d: {  	v44 =	vor.u32 s11, v9;
	v32 =	vld.idx.msk [tilespmem:v40+s15+$0x0], $0xffff;
	v27 =	vadd.s32 v34, v27;
	(xrf0) =	vadd.scan.msk.s32 $0xffff, v38  }
0x39e: {  	v58 =	vor.u32 s11, v11;
	v27 =	vadd.s32 v35, v27;
	v59 =	vld.idx.msk [tilespmem:v30+s15+$0x0], $0xffff  }
0x39f: {  	v45 =	vor.u32 s11, v13;
	v26 =	vadd.s32 v26, v27;
	v27 =	vld.idx.msk [tilespmem:v56+s15+$0x0], $0xffff  }
0x3a0: {  	v41 =	vor.u32 s11, v12;
	v60 =	vld.idx.msk [tilespmem:v29+s15+$0x0], $0xffff;
	v25 =	vadd.s32 v25, v28  }
0x3a1: {  	v61 =	vor.u32 s11, v8;
	v36 =	vor.u32 s11, v15;
	p0 =	por $0x0, $0x0;
	v26 =	vadd.s32 v33, v26;
	v62 =	vld.idx.msk [tilespmem:v31+s15+$0x0], $0xffff  }
.Ltmp29:
0x3a2: {  	v42 =	vor.u32 s0, v5;
	(v2sf) =	vpush v55, $0xF;
	v34 =	vld.idx.msk [tilespmem:v44+s15+$0x0], $0xffff;
	v26 =	vadd.s32 v37, v26;
	(pc) =	sbr.rel @p0 .LBB2_55-.Ltmp29, $4  }
0x3a3: {  	v30 =	vld.idx.msk [tilespmem:v58+s15+$0x0], $0xffff;
	v38 =	vor.u32 s11, v10;
	v39 =	vadd.s32 v39, v26;
	v28 =	vadd.s32 v59, v25;
	v25, _, _ =	vpop (xrf0)  }
0x3a4: {  	v35 =	vld.idx.msk [tilespmem:v45+s15+$0x0], $0xffff;
	v26 =	vperm.xlane v39, v4;
	v27 =	vadd.s32 v27, v28;
	v63 =	vbroadcast v25, $0xF  }
0x3a5: {  	v29 =	vld.idx.msk [tilespmem:v41+s15+$0x0], $0xffff;
	v37 =	vor.u32 s11, v16;
	(xrf0) =	vadd.scan.msk.s32 $0xffff, v39;
	v39 =	vor.u32 s11, v17;
	v27 =	vadd.s32 v60, v27  }
0x3a6: {  	p3 =	por $0x1, $0x1;
	v31 =	vld.idx.msk [tilespmem:v61+s15+$0x0], $0xffff;
	s11 =	simm.s32 $0xB00;
	v28 =	vor.u32 s0, v18;
	(xrf0) =	vadd.scan.msk.s32 $0xffff, v26;
	v43 =	vadd.s32 v62, v27;
	vm0 =	vgt.s32 v63, v1  }
0x3a7: {  	_ =	sdelay $0x8  }
0x3a8: {  	v27 =	vand.u32 v6, v42;
	v33 =	vld.idx.msk [tilespmem:v38+s15+$0x0], $0xffff  }
0x3a9: {  	v49 =	vor.u32 s0, v20;
	v36 =	vld.idx.msk [tilespmem:v36+s15+$0x0], $0xffff;
	v40, _, _ =	vpop (xrf0);
	s1 =	spop (v2sf)  }
0x3aa: {  	v41 =	vnsel vm0, $0x0, v24;
	v50 =	vor.u32 s0, v21;
	v37 =	vld.idx.msk [tilespmem:v37+s15+$0x0], $0xffff;
	v30 =	vadd.s32 v30, v43;
	v51, _, _ =	vpop (xrf0);
	s10 =	sadd.s32 $0x0, s1  }
0x3ab: {  	v39 =	vld.idx.msk [tilespmem:v39+s15+$0x0], $0xffff;
	v55 =	vor.u32 s0, v7;
	v30 =	vadd.s32 v32, v30;
	v42 =	vadd.s32 s10, v51  }
0x3ac: {  	v28 =	vld.idx.msk [tilespmem:v28+s15+$0x0], $0xffff;
	v29 =	vadd.s32 v29, v30;
	v30 =	vor.u32 s0, v19;
	vm1 =	vlt.s32 v42, v23  }
0x3ad: {  	(xrf0) =	vadd.scan.msk.s32 $0xffff, v41;
	v29 =	vadd.s32 v31, v29;
	v31 =	vor.u32 s0, v14;
	v52 =	vld.idx.msk [tilespmem:v27+s15+$0x0], $0xffff;
	v53 =	vsel vm1, $0x1, v0  }
0x3ae: {  	v45 =	vor.u32 s0, v9;
	v29 =	vadd.s32 v34, v29;
	v54 =	vld.idx.msk [tilespmem:v49+s15+$0x0], $0xffff;
	(xrf0) =	vadd.scan.msk.s32 $0xffff, v53  }
0x3af: {  	v60 =	vor.u32 s0, v13;
	v56 =	vld.idx.msk [tilespmem:v50+s15+$0x0], $0xffff;
	v29 =	vadd.s32 v35, v29  }
0x3b0: {  	v57 =	vor.u32 s0, v12;
	v27 =	vor.u32 s0, v11;
	v32 =	vld.idx.msk [tilespmem:v55+s15+$0x0], $0xffff;
	v29 =	vadd.s32 v33, v29  }
0x3b1: {  	v59 =	vor.u32 s0, v8;
	(v2sf) =	vpush v25, $0xF;
	v29 =	vadd.s32 v36, v29;
	v58 =	vld.idx.msk [tilespmem:v30+s15+$0x0], $0xffff  }
0x3b2: {  	v38 =	vor.u32 s0, v10;
	p0 =	por $0x0, $0x0;
	v36 =	vor.u32 s0, v15;
	v29 =	vadd.s32 v37, v29;
	v44 =	vld.idx.msk [tilespmem:v31+s15+$0x0], $0xffff  }
.Ltmp30:
0x3b3: {  	v34 =	vld.idx.msk [tilespmem:v45+s15+$0x0], $0xffff;
	v37 =	vor.u32 s0, v16;
	(v2sf) =	vpush v40, $0xF;
	v31, _, _ =	vpop (xrf0);
	v28 =	vadd.s32 v52, v28;
	(pc) =	sbr.rel @p0 .LBB2_57-.Ltmp30, $4  }
0x3b4: {  	v35 =	vld.idx.msk [tilespmem:v60+s15+$0x0], $0xffff;
	v39 =	vadd.s32 v39, v29;
	(v2sf) =	vpush v31, $0xF;
	v28 =	vadd.s32 v54, v28;
	v33, _, _ =	vpop (xrf0)  }
0x3b5: {  	v30 =	vld.idx.msk [tilespmem:v27+s15+$0x0], $0xffff;
	v27 =	vperm.xlane v39, v4;
	v61 =	vadd.s32 v56, v28;
	v62 =	vbroadcast v33, $0xF  }
0x3b6: {  	v29 =	vld.idx.msk [tilespmem:v57+s15+$0x0], $0xffff;
	v28 =	vor.u32 s11, v18;
	v63 =	vadd.s32 v58, v61;
	v42 =	vor.u32 s11, v5;
	(xrf0) =	vadd.scan.msk.s32 $0xffff, v39  }
0x3b7: {  	s28 =	simm.s32 $0xA00;
	p4 =	por $0x1, $0x1;
	v31 =	vld.idx.msk [tilespmem:v59+s15+$0x0], $0xffff;
	v43 =	vadd.s32 v44, v63;
	v39 =	vor.u32 s0, v17;
	(xrf0) =	vadd.scan.msk.s32 $0xffff, v27;
	vm1 =	vgt.s32 v62, v1  }
0x3b8: {  	_ =	sdelay $0x7  }
0x3b9: {  	v30 =	vadd.s32 v30, v43  }
0x3ba: {  	v40 =	vand.u32 v6, v42;
	v38 =	vld.idx.msk [tilespmem:v38+s15+$0x0], $0xffff;
	v52 =	vnsel vm1, $0x0, v26;
	v30 =	vadd.s32 v32, v30;
	s0 =	spop (v2sf)  }
0x3bb: {  	v41 =	vor.u32 s11, v20;
	v36 =	vld.idx.msk [tilespmem:v36+s15+$0x0], $0xffff;
	v63, _, _ =	vpop (xrf0);
	v29 =	vadd.s32 v29, v30;
	(xrf0) =	vadd.scan.msk.s32 $0xffff, v52;
	(v2sf) =	vpush v33, $0xF;
	s1 =	spop (v2sf)  }
0x3bc: {  	v37 =	vld.idx.msk [tilespmem:v37+s15+$0x0], $0xffff;
	v44, _, _ =	vpop (xrf0);
	v29 =	vadd.s32 v31, v29;
	v31 =	vor.u32 s11, v14;
	(v2sf) =	vpush v63, $0xF;
	s2 =	sadd.s32 s10, s1  }
0x3bd: {  	v53 =	vor.u32 s11, v21;
	v39 =	vld.idx.msk [tilespmem:v39+s15+$0x0], $0xffff;
	v44 =	vadd.s32 s2, v44  }
0x3be: {  	v28 =	vld.idx.msk [tilespmem:v28+s15+$0x0], $0xffff;
	v30 =	vor.u32 s11, v19;
	v29 =	vadd.s32 v34, v29;
	vm2 =	vlt.s32 v44, v23  }
0x3bf: {  	v58 =	vor.u32 s11, v7;
	v54 =	vld.idx.msk [tilespmem:v40+s15+$0x0], $0xffff;
	v29 =	vadd.s32 v35, v29;
	v56 =	vsel vm2, $0x1, v0  }
0x3c0: {  	v55 =	vor.u32 s11, v11;
	v57 =	vld.idx.msk [tilespmem:v41+s15+$0x0], $0xffff;
	v29 =	vadd.s32 v38, v29;
	(xrf0) =	vadd.scan.msk.s32 $0xffff, v56  }
0x3c1: {  	v48 =	vor.u32 s11, v9;
	v29 =	vadd.s32 v36, v29;
	v47 =	vld.idx.msk [tilespmem:v31+s15+$0x0], $0xffff;
	v31, _, _ =	vpop (xrf0)  }
0x3c2: {  	v60 =	vor.u32 s11, v12;
	v59 =	vld.idx.msk [tilespmem:v53+s15+$0x0], $0xffff;
	v29 =	vadd.s32 v37, v29;
	s25 =	spop (v2sf);
	(v2sf) =	vpush v31, $0xF  }
0x3c3: {  	v46 =	vor.u32 s11, v8;
	v45 =	vld.idx.msk [tilespmem:v30+s15+$0x0], $0xffff;
	v39 =	vadd.s32 v39, v29  }
0x3c4: {  	p0 =	sgt.s32 s26, $0x0;
	v49 =	vor.u32 s11, v13;
	p6 =	por $0x0, $0x0;
	v32 =	vld.idx.msk [tilespmem:v58+s15+$0x0], $0xffff;
	v40 =	vperm.xlane v39, v4  }
.Ltmp31:
0x3c5: {  	p5 =	sge.s32 s10, s26;
	s31 =	simm.s32 $0x0;
	v38 =	vor.u32 s11, v10;
	v30 =	vld.idx.msk [tilespmem:v55+s15+$0x0], $0xffff;
	v28 =	vadd.s32 v54, v28;
	(xrf0) =	vadd.scan.msk.s32 $0xffff, v39;
	(pc) =	sbr.rel @p6 .LBB2_59-.Ltmp31, $4  }
0x3c6: {  	s30 =	simm.s32 $0xFF;
	s29 =	smov.u32 s10;
	p0 =	por !p0, !p5;
	v34 =	vld.idx.msk [tilespmem:v48+s15+$0x0], $0xffff;
	v36 =	vor.u32 s11, v15;
	v28 =	vadd.s32 v57, v28;
	v44, _, _ =	vpop (xrf0);
	(xrf0) =	vadd.scan.msk.s32 $0xffff, v40  }
0x3c7: {  	p5 =	por !p0, !p0;
	s3 =	ssub.s32 $0xFF, s0;
	s0 =	simm.s32 $0x0;
	v37 =	vor.u32 s11, v16;
	v29 =	vld.idx.msk [tilespmem:v60+s15+$0x0], $0xffff;
	v61 =	vadd.s32 v59, v28;
	v62 =	vbroadcast v44, $0xF  }
0x3c8: {  	v42 =	vor.u32 s28, v5;
	s31 =	smov.u32 @p5 s3;
	s3 =	simm.s32 $0x900;
	v31 =	vld.idx.msk [tilespmem:v46+s15+$0x0], $0xffff;
	s1 =	sadd.s32 $0x0, s25;
	v63 =	vadd.s32 v45, v61;
	v39 =	vor.u32 s11, v17  }
0x3c9: {  	v41 =	vmovc v27;
	v35 =	vld.idx.msk [tilespmem:v49+s15+$0x0], $0xffff;
	v28 =	vor.u32 s28, v18;
	s16 =	smov.u32 s2;
	s12 =	smov.u32 s2;
	s0 =	smov.u32 @p5 s1;
	v43 =	vadd.s32 v47, v63;
	vm2 =	vgt.s32 v62, v1  }
.LBB2_60:
0x3ca: {  	p6 =	seq.s32 s3, $0x0;
	v42 =	vand.u32 v6, v42;
	v30 =	vadd.s32 v30, v43;
	v38 =	vld.idx.msk [tilespmem:v38+s15+$0x0], $0xffff;
	v43 =	vnsel vm2, $0x0, v41;
	s1 =	spop (v2sf);
	s30 =	sadd.s32 $0xFFFFFFF0, s30;
	v41 =	vmovc v40  }
0x3cb: {  	v40 =	vor.u32 s28, v20;
	v30 =	vadd.s32 v32, v30;
	v32 =	vld.idx.msk [tilespmem:v36+s15+$0x0], $0xffff;
	v36, _, _ =	vpop (xrf0);
	s5 =	spop (v2sf);
	(v2sf) =	vpush v44, $0xF;
	(xrf0) =	vadd.scan.msk.s32 $0xffff, v43;
	s1 =	ssub.s32 s30, s1  }
0x3cc: {  	v43 =	vor.u32 s28, v21;
	v29 =	vadd.s32 v29, v30;
	v30 =	vld.idx.msk [tilespmem:v37+s15+$0x0], $0xffff;
	v37, _, _ =	vpop (xrf0);
	(v2sf) =	vpush v36, $0xF;
	s2 =	sadd.s32 s2, s5  }
0x3cd: {  	v36 =	vor.u32 s28, v19;
	v29 =	vadd.s32 v31, v29;
	v31 =	vld.idx.msk [tilespmem:v39+s15+$0x0], $0xffff;
	v37 =	vadd.s32 s2, v37  }
0x3ce: {  	v39 =	vor.u32 s28, v14;
	v28 =	vld.idx.msk [tilespmem:v28+s15+$0x0], $0xffff;
	v29 =	vadd.s32 v34, v29;
	vm2 =	vlt.s32 v37, v23  }
0x3cf: {  	v37 =	vor.u32 s28, v11;
	v34 =	vld.idx.msk [tilespmem:v42+s15+$0x0], $0xffff;
	v29 =	vadd.s32 v35, v29;
	v35 =	vsel vm2, $0x1, v0  }
0x3d0: {  	p0 =	slt.s32 s29, s26;
	p5 =	sge.s32 s16, s26;
	v44 =	vor.u32 s28, v7;
	s16 =	smov.u32 s2;
	v42 =	vld.idx.msk [tilespmem:v40+s15+$0x0], $0xffff;
	v29 =	vadd.s32 v38, v29;
	(xrf0) =	vadd.scan.msk.s32 $0xffff, v35  }
0x3d1: {  	p0 =	por !p0, !p5;
	v35 =	vld.idx.msk [tilespmem:v43+s15+$0x0], $0xffff;
	v43 =	vor.u32 s28, v12;
	v29 =	vadd.s32 v32, v29;
	v32, _, _ =	vpop (xrf0);
	s5 =	spop (v2sf)  }
0x3d2: {  	v46 =	vor.u32 s28, v8;
	p0 =	por !p0, !p0;
	v45 =	vld.idx.msk [tilespmem:v36+s15+$0x0], $0xffff;
	v29 =	vadd.s32 v30, v29;
	(v2sf) =	vpush v32, $0xF;
	s5 =	sadd.s32 s29, s5;
	s29 =	smov.u32 s12  }
0x3d3: {  	s31 =	smov.u32 @p0 s1;
	s12 =	smov.u32 s2;
	v47 =	vld.idx.msk [tilespmem:v39+s15+$0x0], $0xffff;
	v39 =	vor.u32 s28, v9;
	v29 =	vadd.s32 v31, v29;
	s0 =	smov.u32 @p0 s5  }
0x3d4: {  	v48 =	vor.u32 s28, v13;
	v30 =	vld.idx.msk [tilespmem:v37+s15+$0x0], $0xffff;
	v40 =	vperm.xlane v29, v4  }
.Ltmp32:
0x3d5: {  	v38 =	vor.u32 s28, v10;
	v28 =	vadd.s32 v34, v28;
	v32 =	vld.idx.msk [tilespmem:v44+s15+$0x0], $0xffff;
	(xrf0) =	vadd.scan.msk.s32 $0xffff, v29;
	(pc) =	sbr.rel @!p6 .LBB2_60-.Ltmp32, $4  }
0x3d6: {  	v36 =	vor.u32 s28, v15;
	v28 =	vadd.s32 v42, v28;
	v29 =	vld.idx.msk [tilespmem:v43+s15+$0x0], $0xffff;
	(xrf0) =	vadd.scan.msk.s32 $0xffff, v40;
	v44, _, _ =	vpop (xrf0)  }
0x3d7: {  	v37 =	vor.u32 s28, v16;
	v34 =	vadd.s32 v35, v28;
	v31 =	vld.idx.msk [tilespmem:v46+s15+$0x0], $0xffff;
	v46 =	vbroadcast v44, $0xF  }
0x3d8: {  	v28 =	vor.u32 s3, v18;
	v35 =	vadd.s32 v45, v34;
	v34 =	vld.idx.msk [tilespmem:v39+s15+$0x0], $0xffff;
	v39 =	vor.u32 s28, v17;
	s28 =	smov.u32 s3  }
0x3d9: {  	s3 =	sadd.s32 $0xFFFFFF00, s3;
	v43 =	vadd.s32 v47, v35;
	v42 =	vor.u32 s28, v5;
	v35 =	vld.idx.msk [tilespmem:v48+s15+$0x0], $0xffff;
	vm2 =	vgt.s32 v46, v1  }
0x3da: {  	s11 =	smov.u32 s28;
	p6 =	por $0x1, $0x1  }
.LBB2_62:
0x3db: {  	_ =	sdelay $0x1  }
0x3dc: {  	v30 =	vadd.s32 @p1 v30, v43  }
0x3dd: {  	v30 =	vadd.s32 @p1 v32, v30  }
0x3de: {  	v42 =	vand.u32 v6, v42;
	v38 =	vld.idx.msk @p1 [tilespmem:v38+s15+$0x0], $0xffff;
	s28 =	spop @p4 (v2sf)  }
0x3df: {  	v53 =	vor.u32 s11, v20;
	v36 =	vld.idx.msk @p1 [tilespmem:v36+s15+$0x0], $0xffff;
	v54 =	vor.u32 s11, v21;
	s1 =	spop @p3 (v2sf);
	v29 =	vadd.s32 @p1 v29, v30  }
0x3e0: {  	v37 =	vld.idx.msk @p1 [tilespmem:v37+s15+$0x0], $0xffff;
	v55 =	vor.u32 s11, v19;
	(v2sf) =	vpush @p3 v44, $0xF;
	s3 =	sadd.s32 @p3 s2, s1;
	s2 =	smov.u32 s6;
	v29 =	vadd.s32 @p1 v31, v29;
	v30, _, _ =	vpop @p2 (xrf0)  }
0x3e1: {  	v39 =	vld.idx.msk @p1 [tilespmem:v39+s15+$0x0], $0xffff;
	v56 =	vor.u32 s11, v14;
	s2 =	smov.u32 @p3 s3;
	v29 =	vadd.s32 @p1 v34, v29;
	v31, _, _ =	vpop @p2 (xrf0);
	(v2sf) =	vpush @p2 v30, $0xF  }
0x3e2: {  	v28 =	vld.idx.msk [tilespmem:v28+s15+$0x0], $0xffff;
	v58 =	vor.u32 s11, v11;
	v29 =	vadd.s32 @p1 v35, v29;
	v31 =	vadd.s32 @p2 s2, v31  }
0x3e3: {  	v32 =	vnsel @p3 vm2, $0x0, v41;
	v57 =	vld.idx.msk [tilespmem:v42+s15+$0x0], $0xffff;
	v29 =	vadd.s32 @p1 v38, v29;
	vm2 =	vlt.s32 @p2 v31, v23  }
0x3e4: {  	v60 =	vor.u32 s11, v7;
	(xrf0) =	vadd.scan.msk.s32 @p3 $0xffff, v32;
	v59 =	vld.idx.msk [tilespmem:v53+s15+$0x0], $0xffff;
	v29 =	vadd.s32 @p1 v36, v29;
	v32 =	vsel @p2 vm2, $0x1, v0  }
0x3e5: {  	v62 =	vor.u32 s11, v12;
	v61 =	vld.idx.msk [tilespmem:v54+s15+$0x0], $0xffff;
	v29 =	vadd.s32 @p1 v37, v29;
	(xrf0) =	vadd.scan.msk.s32 @p2 $0xffff, v32  }
0x3e6: {  	v63 =	vor.u32 s11, v8;
	v30 =	vld.idx.msk [tilespmem:v55+s15+$0x0], $0xffff;
	v29 =	vadd.s32 @p1 v39, v29  }
0x3e7: {  	v45 =	vor.u32 s11, v9;
	v34 =	vld.idx.msk [tilespmem:v56+s15+$0x0], $0xffff;
	(xrf0) =	vadd.scan.msk.s32 @p1 $0xffff, v29  }
0x3e8: {  	v46 =	vor.u32 s11, v13;
	v35 =	vld.idx.msk [tilespmem:v58+s15+$0x0], $0xffff;
	v28 =	vadd.s32 v57, v28  }
0x3e9: {  	v48 =	vor.u32 s11, v10;
	v47 =	vld.idx.msk [tilespmem:v60+s15+$0x0], $0xffff;
	v28 =	vadd.s32 v59, v28  }
0x3ea: {  	v49 =	vor.u32 s11, v15;
	v36 =	vld.idx.msk [tilespmem:v62+s15+$0x0], $0xffff;
	v38, _, _ =	vpop @p3 (xrf0);
	v29 =	vperm.xlane @p1 v29, v4;
	v28 =	vadd.s32 v61, v28  }
0x3eb: {  	v50 =	vor.u32 s11, v16;
	v52 =	vor.u32 s11, v17;
	v37 =	vld.idx.msk [tilespmem:v63+s15+$0x0], $0xffff;
	v28 =	vadd.s32 v30, v28;
	v32, _, _ =	vpop @p2 (xrf0)  }
0x3ec: {  	v51 =	vld.idx.msk [tilespmem:v45+s15+$0x0], $0xffff;
	(v2sf) =	vpush @p3 v38, $0xF;
	(xrf0) =	vadd.scan.msk.s32 @p1 $0xffff, v29;
	v28 =	vadd.s32 v34, v28;
	v33 =	vpsel p2, v32, v33  }
0x3ed: {  	v53 =	vld.idx.msk [tilespmem:v46+s15+$0x0], $0xffff;
	v28 =	vadd.s32 v35, v28;
	v35, _, _ =	vpop @p1 (xrf0);
	(v2sf) =	vpush @p2 v33, $0xF  }
0x3ee: {  	v54 =	vld.idx.msk [tilespmem:v48+s15+$0x0], $0xffff;
	s18 =	spop @p4 (v2sf);
	v28 =	vadd.s32 v47, v28;
	(v2sf) =	vpush @p1 v35, $0xF  }
0x3ef: {  	v55 =	vld.idx.msk [tilespmem:v49+s15+$0x0], $0xffff;
	s5 =	spop @p3 (v2sf);
	v28 =	vadd.s32 v36, v28  }
0x3f0: {  	v56 =	vld.idx.msk [tilespmem:v50+s15+$0x0], $0xffff;
	v31 =	vbroadcast @p2 v32, $0xF;
	v28 =	vadd.s32 v37, v28;
	s1 =	spop @p2 (v2sf)  }
0x3f1: {  	s25 =	smov.u32 s6;
	v57 =	vld.idx.msk [tilespmem:v52+s15+$0x0], $0xffff;
	v30 =	vmov @p2 v40;
	v28 =	vadd.s32 v51, v28;
	s9 =	sadd.s32 @p2 s2, s1  }
0x3f2: {  	v26 =	vpsel p2, v30, v26;
	vm2 =	vgt.s32 @p2 v31, v1;
	v36, _, _ =	vpop @p1 (xrf0);
	v28 =	vadd.s32 v53, v28;
	s25 =	smov.u32 @p2 s9  }
0x3f3: {  	vm1 =	vmmov @p2 vm2;
	v28 =	vadd.s32 v54, v28;
	v30 =	vadd.s32 @p1 s25, v36  }
0x3f4: {  	v26 =	vnsel @p2 vm1, $0x0, v26;
	v28 =	vadd.s32 v55, v28;
	vm1 =	vlt.s32 @p1 v30, v23  }
0x3f5: {  	(xrf0) =	vadd.scan.msk.s32 @p2 $0xffff, v26;
	v28 =	vadd.s32 v56, v28;
	v26 =	vsel @p1 vm1, $0x1, v0  }
0x3f6: {  	v58 =	vadd.s32 v57, v28;
	(xrf0) =	vadd.scan.msk.s32 @p1 $0xffff, v26  }
0x3f7: {  	v28 =	vperm.xlane v58, v4  }
0x3f8: {  	(xrf0) =	vadd.scan.msk.s32 $0xffff, v58  }
0x3f9: {  	(xrf0) =	vadd.scan.msk.s32 $0xffff, v28;
	_ =	sdelay $0x1  }
0x3fa: {  	s1 =	spop @p3 (v2sf);
	v26, _, _ =	vpop @p2 (xrf0)  }
0x3fb: {  	v30, _, _ =	vpop @p1 (xrf0);
	s8 =	spop @p2 (v2sf)  }
0x3fc: {  	v31 =	vbroadcast @p1 v30, $0xF;
	s11 =	spop @p1 (v2sf)  }
0x3fd: {  	v59, _, _ =	vpop (xrf0);
	s17 =	sadd.s32 @p1 s25, s11;
	s11 =	smov.u32 s6  }
0x3fe: {  	v27 =	vpsel p1, v29, v27;
	(v2sf) =	vpush @p2 v26, $0xF;
	v60, _, _ =	vpop (xrf0);
	vm1 =	vgt.s32 @p1 v31, v1;
	s11 =	smov.u32 @p1 s17  }
0x3ff: {  	p0 =	slt.s32 @p4 s29, s26;
	p5 =	sge.s32 @p4 s16, s26;
	v24 =	vpsel p1, v27, v24;
	vm0 =	vmmov @p1 vm1;
	v61 =	vadd.s32 s11, v60  }
0x400: {  	s16 =	sadd.s32 @p6 $0xFFFFFFF0, s30;
	s30 =	simm.s32 $0xFF;
	p0 =	por @p4 !p0, !p5;
	v24 =	vnsel @p1 vm0, $0x0, v24;
	vm14 =	vlt.s32 v61, v23  }
0x401: {  	s30 =	smov.u32 @p6 s16;
	p0 =	por @p4 !p0, !p0;
	(xrf0) =	vadd.scan.msk.s32 @p1 $0xffff, v24;
	v23 =	vsel vm14, $0x1, v0  }
0x402: {  	p0 =	por !p0, !p4;
	s16 =	sadd.s32 @p4 s29, s18;
	s18 =	ssub.s32 @p4 s30, s28;
	(xrf0) =	vadd.scan.msk.s32 $0xffff, v23  }
0x403: {  	s28 =	smov.u32 s10;
	s16 =	smov.u32 @p0 s0;
	s0 =	smov.u32 s6  }
0x404: {  	s10 =	smov.u32 @p2 s2;
	s28 =	smov.u32 @p3 s3;
	s0 =	smov.u32 @p3 s12;
	v23 =	vpsel p1, v30, v25  }
0x405: {  	s18 =	smov.u32 @p0 s31;
	p5 =	sge.s32 @p3 s28, s26;
	p0 =	slt.s32 @p3 s0, s26;
	(v2sf) =	vpush @p1 v23, $0xF  }
0x406: {  	s3 =	sadd.s32 @p4 $0xFFFFFFF0, s30;
	s12 =	simm.s32 $0xFF;
	p0 =	por @p3 !p0, !p5  }
0x407: {  	s12 =	smov.u32 @p4 s3;
	s3 =	smov.u32 s6;
	p0 =	por @p3 !p0, !p0;
	v23, _, _ =	vpop @p1 (xrf0)  }
0x408: {  	s3 =	smov.u32 @p4 s16;
	p0 =	por !p0, !p3;
	s2 =	smov.u32 s6;
	v62, _, _ =	vpop (xrf0)  }
0x409: {  	s5 =	ssub.s32 @p3 s12, s5;
	s2 =	smov.u32 @p4 s18;
	s9 =	smov.u32 @p2 s9;
	(v2sf) =	vpush v59, $0xF;
	v63 =	vbroadcast v62, $0xF  }
0x40a: {  	s5 =	smov.u32 @p0 s2;
	p4 =	sge.s32 @p2 s9, s26;
	s9 =	simm.s32 $0xFF;
	(v2sf) =	vpush @p1 v23, $0xF  }
0x40b: {  	s0 =	sadd.s32 @p3 s0, s1;
	s1 =	smov.u32 @p2 s10;
	s10 =	smov.u32 s6;
	vm15 =	vgt.s32 v63, v1  }
0x40c: {  	s0 =	smov.u32 @p0 s3;
	s3 =	smov.u32 @p1 s25;
	s1 =	smov.u32 @p2 s1;
	v25 =	vnsel vm15, $0x0, v28  }
0x40d: {  	s10 =	smov.u32 @p1 s3;
	s3 =	smov.u32 s6;
	s2 =	spop @p2 (v2sf);
	(v2sf) =	vpush v62, $0xF;
	(xrf0) =	vadd.scan.msk.s32 $0xffff, v25  }
0x40e: {  	p0 =	slt.s32 @p2 s1, s26;
	s3 =	smov.u32 @p3 s5;
	s5 =	sadd.s32 @p3 $0xFFFFFFF0, s12  }
0x40f: {  	p0 =	por @p2 !p0, !p4;
	s9 =	smov.u32 @p3 s5;
	s5 =	smov.u32 s6  }
0x410: {  	p0 =	por @p2 !p0, !p0;
	s5 =	smov.u32 @p3 s0  }
0x411: {  	p0 =	por !p0, !p2;
	s0 =	ssub.s32 @p2 s9, s8;
	s8 =	smov.u32 @p1 s17  }
0x412: {  	s0 =	smov.u32 @p0 s3;
	s3 =	smov.u32 @p1 s8;
	s8 =	simm.s32 $0xFF  }
0x413: {  	p5 =	slt.s32 s11, s26;
	p3 =	sge.s32 @p1 s3, s26;
	s3 =	smov.u32 s6;
	v23, _, _ =	vpop (xrf0)  }
0x414: {  	s1 =	sadd.s32 @p2 s1, s2;
	s2 =	smov.u32 @p1 s10;
	s16 =	spop @p1 (v2sf);
	(v2sf) =	vpush v23, $0xF  }
0x415: {  	s1 =	smov.u32 @p0 s5;
	p0 =	slt.s32 @p1 s2, s26;
	s5 =	sadd.s32 @p2 $0xFFFFFFF0, s9  }
0x416: {  	p0 =	por @p1 !p0, !p3;
	s8 =	smov.u32 @p2 s5;
	s5 =	smov.u32 s6  }
0x417: {  	s3 =	smov.u32 @p2 s0;
	p0 =	por @p1 !p0, !p0;
	s5 =	smov.u32 @p2 s1  }
0x418: {  	p0 =	por !p0, !p1;
	s28 =	spop (v2sf);
	s9 =	ssub.s32 @p1 s8, s16  }
0x419: {  	s9 =	smov.u32 @p0 s3;
	s29 =	sadd.s32 s11, s28;
	s0 =	spop @p1 (v2sf)  }
0x41a: {  	s3 =	sadd.s32 @p1 $0xFFFFFFF0, s8;
	p6 =	sge.s32 s29, s26;
	s1 =	sadd.s32 @p1 s2, s0  }
0x41b: {  	s24 =	smov.u32 @p1 s3;
	s0 =	smov.u32 s6;
	s1 =	smov.u32 @p0 s5  }
0x41c: {  	s0 =	smov.u32 @p1 s9;
	p0 =	por !p5, !p6;
	s30 =	spop (v2sf)  }
0x41d: {  	s6 =	smov.u32 @p1 s1;
	p0 =	por !p0, !p0;
	s1 =	ssub.s32 s24, s30  }
0x41e: {  	s0 =	smov.u32 @p0 s1;
	s1 =	simm.s32 $0x100C0  }
0x41f: {  	[tilespmem:s1+$0xFFFFFFC0] =	vst v0  }
0x420: {  	[tilespmem:s1+$0x30] =	vst v0  }
0x421: {  	[tilespmem:s1+$0x20] =	vst v0  }
0x422: {  	[tilespmem:s1+$0x10] =	vst v0  }
0x423: {  	[tilespmem:s1+$0x0] =	vst v0;
	s31 =	spop (v2sf)  }
0x424: {  	[tilespmem:s1+$0xFFFFFFF0] =	vst v0;
	s2 =	sadd.s32 s11, s31  }
0x425: {  	[tilespmem:s1+$0xFFFFFFE0] =	vst v0;
	s6 =	smov.u32 @p0 s2;
	s2 =	simm.s32 $0x0  }
.LBB2_63:
0x426: {  	s2 =	sadd.s32 $0x8, s2;
	[tilespmem:s1+$0xFFFFFFD0] =	vst v0;
	s1 =	sadd.s32 $0x80, s1  }
0x427: {  	[tilespmem:s1+$0xFFFFFFC0] =	vst v0;
	p0 =	slt.u32 s2, $0xF8  }
0x428: {  	[tilespmem:s1+$0x30] =	vst v0  }
.Ltmp33:
0x429: {  	[tilespmem:s1+$0x20] =	vst v0;
	(pc) =	sbr.rel @p0 .LBB2_63-.Ltmp33, $4  }
0x42a: {  	[tilespmem:s1+$0x10] =	vst v0  }
0x42b: {  	[tilespmem:s1+$0x0] =	vst v0  }
0x42c: {  	[tilespmem:s1+$0xFFFFFFF0] =	vst v0  }
0x42d: {  	[tilespmem:s1+$0xFFFFFFE0] =	vst v0  }
0x42e: {  	s31 =	sld [smem:$0x7FD];
	_ =	sdelay $0x2  }
0x42f: {  	p0 =	seq.s32 s31, $0x1  }
.Ltmp34:
0x430: {  	_ = 	snop;
	(pc) =	sbr.rel @p0 .LBB2_71-.Ltmp34, $3  }
0x431: {  	_ =	sdelay $0x1  }
0x432: {  	s30 =	sshll.u32 s23, $0x8  }
0x433: {  	[tilespmem:s1+$0xFFFFFFD0] =	vst v0;
	s24 =	sor.u32 s30, s0  }
0x434: {  	p0 =	sne.s32 s21, $0x1  }
.Ltmp35:
0x435: {  	_ = 	snop;
	(pc) =	sbr.rel @!p0 .LBB2_66-.Ltmp35, $3  }
0x436: {  	_ =	sdelay $0x1  }
0x437: {  	s0 =	sand.u32 $0xFFFF, s24;
	s1 =	simm.s32 $0x8000  }
0x438: {  	p1 =	por $0x0, $0x0;
	v23 =	vmov s0;
	s0 =	simm.s32 $0x0;
	v24 =	vld [tilespmem:s1+$0x0];
	s1 =	sadd.s32 $0xFFFFFFFF, s21  }
0x439: {  	_ =	sdelay $0x3  }
0x43a: {  	v25 =	vor.u32 s0, v1;
	v26 =	vshrl.u32 v24, $0x10  }
0x43b: {  	vm0 =	vlt.s32 v25, v22;
	v24 =	vshrl.u32 v24, $0x4;
	vm1 =	veq.s32 v26, v23  }
0x43c: {  	v24 =	vand.u32 $0xFF0, v24;
	vm0 =	vmand vm0, vm1  }
0x43d: {  	v24 =	vor.u32 v1, v24  }
0x43e: {  	p0 =	sne.s32 s1, $0x1  }
.Ltmp36:
0x43f: {  	_ = 	snop;
	(pc) =	sbr.rel @!p0 .LBB2_68-.Ltmp36, $3  }
0x440: {  	_ =	sdelay $0x1  }
0x441: {  	s2 =	simm.s32 $0x8010;
	[tilespmem:v24+s15+$0x0] =	vst.idx.add.s32.msk vm0, v2  }
0x442: {  	s3 =	sadd.s32 $0xFFFFFFFF, s1;
	p1 =	por $0x1, $0x1;
	s1 =	simm.s32 $0x0;
	v24 =	vld [tilespmem:s2+$0x0]  }
.LBB2_69:
0x443: {  	p2 =	sne.s32 s3, $0x1;
	_ =	sdelay $0x2  }
0x444: {  	s1 =	sadd.s32 $0x10, s1  }
0x445: {  	v25 =	vor.u32 s1, v1;
	v26 =	vshrl.u32 v24, $0x10  }
0x446: {  	vm0 =	vlt.s32 v25, v22;
	v24 =	vshrl.u32 v24, $0x4;
	vm1 =	veq.s32 v26, v23  }
0x447: {  	v24 =	vand.u32 $0xFF0, v24;
	vm0 =	vmand vm0, vm1  }
0x448: {  	v24 =	vor.u32 v1, v24;
	_ =	sdelay $0x1  }
.Ltmp37:
0x449: {  	(pc) =	sbr.rel @p2 .LBB2_69-.Ltmp37, $3  }
0x44a: {  	_ =	sdelay $0x1  }
0x44b: {  	s2 =	sadd.s32 $0x10, s2;
	[tilespmem:v24+s15+$0x0] =	vst.idx.add.s32.msk vm0, v2  }
0x44c: {  	s3 =	sadd.s32 $0xFFFFFFFF, s3;
	v24 =	vld [tilespmem:s2+$0x0]  }
.LBB2_70:
0x44d: {  	_ =	sdelay $0x1  }
0x44e: {  	s1 =	sadd.s32 @p1 $0x10, s1  }
0x44f: {  	s0 =	smov.u32 @p1 s1  }
0x450: {  	v25 =	vor.u32 s0, v1;
	v26 =	vshrl.u32 v24, $0x10  }
0x451: {  	vm0 =	vlt.s32 v25, v22;
	vm1 =	veq.s32 v26, v23;
	v23 =	vshrl.u32 v24, $0x4  }
0x452: {  	vm0 =	vmand vm0, vm1;
	v23 =	vand.u32 $0xFF0, v23  }
0x453: {  	v23 =	vor.u32 v1, v23;
	_ =	sdelay $0x4  }
0x454: {  	[tilespmem:v23+s15+$0x0] =	vst.idx.add.s32.msk vm0, v2  }
.LBB2_71:
0x455: {  	p0 =	por $0x0, $0x0  }
.Ltmp38:
0x456: {  	_ = 	snop;
	(pc) =	sbr.rel @p0 .LBB2_72-.Ltmp38, $4  }
0x457: {  	s22 =	sadd.s32 s22, s6;
	s23 =	simm.s32 $0x0  }
0x458: {  	s28 =	simm.s32 $0xF00;
	s25 =	simm.s32 $0xFF;
	s0 =	simm.s32 $0xE00  }
0x459: {  	p1 =	por $0x0, $0x0;
	p2 =	por $0x0, $0x0;
	s26 =	ssub.s32 $0x40, s22  }
0x45a: {  	p3 =	por $0x0, $0x0;
	p4 =	por $0x0, $0x0;
	p6 =	por $0x0, $0x0;
	v28 =	vor.u32 s28, v18;
	v42 =	vor.u32 s28, v5;
	v23 =	vmov s26  }
0x45b: {  	v24 =	vand.u32 v6, v42  }
0x45c: {  	v25 =	vor.u32 s28, v20  }
0x45d: {  	v26 =	vor.u32 s28, v21  }
0x45e: {  	v27 =	vor.u32 s28, v19  }
0x45f: {  	v28 =	vld.idx.msk [tilespmem:v28+s15+$0x0], $0xffff;
	v29 =	vor.u32 s28, v14  }
0x460: {  	v30 =	vor.u32 s28, v11;
	v24 =	vld.idx.msk [tilespmem:v24+s15+$0x0], $0xffff  }
0x461: {  	v31 =	vor.u32 s28, v7;
	v25 =	vld.idx.msk [tilespmem:v25+s15+$0x0], $0xffff  }
0x462: {  	v33 =	vor.u32 s28, v12;
	v26 =	vld.idx.msk [tilespmem:v26+s15+$0x0], $0xffff  }
0x463: {  	v34 =	vor.u32 s28, v8;
	v27 =	vld.idx.msk [tilespmem:v27+s15+$0x0], $0xffff  }
0x464: {  	v39 =	vor.u32 s28, v9;
	v35 =	vld.idx.msk [tilespmem:v29+s15+$0x0], $0xffff  }
0x465: {  	v40 =	vor.u32 s28, v13;
	p0 =	por $0x0, $0x0;
	v30 =	vld.idx.msk [tilespmem:v30+s15+$0x0], $0xffff  }
.Ltmp39:
0x466: {  	v32 =	vld.idx.msk [tilespmem:v31+s15+$0x0], $0xffff;
	v24 =	vadd.s32 v24, v28;
	(pc) =	sbr.rel @p0 .LBB2_74-.Ltmp39, $4  }
0x467: {  	v29 =	vld.idx.msk [tilespmem:v33+s15+$0x0], $0xffff;
	v24 =	vadd.s32 v25, v24  }
0x468: {  	v38 =	vor.u32 s28, v10;
	v36 =	vor.u32 s28, v15;
	v31 =	vld.idx.msk [tilespmem:v34+s15+$0x0], $0xffff;
	v24 =	vadd.s32 v26, v24  }
0x469: {  	v37 =	vor.u32 s28, v16;
	v42 =	vor.u32 s0, v5;
	v34 =	vld.idx.msk [tilespmem:v39+s15+$0x0], $0xffff;
	v24 =	vadd.s32 v27, v24  }
0x46a: {  	p1 =	por $0x1, $0x1;
	v39 =	vor.u32 s28, v17;
	s28 =	simm.s32 $0xD00;
	v28 =	vor.u32 s0, v18;
	v43 =	vadd.s32 v35, v24;
	v35 =	vld.idx.msk [tilespmem:v40+s15+$0x0], $0xffff  }
0x46b: {  	_ =	sdelay $0x3  }
0x46c: {  	v24 =	vand.u32 v6, v42;
	v25 =	vld.idx.msk [tilespmem:v38+s15+$0x0], $0xffff  }
0x46d: {  	v26 =	vor.u32 s0, v20;
	v27 =	vld.idx.msk [tilespmem:v36+s15+$0x0], $0xffff  }
0x46e: {  	v33 =	vor.u32 s0, v21;
	v58 =	vld.idx.msk [tilespmem:v37+s15+$0x0], $0xffff  }
0x46f: {  	v30 =	vadd.s32 v30, v43;
	v59 =	vor.u32 s0, v19;
	v60 =	vld.idx.msk [tilespmem:v39+s15+$0x0], $0xffff  }
0x470: {  	v28 =	vld.idx.msk [tilespmem:v28+s15+$0x0], $0xffff;
	v61 =	vor.u32 s0, v7;
	v30 =	vadd.s32 v32, v30  }
0x471: {  	v29 =	vadd.s32 v29, v30;
	v30 =	vor.u32 s0, v14;
	v24 =	vld.idx.msk [tilespmem:v24+s15+$0x0], $0xffff  }
0x472: {  	v41 =	vor.u32 s0, v9;
	v29 =	vadd.s32 v31, v29;
	v26 =	vld.idx.msk [tilespmem:v26+s15+$0x0], $0xffff  }
0x473: {  	v44 =	vor.u32 s0, v13;
	v29 =	vadd.s32 v34, v29;
	v33 =	vld.idx.msk [tilespmem:v33+s15+$0x0], $0xffff  }
0x474: {  	v62 =	vor.u32 s0, v12;
	v29 =	vadd.s32 v35, v29;
	v63 =	vld.idx.msk [tilespmem:v59+s15+$0x0], $0xffff  }
0x475: {  	v31 =	vor.u32 s0, v11;
	v32 =	vld.idx.msk [tilespmem:v61+s15+$0x0], $0xffff;
	v25 =	vadd.s32 v25, v29  }
0x476: {  	v40 =	vor.u32 s0, v8;
	p0 =	por $0x0, $0x0;
	v25 =	vadd.s32 v27, v25;
	v27 =	vld.idx.msk [tilespmem:v30+s15+$0x0], $0xffff  }
.Ltmp40:
0x477: {  	v34 =	vld.idx.msk [tilespmem:v41+s15+$0x0], $0xffff;
	v25 =	vadd.s32 v58, v25;
	v28 =	vadd.s32 v24, v28;
	(pc) =	sbr.rel @p0 .LBB2_76-.Ltmp40, $4  }
0x478: {  	v38 =	vor.u32 s0, v10;
	v35 =	vld.idx.msk [tilespmem:v44+s15+$0x0], $0xffff;
	v25 =	vadd.s32 v60, v25;
	v26 =	vadd.s32 v26, v28  }
0x479: {  	v36 =	vor.u32 s0, v15;
	v29 =	vld.idx.msk [tilespmem:v62+s15+$0x0], $0xffff;
	v24 =	vperm.xlane v25, v4;
	v26 =	vadd.s32 v33, v26  }
0x47a: {  	v37 =	vor.u32 s0, v16;
	v39 =	vor.u32 s0, v17;
	v30 =	vld.idx.msk [tilespmem:v31+s15+$0x0], $0xffff;
	(xrf0) =	vadd.scan.msk.s32 $0xffff, v25;
	v25 =	vadd.s32 v63, v26  }
0x47b: {  	v42 =	vor.u32 s28, v5;
	p2 =	por $0x1, $0x1;
	s0 =	simm.s32 $0xC00;
	v31 =	vld.idx.msk [tilespmem:v40+s15+$0x0], $0xffff;
	v28 =	vor.u32 s28, v18;
	(xrf0) =	vadd.scan.msk.s32 $0xffff, v24;
	v43 =	vadd.s32 v27, v25  }
0x47c: {  	_ =	sdelay $0x2  }
0x47d: {  	v25 =	vand.u32 v6, v42  }
0x47e: {  	v26 =	vld.idx.msk [tilespmem:v38+s15+$0x0], $0xffff  }
0x47f: {  	v33 =	vld.idx.msk [tilespmem:v36+s15+$0x0], $0xffff;
	v40 =	vor.u32 s28, v7;
	v55, _, _ =	vpop (xrf0)  }
0x480: {  	v37 =	vld.idx.msk [tilespmem:v37+s15+$0x0], $0xffff;
	v27 =	vadd.s32 v30, v43;
	v30 =	vor.u32 s28, v20;
	v57, _, _ =	vpop (xrf0)  }
0x481: {  	v56 =	vor.u32 s28, v21;
	v28 =	vld.idx.msk [tilespmem:v28+s15+$0x0], $0xffff;
	v27 =	vadd.s32 v32, v27;
	v38 =	vadd.s32 s23, v57  }
0x482: {  	v27 =	vadd.s32 v29, v27;
	v29 =	vor.u32 s28, v19;
	v25 =	vld.idx.msk [tilespmem:v25+s15+$0x0], $0xffff;
	vm0 =	vlt.s32 v38, v23  }
0x483: {  	v39 =	vld.idx.msk [tilespmem:v39+s15+$0x0], $0xffff;
	v27 =	vadd.s32 v31, v27;
	v31 =	vor.u32 s28, v14;
	v38 =	vsel vm0, $0x1, v0  }
0x484: {  	v44 =	vor.u32 s28, v9;
	v32 =	vld.idx.msk [tilespmem:v40+s15+$0x0], $0xffff;
	v27 =	vadd.s32 v34, v27;
	(xrf0) =	vadd.scan.msk.s32 $0xffff, v38  }
0x485: {  	v58 =	vor.u32 s28, v11;
	v27 =	vadd.s32 v35, v27;
	v59 =	vld.idx.msk [tilespmem:v30+s15+$0x0], $0xffff  }
0x486: {  	v45 =	vor.u32 s28, v13;
	v26 =	vadd.s32 v26, v27;
	v27 =	vld.idx.msk [tilespmem:v56+s15+$0x0], $0xffff  }
0x487: {  	v41 =	vor.u32 s28, v12;
	v60 =	vld.idx.msk [tilespmem:v29+s15+$0x0], $0xffff;
	v25 =	vadd.s32 v25, v28  }
0x488: {  	v61 =	vor.u32 s28, v8;
	v36 =	vor.u32 s28, v15;
	p0 =	por $0x0, $0x0;
	v26 =	vadd.s32 v33, v26;
	v62 =	vld.idx.msk [tilespmem:v31+s15+$0x0], $0xffff  }
.Ltmp41:
0x489: {  	v42 =	vor.u32 s0, v5;
	(v2sf) =	vpush v55, $0xF;
	v34 =	vld.idx.msk [tilespmem:v44+s15+$0x0], $0xffff;
	v26 =	vadd.s32 v37, v26;
	(pc) =	sbr.rel @p0 .LBB2_78-.Ltmp41, $4  }
0x48a: {  	v30 =	vld.idx.msk [tilespmem:v58+s15+$0x0], $0xffff;
	v38 =	vor.u32 s28, v10;
	v39 =	vadd.s32 v39, v26;
	v28 =	vadd.s32 v59, v25;
	v25, _, _ =	vpop (xrf0)  }
0x48b: {  	v35 =	vld.idx.msk [tilespmem:v45+s15+$0x0], $0xffff;
	v26 =	vperm.xlane v39, v4;
	v27 =	vadd.s32 v27, v28;
	v63 =	vbroadcast v25, $0xF  }
0x48c: {  	v29 =	vld.idx.msk [tilespmem:v41+s15+$0x0], $0xffff;
	v37 =	vor.u32 s28, v16;
	(xrf0) =	vadd.scan.msk.s32 $0xffff, v39;
	v39 =	vor.u32 s28, v17;
	v27 =	vadd.s32 v60, v27  }
0x48d: {  	p3 =	por $0x1, $0x1;
	v31 =	vld.idx.msk [tilespmem:v61+s15+$0x0], $0xffff;
	s28 =	simm.s32 $0xB00;
	v28 =	vor.u32 s0, v18;
	(xrf0) =	vadd.scan.msk.s32 $0xffff, v26;
	v43 =	vadd.s32 v62, v27;
	vm0 =	vgt.s32 v63, v1  }
0x48e: {  	_ =	sdelay $0x8  }
0x48f: {  	v27 =	vand.u32 v6, v42;
	v33 =	vld.idx.msk [tilespmem:v38+s15+$0x0], $0xffff  }
0x490: {  	v49 =	vor.u32 s0, v20;
	v36 =	vld.idx.msk [tilespmem:v36+s15+$0x0], $0xffff;
	v40, _, _ =	vpop (xrf0);
	s1 =	spop (v2sf)  }
0x491: {  	v41 =	vnsel vm0, $0x0, v24;
	v50 =	vor.u32 s0, v21;
	v37 =	vld.idx.msk [tilespmem:v37+s15+$0x0], $0xffff;
	v30 =	vadd.s32 v30, v43;
	v51, _, _ =	vpop (xrf0);
	s29 =	sadd.s32 $0x0, s1  }
0x492: {  	v39 =	vld.idx.msk [tilespmem:v39+s15+$0x0], $0xffff;
	v55 =	vor.u32 s0, v7;
	v30 =	vadd.s32 v32, v30;
	v42 =	vadd.s32 s29, v51  }
0x493: {  	v28 =	vld.idx.msk [tilespmem:v28+s15+$0x0], $0xffff;
	v29 =	vadd.s32 v29, v30;
	v30 =	vor.u32 s0, v19;
	vm1 =	vlt.s32 v42, v23  }
0x494: {  	(xrf0) =	vadd.scan.msk.s32 $0xffff, v41;
	v29 =	vadd.s32 v31, v29;
	v31 =	vor.u32 s0, v14;
	v52 =	vld.idx.msk [tilespmem:v27+s15+$0x0], $0xffff;
	v53 =	vsel vm1, $0x1, v0  }
0x495: {  	v45 =	vor.u32 s0, v9;
	v29 =	vadd.s32 v34, v29;
	v54 =	vld.idx.msk [tilespmem:v49+s15+$0x0], $0xffff;
	(xrf0) =	vadd.scan.msk.s32 $0xffff, v53  }
0x496: {  	v60 =	vor.u32 s0, v13;
	v56 =	vld.idx.msk [tilespmem:v50+s15+$0x0], $0xffff;
	v29 =	vadd.s32 v35, v29  }
0x497: {  	v57 =	vor.u32 s0, v12;
	v27 =	vor.u32 s0, v11;
	v32 =	vld.idx.msk [tilespmem:v55+s15+$0x0], $0xffff;
	v29 =	vadd.s32 v33, v29  }
0x498: {  	v59 =	vor.u32 s0, v8;
	(v2sf) =	vpush v25, $0xF;
	v29 =	vadd.s32 v36, v29;
	v58 =	vld.idx.msk [tilespmem:v30+s15+$0x0], $0xffff  }
0x499: {  	v38 =	vor.u32 s0, v10;
	p0 =	por $0x0, $0x0;
	v36 =	vor.u32 s0, v15;
	v29 =	vadd.s32 v37, v29;
	v44 =	vld.idx.msk [tilespmem:v31+s15+$0x0], $0xffff  }
.Ltmp42:
0x49a: {  	v34 =	vld.idx.msk [tilespmem:v45+s15+$0x0], $0xffff;
	v37 =	vor.u32 s0, v16;
	(v2sf) =	vpush v40, $0xF;
	v31, _, _ =	vpop (xrf0);
	v28 =	vadd.s32 v52, v28;
	(pc) =	sbr.rel @p0 .LBB2_80-.Ltmp42, $4  }
0x49b: {  	v35 =	vld.idx.msk [tilespmem:v60+s15+$0x0], $0xffff;
	v39 =	vadd.s32 v39, v29;
	(v2sf) =	vpush v31, $0xF;
	v28 =	vadd.s32 v54, v28;
	v33, _, _ =	vpop (xrf0)  }
0x49c: {  	v30 =	vld.idx.msk [tilespmem:v27+s15+$0x0], $0xffff;
	v27 =	vperm.xlane v39, v4;
	v61 =	vadd.s32 v56, v28;
	v62 =	vbroadcast v33, $0xF  }
0x49d: {  	v29 =	vld.idx.msk [tilespmem:v57+s15+$0x0], $0xffff;
	v28 =	vor.u32 s28, v18;
	v63 =	vadd.s32 v58, v61;
	v42 =	vor.u32 s28, v5;
	(xrf0) =	vadd.scan.msk.s32 $0xffff, v39  }
0x49e: {  	s11 =	simm.s32 $0xA00;
	p4 =	por $0x1, $0x1;
	v31 =	vld.idx.msk [tilespmem:v59+s15+$0x0], $0xffff;
	v43 =	vadd.s32 v44, v63;
	v39 =	vor.u32 s0, v17;
	(xrf0) =	vadd.scan.msk.s32 $0xffff, v27;
	vm1 =	vgt.s32 v62, v1  }
0x49f: {  	_ =	sdelay $0x7  }
0x4a0: {  	v30 =	vadd.s32 v30, v43  }
0x4a1: {  	v40 =	vand.u32 v6, v42;
	v38 =	vld.idx.msk [tilespmem:v38+s15+$0x0], $0xffff;
	v52 =	vnsel vm1, $0x0, v26;
	v30 =	vadd.s32 v32, v30;
	s0 =	spop (v2sf)  }
0x4a2: {  	v41 =	vor.u32 s28, v20;
	v36 =	vld.idx.msk [tilespmem:v36+s15+$0x0], $0xffff;
	v63, _, _ =	vpop (xrf0);
	v29 =	vadd.s32 v29, v30;
	(xrf0) =	vadd.scan.msk.s32 $0xffff, v52;
	(v2sf) =	vpush v33, $0xF;
	s1 =	spop (v2sf)  }
0x4a3: {  	v37 =	vld.idx.msk [tilespmem:v37+s15+$0x0], $0xffff;
	v44, _, _ =	vpop (xrf0);
	v29 =	vadd.s32 v31, v29;
	v31 =	vor.u32 s28, v14;
	(v2sf) =	vpush v63, $0xF;
	s10 =	sadd.s32 s29, s1  }
0x4a4: {  	v53 =	vor.u32 s28, v21;
	v39 =	vld.idx.msk [tilespmem:v39+s15+$0x0], $0xffff;
	v44 =	vadd.s32 s10, v44  }
0x4a5: {  	v28 =	vld.idx.msk [tilespmem:v28+s15+$0x0], $0xffff;
	v30 =	vor.u32 s28, v19;
	v29 =	vadd.s32 v34, v29;
	vm2 =	vlt.s32 v44, v23  }
0x4a6: {  	v58 =	vor.u32 s28, v7;
	v54 =	vld.idx.msk [tilespmem:v40+s15+$0x0], $0xffff;
	v29 =	vadd.s32 v35, v29;
	v56 =	vsel vm2, $0x1, v0  }
0x4a7: {  	v55 =	vor.u32 s28, v11;
	v57 =	vld.idx.msk [tilespmem:v41+s15+$0x0], $0xffff;
	v29 =	vadd.s32 v38, v29;
	(xrf0) =	vadd.scan.msk.s32 $0xffff, v56  }
0x4a8: {  	v48 =	vor.u32 s28, v9;
	v29 =	vadd.s32 v36, v29;
	v47 =	vld.idx.msk [tilespmem:v31+s15+$0x0], $0xffff;
	v31, _, _ =	vpop (xrf0)  }
0x4a9: {  	v60 =	vor.u32 s28, v12;
	v59 =	vld.idx.msk [tilespmem:v53+s15+$0x0], $0xffff;
	v29 =	vadd.s32 v37, v29;
	s18 =	spop (v2sf);
	(v2sf) =	vpush v31, $0xF  }
0x4aa: {  	v46 =	vor.u32 s28, v8;
	v45 =	vld.idx.msk [tilespmem:v30+s15+$0x0], $0xffff;
	v39 =	vadd.s32 v39, v29  }
0x4ab: {  	p0 =	sgt.s32 s26, $0x0;
	v49 =	vor.u32 s28, v13;
	p6 =	por $0x0, $0x0;
	v32 =	vld.idx.msk [tilespmem:v58+s15+$0x0], $0xffff;
	v40 =	vperm.xlane v39, v4  }
.Ltmp43:
0x4ac: {  	p5 =	sge.s32 s29, s26;
	s31 =	simm.s32 $0x0;
	v38 =	vor.u32 s28, v10;
	v30 =	vld.idx.msk [tilespmem:v55+s15+$0x0], $0xffff;
	v28 =	vadd.s32 v54, v28;
	(xrf0) =	vadd.scan.msk.s32 $0xffff, v39;
	(pc) =	sbr.rel @p6 .LBB2_82-.Ltmp43, $4  }
0x4ad: {  	s3 =	simm.s32 $0x900;
	s30 =	simm.s32 $0xFF;
	p0 =	por !p0, !p5;
	v34 =	vld.idx.msk [tilespmem:v48+s15+$0x0], $0xffff;
	v36 =	vor.u32 s28, v15;
	v28 =	vadd.s32 v57, v28;
	v44, _, _ =	vpop (xrf0);
	(xrf0) =	vadd.scan.msk.s32 $0xffff, v40  }
0x4ae: {  	p5 =	por !p0, !p0;
	s2 =	ssub.s32 $0xFF, s0;
	s0 =	simm.s32 $0x0;
	v37 =	vor.u32 s28, v16;
	v29 =	vld.idx.msk [tilespmem:v60+s15+$0x0], $0xffff;
	v61 =	vadd.s32 v59, v28;
	v62 =	vbroadcast v44, $0xF  }
0x4af: {  	v42 =	vor.u32 s11, v5;
	s31 =	smov.u32 @p5 s2;
	s2 =	smov.u32 s29;
	v31 =	vld.idx.msk [tilespmem:v46+s15+$0x0], $0xffff;
	s1 =	sadd.s32 $0x0, s18;
	v63 =	vadd.s32 v45, v61;
	v39 =	vor.u32 s28, v17  }
0x4b0: {  	v41 =	vmovc v27;
	v35 =	vld.idx.msk [tilespmem:v49+s15+$0x0], $0xffff;
	v28 =	vor.u32 s11, v18;
	s12 =	smov.u32 s10;
	s16 =	smov.u32 s10;
	s0 =	smov.u32 @p5 s1;
	v43 =	vadd.s32 v47, v63;
	vm2 =	vgt.s32 v62, v1  }
.LBB2_83:
0x4b1: {  	p6 =	seq.s32 s3, $0x0;
	v42 =	vand.u32 v6, v42;
	v30 =	vadd.s32 v30, v43;
	v38 =	vld.idx.msk [tilespmem:v38+s15+$0x0], $0xffff;
	v43 =	vnsel vm2, $0x0, v41;
	s1 =	spop (v2sf);
	s30 =	sadd.s32 $0xFFFFFFF0, s30;
	v41 =	vmovc v40  }
0x4b2: {  	v40 =	vor.u32 s11, v20;
	v30 =	vadd.s32 v32, v30;
	v32 =	vld.idx.msk [tilespmem:v36+s15+$0x0], $0xffff;
	v36, _, _ =	vpop (xrf0);
	s5 =	spop (v2sf);
	(v2sf) =	vpush v44, $0xF;
	(xrf0) =	vadd.scan.msk.s32 $0xffff, v43;
	s1 =	ssub.s32 s30, s1  }
0x4b3: {  	v43 =	vor.u32 s11, v21;
	v29 =	vadd.s32 v29, v30;
	v30 =	vld.idx.msk [tilespmem:v37+s15+$0x0], $0xffff;
	v37, _, _ =	vpop (xrf0);
	(v2sf) =	vpush v36, $0xF;
	s10 =	sadd.s32 s10, s5  }
0x4b4: {  	v36 =	vor.u32 s11, v19;
	v29 =	vadd.s32 v31, v29;
	v31 =	vld.idx.msk [tilespmem:v39+s15+$0x0], $0xffff;
	v37 =	vadd.s32 s10, v37  }
0x4b5: {  	v39 =	vor.u32 s11, v14;
	v28 =	vld.idx.msk [tilespmem:v28+s15+$0x0], $0xffff;
	v29 =	vadd.s32 v34, v29;
	vm2 =	vlt.s32 v37, v23  }
0x4b6: {  	v37 =	vor.u32 s11, v11;
	v34 =	vld.idx.msk [tilespmem:v42+s15+$0x0], $0xffff;
	v29 =	vadd.s32 v35, v29;
	v35 =	vsel vm2, $0x1, v0  }
0x4b7: {  	p0 =	slt.s32 s2, s26;
	p5 =	sge.s32 s12, s26;
	v44 =	vor.u32 s11, v7;
	s12 =	smov.u32 s10;
	v42 =	vld.idx.msk [tilespmem:v40+s15+$0x0], $0xffff;
	v29 =	vadd.s32 v38, v29;
	(xrf0) =	vadd.scan.msk.s32 $0xffff, v35  }
0x4b8: {  	p0 =	por !p0, !p5;
	v35 =	vld.idx.msk [tilespmem:v43+s15+$0x0], $0xffff;
	v43 =	vor.u32 s11, v12;
	v29 =	vadd.s32 v32, v29;
	v32, _, _ =	vpop (xrf0);
	s5 =	spop (v2sf)  }
0x4b9: {  	v46 =	vor.u32 s11, v8;
	p0 =	por !p0, !p0;
	v45 =	vld.idx.msk [tilespmem:v36+s15+$0x0], $0xffff;
	v29 =	vadd.s32 v30, v29;
	(v2sf) =	vpush v32, $0xF;
	s5 =	sadd.s32 s2, s5;
	s2 =	smov.u32 s16  }
0x4ba: {  	s31 =	smov.u32 @p0 s1;
	s16 =	smov.u32 s10;
	v47 =	vld.idx.msk [tilespmem:v39+s15+$0x0], $0xffff;
	v39 =	vor.u32 s11, v9;
	v29 =	vadd.s32 v31, v29;
	s0 =	smov.u32 @p0 s5  }
0x4bb: {  	v48 =	vor.u32 s11, v13;
	v30 =	vld.idx.msk [tilespmem:v37+s15+$0x0], $0xffff;
	v40 =	vperm.xlane v29, v4  }
.Ltmp44:
0x4bc: {  	v38 =	vor.u32 s11, v10;
	v28 =	vadd.s32 v34, v28;
	v32 =	vld.idx.msk [tilespmem:v44+s15+$0x0], $0xffff;
	(xrf0) =	vadd.scan.msk.s32 $0xffff, v29;
	(pc) =	sbr.rel @!p6 .LBB2_83-.Ltmp44, $4  }
0x4bd: {  	v36 =	vor.u32 s11, v15;
	v28 =	vadd.s32 v42, v28;
	v29 =	vld.idx.msk [tilespmem:v43+s15+$0x0], $0xffff;
	(xrf0) =	vadd.scan.msk.s32 $0xffff, v40;
	v44, _, _ =	vpop (xrf0)  }
0x4be: {  	v37 =	vor.u32 s11, v16;
	v34 =	vadd.s32 v35, v28;
	v31 =	vld.idx.msk [tilespmem:v46+s15+$0x0], $0xffff;
	v46 =	vbroadcast v44, $0xF  }
0x4bf: {  	v28 =	vor.u32 s3, v18;
	v35 =	vadd.s32 v45, v34;
	v34 =	vld.idx.msk [tilespmem:v39+s15+$0x0], $0xffff;
	v39 =	vor.u32 s11, v17;
	s11 =	smov.u32 s3  }
0x4c0: {  	s3 =	sadd.s32 $0xFFFFFF00, s3;
	v43 =	vadd.s32 v47, v35;
	v42 =	vor.u32 s11, v5;
	v35 =	vld.idx.msk [tilespmem:v48+s15+$0x0], $0xffff;
	vm2 =	vgt.s32 v46, v1  }
0x4c1: {  	s28 =	smov.u32 s11;
	p6 =	por $0x1, $0x1  }
.LBB2_85:
0x4c2: {  	_ =	sdelay $0x1  }
0x4c3: {  	v30 =	vadd.s32 @p1 v30, v43  }
0x4c4: {  	v30 =	vadd.s32 @p1 v32, v30  }
0x4c5: {  	v42 =	vand.u32 v6, v42;
	v38 =	vld.idx.msk @p1 [tilespmem:v38+s15+$0x0], $0xffff;
	s11 =	spop @p4 (v2sf)  }
0x4c6: {  	v53 =	vor.u32 s28, v20;
	v36 =	vld.idx.msk @p1 [tilespmem:v36+s15+$0x0], $0xffff;
	v54 =	vor.u32 s28, v21;
	s1 =	spop @p3 (v2sf);
	v29 =	vadd.s32 @p1 v29, v30  }
0x4c7: {  	v37 =	vld.idx.msk @p1 [tilespmem:v37+s15+$0x0], $0xffff;
	v55 =	vor.u32 s28, v19;
	(v2sf) =	vpush @p3 v44, $0xF;
	s3 =	sadd.s32 @p3 s10, s1;
	s10 =	smov.u32 s23;
	v29 =	vadd.s32 @p1 v31, v29;
	v30, _, _ =	vpop @p2 (xrf0)  }
0x4c8: {  	v39 =	vld.idx.msk @p1 [tilespmem:v39+s15+$0x0], $0xffff;
	v56 =	vor.u32 s28, v14;
	s10 =	smov.u32 @p3 s3;
	v29 =	vadd.s32 @p1 v34, v29;
	v31, _, _ =	vpop @p2 (xrf0);
	(v2sf) =	vpush @p2 v30, $0xF  }
0x4c9: {  	v28 =	vld.idx.msk [tilespmem:v28+s15+$0x0], $0xffff;
	v58 =	vor.u32 s28, v11;
	v29 =	vadd.s32 @p1 v35, v29;
	v31 =	vadd.s32 @p2 s10, v31  }
0x4ca: {  	v32 =	vnsel @p3 vm2, $0x0, v41;
	v57 =	vld.idx.msk [tilespmem:v42+s15+$0x0], $0xffff;
	v29 =	vadd.s32 @p1 v38, v29;
	vm2 =	vlt.s32 @p2 v31, v23  }
0x4cb: {  	v60 =	vor.u32 s28, v7;
	(xrf0) =	vadd.scan.msk.s32 @p3 $0xffff, v32;
	v59 =	vld.idx.msk [tilespmem:v53+s15+$0x0], $0xffff;
	v29 =	vadd.s32 @p1 v36, v29;
	v32 =	vsel @p2 vm2, $0x1, v0  }
0x4cc: {  	v62 =	vor.u32 s28, v12;
	v61 =	vld.idx.msk [tilespmem:v54+s15+$0x0], $0xffff;
	v29 =	vadd.s32 @p1 v37, v29;
	(xrf0) =	vadd.scan.msk.s32 @p2 $0xffff, v32  }
0x4cd: {  	v63 =	vor.u32 s28, v8;
	v30 =	vld.idx.msk [tilespmem:v55+s15+$0x0], $0xffff;
	v29 =	vadd.s32 @p1 v39, v29  }
0x4ce: {  	v45 =	vor.u32 s28, v9;
	v34 =	vld.idx.msk [tilespmem:v56+s15+$0x0], $0xffff;
	(xrf0) =	vadd.scan.msk.s32 @p1 $0xffff, v29  }
0x4cf: {  	v46 =	vor.u32 s28, v13;
	v35 =	vld.idx.msk [tilespmem:v58+s15+$0x0], $0xffff;
	v28 =	vadd.s32 v57, v28  }
0x4d0: {  	v48 =	vor.u32 s28, v10;
	v47 =	vld.idx.msk [tilespmem:v60+s15+$0x0], $0xffff;
	v28 =	vadd.s32 v59, v28  }
0x4d1: {  	v49 =	vor.u32 s28, v15;
	v36 =	vld.idx.msk [tilespmem:v62+s15+$0x0], $0xffff;
	v38, _, _ =	vpop @p3 (xrf0);
	v29 =	vperm.xlane @p1 v29, v4;
	v28 =	vadd.s32 v61, v28  }
0x4d2: {  	v50 =	vor.u32 s28, v16;
	v52 =	vor.u32 s28, v17;
	v37 =	vld.idx.msk [tilespmem:v63+s15+$0x0], $0xffff;
	v28 =	vadd.s32 v30, v28;
	v32, _, _ =	vpop @p2 (xrf0)  }
0x4d3: {  	v51 =	vld.idx.msk [tilespmem:v45+s15+$0x0], $0xffff;
	(v2sf) =	vpush @p3 v38, $0xF;
	(xrf0) =	vadd.scan.msk.s32 @p1 $0xffff, v29;
	v28 =	vadd.s32 v34, v28;
	v33 =	vpsel p2, v32, v33  }
0x4d4: {  	v53 =	vld.idx.msk [tilespmem:v46+s15+$0x0], $0xffff;
	v28 =	vadd.s32 v35, v28;
	v35, _, _ =	vpop @p1 (xrf0);
	(v2sf) =	vpush @p2 v33, $0xF  }
0x4d5: {  	v54 =	vld.idx.msk [tilespmem:v48+s15+$0x0], $0xffff;
	s18 =	spop @p4 (v2sf);
	v28 =	vadd.s32 v47, v28;
	(v2sf) =	vpush @p1 v35, $0xF  }
0x4d6: {  	v55 =	vld.idx.msk [tilespmem:v49+s15+$0x0], $0xffff;
	s5 =	spop @p3 (v2sf);
	v28 =	vadd.s32 v36, v28  }
0x4d7: {  	v56 =	vld.idx.msk [tilespmem:v50+s15+$0x0], $0xffff;
	v31 =	vbroadcast @p2 v32, $0xF;
	v28 =	vadd.s32 v37, v28;
	s1 =	spop @p2 (v2sf)  }
0x4d8: {  	s6 =	smov.u32 s23;
	v57 =	vld.idx.msk [tilespmem:v52+s15+$0x0], $0xffff;
	v30 =	vmov @p2 v40;
	v28 =	vadd.s32 v51, v28;
	s9 =	sadd.s32 @p2 s10, s1  }
0x4d9: {  	v26 =	vpsel p2, v30, v26;
	vm2 =	vgt.s32 @p2 v31, v1;
	v36, _, _ =	vpop @p1 (xrf0);
	v28 =	vadd.s32 v53, v28;
	s6 =	smov.u32 @p2 s9  }
0x4da: {  	vm1 =	vmmov @p2 vm2;
	v28 =	vadd.s32 v54, v28;
	v30 =	vadd.s32 @p1 s6, v36  }
0x4db: {  	v26 =	vnsel @p2 vm1, $0x0, v26;
	v28 =	vadd.s32 v55, v28;
	vm1 =	vlt.s32 @p1 v30, v23  }
0x4dc: {  	(xrf0) =	vadd.scan.msk.s32 @p2 $0xffff, v26;
	v28 =	vadd.s32 v56, v28;
	v26 =	vsel @p1 vm1, $0x1, v0  }
0x4dd: {  	v58 =	vadd.s32 v57, v28;
	(xrf0) =	vadd.scan.msk.s32 @p1 $0xffff, v26  }
0x4de: {  	v28 =	vperm.xlane v58, v4  }
0x4df: {  	(xrf0) =	vadd.scan.msk.s32 $0xffff, v58  }
0x4e0: {  	(xrf0) =	vadd.scan.msk.s32 $0xffff, v28;
	_ =	sdelay $0x1  }
0x4e1: {  	s1 =	spop @p3 (v2sf);
	v26, _, _ =	vpop @p2 (xrf0)  }
0x4e2: {  	v30, _, _ =	vpop @p1 (xrf0);
	s8 =	spop @p2 (v2sf)  }
0x4e3: {  	v31 =	vbroadcast @p1 v30, $0xF;
	s17 =	spop @p1 (v2sf)  }
0x4e4: {  	s28 =	smov.u32 s23;
	v59, _, _ =	vpop (xrf0);
	s17 =	sadd.s32 @p1 s6, s17  }
0x4e5: {  	v27 =	vpsel p1, v29, v27;
	(v2sf) =	vpush @p2 v26, $0xF;
	v60, _, _ =	vpop (xrf0);
	vm1 =	vgt.s32 @p1 v31, v1;
	s28 =	smov.u32 @p1 s17  }
0x4e6: {  	p0 =	slt.s32 @p4 s2, s26;
	p5 =	sge.s32 @p4 s12, s26;
	v24 =	vpsel p1, v27, v24;
	vm0 =	vmmov @p1 vm1;
	v61 =	vadd.s32 s28, v60  }
0x4e7: {  	s12 =	sadd.s32 @p6 $0xFFFFFFF0, s30;
	s30 =	simm.s32 $0xFF;
	p0 =	por @p4 !p0, !p5;
	v24 =	vnsel @p1 vm0, $0x0, v24;
	vm14 =	vlt.s32 v61, v23  }
0x4e8: {  	s30 =	smov.u32 @p6 s12;
	s12 =	smov.u32 @p3 s16;
	p0 =	por @p4 !p0, !p0;
	(xrf0) =	vadd.scan.msk.s32 @p1 $0xffff, v24;
	v23 =	vsel vm14, $0x1, v0  }
0x4e9: {  	s16 =	smov.u32 s29;
	s11 =	ssub.s32 @p4 s30, s11;
	p0 =	por !p0, !p4;
	(xrf0) =	vadd.scan.msk.s32 $0xffff, v23  }
0x4ea: {  	s16 =	smov.u32 @p3 s3;
	s11 =	smov.u32 @p0 s31;
	s2 =	sadd.s32 @p4 s2, s18  }
0x4eb: {  	s3 =	smov.u32 @p2 s10;
	s2 =	smov.u32 @p0 s0;
	s0 =	smov.u32 s23;
	v23 =	vpsel p1, v30, v25  }
0x4ec: {  	s29 =	smov.u32 @p2 s3;
	s3 =	smov.u32 s23;
	s0 =	smov.u32 @p3 s12;
	(v2sf) =	vpush @p1 v23, $0xF  }
0x4ed: {  	p5 =	sge.s32 @p3 s16, s26;
	s3 =	smov.u32 @p4 s11;
	p0 =	slt.s32 @p3 s0, s26  }
0x4ee: {  	s12 =	simm.s32 $0xFF;
	p0 =	por @p3 !p0, !p5;
	s10 =	sadd.s32 @p4 $0xFFFFFFF0, s30;
	v23, _, _ =	vpop @p1 (xrf0)  }
0x4ef: {  	p0 =	por @p3 !p0, !p0;
	s12 =	smov.u32 @p4 s10;
	s10 =	smov.u32 s23;
	v62, _, _ =	vpop (xrf0)  }
0x4f0: {  	p0 =	por !p0, !p3;
	s10 =	smov.u32 @p4 s2;
	s2 =	ssub.s32 @p3 s12, s5;
	(v2sf) =	vpush v59, $0xF;
	v63 =	vbroadcast v62, $0xF  }
0x4f1: {  	s5 =	smov.u32 @p2 s9;
	s9 =	smov.u32 s23;
	s2 =	smov.u32 @p0 s3;
	(v2sf) =	vpush @p1 v23, $0xF  }
0x4f2: {  	s5 =	smov.u32 @p2 s5;
	s0 =	sadd.s32 @p3 s0, s1;
	s1 =	smov.u32 @p2 s29;
	vm15 =	vgt.s32 v63, v1  }
0x4f3: {  	s9 =	smov.u32 @p1 s6;
	p4 =	sge.s32 @p2 s5, s26;
	s1 =	smov.u32 @p2 s1;
	v25 =	vnsel vm15, $0x0, v28  }
0x4f4: {  	s0 =	smov.u32 @p0 s10;
	p0 =	slt.s32 @p2 s1, s26;
	s3 =	spop @p2 (v2sf);
	(v2sf) =	vpush v62, $0xF;
	(xrf0) =	vadd.scan.msk.s32 $0xffff, v25  }
0x4f5: {  	s5 =	simm.s32 $0xFF;
	p0 =	por @p2 !p0, !p4;
	s6 =	smov.u32 s23  }
0x4f6: {  	p0 =	por @p2 !p0, !p0;
	s6 =	smov.u32 @p3 s2;
	s2 =	sadd.s32 @p3 $0xFFFFFFF0, s12  }
0x4f7: {  	p0 =	por !p0, !p2;
	s5 =	smov.u32 @p3 s2;
	s2 =	smov.u32 s23  }
0x4f8: {  	s2 =	smov.u32 @p3 s0;
	s0 =	ssub.s32 @p2 s5, s8;
	s8 =	smov.u32 @p1 s17  }
0x4f9: {  	p5 =	slt.s32 s28, s26;
	s0 =	smov.u32 @p0 s6;
	s6 =	smov.u32 @p1 s8  }
0x4fa: {  	s5 =	sadd.s32 @p2 $0xFFFFFFF0, s5;
	p3 =	sge.s32 @p1 s6, s26;
	s6 =	simm.s32 $0xFF;
	v23, _, _ =	vpop (xrf0)  }
0x4fb: {  	s1 =	sadd.s32 @p2 s1, s3;
	s3 =	smov.u32 @p1 s9;
	s10 =	spop @p1 (v2sf);
	(v2sf) =	vpush v23, $0xF  }
0x4fc: {  	s6 =	smov.u32 @p2 s5;
	s1 =	smov.u32 @p0 s2;
	p0 =	slt.s32 @p1 s3, s26  }
0x4fd: {  	s5 =	smov.u32 s23;
	s2 =	smov.u32 s23;
	p0 =	por @p1 !p0, !p3  }
0x4fe: {  	s2 =	smov.u32 @p2 s0;
	s5 =	smov.u32 @p2 s1;
	p0 =	por @p1 !p0, !p0  }
0x4ff: {  	p0 =	por !p0, !p1;
	s18 =	spop (v2sf);
	s8 =	ssub.s32 @p1 s6, s10  }
0x500: {  	s8 =	smov.u32 @p0 s2;
	s29 =	sadd.s32 s28, s18;
	s0 =	spop @p1 (v2sf)  }
0x501: {  	p6 =	sge.s32 s29, s26;
	s1 =	sadd.s32 @p1 s3, s0;
	s0 =	smov.u32 s23  }
0x502: {  	s3 =	sadd.s32 @p1 $0xFFFFFFF0, s6;
	s1 =	smov.u32 @p0 s5;
	s0 =	smov.u32 @p1 s8  }
0x503: {  	s25 =	smov.u32 @p1 s3;
	p0 =	por !p5, !p6;
	s30 =	spop (v2sf)  }
0x504: {  	s23 =	smov.u32 @p1 s1;
	p0 =	por !p0, !p0;
	s1 =	ssub.s32 s25, s30  }
0x505: {  	s0 =	smov.u32 @p0 s1;
	s1 =	simm.s32 $0x100C0  }
0x506: {  	[tilespmem:s1+$0xFFFFFFC0] =	vst v0  }
0x507: {  	[tilespmem:s1+$0x30] =	vst v0  }
0x508: {  	[tilespmem:s1+$0x20] =	vst v0  }
0x509: {  	[tilespmem:s1+$0x10] =	vst v0  }
0x50a: {  	[tilespmem:s1+$0x0] =	vst v0;
	s31 =	spop (v2sf)  }
0x50b: {  	[tilespmem:s1+$0xFFFFFFF0] =	vst v0;
	s2 =	sadd.s32 s28, s31  }
0x50c: {  	[tilespmem:s1+$0xFFFFFFE0] =	vst v0;
	s23 =	smov.u32 @p0 s2;
	s2 =	simm.s32 $0x0  }
.LBB2_86:
0x50d: {  	s2 =	sadd.s32 $0x8, s2;
	[tilespmem:s1+$0xFFFFFFD0] =	vst v0;
	s1 =	sadd.s32 $0x80, s1  }
0x50e: {  	[tilespmem:s1+$0xFFFFFFC0] =	vst v0;
	p0 =	slt.u32 s2, $0xF8  }
0x50f: {  	[tilespmem:s1+$0x30] =	vst v0  }
.Ltmp45:
0x510: {  	[tilespmem:s1+$0x20] =	vst v0;
	(pc) =	sbr.rel @p0 .LBB2_86-.Ltmp45, $4  }
0x511: {  	[tilespmem:s1+$0x10] =	vst v0  }
0x512: {  	[tilespmem:s1+$0x0] =	vst v0  }
0x513: {  	[tilespmem:s1+$0xFFFFFFF0] =	vst v0  }
0x514: {  	[tilespmem:s1+$0xFFFFFFE0] =	vst v0  }
0x515: {  	s31 =	sld [smem:$0x7FD];
	_ =	sdelay $0x2  }
0x516: {  	p0 =	seq.s32 s31, $0x1  }
.Ltmp46:
0x517: {  	_ = 	snop;
	(pc) =	sbr.rel @p0 .LBB2_94-.Ltmp46, $3  }
0x518: {  	_ =	sdelay $0x1  }
0x519: {  	s30 =	sshll.u32 s24, $0x8  }
0x51a: {  	[tilespmem:s1+$0xFFFFFFD0] =	vst v0;
	s24 =	sor.u32 s30, s0  }
0x51b: {  	p1 =	sne.s32 s21, $0x1  }
.Ltmp47:
0x51c: {  	_ = 	snop;
	(pc) =	sbr.rel @!p1 .LBB2_89-.Ltmp47, $3  }
0x51d: {  	_ =	sdelay $0x1  }
0x51e: {  	s0 =	sand.u32 $0xFFFFFF, s24;
	s1 =	simm.s32 $0x8000  }
0x51f: {  	p0 =	por $0x0, $0x0;
	v23 =	vmov s0;
	s0 =	simm.s32 $0x0;
	v24 =	vld [tilespmem:s1+$0x0];
	s1 =	sadd.s32 $0xFFFFFFFF, s21  }
0x520: {  	_ =	sdelay $0x3  }
0x521: {  	v25 =	vor.u32 s0, v1;
	v26 =	vshrl.u32 v24, $0x8  }
0x522: {  	vm0 =	vlt.s32 v25, v22;
	v24 =	vshll.u32 v24, $0x4;
	vm1 =	veq.s32 v26, v23  }
0x523: {  	v24 =	vor.u32 v1, v24;
	vm0 =	vmand vm0, vm1  }
0x524: {  	v24 =	vand.u32 $0xFFF, v24  }
0x525: {  	p1 =	sne.s32 s1, $0x1  }
.Ltmp48:
0x526: {  	_ = 	snop;
	(pc) =	sbr.rel @!p1 .LBB2_91-.Ltmp48, $3  }
0x527: {  	_ =	sdelay $0x1  }
0x528: {  	s2 =	simm.s32 $0x8010;
	[tilespmem:v24+s15+$0x0] =	vst.idx.add.s32.msk vm0, v2  }
0x529: {  	s3 =	sadd.s32 $0xFFFFFFFF, s1;
	p0 =	por $0x1, $0x1;
	s1 =	simm.s32 $0x0;
	v24 =	vld [tilespmem:s2+$0x0]  }
.LBB2_92:
0x52a: {  	p1 =	sne.s32 s3, $0x1;
	_ =	sdelay $0x2  }
0x52b: {  	s1 =	sadd.s32 $0x10, s1  }
0x52c: {  	v25 =	vor.u32 s1, v1;
	v26 =	vshrl.u32 v24, $0x8  }
0x52d: {  	vm0 =	vlt.s32 v25, v22;
	v24 =	vshll.u32 v24, $0x4;
	vm1 =	veq.s32 v26, v23  }
0x52e: {  	v24 =	vor.u32 v1, v24;
	vm0 =	vmand vm0, vm1  }
0x52f: {  	v24 =	vand.u32 $0xFFF, v24;
	_ =	sdelay $0x1  }
.Ltmp49:
0x530: {  	(pc) =	sbr.rel @p1 .LBB2_92-.Ltmp49, $3  }
0x531: {  	_ =	sdelay $0x1  }
0x532: {  	s2 =	sadd.s32 $0x10, s2;
	[tilespmem:v24+s15+$0x0] =	vst.idx.add.s32.msk vm0, v2  }
0x533: {  	s3 =	sadd.s32 $0xFFFFFFFF, s3;
	v24 =	vld [tilespmem:s2+$0x0]  }
.LBB2_93:
0x534: {  	_ =	sdelay $0x1  }
0x535: {  	s1 =	sadd.s32 @p0 $0x10, s1  }
0x536: {  	s0 =	smov.u32 @p0 s1  }
0x537: {  	v25 =	vor.u32 s0, v1;
	v26 =	vshrl.u32 v24, $0x8  }
0x538: {  	vm0 =	vlt.s32 v25, v22;
	v22 =	vshll.u32 v24, $0x4;
	vm1 =	veq.s32 v26, v23  }
0x539: {  	v22 =	vor.u32 v1, v22;
	vm0 =	vmand vm0, vm1  }
0x53a: {  	v22 =	vand.u32 $0xFFF, v22;
	_ =	sdelay $0x4  }
0x53b: {  	[tilespmem:v22+s15+$0x0] =	vst.idx.add.s32.msk vm0, v2  }
.LBB2_94:
0x53c: {  	s0 =	simm.s32 $0xF00  }
0x53d: {  	v22 =	vor.u32 s0, v18  }
0x53e: {  	v24 =	vor.u32 s0, v20  }
0x53f: {  	v23 =	vor.u32 s0, v5;
	v25 =	vor.u32 s0, v21  }
0x540: {  	v23 =	vand.u32 v6, v23  }
0x541: {  	v26 =	vor.u32 s0, v19  }
0x542: {  	v27 =	vor.u32 s0, v14;
	v22 =	vld.idx.msk [tilespmem:v22+s15+$0x0], $0xffff  }
0x543: {  	v28 =	vor.u32 s0, v11;
	v24 =	vld.idx.msk [tilespmem:v24+s15+$0x0], $0xffff  }
0x544: {  	v29 =	vor.u32 s0, v7;
	v25 =	vld.idx.msk [tilespmem:v25+s15+$0x0], $0xffff  }
0x545: {  	v33 =	vor.u32 s0, v13;
	v23 =	vld.idx.msk [tilespmem:v23+s15+$0x0], $0xffff  }
0x546: {  	v30 =	vor.u32 s0, v12;
	v26 =	vld.idx.msk [tilespmem:v26+s15+$0x0], $0xffff  }
0x547: {  	v31 =	vor.u32 s0, v8;
	v27 =	vld.idx.msk [tilespmem:v27+s15+$0x0], $0xffff  }
0x548: {  	v32 =	vor.u32 s0, v9;
	v28 =	vld.idx.msk [tilespmem:v28+s15+$0x0], $0xffff  }
0x549: {  	v40 =	vor.u32 s0, v17;
	v29 =	vld.idx.msk [tilespmem:v29+s15+$0x0], $0xffff  }
0x54a: {  	v34 =	vor.u32 s0, v10;
	v33 =	vld.idx.msk [tilespmem:v33+s15+$0x0], $0xffff;
	v22 =	vadd.s32 v23, v22  }
0x54b: {  	v23 =	vld.idx.msk [tilespmem:v30+s15+$0x0], $0xffff;
	v30 =	vor.u32 s0, v15;
	v22 =	vadd.s32 v24, v22  }
0x54c: {  	s1 =	simm.s32 $0xE00;
	v24 =	vld.idx.msk [tilespmem:v31+s15+$0x0], $0xffff;
	v31 =	vor.u32 s0, v16;
	v22 =	vadd.s32 v25, v22  }
0x54d: {  	v35 =	vor.u32 s1, v18;
	v25 =	vld.idx.msk [tilespmem:v32+s15+$0x0], $0xffff;
	v22 =	vadd.s32 v26, v22;
	v26 =	vor.u32 s1, v5  }
0x54e: {  	v32 =	vld.idx.msk [tilespmem:v40+s15+$0x0], $0xffff;
	v22 =	vadd.s32 v27, v22;
	v26 =	vand.u32 v6, v26  }
0x54f: {  	v27 =	vld.idx.msk [tilespmem:v34+s15+$0x0], $0xffff;
	v22 =	vadd.s32 v28, v22;
	v28 =	vor.u32 s1, v20  }
0x550: {  	v42 =	vor.u32 s1, v7;
	v30 =	vld.idx.msk [tilespmem:v30+s15+$0x0], $0xffff;
	v22 =	vadd.s32 v29, v22  }
0x551: {  	v29 =	vor.u32 s1, v21;
	v31 =	vld.idx.msk [tilespmem:v31+s15+$0x0], $0xffff;
	v22 =	vadd.s32 v23, v22  }
0x552: {  	v23 =	vor.u32 s1, v19;
	v22 =	vadd.s32 v24, v22;
	v24 =	vld.idx.msk [tilespmem:v35+s15+$0x0], $0xffff  }
0x553: {  	v41 =	vor.u32 s1, v14;
	v22 =	vadd.s32 v25, v22;
	v25 =	vld.idx.msk [tilespmem:v26+s15+$0x0], $0xffff  }
0x554: {  	v26 =	vor.u32 s1, v11;
	v22 =	vadd.s32 v33, v22;
	v28 =	vld.idx.msk [tilespmem:v28+s15+$0x0], $0xffff  }
0x555: {  	v44 =	vor.u32 s1, v13;
	v33 =	vld.idx.msk [tilespmem:v42+s15+$0x0], $0xffff;
	v22 =	vadd.s32 v27, v22  }
0x556: {  	v27 =	vld.idx.msk [tilespmem:v29+s15+$0x0], $0xffff;
	v29 =	vor.u32 s1, v12;
	v22 =	vadd.s32 v30, v22  }
0x557: {  	v23 =	vld.idx.msk [tilespmem:v23+s15+$0x0], $0xffff;
	v30 =	vor.u32 s1, v8;
	v22 =	vadd.s32 v31, v22  }
0x558: {  	v43 =	vor.u32 s1, v9;
	v31 =	vld.idx.msk [tilespmem:v41+s15+$0x0], $0xffff;
	v22 =	vadd.s32 v32, v22  }
0x559: {  	v36 =	vor.u32 s1, v10;
	v26 =	vld.idx.msk [tilespmem:v26+s15+$0x0], $0xffff;
	v24 =	vadd.s32 v25, v24;
	v45 =	vperm.xlane v22, v4;
	(xrf0) =	vadd.scan.msk.s32 $0xffff, v22  }
0x55a: {  	v32 =	vld.idx.msk [tilespmem:v44+s15+$0x0], $0xffff;
	v22 =	vor.u32 s1, v15;
	v24 =	vadd.s32 v28, v24  }
0x55b: {  	v25 =	vld.idx.msk [tilespmem:v29+s15+$0x0], $0xffff;
	v29 =	vor.u32 s1, v16;
	v24 =	vadd.s32 v27, v24;
	(xrf0) =	vadd.scan.msk.s32 $0xffff, v45  }
0x55c: {  	s2 =	simm.s32 $0xD00;
	v28 =	vld.idx.msk [tilespmem:v30+s15+$0x0], $0xffff;
	v30 =	vor.u32 s1, v17;
	v23 =	vadd.s32 v23, v24  }
0x55d: {  	v46 =	vor.u32 s2, v18;
	v27 =	vld.idx.msk [tilespmem:v43+s15+$0x0], $0xffff;
	v24 =	vor.u32 s2, v5;
	v23 =	vadd.s32 v31, v23  }
0x55e: {  	v24 =	vand.u32 v6, v24;
	v31 =	vld.idx.msk [tilespmem:v36+s15+$0x0], $0xffff;
	v23 =	vadd.s32 v26, v23  }
0x55f: {  	v26 =	vor.u32 s2, v20;
	v47 =	vld.idx.msk [tilespmem:v22+s15+$0x0], $0xffff;
	v23 =	vadd.s32 v33, v23;
	v48, _, _ =	vpop (xrf0)  }
0x560: {  	s21 =	sadd.s32 s22, s23;
	v37 =	vor.u32 s2, v21;
	v29 =	vld.idx.msk [tilespmem:v29+s15+$0x0], $0xffff;
	v23 =	vadd.s32 v25, v23;
	(v2sf) =	vpush v48, $0xF  }
0x561: {  	s22 =	simm.s32 $0x0;
	s23 =	ssub.s32 $0x40, s21;
	v49 =	vor.u32 s2, v19;
	v50 =	vor.u32 s2, v14;
	v30 =	vld.idx.msk [tilespmem:v30+s15+$0x0], $0xffff;
	v23 =	vadd.s32 v28, v23;
	v25, _, _ =	vpop (xrf0)  }
0x562: {  	v22 =	vmov s23;
	v28 =	vld.idx.msk [tilespmem:v46+s15+$0x0], $0xffff;
	v23 =	vadd.s32 v27, v23;
	v25 =	vadd.s32 s22, v25  }
0x563: {  	v24 =	vld.idx.msk [tilespmem:v24+s15+$0x0], $0xffff;
	v23 =	vadd.s32 v32, v23;
	vm0 =	vlt.s32 v25, v22;
	v25 =	vor.u32 s2, v11  }
0x564: {  	v51 =	vor.u32 s2, v7;
	v26 =	vld.idx.msk [tilespmem:v26+s15+$0x0], $0xffff;
	v23 =	vadd.s32 v31, v23;
	v27 =	vsel vm0, $0x1, v0  }
0x565: {  	v31 =	vor.u32 s2, v12;
	v23 =	vadd.s32 v47, v23;
	(xrf0) =	vadd.scan.msk.s32 $0xffff, v27;
	v27 =	vld.idx.msk [tilespmem:v37+s15+$0x0], $0xffff  }
0x566: {  	v52 =	vor.u32 s2, v8;
	v33 =	vld.idx.msk [tilespmem:v49+s15+$0x0], $0xffff;
	v23 =	vadd.s32 v29, v23  }
0x567: {  	v53 =	vor.u32 s2, v9;
	v29 =	vld.idx.msk [tilespmem:v50+s15+$0x0], $0xffff;
	v23 =	vadd.s32 v30, v23  }
0x568: {  	v30 =	vor.u32 s2, v13;
	v24 =	vadd.s32 v24, v28;
	v54 =	vperm.xlane v23, v4;
	(xrf0) =	vadd.scan.msk.s32 $0xffff, v23;
	v25 =	vld.idx.msk [tilespmem:v25+s15+$0x0], $0xffff  }
0x569: {  	v55 =	vor.u32 s2, v10;
	v28 =	vld.idx.msk [tilespmem:v51+s15+$0x0], $0xffff;
	v23 =	vadd.s32 v26, v24  }
0x56a: {  	v26 =	vor.u32 s2, v15;
	v24 =	vld.idx.msk [tilespmem:v31+s15+$0x0], $0xffff;
	(xrf0) =	vadd.scan.msk.s32 $0xffff, v54;
	v23 =	vadd.s32 v27, v23  }
0x56b: {  	s26 =	simm.s32 $0xC00;
	v56 =	vor.u32 s2, v16;
	v58 =	vor.u32 s2, v17;
	v27 =	vld.idx.msk [tilespmem:v52+s15+$0x0], $0xffff;
	v23 =	vadd.s32 v33, v23  }
0x56c: {  	v39 =	vor.u32 s26, v18;
	v59 =	vor.u32 s26, v20;
	v57 =	vld.idx.msk [tilespmem:v53+s15+$0x0], $0xffff;
	v23 =	vadd.s32 v29, v23  }
0x56d: {  	v61 =	vor.u32 s26, v19;
	v40 =	vor.u32 s26, v5;
	v31, _, _ =	vpop (xrf0);
	v29 =	vld.idx.msk [tilespmem:v30+s15+$0x0], $0xffff;
	v23 =	vadd.s32 v25, v23  }
0x56e: {  	v30 =	vand.u32 v6, v40;
	(v2sf) =	vpush v31, $0xF;
	v25 =	vld.idx.msk [tilespmem:v55+s15+$0x0], $0xffff;
	v23 =	vadd.s32 v28, v23;
	v28, _, _ =	vpop (xrf0)  }
0x56f: {  	v38 =	vbroadcast v31, $0xF;
	v26 =	vld.idx.msk [tilespmem:v26+s15+$0x0], $0xffff;
	s28 =	spop (v2sf);
	v23 =	vadd.s32 v24, v23;
	(v2sf) =	vpush v28, $0xF  }
0x570: {  	v42 =	vor.u32 s26, v14;
	v31 =	vor.u32 s26, v21;
	v24 =	vld.idx.msk [tilespmem:v56+s15+$0x0], $0xffff;
	v60, _, _ =	vpop (xrf0);
	s25 =	sadd.s32 $0x0, s28;
	v23 =	vadd.s32 v27, v23  }
0x571: {  	vm0 =	vgt.s32 v38, v1;
	v27 =	vld.idx.msk [tilespmem:v58+s15+$0x0], $0xffff;
	v62 =	vadd.s32 s25, v60;
	v23 =	vadd.s32 v57, v23  }
0x572: {  	v63 =	vld.idx.msk [tilespmem:v39+s15+$0x0], $0xffff;
	v28 =	vnsel vm0, $0x0, v45;
	vm0 =	vlt.s32 v62, v22;
	v23 =	vadd.s32 v29, v23  }
0x573: {  	(xrf0) =	vadd.scan.msk.s32 $0xffff, v28;
	v28 =	vld.idx.msk [tilespmem:v30+s15+$0x0], $0xffff;
	v30 =	vor.u32 s26, v11;
	v29 =	vsel vm0, $0x1, v0;
	v23 =	vadd.s32 v25, v23  }
0x574: {  	v43 =	vor.u32 s26, v7;
	v32 =	vld.idx.msk [tilespmem:v59+s15+$0x0], $0xffff;
	(xrf0) =	vadd.scan.msk.s32 $0xffff, v29;
	v23 =	vadd.s32 v26, v23  }
0x575: {  	v25 =	vld.idx.msk [tilespmem:v31+s15+$0x0], $0xffff;
	v29 =	vor.u32 s26, v12;
	v23 =	vadd.s32 v24, v23  }
0x576: {  	v44 =	vor.u32 s26, v9;
	v26 =	vld.idx.msk [tilespmem:v61+s15+$0x0], $0xffff;
	v27 =	vadd.s32 v27, v23  }
0x577: {  	v31 =	vor.u32 s26, v8;
	v24 =	vld.idx.msk [tilespmem:v42+s15+$0x0], $0xffff;
	v23 =	vperm.xlane v27, v4  }
0x578: {  	v49 =	vor.u32 s26, v16;
	v30 =	vld.idx.msk [tilespmem:v30+s15+$0x0], $0xffff;
	(xrf0) =	vadd.scan.msk.s32 $0xffff, v27;
	v27 =	vadd.s32 v28, v63  }
0x579: {  	v33 =	vld.idx.msk [tilespmem:v43+s15+$0x0], $0xffff;
	v45 =	vor.u32 s26, v13;
	v46, _, _ =	vpop (xrf0);
	v27 =	vadd.s32 v32, v27;
	(xrf0) =	vadd.scan.msk.s32 $0xffff, v23  }
0x57a: {  	v47 =	vor.u32 s26, v10;
	v50 =	vor.u32 s26, v17;
	v28 =	vld.idx.msk [tilespmem:v29+s15+$0x0], $0xffff;
	v25 =	vadd.s32 v25, v27;
	v48, _, _ =	vpop (xrf0)  }
0x57b: {  	s3 =	simm.s32 $0xB00;
	v34 =	vld.idx.msk [tilespmem:v44+s15+$0x0], $0xffff;
	v29 =	vor.u32 s26, v15;
	v25 =	vadd.s32 v26, v25;
	v27 =	vbroadcast v48, $0xF  }
0x57c: {  	v51 =	vor.u32 s3, v18;
	(v2sf) =	vpush v46, $0xF;
	v31 =	vld.idx.msk [tilespmem:v31+s15+$0x0], $0xffff;
	v24 =	vadd.s32 v24, v25  }
0x57d: {  	v35 =	vld.idx.msk [tilespmem:v49+s15+$0x0], $0xffff;
	v26 =	vor.u32 s3, v5;
	s29 =	spop (v2sf);
	v24 =	vadd.s32 v30, v24;
	vm0 =	vgt.s32 v27, v1  }
0x57e: {  	v36 =	vld.idx.msk [tilespmem:v45+s15+$0x0], $0xffff;
	v25 =	vand.u32 v6, v26;
	v30, _, _ =	vpop (xrf0);
	v24 =	vadd.s32 v33, v24;
	s30 =	spop (v2sf);
	v37 =	vnsel vm0, $0x0, v54  }
0x57f: {  	v26 =	vld.idx.msk [tilespmem:v47+s15+$0x0], $0xffff;
	v27 =	vor.u32 s3, v20;
	v24 =	vadd.s32 v28, v24;
	(v2sf) =	vpush v48, $0xF;
	v53, _, _ =	vpop (xrf0);
	s11 =	sadd.s32 s25, s30;
	(xrf0) =	vadd.scan.msk.s32 $0xffff, v37  }
0x580: {  	v29 =	vld.idx.msk [tilespmem:v29+s15+$0x0], $0xffff;
	v28 =	vor.u32 s3, v19;
	(v2sf) =	vpush v30, $0xF;
	v39 =	vadd.s32 s11, v53  }
0x581: {  	v52 =	vor.u32 s3, v21;
	v38 =	vld.idx.msk [tilespmem:v50+s15+$0x0], $0xffff;
	v24 =	vadd.s32 v31, v24;
	vm0 =	vlt.s32 v39, v22  }
0x582: {  	v41 =	vor.u32 s3, v13;
	v31 =	vld.idx.msk [tilespmem:v51+s15+$0x0], $0xffff;
	v24 =	vadd.s32 v34, v24;
	v39 =	vsel vm0, $0x1, v0  }
0x583: {  	v54 =	vor.u32 s3, v14;
	v25 =	vld.idx.msk [tilespmem:v25+s15+$0x0], $0xffff;
	v24 =	vadd.s32 v36, v24;
	(xrf0) =	vadd.scan.msk.s32 $0xffff, v39  }
0x584: {  	v55 =	vor.u32 s3, v11;
	v56 =	vld.idx.msk [tilespmem:v27+s15+$0x0], $0xffff;
	v24 =	vadd.s32 v26, v24  }
0x585: {  	v27 =	vor.u32 s3, v7;
	v24 =	vadd.s32 v29, v24;
	v59 =	vld.idx.msk [tilespmem:v28+s15+$0x0], $0xffff;
	v28, _, _ =	vpop (xrf0)  }
0x586: {  	v58 =	vor.u32 s3, v12;
	v57 =	vld.idx.msk [tilespmem:v52+s15+$0x0], $0xffff;
	v24 =	vadd.s32 v35, v24;
	(v2sf) =	vpush v28, $0xF  }
0x587: {  	v32 =	vld.idx.msk [tilespmem:v41+s15+$0x0], $0xffff;
	v29 =	vor.u32 s3, v8;
	v30 =	vadd.s32 v38, v24  }
0x588: {  	v61 =	vor.u32 s3, v9;
	v60 =	vld.idx.msk [tilespmem:v54+s15+$0x0], $0xffff;
	v24 =	vperm.xlane v30, v4  }
0x589: {  	s16 =	simm.s32 $0xA00;
	p0 =	sgt.s32 s23, $0x0;
	p1 =	sge.s32 s25, s23;
	v26 =	vld.idx.msk [tilespmem:v55+s15+$0x0], $0xffff;
	v35 =	vor.u32 s3, v10;
	v25 =	vadd.s32 v25, v31;
	v28, _, _ =	vpop (xrf0);
	(xrf0) =	vadd.scan.msk.s32 $0xffff, v30  }
0x58a: {  	s0 =	simm.s32 $0x0;
	s2 =	simm.s32 $0xFF;
	p0 =	por !p0, !p1;
	v33 =	vor.u32 s3, v15;
	v27 =	vld.idx.msk [tilespmem:v27+s15+$0x0], $0xffff;
	v31 =	vadd.s32 v56, v25;
	(xrf0) =	vadd.scan.msk.s32 $0xffff, v24  }
0x58b: {  	p0 =	por !p0, !p0;
	s5 =	ssub.s32 $0xFF, s29;
	v34 =	vor.u32 s3, v16;
	s31 =	spop (v2sf);
	v25 =	vld.idx.msk [tilespmem:v58+s15+$0x0], $0xffff;
	v31 =	vadd.s32 v57, v31;
	v62 =	vbroadcast v28, $0xF  }
0x58c: {  	s0 =	smov.u32 @p0 s5;
	v37 =	vor.u32 s16, v5;
	s12 =	smov.u32 s11;
	v36 =	vor.u32 s3, v17;
	s1 =	sadd.s32 $0x0, s31;
	v29 =	vld.idx.msk [tilespmem:v29+s15+$0x0], $0xffff;
	v63 =	vadd.s32 v59, v31  }
0x58d: {  	s10 =	smov.u32 s11;
	s3 =	simm.s32 $0x900;
	s22 =	smov.u32 @p0 s1;
	v30 =	vor.u32 s16, v18;
	v31 =	vld.idx.msk [tilespmem:v61+s15+$0x0], $0xffff;
	v38 =	vadd.s32 v60, v63;
	vm0 =	vgt.s32 v62, v1  }
.LBB2_95:
0x58e: {  	p0 =	sne.s32 s3, $0x0;
	v37 =	vand.u32 v6, v37;
	v26 =	vadd.s32 v26, v38;
	v35 =	vld.idx.msk [tilespmem:v35+s15+$0x0], $0xffff;
	v38 =	vnsel vm0, $0x0, v23;
	s1 =	spop (v2sf);
	s2 =	sadd.s32 $0xFFFFFFF0, s2;
	v23 =	vmovc v24  }
0x58f: {  	v24 =	vor.u32 s16, v20;
	v26 =	vadd.s32 v27, v26;
	v27 =	vld.idx.msk [tilespmem:v33+s15+$0x0], $0xffff;
	v33, _, _ =	vpop (xrf0);
	s5 =	spop (v2sf);
	(v2sf) =	vpush v28, $0xF;
	(xrf0) =	vadd.scan.msk.s32 $0xffff, v38;
	s1 =	ssub.s32 s2, s1  }
0x590: {  	v28 =	vor.u32 s16, v21;
	v25 =	vadd.s32 v25, v26;
	v26 =	vld.idx.msk [tilespmem:v34+s15+$0x0], $0xffff;
	v34, _, _ =	vpop (xrf0);
	(v2sf) =	vpush v33, $0xF;
	s11 =	sadd.s32 s11, s5  }
0x591: {  	v33 =	vor.u32 s16, v19;
	v25 =	vadd.s32 v29, v25;
	v29 =	vld.idx.msk [tilespmem:v36+s15+$0x0], $0xffff;
	v34 =	vadd.s32 s11, v34  }
0x592: {  	v36 =	vor.u32 s16, v14;
	v30 =	vld.idx.msk [tilespmem:v30+s15+$0x0], $0xffff;
	v25 =	vadd.s32 v31, v25;
	vm0 =	vlt.s32 v34, v22  }
0x593: {  	v34 =	vor.u32 s16, v11;
	v31 =	vld.idx.msk [tilespmem:v37+s15+$0x0], $0xffff;
	v25 =	vadd.s32 v32, v25;
	v32 =	vsel vm0, $0x1, v0  }
0x594: {  	p1 =	slt.s32 s25, s23;
	p2 =	sge.s32 s12, s23;
	v38 =	vor.u32 s16, v7;
	s12 =	smov.u32 s11;
	v37 =	vld.idx.msk [tilespmem:v24+s15+$0x0], $0xffff;
	v24 =	vadd.s32 v35, v25;
	(xrf0) =	vadd.scan.msk.s32 $0xffff, v32  }
0x595: {  	p1 =	por !p1, !p2;
	v25 =	vor.u32 s16, v12;
	v32 =	vld.idx.msk [tilespmem:v28+s15+$0x0], $0xffff;
	v24 =	vadd.s32 v27, v24;
	v27, _, _ =	vpop (xrf0);
	s5 =	spop (v2sf)  }
0x596: {  	v40 =	vor.u32 s16, v8;
	p1 =	por !p1, !p1;
	v39 =	vld.idx.msk [tilespmem:v33+s15+$0x0], $0xffff;
	v24 =	vadd.s32 v26, v24;
	(v2sf) =	vpush v27, $0xF;
	s5 =	sadd.s32 s25, s5;
	s25 =	smov.u32 s10  }
0x597: {  	s0 =	smov.u32 @p1 s1;
	s10 =	smov.u32 s11;
	v41 =	vld.idx.msk [tilespmem:v36+s15+$0x0], $0xffff;
	v36 =	vor.u32 s16, v9;
	v28 =	vadd.s32 v29, v24;
	s22 =	smov.u32 @p1 s5  }
0x598: {  	v42 =	vor.u32 s16, v13;
	v26 =	vld.idx.msk [tilespmem:v34+s15+$0x0], $0xffff;
	v24 =	vperm.xlane v28, v4  }
.Ltmp50:
0x599: {  	v35 =	vor.u32 s16, v10;
	v29 =	vadd.s32 v31, v30;
	v27 =	vld.idx.msk [tilespmem:v38+s15+$0x0], $0xffff;
	(xrf0) =	vadd.scan.msk.s32 $0xffff, v28;
	(pc) =	sbr.rel @p0 .LBB2_95-.Ltmp50, $4  }
0x59a: {  	v33 =	vor.u32 s16, v15;
	v29 =	vadd.s32 v37, v29;
	v25 =	vld.idx.msk [tilespmem:v25+s15+$0x0], $0xffff;
	(xrf0) =	vadd.scan.msk.s32 $0xffff, v24;
	v28, _, _ =	vpop (xrf0)  }
0x59b: {  	v34 =	vor.u32 s16, v16;
	v31 =	vadd.s32 v32, v29;
	v29 =	vld.idx.msk [tilespmem:v40+s15+$0x0], $0xffff;
	v40 =	vbroadcast v28, $0xF  }
0x59c: {  	v30 =	vor.u32 s3, v18;
	v32 =	vadd.s32 v39, v31;
	v31 =	vld.idx.msk [tilespmem:v36+s15+$0x0], $0xffff;
	v36 =	vor.u32 s16, v17;
	s16 =	smov.u32 s3  }
0x59d: {  	s3 =	sadd.s32 $0xFFFFFF00, s3;
	v38 =	vadd.s32 v41, v32;
	v37 =	vor.u32 s16, v5;
	v32 =	vld.idx.msk [tilespmem:v42+s15+$0x0], $0xffff;
	vm0 =	vgt.s32 v40, v1  }
0x59e: {  	_ =	sdelay $0x3  }
0x59f: {  	v5 =	vand.u32 v6, v37;
	v26 =	vadd.s32 v26, v38;
	v18 =	vld.idx.msk [tilespmem:v35+s15+$0x0], $0xffff  }
0x5a0: {  	v20 =	vor.u32 s16, v20;
	v35 =	vld.idx.msk [tilespmem:v33+s15+$0x0], $0xffff;
	v6 =	vadd.s32 v27, v26  }
0x5a1: {  	v21 =	vor.u32 s16, v21;
	v37 =	vld.idx.msk [tilespmem:v34+s15+$0x0], $0xffff;
	v6 =	vadd.s32 v25, v6  }
0x5a2: {  	v23 =	vnsel vm0, $0x0, v23;
	s3 =	spop (v2sf);
	v19 =	vor.u32 s16, v19;
	v38 =	vld.idx.msk [tilespmem:v36+s15+$0x0], $0xffff;
	v6 =	vadd.s32 v29, v6  }
0x5a3: {  	v40 =	vld.idx.msk [tilespmem:v30+s15+$0x0], $0xffff;
	v14 =	vor.u32 s16, v14;
	v39, _, _ =	vpop (xrf0);
	s1 =	spop (v2sf);
	(v2sf) =	vpush v28, $0xF;
	v6 =	vadd.s32 v31, v6  }
0x5a4: {  	v11 =	vor.u32 s16, v11;
	v41, _, _ =	vpop (xrf0);
	(v2sf) =	vpush v39, $0xF;
	s11 =	sadd.s32 s11, s1;
	v5 =	vld.idx.msk [tilespmem:v5+s15+$0x0], $0xffff;
	v6 =	vadd.s32 v32, v6  }
0x5a5: {  	v7 =	vor.u32 s16, v7;
	v42 =	vadd.s32 s11, v41;
	v20 =	vld.idx.msk [tilespmem:v20+s15+$0x0], $0xffff;
	v6 =	vadd.s32 v18, v6  }
0x5a6: {  	v12 =	vor.u32 s16, v12;
	vm8 =	vlt.s32 v42, v22;
	v43 =	vld.idx.msk [tilespmem:v21+s15+$0x0], $0xffff;
	v6 =	vadd.s32 v35, v6  }
0x5a7: {  	v8 =	vor.u32 s16, v8;
	(xrf0) =	vadd.scan.msk.s32 $0xffff, v23;
	v44 =	vsel vm8, $0x1, v0;
	v19 =	vld.idx.msk [tilespmem:v19+s15+$0x0], $0xffff;
	v6 =	vadd.s32 v37, v6  }
0x5a8: {  	v9 =	vor.u32 s16, v9;
	v14 =	vld.idx.msk [tilespmem:v14+s15+$0x0], $0xffff;
	(xrf0) =	vadd.scan.msk.s32 $0xffff, v44;
	v6 =	vadd.s32 v38, v6  }
0x5a9: {  	v13 =	vor.u32 s16, v13;
	v11 =	vld.idx.msk [tilespmem:v11+s15+$0x0], $0xffff;
	v5 =	vadd.s32 v5, v40;
	(xrf0) =	vadd.scan.msk.s32 $0xffff, v6  }
0x5aa: {  	v10 =	vor.u32 s16, v10;
	v7 =	vld.idx.msk [tilespmem:v7+s15+$0x0], $0xffff;
	v5 =	vadd.s32 v20, v5  }
0x5ab: {  	v15 =	vor.u32 s16, v15;
	v12 =	vld.idx.msk [tilespmem:v12+s15+$0x0], $0xffff;
	v5 =	vadd.s32 v43, v5  }
0x5ac: {  	v16 =	vor.u32 s16, v16;
	v8 =	vld.idx.msk [tilespmem:v8+s15+$0x0], $0xffff;
	v6 =	vperm.xlane v6, v4;
	v5 =	vadd.s32 v19, v5  }
0x5ad: {  	v17 =	vor.u32 s16, v17;
	v9 =	vld.idx.msk [tilespmem:v9+s15+$0x0], $0xffff;
	v45, _, _ =	vpop (xrf0);
	v5 =	vadd.s32 v14, v5  }
0x5ae: {  	v13 =	vld.idx.msk [tilespmem:v13+s15+$0x0], $0xffff;
	(v2sf) =	vpush v45, $0xF;
	(xrf0) =	vadd.scan.msk.s32 $0xffff, v6;
	v46, _, _ =	vpop (xrf0);
	v5 =	vadd.s32 v11, v5  }
0x5af: {  	v10 =	vld.idx.msk [tilespmem:v10+s15+$0x0], $0xffff;
	(v2sf) =	vpush v46, $0xF;
	v5 =	vadd.s32 v7, v5;
	v47, _, _ =	vpop (xrf0)  }
0x5b0: {  	v48 =	vld.idx.msk [tilespmem:v15+s15+$0x0], $0xffff;
	v5 =	vadd.s32 v12, v5;
	(v2sf) =	vpush v47, $0xF  }
0x5b1: {  	v49 =	vld.idx.msk [tilespmem:v16+s15+$0x0], $0xffff;
	s30 =	spop (v2sf);
	v5 =	vadd.s32 v8, v5  }
0x5b2: {  	v50 =	vld.idx.msk [tilespmem:v17+s15+$0x0], $0xffff;
	s8 =	spop (v2sf);
	v5 =	vadd.s32 v9, v5  }
0x5b3: {  	v51 =	vbroadcast v46, $0xF;
	s5 =	spop (v2sf);
	v5 =	vadd.s32 v13, v5  }
0x5b4: {  	v52, _, _ =	vpop (xrf0);
	s5 =	sadd.s32 s11, s5;
	v5 =	vadd.s32 v10, v5  }
0x5b5: {  	vm9 =	vgt.s32 v51, v1;
	v53 =	vadd.s32 s5, v52;
	v5 =	vadd.s32 v48, v5  }
0x5b6: {  	v54 =	vnsel vm9, $0x0, v24;
	vm10 =	vlt.s32 v53, v22;
	v5 =	vadd.s32 v49, v5  }
0x5b7: {  	(xrf0) =	vadd.scan.msk.s32 $0xffff, v54;
	v55 =	vsel vm10, $0x1, v0;
	v5 =	vadd.s32 v50, v5  }
0x5b8: {  	(xrf0) =	vadd.scan.msk.s32 $0xffff, v55;
	v4 =	vperm.xlane v5, v4  }
0x5b9: {  	(xrf0) =	vadd.scan.msk.s32 $0xffff, v5  }
0x5ba: {  	(xrf0) =	vadd.scan.msk.s32 $0xffff, v4;
	_ =	sdelay $0x2  }
0x5bb: {  	s9 =	spop (v2sf);
	v5, _, _ =	vpop (xrf0)  }
0x5bc: {  	v7, _, _ =	vpop (xrf0);
	s31 =	spop (v2sf)  }
0x5bd: {  	v56 =	vbroadcast v7, $0xF;
	v57, _, _ =	vpop (xrf0);
	s6 =	spop (v2sf)  }
0x5be: {  	v58, _, _ =	vpop (xrf0);
	s6 =	sadd.s32 s5, s6  }
0x5bf: {  	vm11 =	vgt.s32 v56, v1;
	v59 =	vadd.s32 s6, v58  }
0x5c0: {  	v6 =	vnsel vm11, $0x0, v6;
	vm12 =	vlt.s32 v59, v22  }
0x5c1: {  	(xrf0) =	vadd.scan.msk.s32 $0xffff, v6;
	v60 =	vsel vm12, $0x1, v0  }
0x5c2: {  	(xrf0) =	vadd.scan.msk.s32 $0xffff, v60;
	_ =	sdelay $0x4  }
0x5c3: {  	v61, _, _ =	vpop (xrf0)  }
0x5c4: {  	v62, _, _ =	vpop (xrf0)  }
0x5c5: {  	v63 =	vbroadcast v62, $0xF;
	_ =	sdelay $0x1  }
0x5c6: {  	vm13 =	vgt.s32 v63, v1  }
0x5c7: {  	v4 =	vnsel vm13, $0x0, v4  }
0x5c8: {  	(xrf0) =	vadd.scan.msk.s32 $0xffff, v4  }
0x5c9: {  	(v2sf) =	vpush v5, $0xF  }
0x5ca: {  	(v2sf) =	vpush v7, $0xF;
	_ =	sdelay $0x1  }
0x5cb: {  	(v2sf) =	vpush v57, $0xF  }
0x5cc: {  	(v2sf) =	vpush v61, $0xF  }
0x5cd: {  	p0 =	sge.s32 s12, s23;
	p1 =	slt.s32 s25, s23;
	(v2sf) =	vpush v62, $0xF;
	v4, _, _ =	vpop (xrf0)  }
0x5ce: {  	s2 =	sadd.s32 $0xFFFFFFF0, s2;
	p0 =	por !p1, !p0;
	(v2sf) =	vpush v4, $0xF  }
0x5cf: {  	s3 =	ssub.s32 s2, s3;
	p0 =	por !p0, !p0  }
0x5d0: {  	p4 =	slt.s32 s10, s23;
	s0 =	smov.u32 @p0 s3  }
0x5d1: {  	p5 =	sge.s32 s11, s23;
	p6 =	slt.s32 s11, s23;
	s1 =	sadd.s32 s25, s30  }
0x5d2: {  	s3 =	sadd.s32 $0xFFFFFFF0, s2;
	s22 =	smov.u32 @p0 s1;
	p0 =	por !p4, !p5  }
0x5d3: {  	s1 =	sadd.s32 $0xFFFFFFF0, s3;
	p0 =	por !p0, !p0;
	s8 =	ssub.s32 s3, s8  }
0x5d4: {  	s0 =	smov.u32 @p0 s8;
	p2 =	sge.s32 s5, s23;
	s2 =	sadd.s32 s10, s9  }
0x5d5: {  	p3 =	slt.s32 s5, s23;
	p1 =	por !p6, !p2;
	s22 =	smov.u32 @p0 s2  }
0x5d6: {  	p0 =	por !p1, !p1;
	s2 =	ssub.s32 s1, s31;
	s1 =	sadd.s32 $0xFFFFFFF0, s1  }
0x5d7: {  	s0 =	smov.u32 @p0 s2;
	p4 =	sge.s32 s6, s23;
	s10 =	spop (v2sf)  }
0x5d8: {  	p5 =	slt.s32 s6, s23;
	s12 =	spop (v2sf);
	s3 =	sadd.s32 s11, s10  }
0x5d9: {  	s22 =	smov.u32 @p0 s3;
	p0 =	por !p3, !p4;
	s3 =	ssub.s32 s1, s12  }
0x5da: {  	s1 =	sadd.s32 $0xFFFFFFF0, s1;
	p0 =	por !p0, !p0;
	s17 =	spop (v2sf)  }
0x5db: {  	s0 =	smov.u32 @p0 s3;
	s25 =	sadd.s32 s6, s17;
	s18 =	spop (v2sf)  }
0x5dc: {  	p6 =	sge.s32 s25, s23;
	s2 =	sadd.s32 s5, s18;
	s26 =	spop (v2sf)  }
0x5dd: {  	s22 =	smov.u32 @p0 s2;
	p0 =	por !p5, !p6;
	s28 =	spop (v2sf)  }
0x5de: {  	p0 =	por !p0, !p0;
	s1 =	ssub.s32 s1, s26;
	s2 =	sadd.s32 s6, s28  }
0x5df: {  	s0 =	smov.u32 @p0 s1;
	s22 =	smov.u32 @p0 s2;
	p0 =	sne.s32 s20, $0x4  }
.Ltmp51:
0x5e0: {  	_ = 	snop;
	(pc) =	sbr.rel @p0 .LBB2_2-.Ltmp51, $4  }
.Ltmp52:
0x5e1: {  	s29 =	sshll.u32 s24, $0x8;
	s30 =	sor.u32 $0x8, s19;
	v4 =	vmov s19;
	(pc) =	sbr.rel @!p0 .LBB2_97-.Ltmp52, $4  }
0x5e2: {  	vm14 =	veq.s32 v4, v1;
	v4 =	vmov s30;
	s0 =	sor.u32 s29, s0  }
0x5e3: {  	vm15 =	veq.s32 v4, v1;
	v3 =	vsel vm14, s0, v3;
	s31 =	sadd.s32 s21, s22  }
0x5e4: {  	s19 =	smov.u32 s20;
	v3 =	vsel vm15, s31, v3  }
0x5e5: {  	_ = 	snop  }
.LBB2_26:
.Ltmp53:
0x5e6: {  	(pc) =	sbr.rel .LBB2_39-.Ltmp53, $4  }
0x5e7: {  	p0 =	por $0x0, $0x0  }
0x5e8: {  	s0 =	simm.s32 @!p0 $0x0  }
0x5e9: {  	s26 =	simm.s32 $0xFF;
	s16 =	simm.s32 $0x0;
	s0 =	simm.s32 @p0 $0x1  }
0x5ea: {  	s28 =	simm.s32 $0x0;
	s29 =	simm.s32 $0x0;
	[smem:$0x7FC] =	sst s0  }
.LBB2_49:
.Ltmp54:
0x5eb: {  	(pc) =	sbr.rel .LBB2_62-.Ltmp54, $3  }
0x5ec: {  	_ =	sdelay $0x1  }
0x5ed: {  	s30 =	simm.s32 $0xFF  }
0x5ee: {  	s2 =	simm.s32 $0x0;
	s31 =	simm.s32 $0x0;
	s0 =	simm.s32 $0x0  }
.LBB2_72:
.Ltmp55:
0x5ef: {  	(pc) =	sbr.rel .LBB2_85-.Ltmp55, $3  }
0x5f0: {  	_ =	sdelay $0x1  }
0x5f1: {  	s30 =	simm.s32 $0xFF  }
0x5f2: {  	s10 =	simm.s32 $0x0;
	s31 =	simm.s32 $0x0;
	s0 =	simm.s32 $0x0  }
.LBB2_28:
.Ltmp56:
0x5f3: {  	(pc) =	sbr.rel .LBB2_39-.Ltmp56, $4  }
0x5f4: {  	p0 =	por $0x0, $0x0  }
0x5f5: {  	s26 =	simm.s32 $0xFF;
	s0 =	simm.s32 @!p0 $0x0  }
0x5f6: {  	s23 =	simm.s32 $0xE00;
	s16 =	simm.s32 $0x0;
	s0 =	simm.s32 @p0 $0x1  }
0x5f7: {  	s28 =	simm.s32 $0x0;
	s29 =	simm.s32 $0x0;
	[smem:$0x7FC] =	sst s0  }
.LBB2_51:
.Ltmp57:
0x5f8: {  	(pc) =	sbr.rel .LBB2_62-.Ltmp57, $3  }
0x5f9: {  	_ =	sdelay $0x1  }
0x5fa: {  	s30 =	simm.s32 $0xFF;
	s11 =	simm.s32 $0xE00  }
0x5fb: {  	s2 =	simm.s32 $0x0;
	s31 =	simm.s32 $0x0;
	s0 =	simm.s32 $0x0  }
.LBB2_74:
.Ltmp58:
0x5fc: {  	(pc) =	sbr.rel .LBB2_85-.Ltmp58, $3  }
0x5fd: {  	_ =	sdelay $0x1  }
0x5fe: {  	s30 =	simm.s32 $0xFF;
	s28 =	simm.s32 $0xE00  }
0x5ff: {  	s10 =	simm.s32 $0x0;
	s31 =	simm.s32 $0x0;
	s0 =	simm.s32 $0x0  }
.LBB2_30:
.Ltmp59:
0x600: {  	(pc) =	sbr.rel .LBB2_39-.Ltmp59, $4  }
0x601: {  	p0 =	por $0x0, $0x0  }
0x602: {  	s0 =	simm.s32 @!p0 $0x0  }
0x603: {  	s26 =	simm.s32 $0xFF;
	s16 =	simm.s32 $0x0;
	s0 =	simm.s32 @p0 $0x1  }
0x604: {  	v39 =	vmov v23;
	s28 =	simm.s32 $0x0;
	s29 =	simm.s32 $0x0;
	[smem:$0x7FC] =	sst s0  }
.LBB2_53:
.Ltmp60:
0x605: {  	(pc) =	sbr.rel .LBB2_62-.Ltmp60, $3  }
0x606: {  	_ =	sdelay $0x1  }
0x607: {  	s30 =	simm.s32 $0xFF  }
0x608: {  	v40 =	vmov v24;
	s2 =	simm.s32 $0x0;
	s31 =	simm.s32 $0x0;
	s0 =	simm.s32 $0x0  }
.LBB2_76:
.Ltmp61:
0x609: {  	(pc) =	sbr.rel .LBB2_85-.Ltmp61, $3  }
0x60a: {  	_ =	sdelay $0x1  }
0x60b: {  	s30 =	simm.s32 $0xFF  }
0x60c: {  	v40 =	vmov v24;
	s10 =	simm.s32 $0x0;
	s31 =	simm.s32 $0x0;
	s0 =	simm.s32 $0x0  }
.LBB2_32:
.Ltmp62:
0x60d: {  	(pc) =	sbr.rel .LBB2_39-.Ltmp62, $4  }
0x60e: {  	p0 =	por $0x0, $0x0  }
0x60f: {  	s26 =	simm.s32 $0xFF;
	s23 =	simm.s32 $0xC00;
	s0 =	simm.s32 @!p0 $0x0  }
0x610: {  	s16 =	simm.s32 $0x0;
	s12 =	simm.s32 $0x0;
	s0 =	simm.s32 @p0 $0x1  }
0x611: {  	v39 =	vmovc v25;
	vm2 =	vmmov vm0;
	v40 =	vmov v23;
	v43 =	vmov v24;
	s28 =	simm.s32 $0x0;
	s29 =	simm.s32 $0x0;
	[smem:$0x7FC] =	sst s0  }
.LBB2_55:
.Ltmp63:
0x612: {  	(pc) =	sbr.rel .LBB2_62-.Ltmp63, $3  }
0x613: {  	_ =	sdelay $0x1  }
0x614: {  	s30 =	simm.s32 $0xFF;
	s11 =	simm.s32 $0xC00;
	s2 =	simm.s32 $0x0  }
0x615: {  	v40 =	vmovc v26;
	vm2 =	vmmov vm0;
	v41 =	vmov v24;
	v44 =	vmov v25;
	s12 =	simm.s32 $0x0;
	s31 =	simm.s32 $0x0;
	s0 =	simm.s32 $0x0  }
.LBB2_78:
.Ltmp64:
0x616: {  	(pc) =	sbr.rel .LBB2_85-.Ltmp64, $3  }
0x617: {  	_ =	sdelay $0x1  }
0x618: {  	s30 =	simm.s32 $0xFF;
	s28 =	simm.s32 $0xC00;
	s10 =	simm.s32 $0x0  }
0x619: {  	v40 =	vmovc v26;
	vm2 =	vmmov vm0;
	v41 =	vmov v24;
	v44 =	vmov v25;
	s16 =	simm.s32 $0x0;
	s31 =	simm.s32 $0x0;
	s0 =	simm.s32 $0x0  }
.LBB2_34:
.Ltmp65:
0x61a: {  	(pc) =	sbr.rel .LBB2_39-.Ltmp65, $4  }
0x61b: {  	p0 =	por $0x0, $0x0;
	s26 =	simm.s32 $0xFF  }
0x61c: {  	s16 =	smov.u32 s25;
	s2 =	smov.u32 s25;
	s0 =	simm.s32 @!p0 $0x0  }
0x61d: {  	s12 =	smov.u32 s25;
	s28 =	simm.s32 $0x0;
	s0 =	simm.s32 @p0 $0x1  }
0x61e: {  	vm2 =	vmmov vm1;
	v40 =	vmovc v25;
	v39 =	vmov v26;
	v43 =	vmov v32;
	s29 =	simm.s32 $0x0;
	[smem:$0x7FC] =	sst s0;
	s0 =	simm.s32 $0x0  }
.LBB2_57:
.Ltmp66:
0x61f: {  	(pc) =	sbr.rel .LBB2_62-.Ltmp66, $4  }
0x620: {  	_ = 	snop  }
0x621: {  	s30 =	simm.s32 $0xFF  }
0x622: {  	s2 =	smov.u32 s10;
	s29 =	simm.s32 $0x0;
	s16 =	smov.u32 s10  }
0x623: {  	vm2 =	vmmov vm1;
	v41 =	vmovc v26;
	v40 =	vmov v27;
	v44 =	vmov v33;
	s12 =	smov.u32 s10;
	s31 =	simm.s32 $0x0;
	s0 =	simm.s32 $0x0  }
.LBB2_80:
.Ltmp67:
0x624: {  	(pc) =	sbr.rel .LBB2_85-.Ltmp67, $4  }
0x625: {  	_ = 	snop  }
0x626: {  	s30 =	simm.s32 $0xFF  }
0x627: {  	s10 =	smov.u32 s29;
	s2 =	simm.s32 $0x0;
	s12 =	smov.u32 s29  }
0x628: {  	vm2 =	vmmov vm1;
	v41 =	vmovc v26;
	v40 =	vmov v27;
	v44 =	vmov v33;
	s16 =	smov.u32 s29;
	s31 =	simm.s32 $0x0;
	s0 =	simm.s32 $0x0  }
.LBB2_36:
.Ltmp68:
0x629: {  	(pc) =	sbr.rel .LBB2_39-.Ltmp68, $3  }
0x62a: {  	_ =	sdelay $0x1  }
0x62b: {  	s26 =	simm.s32 $0xFF;
	s23 =	simm.s32 $0xA00  }
0x62c: {  	v40 =	vmov v26;
	s0 =	smov.u32 s25;
	s2 =	smov.u32 s16;
	s12 =	smov.u32 s16  }
.LBB2_59:
.Ltmp69:
0x62d: {  	(pc) =	sbr.rel .LBB2_62-.Ltmp69, $3  }
0x62e: {  	_ =	sdelay $0x1  }
0x62f: {  	s30 =	simm.s32 $0xFF;
	s11 =	simm.s32 $0xA00;
	s29 =	smov.u32 s10  }
0x630: {  	v41 =	vmov v27;
	s16 =	smov.u32 s2;
	s12 =	smov.u32 s2;
	p6 =	por $0x1, $0x1  }
.LBB2_82:
.Ltmp70:
0x631: {  	(pc) =	sbr.rel .LBB2_85-.Ltmp70, $3  }
0x632: {  	_ =	sdelay $0x1  }
0x633: {  	s30 =	simm.s32 $0xFF;
	s28 =	simm.s32 $0xA00;
	s2 =	smov.u32 s29  }
0x634: {  	v41 =	vmov v27;
	s12 =	smov.u32 s10;
	s16 =	smov.u32 s10;
	p6 =	por $0x1, $0x1  }
.LBB2_20:
.Ltmp71:
0x635: {  	(pc) =	sbr.rel .LBB2_24-.Ltmp71, $2  }
0x636: {  	_ =	sdelay $0x2  }
0x637: {  	s1 =	simm.s32 $0x0  }
.LBB2_43:
.Ltmp72:
0x638: {  	(pc) =	sbr.rel .LBB2_47-.Ltmp72, $2  }
0x639: {  	_ =	sdelay $0x2  }
0x63a: {  	s1 =	simm.s32 $0x0  }
.LBB2_66:
.Ltmp73:
0x63b: {  	(pc) =	sbr.rel .LBB2_70-.Ltmp73, $2  }
0x63c: {  	_ =	sdelay $0x2  }
0x63d: {  	s1 =	simm.s32 $0x0  }
.LBB2_89:
.Ltmp74:
0x63e: {  	(pc) =	sbr.rel .LBB2_93-.Ltmp74, $2  }
0x63f: {  	_ =	sdelay $0x2  }
0x640: {  	s1 =	simm.s32 $0x0  }
.LBB2_22:
.Ltmp75:
0x641: {  	(pc) =	sbr.rel .LBB2_24-.Ltmp75, $2  }
0x642: {  	_ =	sdelay $0x2  }
0x643: {  	s1 =	simm.s32 $0x0  }
.LBB2_45:
.Ltmp76:
0x644: {  	(pc) =	sbr.rel .LBB2_47-.Ltmp76, $2  }
0x645: {  	_ =	sdelay $0x2  }
0x646: {  	s1 =	simm.s32 $0x0  }
.LBB2_68:
.Ltmp77:
0x647: {  	(pc) =	sbr.rel .LBB2_70-.Ltmp77, $2  }
0x648: {  	_ =	sdelay $0x2  }
0x649: {  	s1 =	simm.s32 $0x0  }
.LBB2_91:
.Ltmp78:
0x64a: {  	(pc) =	sbr.rel .LBB2_93-.Ltmp78, $2  }
0x64b: {  	_ =	sdelay $0x2  }
0x64c: {  	s1 =	simm.s32 $0x0  }
.LBB2_98:
0x64d: {  	_ =	sfence.sel $0x180000  }
0x64e: {  	[bflag:$0x0] =	sbarrier.arrive $0xFFFF  }
0x64f: {  	_ =	strace $0x90000047  }
0x650: {  	s0 =	stileid.u32;
	[bflag:$0x2] =	sbarrier.arrive $0xFFFF  }
0x651: {  	p0 =	sne.s32 s0, $0x0;
	s0 =	rddreg [dreg:$0x2]  }
0x652: {  	s0 =	sadd.s32 @!p0 $0x100000, s0  }
0x653: {  	[sflag:s0] =	ssyncadd.tile.s32 @!p0 $0x1;
	_ =	shalt  }
.Lfunc_end2:
_tile_overlayer_lowered:
.L_overlay_start_2:
0x654: {  	(tag) =	ssettag $0x2  }
0x655: {  	s0 =	rddreg [dreg:$0x0];
	s2 =	stileid.u32  }
0x656: {  	s1 =	rddreg [dreg:$0x1];
	p0 =	sne.s32 s2, $0x0  }
0x657: {  	s3 =	rddreg [dreg:$0x2];
	[bflag:$0x3] =	sbarrier.arrive $0xFFFF;
	s2 =	simm.s32 @!p0 $0x1C03  }
0x658: {  	[timem:s3], [sflag:s2] =	dma.local @!p0 [hbm:s0], s1  }
0x659: {  	s0 =	simm.s32 @!p0 $0x3  }
0x65a: {  	_ =	swait.ge @!p0 [sflag:s0], s1  }
0x65b: {  	s1 =	ssub.s32 @!p0 $0x0, s1;
	[sflag:s0] =	ssyncset.done @!p0 $0x0  }
0x65c: {  	[sflag:s0] =	ssyncadd.s32 @!p0 s1  }
0x65d: {  	[bflag:$0x3] =	sbarrier.arrive $0xFFFF  }
0x65e: {  	_ =	shalt  }

</sc_bundles>
